<compile_context>
chip_gen: v7x
topology: tpu7x:2x2x1
jax: 0.10.2.dev20260603
libtpu: 0.0.44.dev20260713+nightly
codegen_flags: <defaults>
</compile_context>

<pallas_src>
import functools

import jax
import jax.numpy as jnp
from jax import lax
from jax.experimental import pallas as pl
from jax.experimental.pallas import tpu as pltpu
from jax.experimental.pallas import tpu_sc as plsc

N = 10000
E = 320000
IN_DIM = 128
H_DIM = 64
HID = 512

NC = 2
NS = 16
NW = NC * NS
C = 128
GB = 8
NG = 10
T = NG * GB * C
EPAD = NW * T
NPAD = 10240
RT = NPAD // NS
RB = 640
NBLK = NPAD // RB
DEGW = 16


def _make_agg(d: int, with_deg: bool):
    nbuf = 2 if with_deg else 4
    out_type = [jax.ShapeDtypeStruct((NC, NPAD, d), jnp.float32)]
    scratch = (
        [pltpu.VMEM((GB, C), jnp.int32)] * 2
        + [pltpu.VMEM((C, d), jnp.float32)] * nbuf
        + [pltpu.VMEM_SHARED((NPAD, d), jnp.float32)]
        + [pltpu.SemaphoreType.DMA] * (2 * nbuf + 1)
    )
    if with_deg:
        out_type.append(jax.ShapeDtypeStruct((NC, NPAD, DEGW), jnp.float32))
        scratch += [
            pltpu.VMEM((C, DEGW), jnp.float32),
            pltpu.VMEM((16, DEGW), jnp.float32),
            pltpu.VMEM_SHARED((NPAD, DEGW), jnp.float32),
        ]

    mesh = plsc.VectorSubcoreMesh(core_axis_name="c", subcore_axis_name="s")
    params = pltpu.CompilerParams(use_tc_tiling_on_sc=False)

    @functools.partial(pl.kernel, out_type=tuple(out_type), mesh=mesh,
                       scratch_types=scratch, compiler_params=params)
    def agg(table_hbm, src_hbm, dst_hbm, zeros_hbm, *refs):
        no = 2 if with_deg else 1
        psum_hbm = refs[0]
        srcv, dstv = refs[no], refs[no + 1]
        bufs = refs[no + 2:no + 2 + nbuf]
        acc = refs[no + 2 + nbuf]
        gsems = refs[no + 3 + nbuf:no + 3 + 2 * nbuf]
        ssems = refs[no + 3 + 2 * nbuf:no + 3 + 3 * nbuf]
        semd = refs[no + 3 + 3 * nbuf]
        if with_deg:
            pdeg_hbm = refs[1]
            ones, zdb, dacc = refs[no + 4 + 3 * nbuf:]
        c = lax.axis_index("c")
        s = lax.axis_index("s")
        wid = c * NS + s
        t0 = s * RT

        if with_deg:
            for i in range(16):
                zdb[i, :] = jnp.zeros((16,), jnp.float32)
            for i in range(C):
                ones[i, :] = jnp.ones((16,), jnp.float32)
        pltpu.sync_copy(zeros_hbm, acc.at[pl.ds(t0, RT), :])
        if with_deg:
            def zero_body(i, carry):
                pltpu.sync_copy(zdb, dacc.at[pl.ds(t0 + i * 16, 16), :])
                return carry
            lax.fori_loop(0, RT // 16, zero_body, 0)
        plsc.subcore_barrier()

        def group_body2(g, carry):
            pltpu.sync_copy(src_hbm.at[wid, g], srcv)
            pltpu.sync_copy(dst_hbm.at[wid, g], dstv)
            pending = pltpu.async_copy(table_hbm.at[srcv.at[0]], bufs[0],
                                       gsems[0])
            hd = None
            for j in range(GB):
                b = j % 2
                if j + 1 < GB:
                    nxt = pltpu.async_copy(table_hbm.at[srcv.at[j + 1]],
                                           bufs[1 - b], gsems[1 - b])
                pending.wait()
                if j + 1 < GB:
                    pending = nxt
                pltpu.sync_copy(bufs[b], acc.at[dstv.at[j]], add=True)
                if with_deg:
                    if hd is not None:
                        hd.wait()
                    hd = pltpu.async_copy(ones, dacc.at[dstv.at[j]], semd,
                                          add=True)
            if with_deg:
                hd.wait()
            return carry

        def group_body4(g, carry):
            pltpu.sync_copy(src_hbm.at[wid, g], srcv)
            pltpu.sync_copy(dst_hbm.at[wid, g], dstv)
            hg = [None] * 4
            hs = [None] * 4
            for b in range(2):
                hg[b] = pltpu.async_copy(table_hbm.at[srcv.at[b]], bufs[b],
                                         gsems[b])
            for j in range(GB):
                b = j % 4
                hg[b].wait()
                hs[b] = pltpu.async_copy(bufs[b], acc.at[dstv.at[j]],
                                         ssems[b], add=True)
                if j + 2 < GB:
                    b2 = (j + 2) % 4
                    if hs[b2] is not None:
                        hs[b2].wait()
                    hg[b2] = pltpu.async_copy(table_hbm.at[srcv.at[j + 2]],
                                              bufs[b2], gsems[b2])
            for b in range(4):
                hs[b].wait()
            return carry

        lax.fori_loop(0, NG, group_body2 if with_deg else group_body4, 0)
        plsc.subcore_barrier()

        pltpu.sync_copy(acc.at[pl.ds(t0, RT), :], psum_hbm.at[c, pl.ds(t0, RT), :])
        if with_deg:
            pltpu.sync_copy(dacc.at[pl.ds(t0, RT), :],
                            pdeg_hbm.at[c, pl.ds(t0, RT), :])

    return agg


_agg_enc = _make_agg(IN_DIM, True)
_agg_dec = _make_agg(H_DIM, False)


def _enc_body(p_ref, d_ref, we_ref, wm_ref, z_ref):
    deg = jnp.clip(d_ref[0, :, :1] + d_ref[1, :, :1], 1.0, None)
    m = (p_ref[0] + p_ref[1]) / deg
    h = jnp.maximum(jnp.dot(m, we_ref[...], preferred_element_type=jnp.float32),
                    0.0)
    z_ref[...] = jnp.dot(h, wm_ref[...], preferred_element_type=jnp.float32)


def _dec_body(q_ref, d_ref, w1_ref, w2_ref, o_ref):
    deg = jnp.clip(d_ref[0, :, :1] + d_ref[1, :, :1], 1.0, None)
    m2 = (q_ref[0] + q_ref[1]) / deg
    h2 = jnp.maximum(jnp.dot(m2, w1_ref[...], preferred_element_type=jnp.float32),
                     0.0)
    o_ref[...] = jnp.dot(h2, w2_ref[...], preferred_element_type=jnp.float32)


def _dense(body, psum, pdeg, wa, wb, dout):
    din = psum.shape[-1]
    return pl.pallas_call(
        body,
        grid=(NBLK,),
        in_specs=[
            pl.BlockSpec((2, RB, din), lambda i: (0, i, 0)),
            pl.BlockSpec((2, RB, DEGW), lambda i: (0, i, 0)),
            pl.BlockSpec(wa.shape, lambda i: (0, 0)),
            pl.BlockSpec(wb.shape, lambda i: (0, 0)),
        ],
        out_specs=pl.BlockSpec((RB, dout), lambda i: (i, 0)),
        out_shape=jax.ShapeDtypeStruct((NPAD, dout), jnp.float32),
    )(psum, pdeg, wa, wb)


def kernel(x, edge_index, W_enc, W_mu, W_var, W_dec1, W_dec2):
    ei = edge_index.astype(jnp.int32)
    pad = EPAD - E
    apad = jnp.arange(pad, dtype=jnp.int32)
    src = jnp.concatenate([ei[0], apad % N]).reshape(NW, NG, GB, C)
    dst = jnp.concatenate([ei[1], N + apad % (NPAD - N)]).reshape(NW, NG, GB, C)
    z128 = jnp.zeros((RT, IN_DIM), jnp.float32)
    psum, pdeg = _agg_enc(x, src, dst, z128)
    z = _dense(_enc_body, psum, pdeg, W_enc, W_mu, H_DIM)
    (qsum,) = _agg_dec(z, src, dst, z128[:, :H_DIM])
    recon = _dense(_dec_body, qsum, pdeg, W_dec1, W_dec2, IN_DIM)
    return recon[:N]

# --- scband reference (transcript-rebuilt; emitter-appended) ---
"""Pipeline reference for scband-model-22402549416574 (READ-ONLY COPY).

The authoritative reference and input builder live on the scoring server;
editing this copy changes nothing except your own understanding.
"""

import jax, jax.numpy as jnp
import numpy as np

N_NODES = 10000
N_EDGES = 320000
IN_DIM = 128
H_DIM = 64
MULTIPLE = 8
HID = H_DIM * MULTIPLE  # 512


def setup_inputs(seed: int = 0) -> dict:
    key = jax.random.key(seed)
    k0, k1, k2, k3, k4, k5, k6 = jax.random.split(key, 7)
    x = jax.random.normal(k0, (N_NODES, IN_DIM), dtype=jnp.float32)
    edge_index = jax.random.randint(k1, (2, N_EDGES), 0, N_NODES, dtype=jnp.int64)
    s = 0.02
    W_enc = jax.random.normal(k2, (IN_DIM, HID), dtype=jnp.float32) * s
    W_mu = jax.random.normal(k3, (HID, H_DIM), dtype=jnp.float32) * s
    W_var = jax.random.normal(k4, (HID, H_DIM), dtype=jnp.float32) * s
    W_dec1 = jax.random.normal(k5, (H_DIM, HID), dtype=jnp.float32) * s
    W_dec2 = jax.random.normal(k6, (HID, IN_DIM), dtype=jnp.float32) * s
    return {"x": x, "edge_index": edge_index, "W_enc": W_enc, "W_mu": W_mu,
            "W_var": W_var, "W_dec1": W_dec1, "W_dec2": W_dec2}


def reference(x, edge_index, W_enc, W_mu, W_var, W_dec1, W_dec2):
    # Graph VAE: encoder = mean-aggregation message passing -> hidden -> (mu, var);
    # decoder = mean-aggregation message passing on z -> hidden -> reconstruction.
    src = edge_index[0]
    dst = edge_index[1]
    n = x.shape[0]
    deg = jax.ops.segment_sum(jnp.ones((src.shape[0],), dtype=jnp.float32), dst, num_segments=n)
    deg = jnp.clip(deg, 1.0, None)
    # Encoder message passing: gather source features, scatter-add to destinations, mean-normalize
    m = jax.ops.segment_sum(x[src], dst, num_segments=n) / deg[:, None]
    h = jax.nn.relu(m @ W_enc)
    mu = h @ W_mu
    var = jax.nn.softplus(h @ W_var)
    z = mu  # deterministic latent for reference
    # Decoder message passing on latent
    m2 = jax.ops.segment_sum(z[src], dst, num_segments=n) / deg[:, None]
    h2 = jax.nn.relu(m2 @ W_dec1)
    recon_x = h2 @ W_dec2
    return recon_x

if __name__ == "__main__":
    import jax
    _d = setup_inputs()
    print(jax.jit(kernel)(*tuple(_d.values())))

</pallas_src>

<mosaic_0001>
#map = affine_map<(d0, d1) -> (0, 0)>
#map1 = affine_map<(d0, d1) -> (0, 0, 0, 0)>
#map2 = affine_map<(d0, d1) -> (0, 0, 0)>
module attributes {stable_mosaic.version = 14 : i64} {
  func.func @agg(%arg0: i32, %arg1: i32, %arg2: memref<10240x64xf32, #tpu.memory_space<hbm>>, %arg3: memref<32x10x8x128xi32, #tpu.memory_space<hbm>>, %arg4: memref<32x10x8x128xi32, #tpu.memory_space<hbm>>, %arg5: memref<640x64xf32, #tpu.memory_space<hbm>>, %arg6: memref<2x10240x64xf32, #tpu.memory_space<hbm>>, %arg7: memref<8x128xi32, #tpu.memory_space<vmem>>, %arg8: memref<8x128xi32, #tpu.memory_space<vmem>>, %arg9: memref<128x64xf32, #tpu.memory_space<vmem>>, %arg10: memref<128x64xf32, #tpu.memory_space<vmem>>, %arg11: memref<128x64xf32, #tpu.memory_space<vmem>>, %arg12: memref<128x64xf32, #tpu.memory_space<vmem>>, %arg13: memref<10240x64xf32, #tpu.memory_space<vmem_shared>>, %arg14: memref<!tpu.dma_semaphore, #tpu.memory_space<semaphore_mem>>, %arg15: memref<!tpu.dma_semaphore, #tpu.memory_space<semaphore_mem>>, %arg16: memref<!tpu.dma_semaphore, #tpu.memory_space<semaphore_mem>>, %arg17: memref<!tpu.dma_semaphore, #tpu.memory_space<semaphore_mem>>, %arg18: memref<!tpu.dma_semaphore, #tpu.memory_space<semaphore_mem>>, %arg19: memref<!tpu.dma_semaphore, #tpu.memory_space<semaphore_mem>>, %arg20: memref<!tpu.dma_semaphore, #tpu.memory_space<semaphore_mem>>, %arg21: memref<!tpu.dma_semaphore, #tpu.memory_space<semaphore_mem>>, %arg22: memref<!tpu.dma_semaphore, #tpu.memory_space<semaphore_mem>>) attributes {dimension_semantics = [#tpu.dimension_semantics<core_parallel>, #tpu.dimension_semantics<subcore_parallel>], iteration_bounds = array<i64: 2, 16>, scalar_prefetch = 0 : i64, scratch_operands = 16 : i64, tpu.core_type = #tpu.core_type<sc_vector_subcore>, window_params = [{transform_indices = #map}, {transform_indices = #map1}, {transform_indices = #map1}, {transform_indices = #map}, {transform_indices = #map2}]} {
    %mul3A = arith.constant 16 : i32
    %mul3A_0 = arith.muli %arg0, %mul3A : i32
    %add3A = arith.addi %mul3A_0, %arg1 : i32
    %mul3A_1 = arith.constant 640 : i32
    %mul3A_2 = arith.muli %arg1, %mul3A_1 : i32
    "tpu.region"() ({
      %run_scoped3A = tpu.sem_alloc : memref<!tpu.dma_semaphore, #tpu.memory_space<semaphore_mem>>
      %dma_start3A = arith.constant 0 : i32
      %dma_start3A_9 = tpu.memref_slice %arg13[%mul3A_2, %dma_start3A] : memref<10240x64xf32, #tpu.memory_space<vmem_shared>> -> memref<640x64xf32, #tpu.memory_space<vmem_shared>>
      tpu.enqueue_dma source(%arg5 : memref<640x64xf32, #tpu.memory_space<hbm>>) target(%dma_start3A_9 : memref<640x64xf32, #tpu.memory_space<vmem_shared>>) target_semaphore(%run_scoped3A : memref<!tpu.dma_semaphore, #tpu.memory_space<semaphore_mem>>)
      %dma_wait3A = arith.constant 0 : i32
      %dma_wait3A_10 = tpu.memref_slice %arg13[%mul3A_2, %dma_wait3A] : memref<10240x64xf32, #tpu.memory_space<vmem_shared>> -> memref<640x64xf32, #tpu.memory_space<vmem_shared>>
      tpu.wait_dma2 semaphore(%run_scoped3A : memref<!tpu.dma_semaphore, #tpu.memory_space<semaphore_mem>>) src(%arg5 : memref<640x64xf32, #tpu.memory_space<hbm>>) dst(%dma_wait3A_10 : memref<640x64xf32, #tpu.memory_space<vmem_shared>>)
      tpu.yield
    }) : () -> ()
    %barrier3A = arith.constant 0 : index
    tpu.barrier barrier_id(%barrier3A)
    %scan3A = arith.constant 0 : i32
    %scan3A_3 = arith.constant 0 : i32
    %scan3A_4 = arith.constant 10 : i32
    %scan3A_5 = arith.addi %scan3A_3, %scan3A_4 : i32
    %scan3A_6 = arith.constant 1 : i32
    scf.for %scan3A_9 = %scan3A_3 to %scan3A_5 step %scan3A_6  : i32 {
      "tpu.region"() ({
        %run_scoped3A = tpu.sem_alloc : memref<!tpu.dma_semaphore, #tpu.memory_space<semaphore_mem>>
        %dma_start3A_232 = arith.constant 0 : i32
        %dma_start3A_233 = arith.constant 0 : i32
        %dma_start3A_234 = tpu.memref_slice %arg3[%add3A, %scan3A_9, %dma_start3A_232, %dma_start3A_233] : memref<32x10x8x128xi32, #tpu.memory_space<hbm>> -> memref<1x1x8x128xi32, #tpu.memory_space<hbm>>
        %dma_start3A_235 = tpu.memref_squeeze %dma_start3A_234 : memref<1x1x8x128xi32, #tpu.memory_space<hbm>> -> memref<8x128xi32, #tpu.memory_space<hbm>>
        %dma_start3A_236 = arith.constant 0 : i32
        %dma_start3A_237 = arith.constant 0 : i32
        %dma_start3A_238 = tpu.memref_slice %arg3[%add3A, %scan3A_9, %dma_start3A_236, %dma_start3A_237] : memref<32x10x8x128xi32, #tpu.memory_space<hbm>> -> memref<1x1x8x128xi32, #tpu.memory_space<hbm>>
        %dma_start3A_239 = tpu.memref_squeeze %dma_start3A_238 : memref<1x1x8x128xi32, #tpu.memory_space<hbm>> -> memref<8x128xi32, #tpu.memory_space<hbm>>
        tpu.enqueue_dma source(%dma_start3A_239 : memref<8x128xi32, #tpu.memory_space<hbm>>) target(%arg7 : memref<8x128xi32, #tpu.memory_space<vmem>>) target_semaphore(%run_scoped3A : memref<!tpu.dma_semaphore, #tpu.memory_space<semaphore_mem>>)
        %dma_wait3A_240 = arith.constant 0 : i32
        %dma_wait3A_241 = arith.constant 0 : i32
        %dma_wait3A_242 = tpu.memref_slice %arg3[%add3A, %scan3A_9, %dma_wait3A_240, %dma_wait3A_241] : memref<32x10x8x128xi32, #tpu.memory_space<hbm>> -> memref<1x1x8x128xi32, #tpu.memory_space<hbm>>
        %dma_wait3A_243 = tpu.memref_squeeze %dma_wait3A_242 : memref<1x1x8x128xi32, #tpu.memory_space<hbm>> -> memref<8x128xi32, #tpu.memory_space<hbm>>
        %dma_wait3A_244 = arith.constant 0 : i32
        %dma_wait3A_245 = arith.constant 0 : i32
        %dma_wait3A_246 = tpu.memref_slice %arg3[%add3A, %scan3A_9, %dma_wait3A_244, %dma_wait3A_245] : memref<32x10x8x128xi32, #tpu.memory_space<hbm>> -> memref<1x1x8x128xi32, #tpu.memory_space<hbm>>
        %dma_wait3A_247 = tpu.memref_squeeze %dma_wait3A_246 : memref<1x1x8x128xi32, #tpu.memory_space<hbm>> -> memref<8x128xi32, #tpu.memory_space<hbm>>
        tpu.wait_dma2 semaphore(%run_scoped3A : memref<!tpu.dma_semaphore, #tpu.memory_space<semaphore_mem>>) src(%dma_wait3A_247 : memref<8x128xi32, #tpu.memory_space<hbm>>) dst(%arg7 : memref<8x128xi32, #tpu.memory_space<vmem>>)
        tpu.yield
      }) : () -> ()
      "tpu.region"() ({
        %run_scoped3A = tpu.sem_alloc : memref<!tpu.dma_semaphore, #tpu.memory_space<semaphore_mem>>
        %dma_start3A_232 = arith.constant 0 : i32
        %dma_start3A_233 = arith.constant 0 : i32
        %dma_start3A_234 = tpu.memref_slice %arg4[%add3A, %scan3A_9, %dma_start3A_232, %dma_start3A_233] : memref<32x10x8x128xi32, #tpu.memory_space<hbm>> -> memref<1x1x8x128xi32, #tpu.memory_space<hbm>>
        %dma_start3A_235 = tpu.memref_squeeze %dma_start3A_234 : memref<1x1x8x128xi32, #tpu.memory_space<hbm>> -> memref<8x128xi32, #tpu.memory_space<hbm>>
        %dma_start3A_236 = arith.constant 0 : i32
        %dma_start3A_237 = arith.constant 0 : i32
        %dma_start3A_238 = tpu.memref_slice %arg4[%add3A, %scan3A_9, %dma_start3A_236, %dma_start3A_237] : memref<32x10x8x128xi32, #tpu.memory_space<hbm>> -> memref<1x1x8x128xi32, #tpu.memory_space<hbm>>
        %dma_start3A_239 = tpu.memref_squeeze %dma_start3A_238 : memref<1x1x8x128xi32, #tpu.memory_space<hbm>> -> memref<8x128xi32, #tpu.memory_space<hbm>>
        tpu.enqueue_dma source(%dma_start3A_239 : memref<8x128xi32, #tpu.memory_space<hbm>>) target(%arg8 : memref<8x128xi32, #tpu.memory_space<vmem>>) target_semaphore(%run_scoped3A : memref<!tpu.dma_semaphore, #tpu.memory_space<semaphore_mem>>)
        %dma_wait3A_240 = arith.constant 0 : i32
        %dma_wait3A_241 = arith.constant 0 : i32
        %dma_wait3A_242 = tpu.memref_slice %arg4[%add3A, %scan3A_9, %dma_wait3A_240, %dma_wait3A_241] : memref<32x10x8x128xi32, #tpu.memory_space<hbm>> -> memref<1x1x8x128xi32, #tpu.memory_space<hbm>>
        %dma_wait3A_243 = tpu.memref_squeeze %dma_wait3A_242 : memref<1x1x8x128xi32, #tpu.memory_space<hbm>> -> memref<8x128xi32, #tpu.memory_space<hbm>>
        %dma_wait3A_244 = arith.constant 0 : i32
        %dma_wait3A_245 = arith.constant 0 : i32
        %dma_wait3A_246 = tpu.memref_slice %arg4[%add3A, %scan3A_9, %dma_wait3A_244, %dma_wait3A_245] : memref<32x10x8x128xi32, #tpu.memory_space<hbm>> -> memref<1x1x8x128xi32, #tpu.memory_space<hbm>>
        %dma_wait3A_247 = tpu.memref_squeeze %dma_wait3A_246 : memref<1x1x8x128xi32, #tpu.memory_space<hbm>> -> memref<8x128xi32, #tpu.memory_space<hbm>>
        tpu.wait_dma2 semaphore(%run_scoped3A : memref<!tpu.dma_semaphore, #tpu.memory_space<semaphore_mem>>) src(%dma_wait3A_247 : memref<8x128xi32, #tpu.memory_space<hbm>>) dst(%arg8 : memref<8x128xi32, #tpu.memory_space<vmem>>)
        tpu.yield
      }) : () -> ()
      %dma_start3A = arith.constant 0 : i32
      %dma_start3A_10 = arith.constant 0 : i32
      %dma_start3A_11 = tpu.memref_slice %arg7[%dma_start3A, %dma_start3A_10] : memref<8x128xi32, #tpu.memory_space<vmem>> -> memref<1x128xi32, #tpu.memory_space<vmem>>
      %dma_start3A_12 = tpu.memref_squeeze %dma_start3A_11 : memref<1x128xi32, #tpu.memory_space<vmem>> -> memref<128xi32, #tpu.memory_space<vmem>>
      %dma_start3A_13 = arith.constant 0 : i32
      %dma_start3A_14 = arith.constant 0 : i32
      %dma_start3A_15 = tpu.memref_slice %arg2[%dma_start3A_13, %dma_start3A_14] : memref<10240x64xf32, #tpu.memory_space<hbm>> -> memref<10240x64xf32, #tpu.memory_space<hbm>>
      tpu.enqueue_indirect_dma source(%dma_start3A_15 : memref<10240x64xf32, #tpu.memory_space<hbm>>) target(%arg9 : memref<128x64xf32, #tpu.memory_space<vmem>>) offsets(%dma_start3A_12 : memref<128xi32, #tpu.memory_space<vmem>>) semaphore(%arg14 : memref<!tpu.dma_semaphore, #tpu.memory_space<semaphore_mem>>)
      %dma_start3A_16 = arith.constant 1 : i32
      %dma_start3A_17 = arith.constant 0 : i32
      %dma_start3A_18 = tpu.memref_slice %arg7[%dma_start3A_16, %dma_start3A_17] : memref<8x128xi32, #tpu.memory_space<vmem>> -> memref<1x128xi32, #tpu.memory_space<vmem>>
      %dma_start3A_19 = tpu.memref_squeeze %dma_start3A_18 : memref<1x128xi32, #tpu.memory_space<vmem>> -> memref<128xi32, #tpu.memory_space<vmem>>
      %dma_start3A_20 = arith.constant 0 : i32
      %dma_start3A_21 = arith.constant 0 : i32
      %dma_start3A_22 = tpu.memref_slice %arg2[%dma_start3A_20, %dma_start3A_21] : memref<10240x64xf32, #tpu.memory_space<hbm>> -> memref<10240x64xf32, #tpu.memory_space<hbm>>
      tpu.enqueue_indirect_dma source(%dma_start3A_22 : memref<10240x64xf32, #tpu.memory_space<hbm>>) target(%arg10 : memref<128x64xf32, #tpu.memory_space<vmem>>) offsets(%dma_start3A_19 : memref<128xi32, #tpu.memory_space<vmem>>) semaphore(%arg15 : memref<!tpu.dma_semaphore, #tpu.memory_space<semaphore_mem>>)
      %dma_wait3A = arith.constant 0 : i32
      %dma_wait3A_23 = arith.constant 0 : i32
      %dma_wait3A_24 = tpu.memref_slice %arg7[%dma_wait3A, %dma_wait3A_23] : memref<8x128xi32, #tpu.memory_space<vmem>> -> memref<1x128xi32, #tpu.memory_space<vmem>>
      %dma_wait3A_25 = tpu.memref_squeeze %dma_wait3A_24 : memref<1x128xi32, #tpu.memory_space<vmem>> -> memref<128xi32, #tpu.memory_space<vmem>>
      %dma_wait3A_26 = arith.constant 0 : i32
      %dma_wait3A_27 = arith.constant 0 : i32
      %dma_wait3A_28 = tpu.memref_slice %arg2[%dma_wait3A_26, %dma_wait3A_27] : memref<10240x64xf32, #tpu.memory_space<hbm>> -> memref<10240x64xf32, #tpu.memory_space<hbm>>
      tpu.wait_indirect_dma semaphore(%arg14 : memref<!tpu.dma_semaphore, #tpu.memory_space<semaphore_mem>>) src(%dma_wait3A_28 : memref<10240x64xf32, #tpu.memory_space<hbm>>) dst(%arg9 : memref<128x64xf32, #tpu.memory_space<vmem>>)
      %dma_start3A_29 = arith.constant 0 : i32
      %dma_start3A_30 = arith.constant 0 : i32
      %dma_start3A_31 = tpu.memref_slice %arg8[%dma_start3A_29, %dma_start3A_30] : memref<8x128xi32, #tpu.memory_space<vmem>> -> memref<1x128xi32, #tpu.memory_space<vmem>>
      %dma_start3A_32 = tpu.memref_squeeze %dma_start3A_31 : memref<1x128xi32, #tpu.memory_space<vmem>> -> memref<128xi32, #tpu.memory_space<vmem>>
      %dma_start3A_33 = arith.constant 0 : i32
      %dma_start3A_34 = arith.constant 0 : i32
      %dma_start3A_35 = tpu.memref_slice %arg13[%dma_start3A_33, %dma_start3A_34] : memref<10240x64xf32, #tpu.memory_space<vmem_shared>> -> memref<10240x64xf32, #tpu.memory_space<vmem_shared>>
      tpu.enqueue_indirect_dma source(%arg9 : memref<128x64xf32, #tpu.memory_space<vmem>>) target(%dma_start3A_35 : memref<10240x64xf32, #tpu.memory_space<vmem_shared>>) offsets(%dma_start3A_32 : memref<128xi32, #tpu.memory_space<vmem>>) semaphore(%arg18 : memref<!tpu.dma_semaphore, #tpu.memory_space<semaphore_mem>>) {add = true}
      %dma_start3A_36 = arith.constant 2 : i32
      %dma_start3A_37 = arith.constant 0 : i32
      %dma_start3A_38 = tpu.memref_slice %arg7[%dma_start3A_36, %dma_start3A_37] : memref<8x128xi32, #tpu.memory_space<vmem>> -> memref<1x128xi32, #tpu.memory_space<vmem>>
      %dma_start3A_39 = tpu.memref_squeeze %dma_start3A_38 : memref<1x128xi32, #tpu.memory_space<vmem>> -> memref<128xi32, #tpu.memory_space<vmem>>
      %dma_start3A_40 = arith.constant 0 : i32
      %dma_start3A_41 = arith.constant 0 : i32
      %dma_start3A_42 = tpu.memref_slice %arg2[%dma_start3A_40, %dma_start3A_41] : memref<10240x64xf32, #tpu.memory_space<hbm>> -> memref<10240x64xf32, #tpu.memory_space<hbm>>
      tpu.enqueue_indirect_dma source(%dma_start3A_42 : memref<10240x64xf32, #tpu.memory_space<hbm>>) target(%arg11 : memref<128x64xf32, #tpu.memory_space<vmem>>) offsets(%dma_start3A_39 : memref<128xi32, #tpu.memory_space<vmem>>) semaphore(%arg16 : memref<!tpu.dma_semaphore, #tpu.memory_space<semaphore_mem>>)
      %dma_wait3A_43 = arith.constant 1 : i32
      %dma_wait3A_44 = arith.constant 0 : i32
      %dma_wait3A_45 = tpu.memref_slice %arg7[%dma_wait3A_43, %dma_wait3A_44] : memref<8x128xi32, #tpu.memory_space<vmem>> -> memref<1x128xi32, #tpu.memory_space<vmem>>
      %dma_wait3A_46 = tpu.memref_squeeze %dma_wait3A_45 : memref<1x128xi32, #tpu.memory_space<vmem>> -> memref<128xi32, #tpu.memory_space<vmem>>
      %dma_wait3A_47 = arith.constant 0 : i32
      %dma_wait3A_48 = arith.constant 0 : i32
      %dma_wait3A_49 = tpu.memref_slice %arg2[%dma_wait3A_47, %dma_wait3A_48] : memref<10240x64xf32, #tpu.memory_space<hbm>> -> memref<10240x64xf32, #tpu.memory_space<hbm>>
      tpu.wait_indirect_dma semaphore(%arg15 : memref<!tpu.dma_semaphore, #tpu.memory_space<semaphore_mem>>) src(%dma_wait3A_49 : memref<10240x64xf32, #tpu.memory_space<hbm>>) dst(%arg10 : memref<128x64xf32, #tpu.memory_space<vmem>>)
      %dma_start3A_50 = arith.constant 1 : i32
      %dma_start3A_51 = arith.constant 0 : i32
      %dma_start3A_52 = tpu.memref_slice %arg8[%dma_start3A_50, %dma_start3A_51] : memref<8x128xi32, #tpu.memory_space<vmem>> -> memref<1x128xi32, #tpu.memory_space<vmem>>
      %dma_start3A_53 = tpu.memref_squeeze %dma_start3A_52 : memref<1x128xi32, #tpu.memory_space<vmem>> -> memref<128xi32, #tpu.memory_space<vmem>>
      %dma_start3A_54 = arith.constant 0 : i32
      %dma_start3A_55 = arith.constant 0 : i32
      %dma_start3A_56 = tpu.memref_slice %arg13[%dma_start3A_54, %dma_start3A_55] : memref<10240x64xf32, #tpu.memory_space<vmem_shared>> -> memref<10240x64xf32, #tpu.memory_space<vmem_shared>>
      tpu.enqueue_indirect_dma source(%arg10 : memref<128x64xf32, #tpu.memory_space<vmem>>) target(%dma_start3A_56 : memref<10240x64xf32, #tpu.memory_space<vmem_shared>>) offsets(%dma_start3A_53 : memref<128xi32, #tpu.memory_space<vmem>>) semaphore(%arg19 : memref<!tpu.dma_semaphore, #tpu.memory_space<semaphore_mem>>) {add = true}
      %dma_start3A_57 = arith.constant 3 : i32
      %dma_start3A_58 = arith.constant 0 : i32
      %dma_start3A_59 = tpu.memref_slice %arg7[%dma_start3A_57, %dma_start3A_58] : memref<8x128xi32, #tpu.memory_space<vmem>> -> memref<1x128xi32, #tpu.memory_space<vmem>>
      %dma_start3A_60 = tpu.memref_squeeze %dma_start3A_59 : memref<1x128xi32, #tpu.memory_space<vmem>> -> memref<128xi32, #tpu.memory_space<vmem>>
      %dma_start3A_61 = arith.constant 0 : i32
      %dma_start3A_62 = arith.constant 0 : i32
      %dma_start3A_63 = tpu.memref_slice %arg2[%dma_start3A_61, %dma_start3A_62] : memref<10240x64xf32, #tpu.memory_space<hbm>> -> memref<10240x64xf32, #tpu.memory_space<hbm>>
      tpu.enqueue_indirect_dma source(%dma_start3A_63 : memref<10240x64xf32, #tpu.memory_space<hbm>>) target(%arg12 : memref<128x64xf32, #tpu.memory_space<vmem>>) offsets(%dma_start3A_60 : memref<128xi32, #tpu.memory_space<vmem>>) semaphore(%arg17 : memref<!tpu.dma_semaphore, #tpu.memory_space<semaphore_mem>>)
      %dma_wait3A_64 = arith.constant 2 : i32
      %dma_wait3A_65 = arith.constant 0 : i32
      %dma_wait3A_66 = tpu.memref_slice %arg7[%dma_wait3A_64, %dma_wait3A_65] : memref<8x128xi32, #tpu.memory_space<vmem>> -> memref<1x128xi32, #tpu.memory_space<vmem>>
      %dma_wait3A_67 = tpu.memref_squeeze %dma_wait3A_66 : memref<1x128xi32, #tpu.memory_space<vmem>> -> memref<128xi32, #tpu.memory_space<vmem>>
      %dma_wait3A_68 = arith.constant 0 : i32
      %dma_wait3A_69 = arith.constant 0 : i32
      %dma_wait3A_70 = tpu.memref_slice %arg2[%dma_wait3A_68, %dma_wait3A_69] : memref<10240x64xf32, #tpu.memory_space<hbm>> -> memref<10240x64xf32, #tpu.memory_space<hbm>>
      tpu.wait_indirect_dma semaphore(%arg16 : memref<!tpu.dma_semaphore, #tpu.memory_space<semaphore_mem>>) src(%dma_wait3A_70 : memref<10240x64xf32, #tpu.memory_space<hbm>>) dst(%arg11 : memref<128x64xf32, #tpu.memory_space<vmem>>)
      %dma_start3A_71 = arith.constant 2 : i32
      %dma_start3A_72 = arith.constant 0 : i32
      %dma_start3A_73 = tpu.memref_slice %arg8[%dma_start3A_71, %dma_start3A_72] : memref<8x128xi32, #tpu.memory_space<vmem>> -> memref<1x128xi32, #tpu.memory_space<vmem>>
      %dma_start3A_74 = tpu.memref_squeeze %dma_start3A_73 : memref<1x128xi32, #tpu.memory_space<vmem>> -> memref<128xi32, #tpu.memory_space<vmem>>
      %dma_start3A_75 = arith.constant 0 : i32
      %dma_start3A_76 = arith.constant 0 : i32
      %dma_start3A_77 = tpu.memref_slice %arg13[%dma_start3A_75, %dma_start3A_76] : memref<10240x64xf32, #tpu.memory_space<vmem_shared>> -> memref<10240x64xf32, #tpu.memory_space<vmem_shared>>
      tpu.enqueue_indirect_dma source(%arg11 : memref<128x64xf32, #tpu.memory_space<vmem>>) target(%dma_start3A_77 : memref<10240x64xf32, #tpu.memory_space<vmem_shared>>) offsets(%dma_start3A_74 : memref<128xi32, #tpu.memory_space<vmem>>) semaphore(%arg20 : memref<!tpu.dma_semaphore, #tpu.memory_space<semaphore_mem>>) {add = true}
      %dma_wait3A_78 = arith.constant 0 : i32
      %dma_wait3A_79 = arith.constant 0 : i32
      %dma_wait3A_80 = tpu.memref_slice %arg8[%dma_wait3A_78, %dma_wait3A_79] : memref<8x128xi32, #tpu.memory_space<vmem>> -> memref<1x128xi32, #tpu.memory_space<vmem>>
      %dma_wait3A_81 = tpu.memref_squeeze %dma_wait3A_80 : memref<1x128xi32, #tpu.memory_space<vmem>> -> memref<128xi32, #tpu.memory_space<vmem>>
      %dma_wait3A_82 = arith.constant 0 : i32
      %dma_wait3A_83 = arith.constant 0 : i32
      %dma_wait3A_84 = tpu.memref_slice %arg13[%dma_wait3A_82, %dma_wait3A_83] : memref<10240x64xf32, #tpu.memory_space<vmem_shared>> -> memref<10240x64xf32, #tpu.memory_space<vmem_shared>>
      tpu.wait_indirect_dma semaphore(%arg18 : memref<!tpu.dma_semaphore, #tpu.memory_space<semaphore_mem>>) src(%arg9 : memref<128x64xf32, #tpu.memory_space<vmem>>) dst(%dma_wait3A_84 : memref<10240x64xf32, #tpu.memory_space<vmem_shared>>)
      %dma_start3A_85 = arith.constant 4 : i32
      %dma_start3A_86 = arith.constant 0 : i32
      %dma_start3A_87 = tpu.memref_slice %arg7[%dma_start3A_85, %dma_start3A_86] : memref<8x128xi32, #tpu.memory_space<vmem>> -> memref<1x128xi32, #tpu.memory_space<vmem>>
      %dma_start3A_88 = tpu.memref_squeeze %dma_start3A_87 : memref<1x128xi32, #tpu.memory_space<vmem>> -> memref<128xi32, #tpu.memory_space<vmem>>
      %dma_start3A_89 = arith.constant 0 : i32
      %dma_start3A_90 = arith.constant 0 : i32
      %dma_start3A_91 = tpu.memref_slice %arg2[%dma_start3A_89, %dma_start3A_90] : memref<10240x64xf32, #tpu.memory_space<hbm>> -> memref<10240x64xf32, #tpu.memory_space<hbm>>
      tpu.enqueue_indirect_dma source(%dma_start3A_91 : memref<10240x64xf32, #tpu.memory_space<hbm>>) target(%arg9 : memref<128x64xf32, #tpu.memory_space<vmem>>) offsets(%dma_start3A_88 : memref<128xi32, #tpu.memory_space<vmem>>) semaphore(%arg14 : memref<!tpu.dma_semaphore, #tpu.memory_space<semaphore_mem>>)
      %dma_wait3A_92 = arith.constant 3 : i32
      %dma_wait3A_93 = arith.constant 0 : i32
      %dma_wait3A_94 = tpu.memref_slice %arg7[%dma_wait3A_92, %dma_wait3A_93] : memref<8x128xi32, #tpu.memory_space<vmem>> -> memref<1x128xi32, #tpu.memory_space<vmem>>
      %dma_wait3A_95 = tpu.memref_squeeze %dma_wait3A_94 : memref<1x128xi32, #tpu.memory_space<vmem>> -> memref<128xi32, #tpu.memory_space<vmem>>
      %dma_wait3A_96 = arith.constant 0 : i32
      %dma_wait3A_97 = arith.constant 0 : i32
      %dma_wait3A_98 = tpu.memref_slice %arg2[%dma_wait3A_96, %dma_wait3A_97] : memref<10240x64xf32, #tpu.memory_space<hbm>> -> memref<10240x64xf32, #tpu.memory_space<hbm>>
      tpu.wait_indirect_dma semaphore(%arg17 : memref<!tpu.dma_semaphore, #tpu.memory_space<semaphore_mem>>) src(%dma_wait3A_98 : memref<10240x64xf32, #tpu.memory_space<hbm>>) dst(%arg12 : memref<128x64xf32, #tpu.memory_space<vmem>>)
      %dma_start3A_99 = arith.constant 3 : i32
      %dma_start3A_100 = arith.constant 0 : i32
      %dma_start3A_101 = tpu.memref_slice %arg8[%dma_start3A_99, %dma_start3A_100] : memref<8x128xi32, #tpu.memory_space<vmem>> -> memref<1x128xi32, #tpu.memory_space<vmem>>
      %dma_start3A_102 = tpu.memref_squeeze %dma_start3A_101 : memref<1x128xi32, #tpu.memory_space<vmem>> -> memref<128xi32, #tpu.memory_space<vmem>>
      %dma_start3A_103 = arith.constant 0 : i32
      %dma_start3A_104 = arith.constant 0 : i32
      %dma_start3A_105 = tpu.memref_slice %arg13[%dma_start3A_103, %dma_start3A_104] : memref<10240x64xf32, #tpu.memory_space<vmem_shared>> -> memref<10240x64xf32, #tpu.memory_space<vmem_shared>>
      tpu.enqueue_indirect_dma source(%arg12 : memref<128x64xf32, #tpu.memory_space<vmem>>) target(%dma_start3A_105 : memref<10240x64xf32, #tpu.memory_space<vmem_shared>>) offsets(%dma_start3A_102 : memref<128xi32, #tpu.memory_space<vmem>>) semaphore(%arg21 : memref<!tpu.dma_semaphore, #tpu.memory_space<semaphore_mem>>) {add = true}
      %dma_wait3A_106 = arith.constant 1 : i32
      %dma_wait3A_107 = arith.constant 0 : i32
      %dma_wait3A_108 = tpu.memref_slice %arg8[%dma_wait3A_106, %dma_wait3A_107] : memref<8x128xi32, #tpu.memory_space<vmem>> -> memref<1x128xi32, #tpu.memory_space<vmem>>
      %dma_wait3A_109 = tpu.memref_squeeze %dma_wait3A_108 : memref<1x128xi32, #tpu.memory_space<vmem>> -> memref<128xi32, #tpu.memory_space<vmem>>
      %dma_wait3A_110 = arith.constant 0 : i32
      %dma_wait3A_111 = arith.constant 0 : i32
      %dma_wait3A_112 = tpu.memref_slice %arg13[%dma_wait3A_110, %dma_wait3A_111] : memref<10240x64xf32, #tpu.memory_space<vmem_shared>> -> memref<10240x64xf32, #tpu.memory_space<vmem_shared>>
      tpu.wait_indirect_dma semaphore(%arg19 : memref<!tpu.dma_semaphore, #tpu.memory_space<semaphore_mem>>) src(%arg10 : memref<128x64xf32, #tpu.memory_space<vmem>>) dst(%dma_wait3A_112 : memref<10240x64xf32, #tpu.memory_space<vmem_shared>>)
      %dma_start3A_113 = arith.constant 5 : i32
      %dma_start3A_114 = arith.constant 0 : i32
      %dma_start3A_115 = tpu.memref_slice %arg7[%dma_start3A_113, %dma_start3A_114] : memref<8x128xi32, #tpu.memory_space<vmem>> -> memref<1x128xi32, #tpu.memory_space<vmem>>
      %dma_start3A_116 = tpu.memref_squeeze %dma_start3A_115 : memref<1x128xi32, #tpu.memory_space<vmem>> -> memref<128xi32, #tpu.memory_space<vmem>>
      %dma_start3A_117 = arith.constant 0 : i32
      %dma_start3A_118 = arith.constant 0 : i32
      %dma_start3A_119 = tpu.memref_slice %arg2[%dma_start3A_117, %dma_start3A_118] : memref<10240x64xf32, #tpu.memory_space<hbm>> -> memref<10240x64xf32, #tpu.memory_space<hbm>>
      tpu.enqueue_indirect_dma source(%dma_start3A_119 : memref<10240x64xf32, #tpu.memory_space<hbm>>) target(%arg10 : memref<128x64xf32, #tpu.memory_space<vmem>>) offsets(%dma_start3A_116 : memref<128xi32, #tpu.memory_space<vmem>>) semaphore(%arg15 : memref<!tpu.dma_semaphore, #tpu.memory_space<semaphore_mem>>)
      %dma_wait3A_120 = arith.constant 4 : i32
      %dma_wait3A_121 = arith.constant 0 : i32
      %dma_wait3A_122 = tpu.memref_slice %arg7[%dma_wait3A_120, %dma_wait3A_121] : memref<8x128xi32, #tpu.memory_space<vmem>> -> memref<1x128xi32, #tpu.memory_space<vmem>>
      %dma_wait3A_123 = tpu.memref_squeeze %dma_wait3A_122 : memref<1x128xi32, #tpu.memory_space<vmem>> -> memref<128xi32, #tpu.memory_space<vmem>>
      %dma_wait3A_124 = arith.constant 0 : i32
      %dma_wait3A_125 = arith.constant 0 : i32
      %dma_wait3A_126 = tpu.memref_slice %arg2[%dma_wait3A_124, %dma_wait3A_125] : memref<10240x64xf32, #tpu.memory_space<hbm>> -> memref<10240x64xf32, #tpu.memory_space<hbm>>
      tpu.wait_indirect_dma semaphore(%arg14 : memref<!tpu.dma_semaphore, #tpu.memory_space<semaphore_mem>>) src(%dma_wait3A_126 : memref<10240x64xf32, #tpu.memory_space<hbm>>) dst(%arg9 : memref<128x64xf32, #tpu.memory_space<vmem>>)
      %dma_start3A_127 = arith.constant 4 : i32
      %dma_start3A_128 = arith.constant 0 : i32
      %dma_start3A_129 = tpu.memref_slice %arg8[%dma_start3A_127, %dma_start3A_128] : memref<8x128xi32, #tpu.memory_space<vmem>> -> memref<1x128xi32, #tpu.memory_space<vmem>>
      %dma_start3A_130 = tpu.memref_squeeze %dma_start3A_129 : memref<1x128xi32, #tpu.memory_space<vmem>> -> memref<128xi32, #tpu.memory_space<vmem>>
      %dma_start3A_131 = arith.constant 0 : i32
      %dma_start3A_132 = arith.constant 0 : i32
      %dma_start3A_133 = tpu.memref_slice %arg13[%dma_start3A_131, %dma_start3A_132] : memref<10240x64xf32, #tpu.memory_space<vmem_shared>> -> memref<10240x64xf32, #tpu.memory_space<vmem_shared>>
      tpu.enqueue_indirect_dma source(%arg9 : memref<128x64xf32, #tpu.memory_space<vmem>>) target(%dma_start3A_133 : memref<10240x64xf32, #tpu.memory_space<vmem_shared>>) offsets(%dma_start3A_130 : memref<128xi32, #tpu.memory_space<vmem>>) semaphore(%arg18 : memref<!tpu.dma_semaphore, #tpu.memory_space<semaphore_mem>>) {add = true}
      %dma_wait3A_134 = arith.constant 2 : i32
      %dma_wait3A_135 = arith.constant 0 : i32
      %dma_wait3A_136 = tpu.memref_slice %arg8[%dma_wait3A_134, %dma_wait3A_135] : memref<8x128xi32, #tpu.memory_space<vmem>> -> memref<1x128xi32, #tpu.memory_space<vmem>>
      %dma_wait3A_137 = tpu.memref_squeeze %dma_wait3A_136 : memref<1x128xi32, #tpu.memory_space<vmem>> -> memref<128xi32, #tpu.memory_space<vmem>>
      %dma_wait3A_138 = arith.constant 0 : i32
      %dma_wait3A_139 = arith.constant 0 : i32
      %dma_wait3A_140 = tpu.memref_slice %arg13[%dma_wait3A_138, %dma_wait3A_139] : memref<10240x64xf32, #tpu.memory_space<vmem_shared>> -> memref<10240x64xf32, #tpu.memory_space<vmem_shared>>
      tpu.wait_indirect_dma semaphore(%arg20 : memref<!tpu.dma_semaphore, #tpu.memory_space<semaphore_mem>>) src(%arg11 : memref<128x64xf32, #tpu.memory_space<vmem>>) dst(%dma_wait3A_140 : memref<10240x64xf32, #tpu.memory_space<vmem_shared>>)
      %dma_start3A_141 = arith.constant 6 : i32
      %dma_start3A_142 = arith.constant 0 : i32
      %dma_start3A_143 = tpu.memref_slice %arg7[%dma_start3A_141, %dma_start3A_142] : memref<8x128xi32, #tpu.memory_space<vmem>> -> memref<1x128xi32, #tpu.memory_space<vmem>>
      %dma_start3A_144 = tpu.memref_squeeze %dma_start3A_143 : memref<1x128xi32, #tpu.memory_space<vmem>> -> memref<128xi32, #tpu.memory_space<vmem>>
      %dma_start3A_145 = arith.constant 0 : i32
      %dma_start3A_146 = arith.constant 0 : i32
      %dma_start3A_147 = tpu.memref_slice %arg2[%dma_start3A_145, %dma_start3A_146] : memref<10240x64xf32, #tpu.memory_space<hbm>> -> memref<10240x64xf32, #tpu.memory_space<hbm>>
      tpu.enqueue_indirect_dma source(%dma_start3A_147 : memref<10240x64xf32, #tpu.memory_space<hbm>>) target(%arg11 : memref<128x64xf32, #tpu.memory_space<vmem>>) offsets(%dma_start3A_144 : memref<128xi32, #tpu.memory_space<vmem>>) semaphore(%arg16 : memref<!tpu.dma_semaphore, #tpu.memory_space<semaphore_mem>>)
      %dma_wait3A_148 = arith.constant 5 : i32
      %dma_wait3A_149 = arith.constant 0 : i32
      %dma_wait3A_150 = tpu.memref_slice %arg7[%dma_wait3A_148, %dma_wait3A_149] : memref<8x128xi32, #tpu.memory_space<vmem>> -> memref<1x128xi32, #tpu.memory_space<vmem>>
      %dma_wait3A_151 = tpu.memref_squeeze %dma_wait3A_150 : memref<1x128xi32, #tpu.memory_space<vmem>> -> memref<128xi32, #tpu.memory_space<vmem>>
      %dma_wait3A_152 = arith.constant 0 : i32
      %dma_wait3A_153 = arith.constant 0 : i32
      %dma_wait3A_154 = tpu.memref_slice %arg2[%dma_wait3A_152, %dma_wait3A_153] : memref<10240x64xf32, #tpu.memory_space<hbm>> -> memref<10240x64xf32, #tpu.memory_space<hbm>>
      tpu.wait_indirect_dma semaphore(%arg15 : memref<!tpu.dma_semaphore, #tpu.memory_space<semaphore_mem>>) src(%dma_wait3A_154 : memref<10240x64xf32, #tpu.memory_space<hbm>>) dst(%arg10 : memref<128x64xf32, #tpu.memory_space<vmem>>)
      %dma_start3A_155 = arith.constant 5 : i32
      %dma_start3A_156 = arith.constant 0 : i32
      %dma_start3A_157 = tpu.memref_slice %arg8[%dma_start3A_155, %dma_start3A_156] : memref<8x128xi32, #tpu.memory_space<vmem>> -> memref<1x128xi32, #tpu.memory_space<vmem>>
      %dma_start3A_158 = tpu.memref_squeeze %dma_start3A_157 : memref<1x128xi32, #tpu.memory_space<vmem>> -> memref<128xi32, #tpu.memory_space<vmem>>
      %dma_start3A_159 = arith.constant 0 : i32
      %dma_start3A_160 = arith.constant 0 : i32
      %dma_start3A_161 = tpu.memref_slice %arg13[%dma_start3A_159, %dma_start3A_160] : memref<10240x64xf32, #tpu.memory_space<vmem_shared>> -> memref<10240x64xf32, #tpu.memory_space<vmem_shared>>
      tpu.enqueue_indirect_dma source(%arg10 : memref<128x64xf32, #tpu.memory_space<vmem>>) target(%dma_start3A_161 : memref<10240x64xf32, #tpu.memory_space<vmem_shared>>) offsets(%dma_start3A_158 : memref<128xi32, #tpu.memory_space<vmem>>) semaphore(%arg19 : memref<!tpu.dma_semaphore, #tpu.memory_space<semaphore_mem>>) {add = true}
      %dma_wait3A_162 = arith.constant 3 : i32
      %dma_wait3A_163 = arith.constant 0 : i32
      %dma_wait3A_164 = tpu.memref_slice %arg8[%dma_wait3A_162, %dma_wait3A_163] : memref<8x128xi32, #tpu.memory_space<vmem>> -> memref<1x128xi32, #tpu.memory_space<vmem>>
      %dma_wait3A_165 = tpu.memref_squeeze %dma_wait3A_164 : memref<1x128xi32, #tpu.memory_space<vmem>> -> memref<128xi32, #tpu.memory_space<vmem>>
      %dma_wait3A_166 = arith.constant 0 : i32
      %dma_wait3A_167 = arith.constant 0 : i32
      %dma_wait3A_168 = tpu.memref_slice %arg13[%dma_wait3A_166, %dma_wait3A_167] : memref<10240x64xf32, #tpu.memory_space<vmem_shared>> -> memref<10240x64xf32, #tpu.memory_space<vmem_shared>>
      tpu.wait_indirect_dma semaphore(%arg21 : memref<!tpu.dma_semaphore, #tpu.memory_space<semaphore_mem>>) src(%arg12 : memref<128x64xf32, #tpu.memory_space<vmem>>) dst(%dma_wait3A_168 : memref<10240x64xf32, #tpu.memory_space<vmem_shared>>)
      %dma_start3A_169 = arith.constant 7 : i32
      %dma_start3A_170 = arith.constant 0 : i32
      %dma_start3A_171 = tpu.memref_slice %arg7[%dma_start3A_169, %dma_start3A_170] : memref<8x128xi32, #tpu.memory_space<vmem>> -> memref<1x128xi32, #tpu.memory_space<vmem>>
      %dma_start3A_172 = tpu.memref_squeeze %dma_start3A_171 : memref<1x128xi32, #tpu.memory_space<vmem>> -> memref<128xi32, #tpu.memory_space<vmem>>
      %dma_start3A_173 = arith.constant 0 : i32
      %dma_start3A_174 = arith.constant 0 : i32
      %dma_start3A_175 = tpu.memref_slice %arg2[%dma_start3A_173, %dma_start3A_174] : memref<10240x64xf32, #tpu.memory_space<hbm>> -> memref<10240x64xf32, #tpu.memory_space<hbm>>
      tpu.enqueue_indirect_dma source(%dma_start3A_175 : memref<10240x64xf32, #tpu.memory_space<hbm>>) target(%arg12 : memref<128x64xf32, #tpu.memory_space<vmem>>) offsets(%dma_start3A_172 : memref<128xi32, #tpu.memory_space<vmem>>) semaphore(%arg17 : memref<!tpu.dma_semaphore, #tpu.memory_space<semaphore_mem>>)
      %dma_wait3A_176 = arith.constant 6 : i32
      %dma_wait3A_177 = arith.constant 0 : i32
      %dma_wait3A_178 = tpu.memref_slice %arg7[%dma_wait3A_176, %dma_wait3A_177] : memref<8x128xi32, #tpu.memory_space<vmem>> -> memref<1x128xi32, #tpu.memory_space<vmem>>
      %dma_wait3A_179 = tpu.memref_squeeze %dma_wait3A_178 : memref<1x128xi32, #tpu.memory_space<vmem>> -> memref<128xi32, #tpu.memory_space<vmem>>
      %dma_wait3A_180 = arith.constant 0 : i32
      %dma_wait3A_181 = arith.constant 0 : i32
      %dma_wait3A_182 = tpu.memref_slice %arg2[%dma_wait3A_180, %dma_wait3A_181] : memref<10240x64xf32, #tpu.memory_space<hbm>> -> memref<10240x64xf32, #tpu.memory_space<hbm>>
      tpu.wait_indirect_dma semaphore(%arg16 : memref<!tpu.dma_semaphore, #tpu.memory_space<semaphore_mem>>) src(%dma_wait3A_182 : memref<10240x64xf32, #tpu.memory_space<hbm>>) dst(%arg11 : memref<128x64xf32, #tpu.memory_space<vmem>>)
      %dma_start3A_183 = arith.constant 6 : i32
      %dma_start3A_184 = arith.constant 0 : i32
      %dma_start3A_185 = tpu.memref_slice %arg8[%dma_start3A_183, %dma_start3A_184] : memref<8x128xi32, #tpu.memory_space<vmem>> -> memref<1x128xi32, #tpu.memory_space<vmem>>
      %dma_start3A_186 = tpu.memref_squeeze %dma_start3A_185 : memref<1x128xi32, #tpu.memory_space<vmem>> -> memref<128xi32, #tpu.memory_space<vmem>>
      %dma_start3A_187 = arith.constant 0 : i32
      %dma_start3A_188 = arith.constant 0 : i32
      %dma_start3A_189 = tpu.memref_slice %arg13[%dma_start3A_187, %dma_start3A_188] : memref<10240x64xf32, #tpu.memory_space<vmem_shared>> -> memref<10240x64xf32, #tpu.memory_space<vmem_shared>>
      tpu.enqueue_indirect_dma source(%arg11 : memref<128x64xf32, #tpu.memory_space<vmem>>) target(%dma_start3A_189 : memref<10240x64xf32, #tpu.memory_space<vmem_shared>>) offsets(%dma_start3A_186 : memref<128xi32, #tpu.memory_space<vmem>>) semaphore(%arg20 : memref<!tpu.dma_semaphore, #tpu.memory_space<semaphore_mem>>) {add = true}
      %dma_wait3A_190 = arith.constant 7 : i32
      %dma_wait3A_191 = arith.constant 0 : i32
      %dma_wait3A_192 = tpu.memref_slice %arg7[%dma_wait3A_190, %dma_wait3A_191] : memref<8x128xi32, #tpu.memory_space<vmem>> -> memref<1x128xi32, #tpu.memory_space<vmem>>
      %dma_wait3A_193 = tpu.memref_squeeze %dma_wait3A_192 : memref<1x128xi32, #tpu.memory_space<vmem>> -> memref<128xi32, #tpu.memory_space<vmem>>
      %dma_wait3A_194 = arith.constant 0 : i32
      %dma_wait3A_195 = arith.constant 0 : i32
      %dma_wait3A_196 = tpu.memref_slice %arg2[%dma_wait3A_194, %dma_wait3A_195] : memref<10240x64xf32, #tpu.memory_space<hbm>> -> memref<10240x64xf32, #tpu.memory_space<hbm>>
      tpu.wait_indirect_dma semaphore(%arg17 : memref<!tpu.dma_semaphore, #tpu.memory_space<semaphore_mem>>) src(%dma_wait3A_196 : memref<10240x64xf32, #tpu.memory_space<hbm>>) dst(%arg12 : memref<128x64xf32, #tpu.memory_space<vmem>>)
      %dma_start3A_197 = arith.constant 7 : i32
      %dma_start3A_198 = arith.constant 0 : i32
      %dma_start3A_199 = tpu.memref_slice %arg8[%dma_start3A_197, %dma_start3A_198] : memref<8x128xi32, #tpu.memory_space<vmem>> -> memref<1x128xi32, #tpu.memory_space<vmem>>
      %dma_start3A_200 = tpu.memref_squeeze %dma_start3A_199 : memref<1x128xi32, #tpu.memory_space<vmem>> -> memref<128xi32, #tpu.memory_space<vmem>>
      %dma_start3A_201 = arith.constant 0 : i32
      %dma_start3A_202 = arith.constant 0 : i32
      %dma_start3A_203 = tpu.memref_slice %arg13[%dma_start3A_201, %dma_start3A_202] : memref<10240x64xf32, #tpu.memory_space<vmem_shared>> -> memref<10240x64xf32, #tpu.memory_space<vmem_shared>>
      tpu.enqueue_indirect_dma source(%arg12 : memref<128x64xf32, #tpu.memory_space<vmem>>) target(%dma_start3A_203 : memref<10240x64xf32, #tpu.memory_space<vmem_shared>>) offsets(%dma_start3A_200 : memref<128xi32, #tpu.memory_space<vmem>>) semaphore(%arg21 : memref<!tpu.dma_semaphore, #tpu.memory_space<semaphore_mem>>) {add = true}
      %dma_wait3A_204 = arith.constant 4 : i32
      %dma_wait3A_205 = arith.constant 0 : i32
      %dma_wait3A_206 = tpu.memref_slice %arg8[%dma_wait3A_204, %dma_wait3A_205] : memref<8x128xi32, #tpu.memory_space<vmem>> -> memref<1x128xi32, #tpu.memory_space<vmem>>
      %dma_wait3A_207 = tpu.memref_squeeze %dma_wait3A_206 : memref<1x128xi32, #tpu.memory_space<vmem>> -> memref<128xi32, #tpu.memory_space<vmem>>
      %dma_wait3A_208 = arith.constant 0 : i32
      %dma_wait3A_209 = arith.constant 0 : i32
      %dma_wait3A_210 = tpu.memref_slice %arg13[%dma_wait3A_208, %dma_wait3A_209] : memref<10240x64xf32, #tpu.memory_space<vmem_shared>> -> memref<10240x64xf32, #tpu.memory_space<vmem_shared>>
      tpu.wait_indirect_dma semaphore(%arg18 : memref<!tpu.dma_semaphore, #tpu.memory_space<semaphore_mem>>) src(%arg9 : memref<128x64xf32, #tpu.memory_space<vmem>>) dst(%dma_wait3A_210 : memref<10240x64xf32, #tpu.memory_space<vmem_shared>>)
      %dma_wait3A_211 = arith.constant 5 : i32
      %dma_wait3A_212 = arith.constant 0 : i32
      %dma_wait3A_213 = tpu.memref_slice %arg8[%dma_wait3A_211, %dma_wait3A_212] : memref<8x128xi32, #tpu.memory_space<vmem>> -> memref<1x128xi32, #tpu.memory_space<vmem>>
      %dma_wait3A_214 = tpu.memref_squeeze %dma_wait3A_213 : memref<1x128xi32, #tpu.memory_space<vmem>> -> memref<128xi32, #tpu.memory_space<vmem>>
      %dma_wait3A_215 = arith.constant 0 : i32
      %dma_wait3A_216 = arith.constant 0 : i32
      %dma_wait3A_217 = tpu.memref_slice %arg13[%dma_wait3A_215, %dma_wait3A_216] : memref<10240x64xf32, #tpu.memory_space<vmem_shared>> -> memref<10240x64xf32, #tpu.memory_space<vmem_shared>>
      tpu.wait_indirect_dma semaphore(%arg19 : memref<!tpu.dma_semaphore, #tpu.memory_space<semaphore_mem>>) src(%arg10 : memref<128x64xf32, #tpu.memory_space<vmem>>) dst(%dma_wait3A_217 : memref<10240x64xf32, #tpu.memory_space<vmem_shared>>)
      %dma_wait3A_218 = arith.constant 6 : i32
      %dma_wait3A_219 = arith.constant 0 : i32
      %dma_wait3A_220 = tpu.memref_slice %arg8[%dma_wait3A_218, %dma_wait3A_219] : memref<8x128xi32, #tpu.memory_space<vmem>> -> memref<1x128xi32, #tpu.memory_space<vmem>>
      %dma_wait3A_221 = tpu.memref_squeeze %dma_wait3A_220 : memref<1x128xi32, #tpu.memory_space<vmem>> -> memref<128xi32, #tpu.memory_space<vmem>>
      %dma_wait3A_222 = arith.constant 0 : i32
      %dma_wait3A_223 = arith.constant 0 : i32
      %dma_wait3A_224 = tpu.memref_slice %arg13[%dma_wait3A_222, %dma_wait3A_223] : memref<10240x64xf32, #tpu.memory_space<vmem_shared>> -> memref<10240x64xf32, #tpu.memory_space<vmem_shared>>
      tpu.wait_indirect_dma semaphore(%arg20 : memref<!tpu.dma_semaphore, #tpu.memory_space<semaphore_mem>>) src(%arg11 : memref<128x64xf32, #tpu.memory_space<vmem>>) dst(%dma_wait3A_224 : memref<10240x64xf32, #tpu.memory_space<vmem_shared>>)
      %dma_wait3A_225 = arith.constant 7 : i32
      %dma_wait3A_226 = arith.constant 0 : i32
      %dma_wait3A_227 = tpu.memref_slice %arg8[%dma_wait3A_225, %dma_wait3A_226] : memref<8x128xi32, #tpu.memory_space<vmem>> -> memref<1x128xi32, #tpu.memory_space<vmem>>
      %dma_wait3A_228 = tpu.memref_squeeze %dma_wait3A_227 : memref<1x128xi32, #tpu.memory_space<vmem>> -> memref<128xi32, #tpu.memory_space<vmem>>
      %dma_wait3A_229 = arith.constant 0 : i32
      %dma_wait3A_230 = arith.constant 0 : i32
      %dma_wait3A_231 = tpu.memref_slice %arg13[%dma_wait3A_229, %dma_wait3A_230] : memref<10240x64xf32, #tpu.memory_space<vmem_shared>> -> memref<10240x64xf32, #tpu.memory_space<vmem_shared>>
      tpu.wait_indirect_dma semaphore(%arg21 : memref<!tpu.dma_semaphore, #tpu.memory_space<semaphore_mem>>) src(%arg12 : memref<128x64xf32, #tpu.memory_space<vmem>>) dst(%dma_wait3A_231 : memref<10240x64xf32, #tpu.memory_space<vmem_shared>>)
    }
    %scan3A_7 = arith.constant 10 : i32
    %barrier3A_8 = arith.constant 0 : index
    tpu.barrier barrier_id(%barrier3A_8)
    "tpu.region"() ({
      %run_scoped3A = tpu.sem_alloc : memref<!tpu.dma_semaphore, #tpu.memory_space<semaphore_mem>>
      %dma_start3A = arith.constant 0 : i32
      %dma_start3A_9 = tpu.memref_slice %arg6[%arg0, %mul3A_2, %dma_start3A] : memref<2x10240x64xf32, #tpu.memory_space<hbm>> -> memref<1x640x64xf32, #tpu.memory_space<hbm>>
      %dma_start3A_10 = tpu.memref_squeeze %dma_start3A_9 : memref<1x640x64xf32, #tpu.memory_space<hbm>> -> memref<640x64xf32, #tpu.memory_space<hbm>>
      %dma_start3A_11 = arith.constant 0 : i32
      %dma_start3A_12 = tpu.memref_slice %arg13[%mul3A_2, %dma_start3A_11] : memref<10240x64xf32, #tpu.memory_space<vmem_shared>> -> memref<640x64xf32, #tpu.memory_space<vmem_shared>>
      tpu.enqueue_dma source(%dma_start3A_12 : memref<640x64xf32, #tpu.memory_space<vmem_shared>>) target(%dma_start3A_10 : memref<640x64xf32, #tpu.memory_space<hbm>>) target_semaphore(%run_scoped3A : memref<!tpu.dma_semaphore, #tpu.memory_space<semaphore_mem>>)
      %dma_wait3A = arith.constant 0 : i32
      %dma_wait3A_13 = tpu.memref_slice %arg6[%arg0, %mul3A_2, %dma_wait3A] : memref<2x10240x64xf32, #tpu.memory_space<hbm>> -> memref<1x640x64xf32, #tpu.memory_space<hbm>>
      %dma_wait3A_14 = tpu.memref_squeeze %dma_wait3A_13 : memref<1x640x64xf32, #tpu.memory_space<hbm>> -> memref<640x64xf32, #tpu.memory_space<hbm>>
      %dma_wait3A_15 = arith.constant 0 : i32
      %dma_wait3A_16 = tpu.memref_slice %arg13[%mul3A_2, %dma_wait3A_15] : memref<10240x64xf32, #tpu.memory_space<vmem_shared>> -> memref<640x64xf32, #tpu.memory_space<vmem_shared>>
      tpu.wait_dma2 semaphore(%run_scoped3A : memref<!tpu.dma_semaphore, #tpu.memory_space<semaphore_mem>>) src(%dma_wait3A_16 : memref<640x64xf32, #tpu.memory_space<vmem_shared>>) dst(%dma_wait3A_14 : memref<640x64xf32, #tpu.memory_space<hbm>>)
      tpu.yield
    }) : () -> ()
    return
  }
}

#map = affine_map<(d0, d1) -> (0, 0)>
#map1 = affine_map<(d0, d1) -> (0, 0, 0, 0)>
#map2 = affine_map<(d0, d1) -> (0, 0, 0)>
module attributes {stable_mosaic.version = 14 : i64} {
  func.func @agg(%arg0: i32, %arg1: i32, %arg2: memref<10000x128xf32, #tpu.memory_space<hbm>>, %arg3: memref<32x10x8x128xi32, #tpu.memory_space<hbm>>, %arg4: memref<32x10x8x128xi32, #tpu.memory_space<hbm>>, %arg5: memref<640x128xf32, #tpu.memory_space<hbm>>, %arg6: memref<2x10240x128xf32, #tpu.memory_space<hbm>>, %arg7: memref<2x10240x16xf32, #tpu.memory_space<hbm>>, %arg8: memref<8x128xi32, #tpu.memory_space<vmem>>, %arg9: memref<8x128xi32, #tpu.memory_space<vmem>>, %arg10: memref<128x128xf32, #tpu.memory_space<vmem>>, %arg11: memref<128x128xf32, #tpu.memory_space<vmem>>, %arg12: memref<10240x128xf32, #tpu.memory_space<vmem_shared>>, %arg13: memref<!tpu.dma_semaphore, #tpu.memory_space<semaphore_mem>>, %arg14: memref<!tpu.dma_semaphore, #tpu.memory_space<semaphore_mem>>, %arg15: memref<!tpu.dma_semaphore, #tpu.memory_space<semaphore_mem>>, %arg16: memref<!tpu.dma_semaphore, #tpu.memory_space<semaphore_mem>>, %arg17: memref<!tpu.dma_semaphore, #tpu.memory_space<semaphore_mem>>, %arg18: memref<128x16xf32, #tpu.memory_space<vmem>>, %arg19: memref<16x16xf32, #tpu.memory_space<vmem>>, %arg20: memref<10240x16xf32, #tpu.memory_space<vmem_shared>>) attributes {dimension_semantics = [#tpu.dimension_semantics<core_parallel>, #tpu.dimension_semantics<subcore_parallel>], iteration_bounds = array<i64: 2, 16>, scalar_prefetch = 0 : i64, scratch_operands = 13 : i64, tpu.core_type = #tpu.core_type<sc_vector_subcore>, window_params = [{transform_indices = #map}, {transform_indices = #map1}, {transform_indices = #map1}, {transform_indices = #map}, {transform_indices = #map2}, {transform_indices = #map2}]} {
    %mul3A = arith.constant 16 : i32
    %mul3A_0 = arith.muli %arg0, %mul3A : i32
    %add3A = arith.addi %mul3A_0, %arg1 : i32
    %mul3A_1 = arith.constant 640 : i32
    %mul3A_2 = arith.muli %arg1, %mul3A_1 : i32
    %broadcast_in_dim3A = arith.constant 0.000000e+00 : f32
    %broadcast_in_dim3A_3 = vector.broadcast %broadcast_in_dim3A : f32 to vector<16xf32>
    %swap3A = arith.constant 0 : i32
    %swap3A_4 = arith.index_cast %swap3A : i32 to index
    %swap3A_5 = arith.constant 0 : index
    %swap3A_6 = tpu.vector_load %arg19[%swap3A_4, %swap3A_5] {strides = array<i32>} : memref<16x16xf32, #tpu.memory_space<vmem>>, vector<1x16xf32>,
    %swap3A_7 = vector.shape_cast %swap3A_6 : vector<1x16xf32> to vector<16xf32>
    %swap3A_8 = vector.shape_cast %broadcast_in_dim3A_3 : vector<16xf32> to vector<1x16xf32>
    tpu.vector_store %arg19[%swap3A_4, %swap3A_5], %swap3A_8 {strides = array<i32>} : memref<16x16xf32, #tpu.memory_space<vmem>>, vector<1x16xf32>,
    %broadcast_in_dim3A_9 = arith.constant 0.000000e+00 : f32
    %broadcast_in_dim3A_10 = vector.broadcast %broadcast_in_dim3A_9 : f32 to vector<16xf32>
    %swap3A_11 = arith.constant 1 : i32
    %swap3A_12 = arith.index_cast %swap3A_11 : i32 to index
    %swap3A_13 = arith.constant 0 : index
    %swap3A_14 = tpu.vector_load %arg19[%swap3A_12, %swap3A_13] {strides = array<i32>} : memref<16x16xf32, #tpu.memory_space<vmem>>, vector<1x16xf32>,
    %swap3A_15 = vector.shape_cast %swap3A_14 : vector<1x16xf32> to vector<16xf32>
    %swap3A_16 = vector.shape_cast %broadcast_in_dim3A_10 : vector<16xf32> to vector<1x16xf32>
    tpu.vector_store %arg19[%swap3A_12, %swap3A_13], %swap3A_16 {strides = array<i32>} : memref<16x16xf32, #tpu.memory_space<vmem>>, vector<1x16xf32>,
    %broadcast_in_dim3A_17 = arith.constant 0.000000e+00 : f32
    %broadcast_in_dim3A_18 = vector.broadcast %broadcast_in_dim3A_17 : f32 to vector<16xf32>
    %swap3A_19 = arith.constant 2 : i32
    %swap3A_20 = arith.index_cast %swap3A_19 : i32 to index
    %swap3A_21 = arith.constant 0 : index
    %swap3A_22 = tpu.vector_load %arg19[%swap3A_20, %swap3A_21] {strides = array<i32>} : memref<16x16xf32, #tpu.memory_space<vmem>>, vector<1x16xf32>,
    %swap3A_23 = vector.shape_cast %swap3A_22 : vector<1x16xf32> to vector<16xf32>
    %swap3A_24 = vector.shape_cast %broadcast_in_dim3A_18 : vector<16xf32> to vector<1x16xf32>
    tpu.vector_store %arg19[%swap3A_20, %swap3A_21], %swap3A_24 {strides = array<i32>} : memref<16x16xf32, #tpu.memory_space<vmem>>, vector<1x16xf32>,
    %broadcast_in_dim3A_25 = arith.constant 0.000000e+00 : f32
    %broadcast_in_dim3A_26 = vector.broadcast %broadcast_in_dim3A_25 : f32 to vector<16xf32>
    %swap3A_27 = arith.constant 3 : i32
    %swap3A_28 = arith.index_cast %swap3A_27 : i32 to index
    %swap3A_29 = arith.constant 0 : index
    %swap3A_30 = tpu.vector_load %arg19[%swap3A_28, %swap3A_29] {strides = array<i32>} : memref<16x16xf32, #tpu.memory_space<vmem>>, vector<1x16xf32>,
    %swap3A_31 = vector.shape_cast %swap3A_30 : vector<1x16xf32> to vector<16xf32>
    %swap3A_32 = vector.shape_cast %broadcast_in_dim3A_26 : vector<16xf32> to vector<1x16xf32>
    tpu.vector_store %arg19[%swap3A_28, %swap3A_29], %swap3A_32 {strides = array<i32>} : memref<16x16xf32, #tpu.memory_space<vmem>>, vector<1x16xf32>,
    %broadcast_in_dim3A_33 = arith.constant 0.000000e+00 : f32
    %broadcast_in_dim3A_34 = vector.broadcast %broadcast_in_dim3A_33 : f32 to vector<16xf32>
    %swap3A_35 = arith.constant 4 : i32
    %swap3A_36 = arith.index_cast %swap3A_35 : i32 to index
    %swap3A_37 = arith.constant 0 : index
    %swap3A_38 = tpu.vector_load %arg19[%swap3A_36, %swap3A_37] {strides = array<i32>} : memref<16x16xf32, #tpu.memory_space<vmem>>, vector<1x16xf32>,
    %swap3A_39 = vector.shape_cast %swap3A_38 : vector<1x16xf32> to vector<16xf32>
    %swap3A_40 = vector.shape_cast %broadcast_in_dim3A_34 : vector<16xf32> to vector<1x16xf32>
    tpu.vector_store %arg19[%swap3A_36, %swap3A_37], %swap3A_40 {strides = array<i32>} : memref<16x16xf32, #tpu.memory_space<vmem>>, vector<1x16xf32>,
    %broadcast_in_dim3A_41 = arith.constant 0.000000e+00 : f32
    %broadcast_in_dim3A_42 = vector.broadcast %broadcast_in_dim3A_41 : f32 to vector<16xf32>
    %swap3A_43 = arith.constant 5 : i32
    %swap3A_44 = arith.index_cast %swap3A_43 : i32 to index
    %swap3A_45 = arith.constant 0 : index
    %swap3A_46 = tpu.vector_load %arg19[%swap3A_44, %swap3A_45] {strides = array<i32>} : memref<16x16xf32, #tpu.memory_space<vmem>>, vector<1x16xf32>,
    %swap3A_47 = vector.shape_cast %swap3A_46 : vector<1x16xf32> to vector<16xf32>
    %swap3A_48 = vector.shape_cast %broadcast_in_dim3A_42 : vector<16xf32> to vector<1x16xf32>
    tpu.vector_store %arg19[%swap3A_44, %swap3A_45], %swap3A_48 {strides = array<i32>} : memref<16x16xf32, #tpu.memory_space<vmem>>, vector<1x16xf32>,
    %broadcast_in_dim3A_49 = arith.constant 0.000000e+00 : f32
    %broadcast_in_dim3A_50 = vector.broadcast %broadcast_in_dim3A_49 : f32 to vector<16xf32>
    %swap3A_51 = arith.constant 6 : i32
    %swap3A_52 = arith.index_cast %swap3A_51 : i32 to index
    %swap3A_53 = arith.constant 0 : index
    %swap3A_54 = tpu.vector_load %arg19[%swap3A_52, %swap3A_53] {strides = array<i32>} : memref<16x16xf32, #tpu.memory_space<vmem>>, vector<1x16xf32>,
    %swap3A_55 = vector.shape_cast %swap3A_54 : vector<1x16xf32> to vector<16xf32>
    %swap3A_56 = vector.shape_cast %broadcast_in_dim3A_50 : vector<16xf32> to vector<1x16xf32>
    tpu.vector_store %arg19[%swap3A_52, %swap3A_53], %swap3A_56 {strides = array<i32>} : memref<16x16xf32, #tpu.memory_space<vmem>>, vector<1x16xf32>,
    %broadcast_in_dim3A_57 = arith.constant 0.000000e+00 : f32
    %broadcast_in_dim3A_58 = vector.broadcast %broadcast_in_dim3A_57 : f32 to vector<16xf32>
    %swap3A_59 = arith.constant 7 : i32
    %swap3A_60 = arith.index_cast %swap3A_59 : i32 to index
    %swap3A_61 = arith.constant 0 : index
    %swap3A_62 = tpu.vector_load %arg19[%swap3A_60, %swap3A_61] {strides = array<i32>} : memref<16x16xf32, #tpu.memory_space<vmem>>, vector<1x16xf32>,
    %swap3A_63 = vector.shape_cast %swap3A_62 : vector<1x16xf32> to vector<16xf32>
    %swap3A_64 = vector.shape_cast %broadcast_in_dim3A_58 : vector<16xf32> to vector<1x16xf32>
    tpu.vector_store %arg19[%swap3A_60, %swap3A_61], %swap3A_64 {strides = array<i32>} : memref<16x16xf32, #tpu.memory_space<vmem>>, vector<1x16xf32>,
    %broadcast_in_dim3A_65 = arith.constant 0.000000e+00 : f32
    %broadcast_in_dim3A_66 = vector.broadcast %broadcast_in_dim3A_65 : f32 to vector<16xf32>
    %swap3A_67 = arith.constant 8 : i32
    %swap3A_68 = arith.index_cast %swap3A_67 : i32 to index
    %swap3A_69 = arith.constant 0 : index
    %swap3A_70 = tpu.vector_load %arg19[%swap3A_68, %swap3A_69] {strides = array<i32>} : memref<16x16xf32, #tpu.memory_space<vmem>>, vector<1x16xf32>,
    %swap3A_71 = vector.shape_cast %swap3A_70 : vector<1x16xf32> to vector<16xf32>
    %swap3A_72 = vector.shape_cast %broadcast_in_dim3A_66 : vector<16xf32> to vector<1x16xf32>
    tpu.vector_store %arg19[%swap3A_68, %swap3A_69], %swap3A_72 {strides = array<i32>} : memref<16x16xf32, #tpu.memory_space<vmem>>, vector<1x16xf32>,
    %broadcast_in_dim3A_73 = arith.constant 0.000000e+00 : f32
    %broadcast_in_dim3A_74 = vector.broadcast %broadcast_in_dim3A_73 : f32 to vector<16xf32>
    %swap3A_75 = arith.constant 9 : i32
    %swap3A_76 = arith.index_cast %swap3A_75 : i32 to index
    %swap3A_77 = arith.constant 0 : index
    %swap3A_78 = tpu.vector_load %arg19[%swap3A_76, %swap3A_77] {strides = array<i32>} : memref<16x16xf32, #tpu.memory_space<vmem>>, vector<1x16xf32>,
    %swap3A_79 = vector.shape_cast %swap3A_78 : vector<1x16xf32> to vector<16xf32>
    %swap3A_80 = vector.shape_cast %broadcast_in_dim3A_74 : vector<16xf32> to vector<1x16xf32>
    tpu.vector_store %arg19[%swap3A_76, %swap3A_77], %swap3A_80 {strides = array<i32>} : memref<16x16xf32, #tpu.memory_space<vmem>>, vector<1x16xf32>,
    %broadcast_in_dim3A_81 = arith.constant 0.000000e+00 : f32
    %broadcast_in_dim3A_82 = vector.broadcast %broadcast_in_dim3A_81 : f32 to vector<16xf32>
    %swap3A_83 = arith.constant 10 : i32
    %swap3A_84 = arith.index_cast %swap3A_83 : i32 to index
    %swap3A_85 = arith.constant 0 : index
    %swap3A_86 = tpu.vector_load %arg19[%swap3A_84, %swap3A_85] {strides = array<i32>} : memref<16x16xf32, #tpu.memory_space<vmem>>, vector<1x16xf32>,
    %swap3A_87 = vector.shape_cast %swap3A_86 : vector<1x16xf32> to vector<16xf32>
    %swap3A_88 = vector.shape_cast %broadcast_in_dim3A_82 : vector<16xf32> to vector<1x16xf32>
    tpu.vector_store %arg19[%swap3A_84, %swap3A_85], %swap3A_88 {strides = array<i32>} : memref<16x16xf32, #tpu.memory_space<vmem>>, vector<1x16xf32>,
    %broadcast_in_dim3A_89 = arith.constant 0.000000e+00 : f32
    %broadcast_in_dim3A_90 = vector.broadcast %broadcast_in_dim3A_89 : f32 to vector<16xf32>
    %swap3A_91 = arith.constant 11 : i32
    %swap3A_92 = arith.index_cast %swap3A_91 : i32 to index
    %swap3A_93 = arith.constant 0 : index
    %swap3A_94 = tpu.vector_load %arg19[%swap3A_92, %swap3A_93] {strides = array<i32>} : memref<16x16xf32, #tpu.memory_space<vmem>>, vector<1x16xf32>,
    %swap3A_95 = vector.shape_cast %swap3A_94 : vector<1x16xf32> to vector<16xf32>
    %swap3A_96 = vector.shape_cast %broadcast_in_dim3A_90 : vector<16xf32> to vector<1x16xf32>
    tpu.vector_store %arg19[%swap3A_92, %swap3A_93], %swap3A_96 {strides = array<i32>} : memref<16x16xf32, #tpu.memory_space<vmem>>, vector<1x16xf32>,
    %broadcast_in_dim3A_97 = arith.constant 0.000000e+00 : f32
    %broadcast_in_dim3A_98 = vector.broadcast %broadcast_in_dim3A_97 : f32 to vector<16xf32>
    %swap3A_99 = arith.constant 12 : i32
    %swap3A_100 = arith.index_cast %swap3A_99 : i32 to index
    %swap3A_101 = arith.constant 0 : index
    %swap3A_102 = tpu.vector_load %arg19[%swap3A_100, %swap3A_101] {strides = array<i32>} : memref<16x16xf32, #tpu.memory_space<vmem>>, vector<1x16xf32>,
    %swap3A_103 = vector.shape_cast %swap3A_102 : vector<1x16xf32> to vector<16xf32>
    %swap3A_104 = vector.shape_cast %broadcast_in_dim3A_98 : vector<16xf32> to vector<1x16xf32>
    tpu.vector_store %arg19[%swap3A_100, %swap3A_101], %swap3A_104 {strides = array<i32>} : memref<16x16xf32, #tpu.memory_space<vmem>>, vector<1x16xf32>,
    %broadcast_in_dim3A_105 = arith.constant 0.000000e+00 : f32
    %broadcast_in_dim3A_106 = vector.broadcast %broadcast_in_dim3A_105 : f32 to vector<16xf32>
    %swap3A_107 = arith.constant 13 : i32
    %swap3A_108 = arith.index_cast %swap3A_107 : i32 to index
    %swap3A_109 = arith.constant 0 : index
    %swap3A_110 = tpu.vector_load %arg19[%swap3A_108, %swap3A_109] {strides = array<i32>} : memref<16x16xf32, #tpu.memory_space<vmem>>, vector<1x16xf32>,
    %swap3A_111 = vector.shape_cast %swap3A_110 : vector<1x16xf32> to vector<16xf32>
    %swap3A_112 = vector.shape_cast %broadcast_in_dim3A_106 : vector<16xf32> to vector<1x16xf32>
    tpu.vector_store %arg19[%swap3A_108, %swap3A_109], %swap3A_112 {strides = array<i32>} : memref<16x16xf32, #tpu.memory_space<vmem>>, vector<1x16xf32>,
    %broadcast_in_dim3A_113 = arith.constant 0.000000e+00 : f32
    %broadcast_in_dim3A_114 = vector.broadcast %broadcast_in_dim3A_113 : f32 to vector<16xf32>
    %swap3A_115 = arith.constant 14 : i32
    %swap3A_116 = arith.index_cast %swap3A_115 : i32 to index
    %swap3A_117 = arith.constant 0 : index
    %swap3A_118 = tpu.vector_load %arg19[%swap3A_116, %swap3A_117] {strides = array<i32>} : memref<16x16xf32, #tpu.memory_space<vmem>>, vector<1x16xf32>,
    %swap3A_119 = vector.shape_cast %swap3A_118 : vector<1x16xf32> to vector<16xf32>
    %swap3A_120 = vector.shape_cast %broadcast_in_dim3A_114 : vector<16xf32> to vector<1x16xf32>
    tpu.vector_store %arg19[%swap3A_116, %swap3A_117], %swap3A_120 {strides = array<i32>} : memref<16x16xf32, #tpu.memory_space<vmem>>, vector<1x16xf32>,
    %broadcast_in_dim3A_121 = arith.constant 0.000000e+00 : f32
    %broadcast_in_dim3A_122 = vector.broadcast %broadcast_in_dim3A_121 : f32 to vector<16xf32>
    %swap3A_123 = arith.constant 15 : i32
    %swap3A_124 = arith.index_cast %swap3A_123 : i32 to index
    %swap3A_125 = arith.constant 0 : index
    %swap3A_126 = tpu.vector_load %arg19[%swap3A_124, %swap3A_125] {strides = array<i32>} : memref<16x16xf32, #tpu.memory_space<vmem>>, vector<1x16xf32>,
    %swap3A_127 = vector.shape_cast %swap3A_126 : vector<1x16xf32> to vector<16xf32>
    %swap3A_128 = vector.shape_cast %broadcast_in_dim3A_122 : vector<16xf32> to vector<1x16xf32>
    tpu.vector_store %arg19[%swap3A_124, %swap3A_125], %swap3A_128 {strides = array<i32>} : memref<16x16xf32, #tpu.memory_space<vmem>>, vector<1x16xf32>,
    %broadcast_in_dim3A_129 = arith.constant 1.000000e+00 : f32
    %broadcast_in_dim3A_130 = vector.broadcast %broadcast_in_dim3A_129 : f32 to vector<16xf32>
    %swap3A_131 = arith.constant 0 : i32
    %swap3A_132 = arith.index_cast %swap3A_131 : i32 to index
    %swap3A_133 = arith.constant 0 : index
    %swap3A_134 = tpu.vector_load %arg18[%swap3A_132, %swap3A_133] {strides = array<i32>} : memref<128x16xf32, #tpu.memory_space<vmem>>, vector<1x16xf32>,
    %swap3A_135 = vector.shape_cast %swap3A_134 : vector<1x16xf32> to vector<16xf32>
    %swap3A_136 = vector.shape_cast %broadcast_in_dim3A_130 : vector<16xf32> to vector<1x16xf32>
    tpu.vector_store %arg18[%swap3A_132, %swap3A_133], %swap3A_136 {strides = array<i32>} : memref<128x16xf32, #tpu.memory_space<vmem>>, vector<1x16xf32>,
    %broadcast_in_dim3A_137 = arith.constant 1.000000e+00 : f32
    %broadcast_in_dim3A_138 = vector.broadcast %broadcast_in_dim3A_137 : f32 to vector<16xf32>
    %swap3A_139 = arith.constant 1 : i32
    %swap3A_140 = arith.index_cast %swap3A_139 : i32 to index
    %swap3A_141 = arith.constant 0 : index
    %swap3A_142 = tpu.vector_load %arg18[%swap3A_140, %swap3A_141] {strides = array<i32>} : memref<128x16xf32, #tpu.memory_space<vmem>>, vector<1x16xf32>,
    %swap3A_143 = vector.shape_cast %swap3A_142 : vector<1x16xf32> to vector<16xf32>
    %swap3A_144 = vector.shape_cast %broadcast_in_dim3A_138 : vector<16xf32> to vector<1x16xf32>
    tpu.vector_store %arg18[%swap3A_140, %swap3A_141], %swap3A_144 {strides = array<i32>} : memref<128x16xf32, #tpu.memory_space<vmem>>, vector<1x16xf32>,
    %broadcast_in_dim3A_145 = arith.constant 1.000000e+00 : f32
    %broadcast_in_dim3A_146 = vector.broadcast %broadcast_in_dim3A_145 : f32 to vector<16xf32>
    %swap3A_147 = arith.constant 2 : i32
    %swap3A_148 = arith.index_cast %swap3A_147 : i32 to index
    %swap3A_149 = arith.constant 0 : index
    %swap3A_150 = tpu.vector_load %arg18[%swap3A_148, %swap3A_149] {strides = array<i32>} : memref<128x16xf32, #tpu.memory_space<vmem>>, vector<1x16xf32>,
    %swap3A_151 = vector.shape_cast %swap3A_150 : vector<1x16xf32> to vector<16xf32>
    %swap3A_152 = vector.shape_cast %broadcast_in_dim3A_146 : vector<16xf32> to vector<1x16xf32>
    tpu.vector_store %arg18[%swap3A_148, %swap3A_149], %swap3A_152 {strides = array<i32>} : memref<128x16xf32, #tpu.memory_space<vmem>>, vector<1x16xf32>,
    %broadcast_in_dim3A_153 = arith.constant 1.000000e+00 : f32
    %broadcast_in_dim3A_154 = vector.broadcast %broadcast_in_dim3A_153 : f32 to vector<16xf32>
    %swap3A_155 = arith.constant 3 : i32
    %swap3A_156 = arith.index_cast %swap3A_155 : i32 to index
    %swap3A_157 = arith.constant 0 : index
    %swap3A_158 = tpu.vector_load %arg18[%swap3A_156, %swap3A_157] {strides = array<i32>} : memref<128x16xf32, #tpu.memory_space<vmem>>, vector<1x16xf32>,
    %swap3A_159 = vector.shape_cast %swap3A_158 : vector<1x16xf32> to vector<16xf32>
    %swap3A_160 = vector.shape_cast %broadcast_in_dim3A_154 : vector<16xf32> to vector<1x16xf32>
    tpu.vector_store %arg18[%swap3A_156, %swap3A_157], %swap3A_160 {strides = array<i32>} : memref<128x16xf32, #tpu.memory_space<vmem>>, vector<1x16xf32>,
    %broadcast_in_dim3A_161 = arith.constant 1.000000e+00 : f32
    %broadcast_in_dim3A_162 = vector.broadcast %broadcast_in_dim3A_161 : f32 to vector<16xf32>
    %swap3A_163 = arith.constant 4 : i32
    %swap3A_164 = arith.index_cast %swap3A_163 : i32 to index
    %swap3A_165 = arith.constant 0 : index
    %swap3A_166 = tpu.vector_load %arg18[%swap3A_164, %swap3A_165] {strides = array<i32>} : memref<128x16xf32, #tpu.memory_space<vmem>>, vector<1x16xf32>,
    %swap3A_167 = vector.shape_cast %swap3A_166 : vector<1x16xf32> to vector<16xf32>
    %swap3A_168 = vector.shape_cast %broadcast_in_dim3A_162 : vector<16xf32> to vector<1x16xf32>
    tpu.vector_store %arg18[%swap3A_164, %swap3A_165], %swap3A_168 {strides = array<i32>} : memref<128x16xf32, #tpu.memory_space<vmem>>, vector<1x16xf32>,
    %broadcast_in_dim3A_169 = arith.constant 1.000000e+00 : f32
    %broadcast_in_dim3A_170 = vector.broadcast %broadcast_in_dim3A_169 : f32 to vector<16xf32>
    %swap3A_171 = arith.constant 5 : i32
    %swap3A_172 = arith.index_cast %swap3A_171 : i32 to index
    %swap3A_173 = arith.constant 0 : index
    %swap3A_174 = tpu.vector_load %arg18[%swap3A_172, %swap3A_173] {strides = array<i32>} : memref<128x16xf32, #tpu.memory_space<vmem>>, vector<1x16xf32>,
    %swap3A_175 = vector.shape_cast %swap3A_174 : vector<1x16xf32> to vector<16xf32>
    %swap3A_176 = vector.shape_cast %broadcast_in_dim3A_170 : vector<16xf32> to vector<1x16xf32>
    tpu.vector_store %arg18[%swap3A_172, %swap3A_173], %swap3A_176 {strides = array<i32>} : memref<128x16xf32, #tpu.memory_space<vmem>>, vector<1x16xf32>,
    %broadcast_in_dim3A_177 = arith.constant 1.000000e+00 : f32
    %broadcast_in_dim3A_178 = vector.broadcast %broadcast_in_dim3A_177 : f32 to vector<16xf32>
    %swap3A_179 = arith.constant 6 : i32
    %swap3A_180 = arith.index_cast %swap3A_179 : i32 to index
    %swap3A_181 = arith.constant 0 : index
    %swap3A_182 = tpu.vector_load %arg18[%swap3A_180, %swap3A_181] {strides = array<i32>} : memref<128x16xf32, #tpu.memory_space<vmem>>, vector<1x16xf32>,
    %swap3A_183 = vector.shape_cast %swap3A_182 : vector<1x16xf32> to vector<16xf32>
    %swap3A_184 = vector.shape_cast %broadcast_in_dim3A_178 : vector<16xf32> to vector<1x16xf32>
    tpu.vector_store %arg18[%swap3A_180, %swap3A_181], %swap3A_184 {strides = array<i32>} : memref<128x16xf32, #tpu.memory_space<vmem>>, vector<1x16xf32>,
    %broadcast_in_dim3A_185 = arith.constant 1.000000e+00 : f32
    %broadcast_in_dim3A_186 = vector.broadcast %broadcast_in_dim3A_185 : f32 to vector<16xf32>
    %swap3A_187 = arith.constant 7 : i32
    %swap3A_188 = arith.index_cast %swap3A_187 : i32 to index
    %swap3A_189 = arith.constant 0 : index
    %swap3A_190 = tpu.vector_load %arg18[%swap3A_188, %swap3A_189] {strides = array<i32>} : memref<128x16xf32, #tpu.memory_space<vmem>>, vector<1x16xf32>,
    %swap3A_191 = vector.shape_cast %swap3A_190 : vector<1x16xf32> to vector<16xf32>
    %swap3A_192 = vector.shape_cast %broadcast_in_dim3A_186 : vector<16xf32> to vector<1x16xf32>
    tpu.vector_store %arg18[%swap3A_188, %swap3A_189], %swap3A_192 {strides = array<i32>} : memref<128x16xf32, #tpu.memory_space<vmem>>, vector<1x16xf32>,
    %broadcast_in_dim3A_193 = arith.constant 1.000000e+00 : f32
    %broadcast_in_dim3A_194 = vector.broadcast %broadcast_in_dim3A_193 : f32 to vector<16xf32>
    %swap3A_195 = arith.constant 8 : i32
    %swap3A_196 = arith.index_cast %swap3A_195 : i32 to index
    %swap3A_197 = arith.constant 0 : index
    %swap3A_198 = tpu.vector_load %arg18[%swap3A_196, %swap3A_197] {strides = array<i32>} : memref<128x16xf32, #tpu.memory_space<vmem>>, vector<1x16xf32>,
    %swap3A_199 = vector.shape_cast %swap3A_198 : vector<1x16xf32> to vector<16xf32>
    %swap3A_200 = vector.shape_cast %broadcast_in_dim3A_194 : vector<16xf32> to vector<1x16xf32>
    tpu.vector_store %arg18[%swap3A_196, %swap3A_197], %swap3A_200 {strides = array<i32>} : memref<128x16xf32, #tpu.memory_space<vmem>>, vector<1x16xf32>,
    %broadcast_in_dim3A_201 = arith.constant 1.000000e+00 : f32
    %broadcast_in_dim3A_202 = vector.broadcast %broadcast_in_dim3A_201 : f32 to vector<16xf32>
    %swap3A_203 = arith.constant 9 : i32
    %swap3A_204 = arith.index_cast %swap3A_203 : i32 to index
    %swap3A_205 = arith.constant 0 : index
    %swap3A_206 = tpu.vector_load %arg18[%swap3A_204, %swap3A_205] {strides = array<i32>} : memref<128x16xf32, #tpu.memory_space<vmem>>, vector<1x16xf32>,
    %swap3A_207 = vector.shape_cast %swap3A_206 : vector<1x16xf32> to vector<16xf32>
    %swap3A_208 = vector.shape_cast %broadcast_in_dim3A_202 : vector<16xf32> to vector<1x16xf32>
    tpu.vector_store %arg18[%swap3A_204, %swap3A_205], %swap3A_208 {strides = array<i32>} : memref<128x16xf32, #tpu.memory_space<vmem>>, vector<1x16xf32>,
    %broadcast_in_dim3A_209 = arith.constant 1.000000e+00 : f32
    %broadcast_in_dim3A_210 = vector.broadcast %broadcast_in_dim3A_209 : f32 to vector<16xf32>
    %swap3A_211 = arith.constant 10 : i32
    %swap3A_212 = arith.index_cast %swap3A_211 : i32 to index
    %swap3A_213 = arith.constant 0 : index
    %swap3A_214 = tpu.vector_load %arg18[%swap3A_212, %swap3A_213] {strides = array<i32>} : memref<128x16xf32, #tpu.memory_space<vmem>>, vector<1x16xf32>,
    %swap3A_215 = vector.shape_cast %swap3A_214 : vector<1x16xf32> to vector<16xf32>
    %swap3A_216 = vector.shape_cast %broadcast_in_dim3A_210 : vector<16xf32> to vector<1x16xf32>
    tpu.vector_store %arg18[%swap3A_212, %swap3A_213], %swap3A_216 {strides = array<i32>} : memref<128x16xf32, #tpu.memory_space<vmem>>, vector<1x16xf32>,
    %broadcast_in_dim3A_217 = arith.constant 1.000000e+00 : f32
    %broadcast_in_dim3A_218 = vector.broadcast %broadcast_in_dim3A_217 : f32 to vector<16xf32>
    %swap3A_219 = arith.constant 11 : i32
    %swap3A_220 = arith.index_cast %swap3A_219 : i32 to index
    %swap3A_221 = arith.constant 0 : index
    %swap3A_222 = tpu.vector_load %arg18[%swap3A_220, %swap3A_221] {strides = array<i32>} : memref<128x16xf32, #tpu.memory_space<vmem>>, vector<1x16xf32>,
    %swap3A_223 = vector.shape_cast %swap3A_222 : vector<1x16xf32> to vector<16xf32>
    %swap3A_224 = vector.shape_cast %broadcast_in_dim3A_218 : vector<16xf32> to vector<1x16xf32>
    tpu.vector_store %arg18[%swap3A_220, %swap3A_221], %swap3A_224 {strides = array<i32>} : memref<128x16xf32, #tpu.memory_space<vmem>>, vector<1x16xf32>,
    %broadcast_in_dim3A_225 = arith.constant 1.000000e+00 : f32
    %broadcast_in_dim3A_226 = vector.broadcast %broadcast_in_dim3A_225 : f32 to vector<16xf32>
    %swap3A_227 = arith.constant 12 : i32
    %swap3A_228 = arith.index_cast %swap3A_227 : i32 to index
    %swap3A_229 = arith.constant 0 : index
    %swap3A_230 = tpu.vector_load %arg18[%swap3A_228, %swap3A_229] {strides = array<i32>} : memref<128x16xf32, #tpu.memory_space<vmem>>, vector<1x16xf32>,
    %swap3A_231 = vector.shape_cast %swap3A_230 : vector<1x16xf32> to vector<16xf32>
    %swap3A_232 = vector.shape_cast %broadcast_in_dim3A_226 : vector<16xf32> to vector<1x16xf32>
    tpu.vector_store %arg18[%swap3A_228, %swap3A_229], %swap3A_232 {strides = array<i32>} : memref<128x16xf32, #tpu.memory_space<vmem>>, vector<1x16xf32>,
    %broadcast_in_dim3A_233 = arith.constant 1.000000e+00 : f32
    %broadcast_in_dim3A_234 = vector.broadcast %broadcast_in_dim3A_233 : f32 to vector<16xf32>
    %swap3A_235 = arith.constant 13 : i32
    %swap3A_236 = arith.index_cast %swap3A_235 : i32 to index
    %swap3A_237 = arith.constant 0 : index
    %swap3A_238 = tpu.vector_load %arg18[%swap3A_236, %swap3A_237] {strides = array<i32>} : memref<128x16xf32, #tpu.memory_space<vmem>>, vector<1x16xf32>,
    %swap3A_239 = vector.shape_cast %swap3A_238 : vector<1x16xf32> to vector<16xf32>
    %swap3A_240 = vector.shape_cast %broadcast_in_dim3A_234 : vector<16xf32> to vector<1x16xf32>
    tpu.vector_store %arg18[%swap3A_236, %swap3A_237], %swap3A_240 {strides = array<i32>} : memref<128x16xf32, #tpu.memory_space<vmem>>, vector<1x16xf32>,
    %broadcast_in_dim3A_241 = arith.constant 1.000000e+00 : f32
    %broadcast_in_dim3A_242 = vector.broadcast %broadcast_in_dim3A_241 : f32 to vector<16xf32>
    %swap3A_243 = arith.constant 14 : i32
    %swap3A_244 = arith.index_cast %swap3A_243 : i32 to index
    %swap3A_245 = arith.constant 0 : index
    %swap3A_246 = tpu.vector_load %arg18[%swap3A_244, %swap3A_245] {strides = array<i32>} : memref<128x16xf32, #tpu.memory_space<vmem>>, vector<1x16xf32>,
    %swap3A_247 = vector.shape_cast %swap3A_246 : vector<1x16xf32> to vector<16xf32>
    %swap3A_248 = vector.shape_cast %broadcast_in_dim3A_242 : vector<16xf32> to vector<1x16xf32>
    tpu.vector_store %arg18[%swap3A_244, %swap3A_245], %swap3A_248 {strides = array<i32>} : memref<128x16xf32, #tpu.memory_space<vmem>>, vector<1x16xf32>,
    %broadcast_in_dim3A_249 = arith.constant 1.000000e+00 : f32
    %broadcast_in_dim3A_250 = vector.broadcast %broadcast_in_dim3A_249 : f32 to vector<16xf32>
    %swap3A_251 = arith.constant 15 : i32
    %swap3A_252 = arith.index_cast %swap3A_251 : i32 to index
    %swap3A_253 = arith.constant 0 : index
    %swap3A_254 = tpu.vector_load %arg18[%swap3A_252, %swap3A_253] {strides = array<i32>} : memref<128x16xf32, #tpu.memory_space<vmem>>, vector<1x16xf32>,
    %swap3A_255 = vector.shape_cast %swap3A_254 : vector<1x16xf32> to vector<16xf32>
    %swap3A_256 = vector.shape_cast %broadcast_in_dim3A_250 : vector<16xf32> to vector<1x16xf32>
    tpu.vector_store %arg18[%swap3A_252, %swap3A_253], %swap3A_256 {strides = array<i32>} : memref<128x16xf32, #tpu.memory_space<vmem>>, vector<1x16xf32>,
    %broadcast_in_dim3A_257 = arith.constant 1.000000e+00 : f32
    %broadcast_in_dim3A_258 = vector.broadcast %broadcast_in_dim3A_257 : f32 to vector<16xf32>
    %swap3A_259 = arith.constant 16 : i32
    %swap3A_260 = arith.index_cast %swap3A_259 : i32 to index
    %swap3A_261 = arith.constant 0 : index
    %swap3A_262 = tpu.vector_load %arg18[%swap3A_260, %swap3A_261] {strides = array<i32>} : memref<128x16xf32, #tpu.memory_space<vmem>>, vector<1x16xf32>,
    %swap3A_263 = vector.shape_cast %swap3A_262 : vector<1x16xf32> to vector<16xf32>
    %swap3A_264 = vector.shape_cast %broadcast_in_dim3A_258 : vector<16xf32> to vector<1x16xf32>
    tpu.vector_store %arg18[%swap3A_260, %swap3A_261], %swap3A_264 {strides = array<i32>} : memref<128x16xf32, #tpu.memory_space<vmem>>, vector<1x16xf32>,
    %broadcast_in_dim3A_265 = arith.constant 1.000000e+00 : f32
    %broadcast_in_dim3A_266 = vector.broadcast %broadcast_in_dim3A_265 : f32 to vector<16xf32>
    %swap3A_267 = arith.constant 17 : i32
    %swap3A_268 = arith.index_cast %swap3A_267 : i32 to index
    %swap3A_269 = arith.constant 0 : index
    %swap3A_270 = tpu.vector_load %arg18[%swap3A_268, %swap3A_269] {strides = array<i32>} : memref<128x16xf32, #tpu.memory_space<vmem>>, vector<1x16xf32>,
    %swap3A_271 = vector.shape_cast %swap3A_270 : vector<1x16xf32> to vector<16xf32>
    %swap3A_272 = vector.shape_cast %broadcast_in_dim3A_266 : vector<16xf32> to vector<1x16xf32>
    tpu.vector_store %arg18[%swap3A_268, %swap3A_269], %swap3A_272 {strides = array<i32>} : memref<128x16xf32, #tpu.memory_space<vmem>>, vector<1x16xf32>,
    %broadcast_in_dim3A_273 = arith.constant 1.000000e+00 : f32
    %broadcast_in_dim3A_274 = vector.broadcast %broadcast_in_dim3A_273 : f32 to vector<16xf32>
    %swap3A_275 = arith.constant 18 : i32
    %swap3A_276 = arith.index_cast %swap3A_275 : i32 to index
    %swap3A_277 = arith.constant 0 : index
    %swap3A_278 = tpu.vector_load %arg18[%swap3A_276, %swap3A_277] {strides = array<i32>} : memref<128x16xf32, #tpu.memory_space<vmem>>, vector<1x16xf32>,
    %swap3A_279 = vector.shape_cast %swap3A_278 : vector<1x16xf32> to vector<16xf32>
    %swap3A_280 = vector.shape_cast %broadcast_in_dim3A_274 : vector<16xf32> to vector<1x16xf32>
    tpu.vector_store %arg18[%swap3A_276, %swap3A_277], %swap3A_280 {strides = array<i32>} : memref<128x16xf32, #tpu.memory_space<vmem>>, vector<1x16xf32>,
    %broadcast_in_dim3A_281 = arith.constant 1.000000e+00 : f32
    %broadcast_in_dim3A_282 = vector.broadcast %broadcast_in_dim3A_281 : f32 to vector<16xf32>
    %swap3A_283 = arith.constant 19 : i32
    %swap3A_284 = arith.index_cast %swap3A_283 : i32 to index
    %swap3A_285 = arith.constant 0 : index
    %swap3A_286 = tpu.vector_load %arg18[%swap3A_284, %swap3A_285] {strides = array<i32>} : memref<128x16xf32, #tpu.memory_space<vmem>>, vector<1x16xf32>,
    %swap3A_287 = vector.shape_cast %swap3A_286 : vector<1x16xf32> to vector<16xf32>
    %swap3A_288 = vector.shape_cast %broadcast_in_dim3A_282 : vector<16xf32> to vector<1x16xf32>
    tpu.vector_store %arg18[%swap3A_284, %swap3A_285], %swap3A_288 {strides = array<i32>} : memref<128x16xf32, #tpu.memory_space<vmem>>, vector<1x16xf32>,
    %broadcast_in_dim3A_289 = arith.constant 1.000000e+00 : f32
    %broadcast_in_dim3A_290 = vector.broadcast %broadcast_in_dim3A_289 : f32 to vector<16xf32>
    %swap3A_291 = arith.constant 20 : i32
    %swap3A_292 = arith.index_cast %swap3A_291 : i32 to index
    %swap3A_293 = arith.constant 0 : index
    %swap3A_294 = tpu.vector_load %arg18[%swap3A_292, %swap3A_293] {strides = array<i32>} : memref<128x16xf32, #tpu.memory_space<vmem>>, vector<1x16xf32>,
    %swap3A_295 = vector.shape_cast %swap3A_294 : vector<1x16xf32> to vector<16xf32>
    %swap3A_296 = vector.shape_cast %broadcast_in_dim3A_290 : vector<16xf32> to vector<1x16xf32>
    tpu.vector_store %arg18[%swap3A_292, %swap3A_293], %swap3A_296 {strides = array<i32>} : memref<128x16xf32, #tpu.memory_space<vmem>>, vector<1x16xf32>,
    %broadcast_in_dim3A_297 = arith.constant 1.000000e+00 : f32
    %broadcast_in_dim3A_298 = vector.broadcast %broadcast_in_dim3A_297 : f32 to vector<16xf32>
    %swap3A_299 = arith.constant 21 : i32
    %swap3A_300 = arith.index_cast %swap3A_299 : i32 to index
    %swap3A_301 = arith.constant 0 : index
    %swap3A_302 = tpu.vector_load %arg18[%swap3A_300, %swap3A_301] {strides = array<i32>} : memref<128x16xf32, #tpu.memory_space<vmem>>, vector<1x16xf32>,
    %swap3A_303 = vector.shape_cast %swap3A_302 : vector<1x16xf32> to vector<16xf32>
    %swap3A_304 = vector.shape_cast %broadcast_in_dim3A_298 : vector<16xf32> to vector<1x16xf32>
    tpu.vector_store %arg18[%swap3A_300, %swap3A_301], %swap3A_304 {strides = array<i32>} : memref<128x16xf32, #tpu.memory_space<vmem>>, vector<1x16xf32>,
    %broadcast_in_dim3A_305 = arith.constant 1.000000e+00 : f32
    %broadcast_in_dim3A_306 = vector.broadcast %broadcast_in_dim3A_305 : f32 to vector<16xf32>
    %swap3A_307 = arith.constant 22 : i32
    %swap3A_308 = arith.index_cast %swap3A_307 : i32 to index
    %swap3A_309 = arith.constant 0 : index
    %swap3A_310 = tpu.vector_load %arg18[%swap3A_308, %swap3A_309] {strides = array<i32>} : memref<128x16xf32, #tpu.memory_space<vmem>>, vector<1x16xf32>,
    %swap3A_311 = vector.shape_cast %swap3A_310 : vector<1x16xf32> to vector<16xf32>
    %swap3A_312 = vector.shape_cast %broadcast_in_dim3A_306 : vector<16xf32> to vector<1x16xf32>
    tpu.vector_store %arg18[%swap3A_308, %swap3A_309], %swap3A_312 {strides = array<i32>} : memref<128x16xf32, #tpu.memory_space<vmem>>, vector<1x16xf32>,
    %broadcast_in_dim3A_313 = arith.constant 1.000000e+00 : f32
    %broadcast_in_dim3A_314 = vector.broadcast %broadcast_in_dim3A_313 : f32 to vector<16xf32>
    %swap3A_315 = arith.constant 23 : i32
    %swap3A_316 = arith.index_cast %swap3A_315 : i32 to index
    %swap3A_317 = arith.constant 0 : index
    %swap3A_318 = tpu.vector_load %arg18[%swap3A_316, %swap3A_317] {strides = array<i32>} : memref<128x16xf32, #tpu.memory_space<vmem>>, vector<1x16xf32>,
    %swap3A_319 = vector.shape_cast %swap3A_318 : vector<1x16xf32> to vector<16xf32>
    %swap3A_320 = vector.shape_cast %broadcast_in_dim3A_314 : vector<16xf32> to vector<1x16xf32>
    tpu.vector_store %arg18[%swap3A_316, %swap3A_317], %swap3A_320 {strides = array<i32>} : memref<128x16xf32, #tpu.memory_space<vmem>>, vector<1x16xf32>,
    %broadcast_in_dim3A_321 = arith.constant 1.000000e+00 : f32
    %broadcast_in_dim3A_322 = vector.broadcast %broadcast_in_dim3A_321 : f32 to vector<16xf32>
    %swap3A_323 = arith.constant 24 : i32
    %swap3A_324 = arith.index_cast %swap3A_323 : i32 to index
    %swap3A_325 = arith.constant 0 : index
    %swap3A_326 = tpu.vector_load %arg18[%swap3A_324, %swap3A_325] {strides = array<i32>} : memref<128x16xf32, #tpu.memory_space<vmem>>, vector<1x16xf32>,
    %swap3A_327 = vector.shape_cast %swap3A_326 : vector<1x16xf32> to vector<16xf32>
    %swap3A_328 = vector.shape_cast %broadcast_in_dim3A_322 : vector<16xf32> to vector<1x16xf32>
    tpu.vector_store %arg18[%swap3A_324, %swap3A_325], %swap3A_328 {strides = array<i32>} : memref<128x16xf32, #tpu.memory_space<vmem>>, vector<1x16xf32>,
    %broadcast_in_dim3A_329 = arith.constant 1.000000e+00 : f32
    %broadcast_in_dim3A_330 = vector.broadcast %broadcast_in_dim3A_329 : f32 to vector<16xf32>
    %swap3A_331 = arith.constant 25 : i32
    %swap3A_332 = arith.index_cast %swap3A_331 : i32 to index
    %swap3A_333 = arith.constant 0 : index
    %swap3A_334 = tpu.vector_load %arg18[%swap3A_332, %swap3A_333] {strides = array<i32>} : memref<128x16xf32, #tpu.memory_space<vmem>>, vector<1x16xf32>,
    %swap3A_335 = vector.shape_cast %swap3A_334 : vector<1x16xf32> to vector<16xf32>
    %swap3A_336 = vector.shape_cast %broadcast_in_dim3A_330 : vector<16xf32> to vector<1x16xf32>
    tpu.vector_store %arg18[%swap3A_332, %swap3A_333], %swap3A_336 {strides = array<i32>} : memref<128x16xf32, #tpu.memory_space<vmem>>, vector<1x16xf32>,
    %broadcast_in_dim3A_337 = arith.constant 1.000000e+00 : f32
    %broadcast_in_dim3A_338 = vector.broadcast %broadcast_in_dim3A_337 : f32 to vector<16xf32>
    %swap3A_339 = arith.constant 26 : i32
    %swap3A_340 = arith.index_cast %swap3A_339 : i32 to index
    %swap3A_341 = arith.constant 0 : index
    %swap3A_342 = tpu.vector_load %arg18[%swap3A_340, %swap3A_341] {strides = array<i32>} : memref<128x16xf32, #tpu.memory_space<vmem>>, vector<1x16xf32>,
    %swap3A_343 = vector.shape_cast %swap3A_342 : vector<1x16xf32> to vector<16xf32>
    %swap3A_344 = vector.shape_cast %broadcast_in_dim3A_338 : vector<16xf32> to vector<1x16xf32>
    tpu.vector_store %arg18[%swap3A_340, %swap3A_341], %swap3A_344 {strides = array<i32>} : memref<128x16xf32, #tpu.memory_space<vmem>>, vector<1x16xf32>,
    %broadcast_in_dim3A_345 = arith.constant 1.000000e+00 : f32
    %broadcast_in_dim3A_346 = vector.broadcast %broadcast_in_dim3A_345 : f32 to vector<16xf32>
    %swap3A_347 = arith.constant 27 : i32
    %swap3A_348 = arith.index_cast %swap3A_347 : i32 to index
    %swap3A_349 = arith.constant 0 : index
    %swap3A_350 = tpu.vector_load %arg18[%swap3A_348, %swap3A_349] {strides = array<i32>} : memref<128x16xf32, #tpu.memory_space<vmem>>, vector<1x16xf32>,
    %swap3A_351 = vector.shape_cast %swap3A_350 : vector<1x16xf32> to vector<16xf32>
    %swap3A_352 = vector.shape_cast %broadcast_in_dim3A_346 : vector<16xf32> to vector<1x16xf32>
    tpu.vector_store %arg18[%swap3A_348, %swap3A_349], %swap3A_352 {strides = array<i32>} : memref<128x16xf32, #tpu.memory_space<vmem>>, vector<1x16xf32>,
    %broadcast_in_dim3A_353 = arith.constant 1.000000e+00 : f32
    %broadcast_in_dim3A_354 = vector.broadcast %broadcast_in_dim3A_353 : f32 to vector<16xf32>
    %swap3A_355 = arith.constant 28 : i32
    %swap3A_356 = arith.index_cast %swap3A_355 : i32 to index
    %swap3A_357 = arith.constant 0 : index
    %swap3A_358 = tpu.vector_load %arg18[%swap3A_356, %swap3A_357] {strides = array<i32>} : memref<128x16xf32, #tpu.memory_space<vmem>>, vector<1x16xf32>,
    %swap3A_359 = vector.shape_cast %swap3A_358 : vector<1x16xf32> to vector<16xf32>
    %swap3A_360 = vector.shape_cast %broadcast_in_dim3A_354 : vector<16xf32> to vector<1x16xf32>
    tpu.vector_store %arg18[%swap3A_356, %swap3A_357], %swap3A_360 {strides = array<i32>} : memref<128x16xf32, #tpu.memory_space<vmem>>, vector<1x16xf32>,
    %broadcast_in_dim3A_361 = arith.constant 1.000000e+00 : f32
    %broadcast_in_dim3A_362 = vector.broadcast %broadcast_in_dim3A_361 : f32 to vector<16xf32>
    %swap3A_363 = arith.constant 29 : i32
    %swap3A_364 = arith.index_cast %swap3A_363 : i32 to index
    %swap3A_365 = arith.constant 0 : index
    %swap3A_366 = tpu.vector_load %arg18[%swap3A_364, %swap3A_365] {strides = array<i32>} : memref<128x16xf32, #tpu.memory_space<vmem>>, vector<1x16xf32>,
    %swap3A_367 = vector.shape_cast %swap3A_366 : vector<1x16xf32> to vector<16xf32>
    %swap3A_368 = vector.shape_cast %broadcast_in_dim3A_362 : vector<16xf32> to vector<1x16xf32>
    tpu.vector_store %arg18[%swap3A_364, %swap3A_365], %swap3A_368 {strides = array<i32>} : memref<128x16xf32, #tpu.memory_space<vmem>>, vector<1x16xf32>,
    %broadcast_in_dim3A_369 = arith.constant 1.000000e+00 : f32
    %broadcast_in_dim3A_370 = vector.broadcast %broadcast_in_dim3A_369 : f32 to vector<16xf32>
    %swap3A_371 = arith.constant 30 : i32
    %swap3A_372 = arith.index_cast %swap3A_371 : i32 to index
    %swap3A_373 = arith.constant 0 : index
    %swap3A_374 = tpu.vector_load %arg18[%swap3A_372, %swap3A_373] {strides = array<i32>} : memref<128x16xf32, #tpu.memory_space<vmem>>, vector<1x16xf32>,
    %swap3A_375 = vector.shape_cast %swap3A_374 : vector<1x16xf32> to vector<16xf32>
    %swap3A_376 = vector.shape_cast %broadcast_in_dim3A_370 : vector<16xf32> to vector<1x16xf32>
    tpu.vector_store %arg18[%swap3A_372, %swap3A_373], %swap3A_376 {strides = array<i32>} : memref<128x16xf32, #tpu.memory_space<vmem>>, vector<1x16xf32>,
    %broadcast_in_dim3A_377 = arith.constant 1.000000e+00 : f32
    %broadcast_in_dim3A_378 = vector.broadcast %broadcast_in_dim3A_377 : f32 to vector<16xf32>
    %swap3A_379 = arith.constant 31 : i32
    %swap3A_380 = arith.index_cast %swap3A_379 : i32 to index
    %swap3A_381 = arith.constant 0 : index
    %swap3A_382 = tpu.vector_load %arg18[%swap3A_380, %swap3A_381] {strides = array<i32>} : memref<128x16xf32, #tpu.memory_space<vmem>>, vector<1x16xf32>,
    %swap3A_383 = vector.shape_cast %swap3A_382 : vector<1x16xf32> to vector<16xf32>
    %swap3A_384 = vector.shape_cast %broadcast_in_dim3A_378 : vector<16xf32> to vector<1x16xf32>
    tpu.vector_store %arg18[%swap3A_380, %swap3A_381], %swap3A_384 {strides = array<i32>} : memref<128x16xf32, #tpu.memory_space<vmem>>, vector<1x16xf32>,
    %broadcast_in_dim3A_385 = arith.constant 1.000000e+00 : f32
    %broadcast_in_dim3A_386 = vector.broadcast %broadcast_in_dim3A_385 : f32 to vector<16xf32>
    %swap3A_387 = arith.constant 32 : i32
    %swap3A_388 = arith.index_cast %swap3A_387 : i32 to index
    %swap3A_389 = arith.constant 0 : index
    %swap3A_390 = tpu.vector_load %arg18[%swap3A_388, %swap3A_389] {strides = array<i32>} : memref<128x16xf32, #tpu.memory_space<vmem>>, vector<1x16xf32>,
    %swap3A_391 = vector.shape_cast %swap3A_390 : vector<1x16xf32> to vector<16xf32>
    %swap3A_392 = vector.shape_cast %broadcast_in_dim3A_386 : vector<16xf32> to vector<1x16xf32>
    tpu.vector_store %arg18[%swap3A_388, %swap3A_389], %swap3A_392 {strides = array<i32>} : memref<128x16xf32, #tpu.memory_space<vmem>>, vector<1x16xf32>,
    %broadcast_in_dim3A_393 = arith.constant 1.000000e+00 : f32
    %broadcast_in_dim3A_394 = vector.broadcast %broadcast_in_dim3A_393 : f32 to vector<16xf32>
    %swap3A_395 = arith.constant 33 : i32
    %swap3A_396 = arith.index_cast %swap3A_395 : i32 to index
    %swap3A_397 = arith.constant 0 : index
    %swap3A_398 = tpu.vector_load %arg18[%swap3A_396, %swap3A_397] {strides = array<i32>} : memref<128x16xf32, #tpu.memory_space<vmem>>, vector<1x16xf32>,
    %swap3A_399 = vector.shape_cast %swap3A_398 : vector<1x16xf32> to vector<16xf32>
    %swap3A_400 = vector.shape_cast %broadcast_in_dim3A_394 : vector<16xf32> to vector<1x16xf32>
    tpu.vector_store %arg18[%swap3A_396, %swap3A_397], %swap3A_400 {strides = array<i32>} : memref<128x16xf32, #tpu.memory_space<vmem>>, vector<1x16xf32>,
    %broadcast_in_dim3A_401 = arith.constant 1.000000e+00 : f32
    %broadcast_in_dim3A_402 = vector.broadcast %broadcast_in_dim3A_401 : f32 to vector<16xf32>
    %swap3A_403 = arith.constant 34 : i32
    %swap3A_404 = arith.index_cast %swap3A_403 : i32 to index
    %swap3A_405 = arith.constant 0 : index
    %swap3A_406 = tpu.vector_load %arg18[%swap3A_404, %swap3A_405] {strides = array<i32>} : memref<128x16xf32, #tpu.memory_space<vmem>>, vector<1x16xf32>,
    %swap3A_407 = vector.shape_cast %swap3A_406 : vector<1x16xf32> to vector<16xf32>
    %swap3A_408 = vector.shape_cast %broadcast_in_dim3A_402 : vector<16xf32> to vector<1x16xf32>
    tpu.vector_store %arg18[%swap3A_404, %swap3A_405], %swap3A_408 {strides = array<i32>} : memref<128x16xf32, #tpu.memory_space<vmem>>, vector<1x16xf32>,
    %broadcast_in_dim3A_409 = arith.constant 1.000000e+00 : f32
    %broadcast_in_dim3A_410 = vector.broadcast %broadcast_in_dim3A_409 : f32 to vector<16xf32>
    %swap3A_411 = arith.constant 35 : i32
    %swap3A_412 = arith.index_cast %swap3A_411 : i32 to index
    %swap3A_413 = arith.constant 0 : index
    %swap3A_414 = tpu.vector_load %arg18[%swap3A_412, %swap3A_413] {strides = array<i32>} : memref<128x16xf32, #tpu.memory_space<vmem>>, vector<1x16xf32>,
    %swap3A_415 = vector.shape_cast %swap3A_414 : vector<1x16xf32> to vector<16xf32>
    %swap3A_416 = vector.shape_cast %broadcast_in_dim3A_410 : vector<16xf32> to vector<1x16xf32>
    tpu.vector_store %arg18[%swap3A_412, %swap3A_413], %swap3A_416 {strides = array<i32>} : memref<128x16xf32, #tpu.memory_space<vmem>>, vector<1x16xf32>,
    %broadcast_in_dim3A_417 = arith.constant 1.000000e+00 : f32
    %broadcast_in_dim3A_418 = vector.broadcast %broadcast_in_dim3A_417 : f32 to vector<16xf32>
    %swap3A_419 = arith.constant 36 : i32
    %swap3A_420 = arith.index_cast %swap3A_419 : i32 to index
    %swap3A_421 = arith.constant 0 : index
    %swap3A_422 = tpu.vector_load %arg18[%swap3A_420, %swap3A_421] {strides = array<i32>} : memref<128x16xf32, #tpu.memory_space<vmem>>, vector<1x16xf32>,
    %swap3A_423 = vector.shape_cast %swap3A_422 : vector<1x16xf32> to vector<16xf32>
    %swap3A_424 = vector.shape_cast %broadcast_in_dim3A_418 : vector<16xf32> to vector<1x16xf32>
    tpu.vector_store %arg18[%swap3A_420, %swap3A_421], %swap3A_424 {strides = array<i32>} : memref<128x16xf32, #tpu.memory_space<vmem>>, vector<1x16xf32>,
    %broadcast_in_dim3A_425 = arith.constant 1.000000e+00 : f32
    %broadcast_in_dim3A_426 = vector.broadcast %broadcast_in_dim3A_425 : f32 to vector<16xf32>
    %swap3A_427 = arith.constant 37 : i32
    %swap3A_428 = arith.index_cast %swap3A_427 : i32 to index
    %swap3A_429 = arith.constant 0 : index
    %swap3A_430 = tpu.vector_load %arg18[%swap3A_428, %swap3A_429] {strides = array<i32>} : memref<128x16xf32, #tpu.memory_space<vmem>>, vector<1x16xf32>,
    %swap3A_431 = vector.shape_cast %swap3A_430 : vector<1x16xf32> to vector<16xf32>
    %swap3A_432 = vector.shape_cast %broadcast_in_dim3A_426 : vector<16xf32> to vector<1x16xf32>
    tpu.vector_store %arg18[%swap3A_428, %swap3A_429], %swap3A_432 {strides = array<i32>} : memref<128x16xf32, #tpu.memory_space<vmem>>, vector<1x16xf32>,
    %broadcast_in_dim3A_433 = arith.constant 1.000000e+00 : f32
    %broadcast_in_dim3A_434 = vector.broadcast %broadcast_in_dim3A_433 : f32 to vector<16xf32>
    %swap3A_435 = arith.constant 38 : i32
    %swap3A_436 = arith.index_cast %swap3A_435 : i32 to index
    %swap3A_437 = arith.constant 0 : index
    %swap3A_438 = tpu.vector_load %arg18[%swap3A_436, %swap3A_437] {strides = array<i32>} : memref<128x16xf32, #tpu.memory_space<vmem>>, vector<1x16xf32>,
    %swap3A_439 = vector.shape_cast %swap3A_438 : vector<1x16xf32> to vector<16xf32>
    %swap3A_440 = vector.shape_cast %broadcast_in_dim3A_434 : vector<16xf32> to vector<1x16xf32>
    tpu.vector_store %arg18[%swap3A_436, %swap3A_437], %swap3A_440 {strides = array<i32>} : memref<128x16xf32, #tpu.memory_space<vmem>>, vector<1x16xf32>,
    %broadcast_in_dim3A_441 = arith.constant 1.000000e+00 : f32
    %broadcast_in_dim3A_442 = vector.broadcast %broadcast_in_dim3A_441 : f32 to vector<16xf32>
    %swap3A_443 = arith.constant 39 : i32
    %swap3A_444 = arith.index_cast %swap3A_443 : i32 to index
    %swap3A_445 = arith.constant 0 : index
    %swap3A_446 = tpu.vector_load %arg18[%swap3A_444, %swap3A_445] {strides = array<i32>} : memref<128x16xf32, #tpu.memory_space<vmem>>, vector<1x16xf32>,
    %swap3A_447 = vector.shape_cast %swap3A_446 : vector<1x16xf32> to vector<16xf32>
    %swap3A_448 = vector.shape_cast %broadcast_in_dim3A_442 : vector<16xf32> to vector<1x16xf32>
    tpu.vector_store %arg18[%swap3A_444, %swap3A_445], %swap3A_448 {strides = array<i32>} : memref<128x16xf32, #tpu.memory_space<vmem>>, vector<1x16xf32>,
    %broadcast_in_dim3A_449 = arith.constant 1.000000e+00 : f32
    %broadcast_in_dim3A_450 = vector.broadcast %broadcast_in_dim3A_449 : f32 to vector<16xf32>
    %swap3A_451 = arith.constant 40 : i32
    %swap3A_452 = arith.index_cast %swap3A_451 : i32 to index
    %swap3A_453 = arith.constant 0 : index
    %swap3A_454 = tpu.vector_load %arg18[%swap3A_452, %swap3A_453] {strides = array<i32>} : memref<128x16xf32, #tpu.memory_space<vmem>>, vector<1x16xf32>,
    %swap3A_455 = vector.shape_cast %swap3A_454 : vector<1x16xf32> to vector<16xf32>
    %swap3A_456 = vector.shape_cast %broadcast_in_dim3A_450 : vector<16xf32> to vector<1x16xf32>
    tpu.vector_store %arg18[%swap3A_452, %swap3A_453], %swap3A_456 {strides = array<i32>} : memref<128x16xf32, #tpu.memory_space<vmem>>, vector<1x16xf32>,
    %broadcast_in_dim3A_457 = arith.constant 1.000000e+00 : f32
    %broadcast_in_dim3A_458 = vector.broadcast %broadcast_in_dim3A_457 : f32 to vector<16xf32>
    %swap3A_459 = arith.constant 41 : i32
    %swap3A_460 = arith.index_cast %swap3A_459 : i32 to index
    %swap3A_461 = arith.constant 0 : index
    %swap3A_462 = tpu.vector_load %arg18[%swap3A_460, %swap3A_461] {strides = array<i32>} : memref<128x16xf32, #tpu.memory_space<vmem>>, vector<1x16xf32>,
    %swap3A_463 = vector.shape_cast %swap3A_462 : vector<1x16xf32> to vector<16xf32>
    %swap3A_464 = vector.shape_cast %broadcast_in_dim3A_458 : vector<16xf32> to vector<1x16xf32>
    tpu.vector_store %arg18[%swap3A_460, %swap3A_461], %swap3A_464 {strides = array<i32>} : memref<128x16xf32, #tpu.memory_space<vmem>>, vector<1x16xf32>,
    %broadcast_in_dim3A_465 = arith.constant 1.000000e+00 : f32
    %broadcast_in_dim3A_466 = vector.broadcast %broadcast_in_dim3A_465 : f32 to vector<16xf32>
    %swap3A_467 = arith.constant 42 : i32
    %swap3A_468 = arith.index_cast %swap3A_467 : i32 to index
    %swap3A_469 = arith.constant 0 : index
    %swap3A_470 = tpu.vector_load %arg18[%swap3A_468, %swap3A_469] {strides = array<i32>} : memref<128x16xf32, #tpu.memory_space<vmem>>, vector<1x16xf32>,
    %swap3A_471 = vector.shape_cast %swap3A_470 : vector<1x16xf32> to vector<16xf32>
    %swap3A_472 = vector.shape_cast %broadcast_in_dim3A_466 : vector<16xf32> to vector<1x16xf32>
    tpu.vector_store %arg18[%swap3A_468, %swap3A_469], %swap3A_472 {strides = array<i32>} : memref<128x16xf32, #tpu.memory_space<vmem>>, vector<1x16xf32>,
    %broadcast_in_dim3A_473 = arith.constant 1.000000e+00 : f32
    %broadcast_in_dim3A_474 = vector.broadcast %broadcast_in_dim3A_473 : f32 to vector<16xf32>
    %swap3A_475 = arith.constant 43 : i32
    %swap3A_476 = arith.index_cast %swap3A_475 : i32 to index
    %swap3A_477 = arith.constant 0 : index
    %swap3A_478 = tpu.vector_load %arg18[%swap3A_476, %swap3A_477] {strides = array<i32>} : memref<128x16xf32, #tpu.memory_space<vmem>>, vector<1x16xf32>,
    %swap3A_479 = vector.shape_cast %swap3A_478 : vector<1x16xf32> to vector<16xf32>
    %swap3A_480 = vector.shape_cast %broadcast_in_dim3A_474 : vector<16xf32> to vector<1x16xf32>
    tpu.vector_store %arg18[%swap3A_476, %swap3A_477], %swap3A_480 {strides = array<i32>} : memref<128x16xf32, #tpu.memory_space<vmem>>, vector<1x16xf32>,
    %broadcast_in_dim3A_481 = arith.constant 1.000000e+00 : f32
    %broadcast_in_dim3A_482 = vector.broadcast %broadcast_in_dim3A_481 : f32 to vector<16xf32>
    %swap3A_483 = arith.constant 44 : i32
    %swap3A_484 = arith.index_cast %swap3A_483 : i32 to index
    %swap3A_485 = arith.constant 0 : index
    %swap3A_486 = tpu.vector_load %arg18[%swap3A_484, %swap3A_485] {strides = array<i32>} : memref<128x16xf32, #tpu.memory_space<vmem>>, vector<1x16xf32>,
    %swap3A_487 = vector.shape_cast %swap3A_486 : vector<1x16xf32> to vector<16xf32>
    %swap3A_488 = vector.shape_cast %broadcast_in_dim3A_482 : vector<16xf32> to vector<1x16xf32>
    tpu.vector_store %arg18[%swap3A_484, %swap3A_485], %swap3A_488 {strides = array<i32>} : memref<128x16xf32, #tpu.memory_space<vmem>>, vector<1x16xf32>,
    %broadcast_in_dim3A_489 = arith.constant 1.000000e+00 : f32
    %broadcast_in_dim3A_490 = vector.broadcast %broadcast_in_dim3A_489 : f32 to vector<16xf32>
    %swap3A_491 = arith.constant 45 : i32
    %swap3A_492 = arith.index_cast %swap3A_491 : i32 to index
    %swap3A_493 = arith.constant 0 : index
    %swap3A_494 = tpu.vector_load %arg18[%swap3A_492, %swap3A_493] {strides = array<i32>} : memref<128x16xf32, #tpu.memory_space<vmem>>, vector<1x16xf32>,
    %swap3A_495 = vector.shape_cast %swap3A_494 : vector<1x16xf32> to vector<16xf32>
    %swap3A_496 = vector.shape_cast %broadcast_in_dim3A_490 : vector<16xf32> to vector<1x16xf32>
    tpu.vector_store %arg18[%swap3A_492, %swap3A_493], %swap3A_496 {strides = array<i32>} : memref<128x16xf32, #tpu.memory_space<vmem>>, vector<1x16xf32>,
    %broadcast_in_dim3A_497 = arith.constant 1.000000e+00 : f32
    %broadcast_in_dim3A_498 = vector.broadcast %broadcast_in_dim3A_497 : f32 to vector<16xf32>
    %swap3A_499 = arith.constant 46 : i32
    %swap3A_500 = arith.index_cast %swap3A_499 : i32 to index
    %swap3A_501 = arith.constant 0 : index
    %swap3A_502 = tpu.vector_load %arg18[%swap3A_500, %swap3A_501] {strides = array<i32>} : memref<128x16xf32, #tpu.memory_space<vmem>>, vector<1x16xf32>,
    %swap3A_503 = vector.shape_cast %swap3A_502 : vector<1x16xf32> to vector<16xf32>
    %swap3A_504 = vector.shape_cast %broadcast_in_dim3A_498 : vector<16xf32> to vector<1x16xf32>
    tpu.vector_store %arg18[%swap3A_500, %swap3A_501], %swap3A_504 {strides = array<i32>} : memref<128x16xf32, #tpu.memory_space<vmem>>, vector<1x16xf32>,
    %broadcast_in_dim3A_505 = arith.constant 1.000000e+00 : f32
    %broadcast_in_dim3A_506 = vector.broadcast %broadcast_in_dim3A_505 : f32 to vector<16xf32>
    %swap3A_507 = arith.constant 47 : i32
    %swap3A_508 = arith.index_cast %swap3A_507 : i32 to index
    %swap3A_509 = arith.constant 0 : index
    %swap3A_510 = tpu.vector_load %arg18[%swap3A_508, %swap3A_509] {strides = array<i32>} : memref<128x16xf32, #tpu.memory_space<vmem>>, vector<1x16xf32>,
    %swap3A_511 = vector.shape_cast %swap3A_510 : vector<1x16xf32> to vector<16xf32>
    %swap3A_512 = vector.shape_cast %broadcast_in_dim3A_506 : vector<16xf32> to vector<1x16xf32>
    tpu.vector_store %arg18[%swap3A_508, %swap3A_509], %swap3A_512 {strides = array<i32>} : memref<128x16xf32, #tpu.memory_space<vmem>>, vector<1x16xf32>,
    %broadcast_in_dim3A_513 = arith.constant 1.000000e+00 : f32
    %broadcast_in_dim3A_514 = vector.broadcast %broadcast_in_dim3A_513 : f32 to vector<16xf32>
    %swap3A_515 = arith.constant 48 : i32
    %swap3A_516 = arith.index_cast %swap3A_515 : i32 to index
    %swap3A_517 = arith.constant 0 : index
    %swap3A_518 = tpu.vector_load %arg18[%swap3A_516, %swap3A_517] {strides = array<i32>} : memref<128x16xf32, #tpu.memory_space<vmem>>, vector<1x16xf32>,
    %swap3A_519 = vector.shape_cast %swap3A_518 : vector<1x16xf32> to vector<16xf32>
    %swap3A_520 = vector.shape_cast %broadcast_in_dim3A_514 : vector<16xf32> to vector<1x16xf32>
    tpu.vector_store %arg18[%swap3A_516, %swap3A_517], %swap3A_520 {strides = array<i32>} : memref<128x16xf32, #tpu.memory_space<vmem>>, vector<1x16xf32>,
    %broadcast_in_dim3A_521 = arith.constant 1.000000e+00 : f32
    %broadcast_in_dim3A_522 = vector.broadcast %broadcast_in_dim3A_521 : f32 to vector<16xf32>
    %swap3A_523 = arith.constant 49 : i32
    %swap3A_524 = arith.index_cast %swap3A_523 : i32 to index
    %swap3A_525 = arith.constant 0 : index
    %swap3A_526 = tpu.vector_load %arg18[%swap3A_524, %swap3A_525] {strides = array<i32>} : memref<128x16xf32, #tpu.memory_space<vmem>>, vector<1x16xf32>,
    %swap3A_527 = vector.shape_cast %swap3A_526 : vector<1x16xf32> to vector<16xf32>
    %swap3A_528 = vector.shape_cast %broadcast_in_dim3A_522 : vector<16xf32> to vector<1x16xf32>
    tpu.vector_store %arg18[%swap3A_524, %swap3A_525], %swap3A_528 {strides = array<i32>} : memref<128x16xf32, #tpu.memory_space<vmem>>, vector<1x16xf32>,
    %broadcast_in_dim3A_529 = arith.constant 1.000000e+00 : f32
    %broadcast_in_dim3A_530 = vector.broadcast %broadcast_in_dim3A_529 : f32 to vector<16xf32>
    %swap3A_531 = arith.constant 50 : i32
    %swap3A_532 = arith.index_cast %swap3A_531 : i32 to index
    %swap3A_533 = arith.constant 0 : index
    %swap3A_534 = tpu.vector_load %arg18[%swap3A_532, %swap3A_533] {strides = array<i32>} : memref<128x16xf32, #tpu.memory_space<vmem>>, vector<1x16xf32>,
    %swap3A_535 = vector.shape_cast %swap3A_534 : vector<1x16xf32> to vector<16xf32>
    %swap3A_536 = vector.shape_cast %broadcast_in_dim3A_530 : vector<16xf32> to vector<1x16xf32>
    tpu.vector_store %arg18[%swap3A_532, %swap3A_533], %swap3A_536 {strides = array<i32>} : memref<128x16xf32, #tpu.memory_space<vmem>>, vector<1x16xf32>,
    %broadcast_in_dim3A_537 = arith.constant 1.000000e+00 : f32
    %broadcast_in_dim3A_538 = vector.broadcast %broadcast_in_dim3A_537 : f32 to vector<16xf32>
    %swap3A_539 = arith.constant 51 : i32
    %swap3A_540 = arith.index_cast %swap3A_539 : i32 to index
    %swap3A_541 = arith.constant 0 : index
    %swap3A_542 = tpu.vector_load %arg18[%swap3A_540, %swap3A_541] {strides = array<i32>} : memref<128x16xf32, #tpu.memory_space<vmem>>, vector<1x16xf32>,
    %swap3A_543 = vector.shape_cast %swap3A_542 : vector<1x16xf32> to vector<16xf32>
    %swap3A_544 = vector.shape_cast %broadcast_in_dim3A_538 : vector<16xf32> to vector<1x16xf32>
    tpu.vector_store %arg18[%swap3A_540, %swap3A_541], %swap3A_544 {strides = array<i32>} : memref<128x16xf32, #tpu.memory_space<vmem>>, vector<1x16xf32>,
    %broadcast_in_dim3A_545 = arith.constant 1.000000e+00 : f32
    %broadcast_in_dim3A_546 = vector.broadcast %broadcast_in_dim3A_545 : f32 to vector<16xf32>
    %swap3A_547 = arith.constant 52 : i32
    %swap3A_548 = arith.index_cast %swap3A_547 : i32 to index
    %swap3A_549 = arith.constant 0 : index
    %swap3A_550 = tpu.vector_load %arg18[%swap3A_548, %swap3A_549] {strides = array<i32>} : memref<128x16xf32, #tpu.memory_space<vmem>>, vector<1x16xf32>,
    %swap3A_551 = vector.shape_cast %swap3A_550 : vector<1x16xf32> to vector<16xf32>
    %swap3A_552 = vector.shape_cast %broadcast_in_dim3A_546 : vector<16xf32> to vector<1x16xf32>
    tpu.vector_store %arg18[%swap3A_548, %swap3A_549], %swap3A_552 {strides = array<i32>} : memref<128x16xf32, #tpu.memory_space<vmem>>, vector<1x16xf32>,
    %broadcast_in_dim3A_553 = arith.constant 1.000000e+00 : f32
    %broadcast_in_dim3A_554 = vector.broadcast %broadcast_in_dim3A_553 : f32 to vector<16xf32>
    %swap3A_555 = arith.constant 53 : i32
    %swap3A_556 = arith.index_cast %swap3A_555 : i32 to index
    %swap3A_557 = arith.constant 0 : index
    %swap3A_558 = tpu.vector_load %arg18[%swap3A_556, %swap3A_557] {strides = array<i32>} : memref<128x16xf32, #tpu.memory_space<vmem>>, vector<1x16xf32>,
    %swap3A_559 = vector.shape_cast %swap3A_558 : vector<1x16xf32> to vector<16xf32>
    %swap3A_560 = vector.shape_cast %broadcast_in_dim3A_554 : vector<16xf32> to vector<1x16xf32>
    tpu.vector_store %arg18[%swap3A_556, %swap3A_557], %swap3A_560 {strides = array<i32>} : memref<128x16xf32, #tpu.memory_space<vmem>>, vector<1x16xf32>,
    %broadcast_in_dim3A_561 = arith.constant 1.000000e+00 : f32
    %broadcast_in_dim3A_562 = vector.broadcast %broadcast_in_dim3A_561 : f32 to vector<16xf32>
    %swap3A_563 = arith.constant 54 : i32
    %swap3A_564 = arith.index_cast %swap3A_563 : i32 to index
    %swap3A_565 = arith.constant 0 : index
    %swap3A_566 = tpu.vector_load %arg18[%swap3A_564, %swap3A_565] {strides = array<i32>} : memref<128x16xf32, #tpu.memory_space<vmem>>, vector<1x16xf32>,
    %swap3A_567 = vector.shape_cast %swap3A_566 : vector<1x16xf32> to vector<16xf32>
    %swap3A_568 = vector.shape_cast %broadcast_in_dim3A_562 : vector<16xf32> to vector<1x16xf32>
    tpu.vector_store %arg18[%swap3A_564, %swap3A_565], %swap3A_568 {strides = array<i32>} : memref<128x16xf32, #tpu.memory_space<vmem>>, vector<1x16xf32>,
    %broadcast_in_dim3A_569 = arith.constant 1.000000e+00 : f32
    %broadcast_in_dim3A_570 = vector.broadcast %broadcast_in_dim3A_569 : f32 to vector<16xf32>
    %swap3A_571 = arith.constant 55 : i32
    %swap3A_572 = arith.index_cast %swap3A_571 : i32 to index
    %swap3A_573 = arith.constant 0 : index
    %swap3A_574 = tpu.vector_load %arg18[%swap3A_572, %swap3A_573] {strides = array<i32>} : memref<128x16xf32, #tpu.memory_space<vmem>>, vector<1x16xf32>,
    %swap3A_575 = vector.shape_cast %swap3A_574 : vector<1x16xf32> to vector<16xf32>
    %swap3A_576 = vector.shape_cast %broadcast_in_dim3A_570 : vector<16xf32> to vector<1x16xf32>
    tpu.vector_store %arg18[%swap3A_572, %swap3A_573], %swap3A_576 {strides = array<i32>} : memref<128x16xf32, #tpu.memory_space<vmem>>, vector<1x16xf32>,
    %broadcast_in_dim3A_577 = arith.constant 1.000000e+00 : f32
    %broadcast_in_dim3A_578 = vector.broadcast %broadcast_in_dim3A_577 : f32 to vector<16xf32>
    %swap3A_579 = arith.constant 56 : i32
    %swap3A_580 = arith.index_cast %swap3A_579 : i32 to index
    %swap3A_581 = arith.constant 0 : index
    %swap3A_582 = tpu.vector_load %arg18[%swap3A_580, %swap3A_581] {strides = array<i32>} : memref<128x16xf32, #tpu.memory_space<vmem>>, vector<1x16xf32>,
    %swap3A_583 = vector.shape_cast %swap3A_582 : vector<1x16xf32> to vector<16xf32>
    %swap3A_584 = vector.shape_cast %broadcast_in_dim3A_578 : vector<16xf32> to vector<1x16xf32>
    tpu.vector_store %arg18[%swap3A_580, %swap3A_581], %swap3A_584 {strides = array<i32>} : memref<128x16xf32, #tpu.memory_space<vmem>>, vector<1x16xf32>,
    %broadcast_in_dim3A_585 = arith.constant 1.000000e+00 : f32
    %broadcast_in_dim3A_586 = vector.broadcast %broadcast_in_dim3A_585 : f32 to vector<16xf32>
    %swap3A_587 = arith.constant 57 : i32
    %swap3A_588 = arith.index_cast %swap3A_587 : i32 to index
    %swap3A_589 = arith.constant 0 : index
    %swap3A_590 = tpu.vector_load %arg18[%swap3A_588, %swap3A_589] {strides = array<i32>} : memref<128x16xf32, #tpu.memory_space<vmem>>, vector<1x16xf32>,
    %swap3A_591 = vector.shape_cast %swap3A_590 : vector<1x16xf32> to vector<16xf32>
    %swap3A_592 = vector.shape_cast %broadcast_in_dim3A_586 : vector<16xf32> to vector<1x16xf32>
    tpu.vector_store %arg18[%swap3A_588, %swap3A_589], %swap3A_592 {strides = array<i32>} : memref<128x16xf32, #tpu.memory_space<vmem>>, vector<1x16xf32>,
    %broadcast_in_dim3A_593 = arith.constant 1.000000e+00 : f32
    %broadcast_in_dim3A_594 = vector.broadcast %broadcast_in_dim3A_593 : f32 to vector<16xf32>
    %swap3A_595 = arith.constant 58 : i32
    %swap3A_596 = arith.index_cast %swap3A_595 : i32 to index
    %swap3A_597 = arith.constant 0 : index
    %swap3A_598 = tpu.vector_load %arg18[%swap3A_596, %swap3A_597] {strides = array<i32>} : memref<128x16xf32, #tpu.memory_space<vmem>>, vector<1x16xf32>,
    %swap3A_599 = vector.shape_cast %swap3A_598 : vector<1x16xf32> to vector<16xf32>
    %swap3A_600 = vector.shape_cast %broadcast_in_dim3A_594 : vector<16xf32> to vector<1x16xf32>
    tpu.vector_store %arg18[%swap3A_596, %swap3A_597], %swap3A_600 {strides = array<i32>} : memref<128x16xf32, #tpu.memory_space<vmem>>, vector<1x16xf32>,
    %broadcast_in_dim3A_601 = arith.constant 1.000000e+00 : f32
    %broadcast_in_dim3A_602 = vector.broadcast %broadcast_in_dim3A_601 : f32 to vector<16xf32>
    %swap3A_603 = arith.constant 59 : i32
    %swap3A_604 = arith.index_cast %swap3A_603 : i32 to index
    %swap3A_605 = arith.constant 0 : index
    %swap3A_606 = tpu.vector_load %arg18[%swap3A_604, %swap3A_605] {strides = array<i32>} : memref<128x16xf32, #tpu.memory_space<vmem>>, vector<1x16xf32>,
    %swap3A_607 = vector.shape_cast %swap3A_606 : vector<1x16xf32> to vector<16xf32>
    %swap3A_608 = vector.shape_cast %broadcast_in_dim3A_602 : vector<16xf32> to vector<1x16xf32>
    tpu.vector_store %arg18[%swap3A_604, %swap3A_605], %swap3A_608 {strides = array<i32>} : memref<128x16xf32, #tpu.memory_space<vmem>>, vector<1x16xf32>,
    %broadcast_in_dim3A_609 = arith.constant 1.000000e+00 : f32
    %broadcast_in_dim3A_610 = vector.broadcast %broadcast_in_dim3A_609 : f32 to vector<16xf32>
    %swap3A_611 = arith.constant 60 : i32
    %swap3A_612 = arith.index_cast %swap3A_611 : i32 to index
    %swap3A_613 = arith.constant 0 : index
    %swap3A_614 = tpu.vector_load %arg18[%swap3A_612, %swap3A_613] {strides = array<i32>} : memref<128x16xf32, #tpu.memory_space<vmem>>, vector<1x16xf32>,
    %swap3A_615 = vector.shape_cast %swap3A_614 : vector<1x16xf32> to vector<16xf32>
    %swap3A_616 = vector.shape_cast %broadcast_in_dim3A_610 : vector<16xf32> to vector<1x16xf32>
    tpu.vector_store %arg18[%swap3A_612, %swap3A_613], %swap3A_616 {strides = array<i32>} : memref<128x16xf32, #tpu.memory_space<vmem>>, vector<1x16xf32>,
    %broadcast_in_dim3A_617 = arith.constant 1.000000e+00 : f32
    %broadcast_in_dim3A_618 = vector.broadcast %broadcast_in_dim3A_617 : f32 to vector<16xf32>
    %swap3A_619 = arith.constant 61 : i32
    %swap3A_620 = arith.index_cast %swap3A_619 : i32 to index
    %swap3A_621 = arith.constant 0 : index
    %swap3A_622 = tpu.vector_load %arg18[%swap3A_620, %swap3A_621] {strides = array<i32>} : memref<128x16xf32, #tpu.memory_space<vmem>>, vector<1x16xf32>,
    %swap3A_623 = vector.shape_cast %swap3A_622 : vector<1x16xf32> to vector<16xf32>
    %swap3A_624 = vector.shape_cast %broadcast_in_dim3A_618 : vector<16xf32> to vector<1x16xf32>
    tpu.vector_store %arg18[%swap3A_620, %swap3A_621], %swap3A_624 {strides = array<i32>} : memref<128x16xf32, #tpu.memory_space<vmem>>, vector<1x16xf32>,
    %broadcast_in_dim3A_625 = arith.constant 1.000000e+00 : f32
    %broadcast_in_dim3A_626 = vector.broadcast %broadcast_in_dim3A_625 : f32 to vector<16xf32>
    %swap3A_627 = arith.constant 62 : i32
    %swap3A_628 = arith.index_cast %swap3A_627 : i32 to index
    %swap3A_629 = arith.constant 0 : index
    %swap3A_630 = tpu.vector_load %arg18[%swap3A_628, %swap3A_629] {strides = array<i32>} : memref<128x16xf32, #tpu.memory_space<vmem>>, vector<1x16xf32>,
    %swap3A_631 = vector.shape_cast %swap3A_630 : vector<1x16xf32> to vector<16xf32>
    %swap3A_632 = vector.shape_cast %broadcast_in_dim3A_626 : vector<16xf32> to vector<1x16xf32>
    tpu.vector_store %arg18[%swap3A_628, %swap3A_629], %swap3A_632 {strides = array<i32>} : memref<128x16xf32, #tpu.memory_space<vmem>>, vector<1x16xf32>,
    %broadcast_in_dim3A_633 = arith.constant 1.000000e+00 : f32
    %broadcast_in_dim3A_634 = vector.broadcast %broadcast_in_dim3A_633 : f32 to vector<16xf32>
    %swap3A_635 = arith.constant 63 : i32
    %swap3A_636 = arith.index_cast %swap3A_635 : i32 to index
    %swap3A_637 = arith.constant 0 : index
    %swap3A_638 = tpu.vector_load %arg18[%swap3A_636, %swap3A_637] {strides = array<i32>} : memref<128x16xf32, #tpu.memory_space<vmem>>, vector<1x16xf32>,
    %swap3A_639 = vector.shape_cast %swap3A_638 : vector<1x16xf32> to vector<16xf32>
    %swap3A_640 = vector.shape_cast %broadcast_in_dim3A_634 : vector<16xf32> to vector<1x16xf32>
    tpu.vector_store %arg18[%swap3A_636, %swap3A_637], %swap3A_640 {strides = array<i32>} : memref<128x16xf32, #tpu.memory_space<vmem>>, vector<1x16xf32>,
    %broadcast_in_dim3A_641 = arith.constant 1.000000e+00 : f32
    %broadcast_in_dim3A_642 = vector.broadcast %broadcast_in_dim3A_641 : f32 to vector<16xf32>
    %swap3A_643 = arith.constant 64 : i32
    %swap3A_644 = arith.index_cast %swap3A_643 : i32 to index
    %swap3A_645 = arith.constant 0 : index
    %swap3A_646 = tpu.vector_load %arg18[%swap3A_644, %swap3A_645] {strides = array<i32>} : memref<128x16xf32, #tpu.memory_space<vmem>>, vector<1x16xf32>,
    %swap3A_647 = vector.shape_cast %swap3A_646 : vector<1x16xf32> to vector<16xf32>
    %swap3A_648 = vector.shape_cast %broadcast_in_dim3A_642 : vector<16xf32> to vector<1x16xf32>
    tpu.vector_store %arg18[%swap3A_644, %swap3A_645], %swap3A_648 {strides = array<i32>} : memref<128x16xf32, #tpu.memory_space<vmem>>, vector<1x16xf32>,
    %broadcast_in_dim3A_649 = arith.constant 1.000000e+00 : f32
    %broadcast_in_dim3A_650 = vector.broadcast %broadcast_in_dim3A_649 : f32 to vector<16xf32>
    %swap3A_651 = arith.constant 65 : i32
    %swap3A_652 = arith.index_cast %swap3A_651 : i32 to index
    %swap3A_653 = arith.constant 0 : index
    %swap3A_654 = tpu.vector_load %arg18[%swap3A_652, %swap3A_653] {strides = array<i32>} : memref<128x16xf32, #tpu.memory_space<vmem>>, vector<1x16xf32>,
    %swap3A_655 = vector.shape_cast %swap3A_654 : vector<1x16xf32> to vector<16xf32>
    %swap3A_656 = vector.shape_cast %broadcast_in_dim3A_650 : vector<16xf32> to vector<1x16xf32>
    tpu.vector_store %arg18[%swap3A_652, %swap3A_653], %swap3A_656 {strides = array<i32>} : memref<128x16xf32, #tpu.memory_space<vmem>>, vector<1x16xf32>,
    %broadcast_in_dim3A_657 = arith.constant 1.000000e+00 : f32
    %broadcast_in_dim3A_658 = vector.broadcast %broadcast_in_dim3A_657 : f32 to vector<16xf32>
    %swap3A_659 = arith.constant 66 : i32
    %swap3A_660 = arith.index_cast %swap3A_659 : i32 to index
    %swap3A_661 = arith.constant 0 : index
    %swap3A_662 = tpu.vector_load %arg18[%swap3A_660, %swap3A_661] {strides = array<i32>} : memref<128x16xf32, #tpu.memory_space<vmem>>, vector<1x16xf32>,
    %swap3A_663 = vector.shape_cast %swap3A_662 : vector<1x16xf32> to vector<16xf32>
    %swap3A_664 = vector.shape_cast %broadcast_in_dim3A_658 : vector<16xf32> to vector<1x16xf32>
    tpu.vector_store %arg18[%swap3A_660, %swap3A_661], %swap3A_664 {strides = array<i32>} : memref<128x16xf32, #tpu.memory_space<vmem>>, vector<1x16xf32>,
    %broadcast_in_dim3A_665 = arith.constant 1.000000e+00 : f32
    %broadcast_in_dim3A_666 = vector.broadcast %broadcast_in_dim3A_665 : f32 to vector<16xf32>
    %swap3A_667 = arith.constant 67 : i32
    %swap3A_668 = arith.index_cast %swap3A_667 : i32 to index
    %swap3A_669 = arith.constant 0 : index
    %swap3A_670 = tpu.vector_load %arg18[%swap3A_668, %swap3A_669] {strides = array<i32>} : memref<128x16xf32, #tpu.memory_space<vmem>>, vector<1x16xf32>,
    %swap3A_671 = vector.shape_cast %swap3A_670 : vector<1x16xf32> to vector<16xf32>
    %swap3A_672 = vector.shape_cast %broadcast_in_dim3A_666 : vector<16xf32> to vector<1x16xf32>
    tpu.vector_store %arg18[%swap3A_668, %swap3A_669], %swap3A_672 {strides = array<i32>} : memref<128x16xf32, #tpu.memory_space<vmem>>, vector<1x16xf32>,
    %broadcast_in_dim3A_673 = arith.constant 1.000000e+00 : f32
    %broadcast_in_dim3A_674 = vector.broadcast %broadcast_in_dim3A_673 : f32 to vector<16xf32>
    %swap3A_675 = arith.constant 68 : i32
    %swap3A_676 = arith.index_cast %swap3A_675 : i32 to index
    %swap3A_677 = arith.constant 0 : index
    %swap3A_678 = tpu.vector_load %arg18[%swap3A_676, %swap3A_677] {strides = array<i32>} : memref<128x16xf32, #tpu.memory_space<vmem>>, vector<1x16xf32>,
    %swap3A_679 = vector.shape_cast %swap3A_678 : vector<1x16xf32> to vector<16xf32>
    %swap3A_680 = vector.shape_cast %broadcast_in_dim3A_674 : vector<16xf32> to vector<1x16xf32>
    tpu.vector_store %arg18[%swap3A_676, %swap3A_677], %swap3A_680 {strides = array<i32>} : memref<128x16xf32, #tpu.memory_space<vmem>>, vector<1x16xf32>,
    %broadcast_in_dim3A_681 = arith.constant 1.000000e+00 : f32
    %broadcast_in_dim3A_682 = vector.broadcast %broadcast_in_dim3A_681 : f32 to vector<16xf32>
    %swap3A_683 = arith.constant 69 : i32
    %swap3A_684 = arith.index_cast %swap3A_683 : i32 to index
    %swap3A_685 = arith.constant 0 : index
    %swap3A_686 = tpu.vector_load %arg18[%swap3A_684, %swap3A_685] {strides = array<i32>} : memref<128x16xf32, #tpu.memory_space<vmem>>, vector<1x16xf32>,
    %swap3A_687 = vector.shape_cast %swap3A_686 : vector<1x16xf32> to vector<16xf32>
    %swap3A_688 = vector.shape_cast %broadcast_in_dim3A_682 : vector<16xf32> to vector<1x16xf32>
    tpu.vector_store %arg18[%swap3A_684, %swap3A_685], %swap3A_688 {strides = array<i32>} : memref<128x16xf32, #tpu.memory_space<vmem>>, vector<1x16xf32>,
    %broadcast_in_dim3A_689 = arith.constant 1.000000e+00 : f32
    %broadcast_in_dim3A_690 = vector.broadcast %broadcast_in_dim3A_689 : f32 to vector<16xf32>
    %swap3A_691 = arith.constant 70 : i32
    %swap3A_692 = arith.index_cast %swap3A_691 : i32 to index
    %swap3A_693 = arith.constant 0 : index
    %swap3A_694 = tpu.vector_load %arg18[%swap3A_692, %swap3A_693] {strides = array<i32>} : memref<128x16xf32, #tpu.memory_space<vmem>>, vector<1x16xf32>,
    %swap3A_695 = vector.shape_cast %swap3A_694 : vector<1x16xf32> to vector<16xf32>
    %swap3A_696 = vector.shape_cast %broadcast_in_dim3A_690 : vector<16xf32> to vector<1x16xf32>
    tpu.vector_store %arg18[%swap3A_692, %swap3A_693], %swap3A_696 {strides = array<i32>} : memref<128x16xf32, #tpu.memory_space<vmem>>, vector<1x16xf32>,
    %broadcast_in_dim3A_697 = arith.constant 1.000000e+00 : f32
    %broadcast_in_dim3A_698 = vector.broadcast %broadcast_in_dim3A_697 : f32 to vector<16xf32>
    %swap3A_699 = arith.constant 71 : i32
    %swap3A_700 = arith.index_cast %swap3A_699 : i32 to index
    %swap3A_701 = arith.constant 0 : index
    %swap3A_702 = tpu.vector_load %arg18[%swap3A_700, %swap3A_701] {strides = array<i32>} : memref<128x16xf32, #tpu.memory_space<vmem>>, vector<1x16xf32>,
    %swap3A_703 = vector.shape_cast %swap3A_702 : vector<1x16xf32> to vector<16xf32>
    %swap3A_704 = vector.shape_cast %broadcast_in_dim3A_698 : vector<16xf32> to vector<1x16xf32>
    tpu.vector_store %arg18[%swap3A_700, %swap3A_701], %swap3A_704 {strides = array<i32>} : memref<128x16xf32, #tpu.memory_space<vmem>>, vector<1x16xf32>,
    %broadcast_in_dim3A_705 = arith.constant 1.000000e+00 : f32
    %broadcast_in_dim3A_706 = vector.broadcast %broadcast_in_dim3A_705 : f32 to vector<16xf32>
    %swap3A_707 = arith.constant 72 : i32
    %swap3A_708 = arith.index_cast %swap3A_707 : i32 to index
    %swap3A_709 = arith.constant 0 : index
    %swap3A_710 = tpu.vector_load %arg18[%swap3A_708, %swap3A_709] {strides = array<i32>} : memref<128x16xf32, #tpu.memory_space<vmem>>, vector<1x16xf32>,
    %swap3A_711 = vector.shape_cast %swap3A_710 : vector<1x16xf32> to vector<16xf32>
    %swap3A_712 = vector.shape_cast %broadcast_in_dim3A_706 : vector<16xf32> to vector<1x16xf32>
    tpu.vector_store %arg18[%swap3A_708, %swap3A_709], %swap3A_712 {strides = array<i32>} : memref<128x16xf32, #tpu.memory_space<vmem>>, vector<1x16xf32>,
    %broadcast_in_dim3A_713 = arith.constant 1.000000e+00 : f32
    %broadcast_in_dim3A_714 = vector.broadcast %broadcast_in_dim3A_713 : f32 to vector<16xf32>
    %swap3A_715 = arith.constant 73 : i32
    %swap3A_716 = arith.index_cast %swap3A_715 : i32 to index
    %swap3A_717 = arith.constant 0 : index
    %swap3A_718 = tpu.vector_load %arg18[%swap3A_716, %swap3A_717] {strides = array<i32>} : memref<128x16xf32, #tpu.memory_space<vmem>>, vector<1x16xf32>,
    %swap3A_719 = vector.shape_cast %swap3A_718 : vector<1x16xf32> to vector<16xf32>
    %swap3A_720 = vector.shape_cast %broadcast_in_dim3A_714 : vector<16xf32> to vector<1x16xf32>
    tpu.vector_store %arg18[%swap3A_716, %swap3A_717], %swap3A_720 {strides = array<i32>} : memref<128x16xf32, #tpu.memory_space<vmem>>, vector<1x16xf32>,
    %broadcast_in_dim3A_721 = arith.constant 1.000000e+00 : f32
    %broadcast_in_dim3A_722 = vector.broadcast %broadcast_in_dim3A_721 : f32 to vector<16xf32>
    %swap3A_723 = arith.constant 74 : i32
    %swap3A_724 = arith.index_cast %swap3A_723 : i32 to index
    %swap3A_725 = arith.constant 0 : index
    %swap3A_726 = tpu.vector_load %arg18[%swap3A_724, %swap3A_725] {strides = array<i32>} : memref<128x16xf32, #tpu.memory_space<vmem>>, vector<1x16xf32>,
    %swap3A_727 = vector.shape_cast %swap3A_726 : vector<1x16xf32> to vector<16xf32>
    %swap3A_728 = vector.shape_cast %broadcast_in_dim3A_722 : vector<16xf32> to vector<1x16xf32>
    tpu.vector_store %arg18[%swap3A_724, %swap3A_725], %swap3A_728 {strides = array<i32>} : memref<128x16xf32, #tpu.memory_space<vmem>>, vector<1x16xf32>,
    %broadcast_in_dim3A_729 = arith.constant 1.000000e+00 : f32
    %broadcast_in_dim3A_730 = vector.broadcast %broadcast_in_dim3A_729 : f32 to vector<16xf32>
    %swap3A_731 = arith.constant 75 : i32
    %swap3A_732 = arith.index_cast %swap3A_731 : i32 to index
    %swap3A_733 = arith.constant 0 : index
    %swap3A_734 = tpu.vector_load %arg18[%swap3A_732, %swap3A_733] {strides = array<i32>} : memref<128x16xf32, #tpu.memory_space<vmem>>, vector<1x16xf32>,
    %swap3A_735 = vector.shape_cast %swap3A_734 : vector<1x16xf32> to vector<16xf32>
    %swap3A_736 = vector.shape_cast %broadcast_in_dim3A_730 : vector<16xf32> to vector<1x16xf32>
    tpu.vector_store %arg18[%swap3A_732, %swap3A_733], %swap3A_736 {strides = array<i32>} : memref<128x16xf32, #tpu.memory_space<vmem>>, vector<1x16xf32>,
    %broadcast_in_dim3A_737 = arith.constant 1.000000e+00 : f32
    %broadcast_in_dim3A_738 = vector.broadcast %broadcast_in_dim3A_737 : f32 to vector<16xf32>
    %swap3A_739 = arith.constant 76 : i32
    %swap3A_740 = arith.index_cast %swap3A_739 : i32 to index
    %swap3A_741 = arith.constant 0 : index
    %swap3A_742 = tpu.vector_load %arg18[%swap3A_740, %swap3A_741] {strides = array<i32>} : memref<128x16xf32, #tpu.memory_space<vmem>>, vector<1x16xf32>,
    %swap3A_743 = vector.shape_cast %swap3A_742 : vector<1x16xf32> to vector<16xf32>
    %swap3A_744 = vector.shape_cast %broadcast_in_dim3A_738 : vector<16xf32> to vector<1x16xf32>
    tpu.vector_store %arg18[%swap3A_740, %swap3A_741], %swap3A_744 {strides = array<i32>} : memref<128x16xf32, #tpu.memory_space<vmem>>, vector<1x16xf32>,
    %broadcast_in_dim3A_745 = arith.constant 1.000000e+00 : f32
    %broadcast_in_dim3A_746 = vector.broadcast %broadcast_in_dim3A_745 : f32 to vector<16xf32>
    %swap3A_747 = arith.constant 77 : i32
    %swap3A_748 = arith.index_cast %swap3A_747 : i32 to index
    %swap3A_749 = arith.constant 0 : index
    %swap3A_750 = tpu.vector_load %arg18[%swap3A_748, %swap3A_749] {strides = array<i32>} : memref<128x16xf32, #tpu.memory_space<vmem>>, vector<1x16xf32>,
    %swap3A_751 = vector.shape_cast %swap3A_750 : vector<1x16xf32> to vector<16xf32>
    %swap3A_752 = vector.shape_cast %broadcast_in_dim3A_746 : vector<16xf32> to vector<1x16xf32>
    tpu.vector_store %arg18[%swap3A_748, %swap3A_749], %swap3A_752 {strides = array<i32>} : memref<128x16xf32, #tpu.memory_space<vmem>>, vector<1x16xf32>,
    %broadcast_in_dim3A_753 = arith.constant 1.000000e+00 : f32
    %broadcast_in_dim3A_754 = vector.broadcast %broadcast_in_dim3A_753 : f32 to vector<16xf32>
    %swap3A_755 = arith.constant 78 : i32
    %swap3A_756 = arith.index_cast %swap3A_755 : i32 to index
    %swap3A_757 = arith.constant 0 : index
    %swap3A_758 = tpu.vector_load %arg18[%swap3A_756, %swap3A_757] {strides = array<i32>} : memref<128x16xf32, #tpu.memory_space<vmem>>, vector<1x16xf32>,
    %swap3A_759 = vector.shape_cast %swap3A_758 : vector<1x16xf32> to vector<16xf32>
    %swap3A_760 = vector.shape_cast %broadcast_in_dim3A_754 : vector<16xf32> to vector<1x16xf32>
    tpu.vector_store %arg18[%swap3A_756, %swap3A_757], %swap3A_760 {strides = array<i32>} : memref<128x16xf32, #tpu.memory_space<vmem>>, vector<1x16xf32>,
    %broadcast_in_dim3A_761 = arith.constant 1.000000e+00 : f32
    %broadcast_in_dim3A_762 = vector.broadcast %broadcast_in_dim3A_761 : f32 to vector<16xf32>
    %swap3A_763 = arith.constant 79 : i32
    %swap3A_764 = arith.index_cast %swap3A_763 : i32 to index
    %swap3A_765 = arith.constant 0 : index
    %swap3A_766 = tpu.vector_load %arg18[%swap3A_764, %swap3A_765] {strides = array<i32>} : memref<128x16xf32, #tpu.memory_space<vmem>>, vector<1x16xf32>,
    %swap3A_767 = vector.shape_cast %swap3A_766 : vector<1x16xf32> to vector<16xf32>
    %swap3A_768 = vector.shape_cast %broadcast_in_dim3A_762 : vector<16xf32> to vector<1x16xf32>
    tpu.vector_store %arg18[%swap3A_764, %swap3A_765], %swap3A_768 {strides = array<i32>} : memref<128x16xf32, #tpu.memory_space<vmem>>, vector<1x16xf32>,
    %broadcast_in_dim3A_769 = arith.constant 1.000000e+00 : f32
    %broadcast_in_dim3A_770 = vector.broadcast %broadcast_in_dim3A_769 : f32 to vector<16xf32>
    %swap3A_771 = arith.constant 80 : i32
    %swap3A_772 = arith.index_cast %swap3A_771 : i32 to index
    %swap3A_773 = arith.constant 0 : index
    %swap3A_774 = tpu.vector_load %arg18[%swap3A_772, %swap3A_773] {strides = array<i32>} : memref<128x16xf32, #tpu.memory_space<vmem>>, vector<1x16xf32>,
    %swap3A_775 = vector.shape_cast %swap3A_774 : vector<1x16xf32> to vector<16xf32>
    %swap3A_776 = vector.shape_cast %broadcast_in_dim3A_770 : vector<16xf32> to vector<1x16xf32>
    tpu.vector_store %arg18[%swap3A_772, %swap3A_773], %swap3A_776 {strides = array<i32>} : memref<128x16xf32, #tpu.memory_space<vmem>>, vector<1x16xf32>,
    %broadcast_in_dim3A_777 = arith.constant 1.000000e+00 : f32
    %broadcast_in_dim3A_778 = vector.broadcast %broadcast_in_dim3A_777 : f32 to vector<16xf32>
    %swap3A_779 = arith.constant 81 : i32
    %swap3A_780 = arith.index_cast %swap3A_779 : i32 to index
    %swap3A_781 = arith.constant 0 : index
    %swap3A_782 = tpu.vector_load %arg18[%swap3A_780, %swap3A_781] {strides = array<i32>} : memref<128x16xf32, #tpu.memory_space<vmem>>, vector<1x16xf32>,
    %swap3A_783 = vector.shape_cast %swap3A_782 : vector<1x16xf32> to vector<16xf32>
    %swap3A_784 = vector.shape_cast %broadcast_in_dim3A_778 : vector<16xf32> to vector<1x16xf32>
    tpu.vector_store %arg18[%swap3A_780, %swap3A_781], %swap3A_784 {strides = array<i32>} : memref<128x16xf32, #tpu.memory_space<vmem>>, vector<1x16xf32>,
    %broadcast_in_dim3A_785 = arith.constant 1.000000e+00 : f32
    %broadcast_in_dim3A_786 = vector.broadcast %broadcast_in_dim3A_785 : f32 to vector<16xf32>
    %swap3A_787 = arith.constant 82 : i32
    %swap3A_788 = arith.index_cast %swap3A_787 : i32 to index
    %swap3A_789 = arith.constant 0 : index
    %swap3A_790 = tpu.vector_load %arg18[%swap3A_788, %swap3A_789] {strides = array<i32>} : memref<128x16xf32, #tpu.memory_space<vmem>>, vector<1x16xf32>,
    %swap3A_791 = vector.shape_cast %swap3A_790 : vector<1x16xf32> to vector<16xf32>
    %swap3A_792 = vector.shape_cast %broadcast_in_dim3A_786 : vector<16xf32> to vector<1x16xf32>
    tpu.vector_store %arg18[%swap3A_788, %swap3A_789], %swap3A_792 {strides = array<i32>} : memref<128x16xf32, #tpu.memory_space<vmem>>, vector<1x16xf32>,
    %broadcast_in_dim3A_793 = arith.constant 1.000000e+00 : f32
    %broadcast_in_dim3A_794 = vector.broadcast %broadcast_in_dim3A_793 : f32 to vector<16xf32>
    %swap3A_795 = arith.constant 83 : i32
    %swap3A_796 = arith.index_cast %swap3A_795 : i32 to index
    %swap3A_797 = arith.constant 0 : index
    %swap3A_798 = tpu.vector_load %arg18[%swap3A_796, %swap3A_797] {strides = array<i32>} : memref<128x16xf32, #tpu.memory_space<vmem>>, vector<1x16xf32>,
    %swap3A_799 = vector.shape_cast %swap3A_798 : vector<1x16xf32> to vector<16xf32>
    %swap3A_800 = vector.shape_cast %broadcast_in_dim3A_794 : vector<16xf32> to vector<1x16xf32>
    tpu.vector_store %arg18[%swap3A_796, %swap3A_797], %swap3A_800 {strides = array<i32>} : memref<128x16xf32, #tpu.memory_space<vmem>>, vector<1x16xf32>,
    %broadcast_in_dim3A_801 = arith.constant 1.000000e+00 : f32
    %broadcast_in_dim3A_802 = vector.broadcast %broadcast_in_dim3A_801 : f32 to vector<16xf32>
    %swap3A_803 = arith.constant 84 : i32
    %swap3A_804 = arith.index_cast %swap3A_803 : i32 to index
    %swap3A_805 = arith.constant 0 : index
    %swap3A_806 = tpu.vector_load %arg18[%swap3A_804, %swap3A_805] {strides = array<i32>} : memref<128x16xf32, #tpu.memory_space<vmem>>, vector<1x16xf32>,
    %swap3A_807 = vector.shape_cast %swap3A_806 : vector<1x16xf32> to vector<16xf32>
    %swap3A_808 = vector.shape_cast %broadcast_in_dim3A_802 : vector<16xf32> to vector<1x16xf32>
    tpu.vector_store %arg18[%swap3A_804, %swap3A_805], %swap3A_808 {strides = array<i32>} : memref<128x16xf32, #tpu.memory_space<vmem>>, vector<1x16xf32>,
    %broadcast_in_dim3A_809 = arith.constant 1.000000e+00 : f32
    %broadcast_in_dim3A_810 = vector.broadcast %broadcast_in_dim3A_809 : f32 to vector<16xf32>
    %swap3A_811 = arith.constant 85 : i32
    %swap3A_812 = arith.index_cast %swap3A_811 : i32 to index
    %swap3A_813 = arith.constant 0 : index
    %swap3A_814 = tpu.vector_load %arg18[%swap3A_812, %swap3A_813] {strides = array<i32>} : memref<128x16xf32, #tpu.memory_space<vmem>>, vector<1x16xf32>,
    %swap3A_815 = vector.shape_cast %swap3A_814 : vector<1x16xf32> to vector<16xf32>
    %swap3A_816 = vector.shape_cast %broadcast_in_dim3A_810 : vector<16xf32> to vector<1x16xf32>
    tpu.vector_store %arg18[%swap3A_812, %swap3A_813], %swap3A_816 {strides = array<i32>} : memref<128x16xf32, #tpu.memory_space<vmem>>, vector<1x16xf32>,
    %broadcast_in_dim3A_817 = arith.constant 1.000000e+00 : f32
    %broadcast_in_dim3A_818 = vector.broadcast %broadcast_in_dim3A_817 : f32 to vector<16xf32>
    %swap3A_819 = arith.constant 86 : i32
    %swap3A_820 = arith.index_cast %swap3A_819 : i32 to index
    %swap3A_821 = arith.constant 0 : index
    %swap3A_822 = tpu.vector_load %arg18[%swap3A_820, %swap3A_821] {strides = array<i32>} : memref<128x16xf32, #tpu.memory_space<vmem>>, vector<1x16xf32>,
    %swap3A_823 = vector.shape_cast %swap3A_822 : vector<1x16xf32> to vector<16xf32>
    %swap3A_824 = vector.shape_cast %broadcast_in_dim3A_818 : vector<16xf32> to vector<1x16xf32>
    tpu.vector_store %arg18[%swap3A_820, %swap3A_821], %swap3A_824 {strides = array<i32>} : memref<128x16xf32, #tpu.memory_space<vmem>>, vector<1x16xf32>,
    %broadcast_in_dim3A_825 = arith.constant 1.000000e+00 : f32
    %broadcast_in_dim3A_826 = vector.broadcast %broadcast_in_dim3A_825 : f32 to vector<16xf32>
    %swap3A_827 = arith.constant 87 : i32
    %swap3A_828 = arith.index_cast %swap3A_827 : i32 to index
    %swap3A_829 = arith.constant 0 : index
    %swap3A_830 = tpu.vector_load %arg18[%swap3A_828, %swap3A_829] {strides = array<i32>} : memref<128x16xf32, #tpu.memory_space<vmem>>, vector<1x16xf32>,
    %swap3A_831 = vector.shape_cast %swap3A_830 : vector<1x16xf32> to vector<16xf32>
    %swap3A_832 = vector.shape_cast %broadcast_in_dim3A_826 : vector<16xf32> to vector<1x16xf32>
    tpu.vector_store %arg18[%swap3A_828, %swap3A_829], %swap3A_832 {strides = array<i32>} : memref<128x16xf32, #tpu.memory_space<vmem>>, vector<1x16xf32>,
    %broadcast_in_dim3A_833 = arith.constant 1.000000e+00 : f32
    %broadcast_in_dim3A_834 = vector.broadcast %broadcast_in_dim3A_833 : f32 to vector<16xf32>
    %swap3A_835 = arith.constant 88 : i32
    %swap3A_836 = arith.index_cast %swap3A_835 : i32 to index
    %swap3A_837 = arith.constant 0 : index
    %swap3A_838 = tpu.vector_load %arg18[%swap3A_836, %swap3A_837] {strides = array<i32>} : memref<128x16xf32, #tpu.memory_space<vmem>>, vector<1x16xf32>,
    %swap3A_839 = vector.shape_cast %swap3A_838 : vector<1x16xf32> to vector<16xf32>
    %swap3A_840 = vector.shape_cast %broadcast_in_dim3A_834 : vector<16xf32> to vector<1x16xf32>
    tpu.vector_store %arg18[%swap3A_836, %swap3A_837], %swap3A_840 {strides = array<i32>} : memref<128x16xf32, #tpu.memory_space<vmem>>, vector<1x16xf32>,
    %broadcast_in_dim3A_841 = arith.constant 1.000000e+00 : f32
    %broadcast_in_dim3A_842 = vector.broadcast %broadcast_in_dim3A_841 : f32 to vector<16xf32>
    %swap3A_843 = arith.constant 89 : i32
    %swap3A_844 = arith.index_cast %swap3A_843 : i32 to index
    %swap3A_845 = arith.constant 0 : index
    %swap3A_846 = tpu.vector_load %arg18[%swap3A_844, %swap3A_845] {strides = array<i32>} : memref<128x16xf32, #tpu.memory_space<vmem>>, vector<1x16xf32>,
    %swap3A_847 = vector.shape_cast %swap3A_846 : vector<1x16xf32> to vector<16xf32>
    %swap3A_848 = vector.shape_cast %broadcast_in_dim3A_842 : vector<16xf32> to vector<1x16xf32>
    tpu.vector_store %arg18[%swap3A_844, %swap3A_845], %swap3A_848 {strides = array<i32>} : memref<128x16xf32, #tpu.memory_space<vmem>>, vector<1x16xf32>,
    %broadcast_in_dim3A_849 = arith.constant 1.000000e+00 : f32
    %broadcast_in_dim3A_850 = vector.broadcast %broadcast_in_dim3A_849 : f32 to vector<16xf32>
    %swap3A_851 = arith.constant 90 : i32
    %swap3A_852 = arith.index_cast %swap3A_851 : i32 to index
    %swap3A_853 = arith.constant 0 : index
    %swap3A_854 = tpu.vector_load %arg18[%swap3A_852, %swap3A_853] {strides = array<i32>} : memref<128x16xf32, #tpu.memory_space<vmem>>, vector<1x16xf32>,
    %swap3A_855 = vector.shape_cast %swap3A_854 : vector<1x16xf32> to vector<16xf32>
    %swap3A_856 = vector.shape_cast %broadcast_in_dim3A_850 : vector<16xf32> to vector<1x16xf32>
    tpu.vector_store %arg18[%swap3A_852, %swap3A_853], %swap3A_856 {strides = array<i32>} : memref<128x16xf32, #tpu.memory_space<vmem>>, vector<1x16xf32>,
    %broadcast_in_dim3A_857 = arith.constant 1.000000e+00 : f32
    %broadcast_in_dim3A_858 = vector.broadcast %broadcast_in_dim3A_857 : f32 to vector<16xf32>
    %swap3A_859 = arith.constant 91 : i32
    %swap3A_860 = arith.index_cast %swap3A_859 : i32 to index
    %swap3A_861 = arith.constant 0 : index
    %swap3A_862 = tpu.vector_load %arg18[%swap3A_860, %swap3A_861] {strides = array<i32>} : memref<128x16xf32, #tpu.memory_space<vmem>>, vector<1x16xf32>,
    %swap3A_863 = vector.shape_cast %swap3A_862 : vector<1x16xf32> to vector<16xf32>
    %swap3A_864 = vector.shape_cast %broadcast_in_dim3A_858 : vector<16xf32> to vector<1x16xf32>
    tpu.vector_store %arg18[%swap3A_860, %swap3A_861], %swap3A_864 {strides = array<i32>} : memref<128x16xf32, #tpu.memory_space<vmem>>, vector<1x16xf32>,
    %broadcast_in_dim3A_865 = arith.constant 1.000000e+00 : f32
    %broadcast_in_dim3A_866 = vector.broadcast %broadcast_in_dim3A_865 : f32 to vector<16xf32>
    %swap3A_867 = arith.constant 92 : i32
    %swap3A_868 = arith.index_cast %swap3A_867 : i32 to index
    %swap3A_869 = arith.constant 0 : index
    %swap3A_870 = tpu.vector_load %arg18[%swap3A_868, %swap3A_869] {strides = array<i32>} : memref<128x16xf32, #tpu.memory_space<vmem>>, vector<1x16xf32>,
    %swap3A_871 = vector.shape_cast %swap3A_870 : vector<1x16xf32> to vector<16xf32>
    %swap3A_872 = vector.shape_cast %broadcast_in_dim3A_866 : vector<16xf32> to vector<1x16xf32>
    tpu.vector_store %arg18[%swap3A_868, %swap3A_869], %swap3A_872 {strides = array<i32>} : memref<128x16xf32, #tpu.memory_space<vmem>>, vector<1x16xf32>,
    %broadcast_in_dim3A_873 = arith.constant 1.000000e+00 : f32
    %broadcast_in_dim3A_874 = vector.broadcast %broadcast_in_dim3A_873 : f32 to vector<16xf32>
    %swap3A_875 = arith.constant 93 : i32
    %swap3A_876 = arith.index_cast %swap3A_875 : i32 to index
    %swap3A_877 = arith.constant 0 : index
    %swap3A_878 = tpu.vector_load %arg18[%swap3A_876, %swap3A_877] {strides = array<i32>} : memref<128x16xf32, #tpu.memory_space<vmem>>, vector<1x16xf32>,
    %swap3A_879 = vector.shape_cast %swap3A_878 : vector<1x16xf32> to vector<16xf32>
    %swap3A_880 = vector.shape_cast %broadcast_in_dim3A_874 : vector<16xf32> to vector<1x16xf32>
    tpu.vector_store %arg18[%swap3A_876, %swap3A_877], %swap3A_880 {strides = array<i32>} : memref<128x16xf32, #tpu.memory_space<vmem>>, vector<1x16xf32>,
    %broadcast_in_dim3A_881 = arith.constant 1.000000e+00 : f32
    %broadcast_in_dim3A_882 = vector.broadcast %broadcast_in_dim3A_881 : f32 to vector<16xf32>
    %swap3A_883 = arith.constant 94 : i32
    %swap3A_884 = arith.index_cast %swap3A_883 : i32 to index
    %swap3A_885 = arith.constant 0 : index
    %swap3A_886 = tpu.vector_load %arg18[%swap3A_884, %swap3A_885] {strides = array<i32>} : memref<128x16xf32, #tpu.memory_space<vmem>>, vector<1x16xf32>,
    %swap3A_887 = vector.shape_cast %swap3A_886 : vector<1x16xf32> to vector<16xf32>
    %swap3A_888 = vector.shape_cast %broadcast_in_dim3A_882 : vector<16xf32> to vector<1x16xf32>
    tpu.vector_store %arg18[%swap3A_884, %swap3A_885], %swap3A_888 {strides = array<i32>} : memref<128x16xf32, #tpu.memory_space<vmem>>, vector<1x16xf32>,
    %broadcast_in_dim3A_889 = arith.constant 1.000000e+00 : f32
    %broadcast_in_dim3A_890 = vector.broadcast %broadcast_in_dim3A_889 : f32 to vector<16xf32>
    %swap3A_891 = arith.constant 95 : i32
    %swap3A_892 = arith.index_cast %swap3A_891 : i32 to index
    %swap3A_893 = arith.constant 0 : index
    %swap3A_894 = tpu.vector_load %arg18[%swap3A_892, %swap3A_893] {strides = array<i32>} : memref<128x16xf32, #tpu.memory_space<vmem>>, vector<1x16xf32>,
    %swap3A_895 = vector.shape_cast %swap3A_894 : vector<1x16xf32> to vector<16xf32>
    %swap3A_896 = vector.shape_cast %broadcast_in_dim3A_890 : vector<16xf32> to vector<1x16xf32>
    tpu.vector_store %arg18[%swap3A_892, %swap3A_893], %swap3A_896 {strides = array<i32>} : memref<128x16xf32, #tpu.memory_space<vmem>>, vector<1x16xf32>,
    %broadcast_in_dim3A_897 = arith.constant 1.000000e+00 : f32
    %broadcast_in_dim3A_898 = vector.broadcast %broadcast_in_dim3A_897 : f32 to vector<16xf32>
    %swap3A_899 = arith.constant 96 : i32
    %swap3A_900 = arith.index_cast %swap3A_899 : i32 to index
    %swap3A_901 = arith.constant 0 : index
    %swap3A_902 = tpu.vector_load %arg18[%swap3A_900, %swap3A_901] {strides = array<i32>} : memref<128x16xf32, #tpu.memory_space<vmem>>, vector<1x16xf32>,
    %swap3A_903 = vector.shape_cast %swap3A_902 : vector<1x16xf32> to vector<16xf32>
    %swap3A_904 = vector.shape_cast %broadcast_in_dim3A_898 : vector<16xf32> to vector<1x16xf32>
    tpu.vector_store %arg18[%swap3A_900, %swap3A_901], %swap3A_904 {strides = array<i32>} : memref<128x16xf32, #tpu.memory_space<vmem>>, vector<1x16xf32>,
    %broadcast_in_dim3A_905 = arith.constant 1.000000e+00 : f32
    %broadcast_in_dim3A_906 = vector.broadcast %broadcast_in_dim3A_905 : f32 to vector<16xf32>
    %swap3A_907 = arith.constant 97 : i32
    %swap3A_908 = arith.index_cast %swap3A_907 : i32 to index
    %swap3A_909 = arith.constant 0 : index
    %swap3A_910 = tpu.vector_load %arg18[%swap3A_908, %swap3A_909] {strides = array<i32>} : memref<128x16xf32, #tpu.memory_space<vmem>>, vector<1x16xf32>,
    %swap3A_911 = vector.shape_cast %swap3A_910 : vector<1x16xf32> to vector<16xf32>
    %swap3A_912 = vector.shape_cast %broadcast_in_dim3A_906 : vector<16xf32> to vector<1x16xf32>
    tpu.vector_store %arg18[%swap3A_908, %swap3A_909], %swap3A_912 {strides = array<i32>} : memref<128x16xf32, #tpu.memory_space<vmem>>, vector<1x16xf32>,
    %broadcast_in_dim3A_913 = arith.constant 1.000000e+00 : f32
    %broadcast_in_dim3A_914 = vector.broadcast %broadcast_in_dim3A_913 : f32 to vector<16xf32>
    %swap3A_915 = arith.constant 98 : i32
    %swap3A_916 = arith.index_cast %swap3A_915 : i32 to index
    %swap3A_917 = arith.constant 0 : index
    %swap3A_918 = tpu.vector_load %arg18[%swap3A_916, %swap3A_917] {strides = array<i32>} : memref<128x16xf32, #tpu.memory_space<vmem>>, vector<1x16xf32>,
    %swap3A_919 = vector.shape_cast %swap3A_918 : vector<1x16xf32> to vector<16xf32>
    %swap3A_920 = vector.shape_cast %broadcast_in_dim3A_914 : vector<16xf32> to vector<1x16xf32>
    tpu.vector_store %arg18[%swap3A_916, %swap3A_917], %swap3A_920 {strides = array<i32>} : memref<128x16xf32, #tpu.memory_space<vmem>>, vector<1x16xf32>,
    %broadcast_in_dim3A_921 = arith.constant 1.000000e+00 : f32
    %broadcast_in_dim3A_922 = vector.broadcast %broadcast_in_dim3A_921 : f32 to vector<16xf32>
    %swap3A_923 = arith.constant 99 : i32
    %swap3A_924 = arith.index_cast %swap3A_923 : i32 to index
    %swap3A_925 = arith.constant 0 : index
    %swap3A_926 = tpu.vector_load %arg18[%swap3A_924, %swap3A_925] {strides = array<i32>} : memref<128x16xf32, #tpu.memory_space<vmem>>, vector<1x16xf32>,
    %swap3A_927 = vector.shape_cast %swap3A_926 : vector<1x16xf32> to vector<16xf32>
    %swap3A_928 = vector.shape_cast %broadcast_in_dim3A_922 : vector<16xf32> to vector<1x16xf32>
    tpu.vector_store %arg18[%swap3A_924, %swap3A_925], %swap3A_928 {strides = array<i32>} : memref<128x16xf32, #tpu.memory_space<vmem>>, vector<1x16xf32>,
    %broadcast_in_dim3A_929 = arith.constant 1.000000e+00 : f32
    %broadcast_in_dim3A_930 = vector.broadcast %broadcast_in_dim3A_929 : f32 to vector<16xf32>
    %swap3A_931 = arith.constant 100 : i32
    %swap3A_932 = arith.index_cast %swap3A_931 : i32 to index
    %swap3A_933 = arith.constant 0 : index
    %swap3A_934 = tpu.vector_load %arg18[%swap3A_932, %swap3A_933] {strides = array<i32>} : memref<128x16xf32, #tpu.memory_space<vmem>>, vector<1x16xf32>,
    %swap3A_935 = vector.shape_cast %swap3A_934 : vector<1x16xf32> to vector<16xf32>
    %swap3A_936 = vector.shape_cast %broadcast_in_dim3A_930 : vector<16xf32> to vector<1x16xf32>
    tpu.vector_store %arg18[%swap3A_932, %swap3A_933], %swap3A_936 {strides = array<i32>} : memref<128x16xf32, #tpu.memory_space<vmem>>, vector<1x16xf32>,
    %broadcast_in_dim3A_937 = arith.constant 1.000000e+00 : f32
    %broadcast_in_dim3A_938 = vector.broadcast %broadcast_in_dim3A_937 : f32 to vector<16xf32>
    %swap3A_939 = arith.constant 101 : i32
    %swap3A_940 = arith.index_cast %swap3A_939 : i32 to index
    %swap3A_941 = arith.constant 0 : index
    %swap3A_942 = tpu.vector_load %arg18[%swap3A_940, %swap3A_941] {strides = array<i32>} : memref<128x16xf32, #tpu.memory_space<vmem>>, vector<1x16xf32>,
    %swap3A_943 = vector.shape_cast %swap3A_942 : vector<1x16xf32> to vector<16xf32>
    %swap3A_944 = vector.shape_cast %broadcast_in_dim3A_938 : vector<16xf32> to vector<1x16xf32>
    tpu.vector_store %arg18[%swap3A_940, %swap3A_941], %swap3A_944 {strides = array<i32>} : memref<128x16xf32, #tpu.memory_space<vmem>>, vector<1x16xf32>,
    %broadcast_in_dim3A_945 = arith.constant 1.000000e+00 : f32
    %broadcast_in_dim3A_946 = vector.broadcast %broadcast_in_dim3A_945 : f32 to vector<16xf32>
    %swap3A_947 = arith.constant 102 : i32
    %swap3A_948 = arith.index_cast %swap3A_947 : i32 to index
    %swap3A_949 = arith.constant 0 : index
    %swap3A_950 = tpu.vector_load %arg18[%swap3A_948, %swap3A_949] {strides = array<i32>} : memref<128x16xf32, #tpu.memory_space<vmem>>, vector<1x16xf32>,
    %swap3A_951 = vector.shape_cast %swap3A_950 : vector<1x16xf32> to vector<16xf32>
    %swap3A_952 = vector.shape_cast %broadcast_in_dim3A_946 : vector<16xf32> to vector<1x16xf32>
    tpu.vector_store %arg18[%swap3A_948, %swap3A_949], %swap3A_952 {strides = array<i32>} : memref<128x16xf32, #tpu.memory_space<vmem>>, vector<1x16xf32>,
    %broadcast_in_dim3A_953 = arith.constant 1.000000e+00 : f32
    %broadcast_in_dim3A_954 = vector.broadcast %broadcast_in_dim3A_953 : f32 to vector<16xf32>
    %swap3A_955 = arith.constant 103 : i32
    %swap3A_956 = arith.index_cast %swap3A_955 : i32 to index
    %swap3A_957 = arith.constant 0 : index
    %swap3A_958 = tpu.vector_load %arg18[%swap3A_956, %swap3A_957] {strides = array<i32>} : memref<128x16xf32, #tpu.memory_space<vmem>>, vector<1x16xf32>,
    %swap3A_959 = vector.shape_cast %swap3A_958 : vector<1x16xf32> to vector<16xf32>
    %swap3A_960 = vector.shape_cast %broadcast_in_dim3A_954 : vector<16xf32> to vector<1x16xf32>
    tpu.vector_store %arg18[%swap3A_956, %swap3A_957], %swap3A_960 {strides = array<i32>} : memref<128x16xf32, #tpu.memory_space<vmem>>, vector<1x16xf32>,
    %broadcast_in_dim3A_961 = arith.constant 1.000000e+00 : f32
    %broadcast_in_dim3A_962 = vector.broadcast %broadcast_in_dim3A_961 : f32 to vector<16xf32>
    %swap3A_963 = arith.constant 104 : i32
    %swap3A_964 = arith.index_cast %swap3A_963 : i32 to index
    %swap3A_965 = arith.constant 0 : index
    %swap3A_966 = tpu.vector_load %arg18[%swap3A_964, %swap3A_965] {strides = array<i32>} : memref<128x16xf32, #tpu.memory_space<vmem>>, vector<1x16xf32>,
    %swap3A_967 = vector.shape_cast %swap3A_966 : vector<1x16xf32> to vector<16xf32>
    %swap3A_968 = vector.shape_cast %broadcast_in_dim3A_962 : vector<16xf32> to vector<1x16xf32>
    tpu.vector_store %arg18[%swap3A_964, %swap3A_965], %swap3A_968 {strides = array<i32>} : memref<128x16xf32, #tpu.memory_space<vmem>>, vector<1x16xf32>,
    %broadcast_in_dim3A_969 = arith.constant 1.000000e+00 : f32
    %broadcast_in_dim3A_970 = vector.broadcast %broadcast_in_dim3A_969 : f32 to vector<16xf32>
    %swap3A_971 = arith.constant 105 : i32
    %swap3A_972 = arith.index_cast %swap3A_971 : i32 to index
    %swap3A_973 = arith.constant 0 : index
    %swap3A_974 = tpu.vector_load %arg18[%swap3A_972, %swap3A_973] {strides = array<i32>} : memref<128x16xf32, #tpu.memory_space<vmem>>, vector<1x16xf32>,
    %swap3A_975 = vector.shape_cast %swap3A_974 : vector<1x16xf32> to vector<16xf32>
    %swap3A_976 = vector.shape_cast %broadcast_in_dim3A_970 : vector<16xf32> to vector<1x16xf32>
    tpu.vector_store %arg18[%swap3A_972, %swap3A_973], %swap3A_976 {strides = array<i32>} : memref<128x16xf32, #tpu.memory_space<vmem>>, vector<1x16xf32>,
    %broadcast_in_dim3A_977 = arith.constant 1.000000e+00 : f32
    %broadcast_in_dim3A_978 = vector.broadcast %broadcast_in_dim3A_977 : f32 to vector<16xf32>
    %swap3A_979 = arith.constant 106 : i32
    %swap3A_980 = arith.index_cast %swap3A_979 : i32 to index
    %swap3A_981 = arith.constant 0 : index
    %swap3A_982 = tpu.vector_load %arg18[%swap3A_980, %swap3A_981] {strides = array<i32>} : memref<128x16xf32, #tpu.memory_space<vmem>>, vector<1x16xf32>,
    %swap3A_983 = vector.shape_cast %swap3A_982 : vector<1x16xf32> to vector<16xf32>
    %swap3A_984 = vector.shape_cast %broadcast_in_dim3A_978 : vector<16xf32> to vector<1x16xf32>
    tpu.vector_store %arg18[%swap3A_980, %swap3A_981], %swap3A_984 {strides = array<i32>} : memref<128x16xf32, #tpu.memory_space<vmem>>, vector<1x16xf32>,
    %broadcast_in_dim3A_985 = arith.constant 1.000000e+00 : f32
    %broadcast_in_dim3A_986 = vector.broadcast %broadcast_in_dim3A_985 : f32 to vector<16xf32>
    %swap3A_987 = arith.constant 107 : i32
    %swap3A_988 = arith.index_cast %swap3A_987 : i32 to index
    %swap3A_989 = arith.constant 0 : index
    %swap3A_990 = tpu.vector_load %arg18[%swap3A_988, %swap3A_989] {strides = array<i32>} : memref<128x16xf32, #tpu.memory_space<vmem>>, vector<1x16xf32>,
    %swap3A_991 = vector.shape_cast %swap3A_990 : vector<1x16xf32> to vector<16xf32>
    %swap3A_992 = vector.shape_cast %broadcast_in_dim3A_986 : vector<16xf32> to vector<1x16xf32>
    tpu.vector_store %arg18[%swap3A_988, %swap3A_989], %swap3A_992 {strides = array<i32>} : memref<128x16xf32, #tpu.memory_space<vmem>>, vector<1x16xf32>,
    %broadcast_in_dim3A_993 = arith.constant 1.000000e+00 : f32
    %broadcast_in_dim3A_994 = vector.broadcast %broadcast_in_dim3A_993 : f32 to vector<16xf32>
    %swap3A_995 = arith.constant 108 : i32
    %swap3A_996 = arith.index_cast %swap3A_995 : i32 to index
    %swap3A_997 = arith.constant 0 : index
    %swap3A_998 = tpu.vector_load %arg18[%swap3A_996, %swap3A_997] {strides = array<i32>} : memref<128x16xf32, #tpu.memory_space<vmem>>, vector<1x16xf32>,
    %swap3A_999 = vector.shape_cast %swap3A_998 : vector<1x16xf32> to vector<16xf32>
    %swap3A_1000 = vector.shape_cast %broadcast_in_dim3A_994 : vector<16xf32> to vector<1x16xf32>
    tpu.vector_store %arg18[%swap3A_996, %swap3A_997], %swap3A_1000 {strides = array<i32>} : memref<128x16xf32, #tpu.memory_space<vmem>>, vector<1x16xf32>,
    %broadcast_in_dim3A_1001 = arith.constant 1.000000e+00 : f32
    %broadcast_in_dim3A_1002 = vector.broadcast %broadcast_in_dim3A_1001 : f32 to vector<16xf32>
    %swap3A_1003 = arith.constant 109 : i32
    %swap3A_1004 = arith.index_cast %swap3A_1003 : i32 to index
    %swap3A_1005 = arith.constant 0 : index
    %swap3A_1006 = tpu.vector_load %arg18[%swap3A_1004, %swap3A_1005] {strides = array<i32>} : memref<128x16xf32, #tpu.memory_space<vmem>>, vector<1x16xf32>,
    %swap3A_1007 = vector.shape_cast %swap3A_1006 : vector<1x16xf32> to vector<16xf32>
    %swap3A_1008 = vector.shape_cast %broadcast_in_dim3A_1002 : vector<16xf32> to vector<1x16xf32>
    tpu.vector_store %arg18[%swap3A_1004, %swap3A_1005], %swap3A_1008 {strides = array<i32>} : memref<128x16xf32, #tpu.memory_space<vmem>>, vector<1x16xf32>,
    %broadcast_in_dim3A_1009 = arith.constant 1.000000e+00 : f32
    %broadcast_in_dim3A_1010 = vector.broadcast %broadcast_in_dim3A_1009 : f32 to vector<16xf32>
    %swap3A_1011 = arith.constant 110 : i32
    %swap3A_1012 = arith.index_cast %swap3A_1011 : i32 to index
    %swap3A_1013 = arith.constant 0 : index
    %swap3A_1014 = tpu.vector_load %arg18[%swap3A_1012, %swap3A_1013] {strides = array<i32>} : memref<128x16xf32, #tpu.memory_space<vmem>>, vector<1x16xf32>,
    %swap3A_1015 = vector.shape_cast %swap3A_1014 : vector<1x16xf32> to vector<16xf32>
    %swap3A_1016 = vector.shape_cast %broadcast_in_dim3A_1010 : vector<16xf32> to vector<1x16xf32>
    tpu.vector_store %arg18[%swap3A_1012, %swap3A_1013], %swap3A_1016 {strides = array<i32>} : memref<128x16xf32, #tpu.memory_space<vmem>>, vector<1x16xf32>,
    %broadcast_in_dim3A_1017 = arith.constant 1.000000e+00 : f32
    %broadcast_in_dim3A_1018 = vector.broadcast %broadcast_in_dim3A_1017 : f32 to vector<16xf32>
    %swap3A_1019 = arith.constant 111 : i32
    %swap3A_1020 = arith.index_cast %swap3A_1019 : i32 to index
    %swap3A_1021 = arith.constant 0 : index
    %swap3A_1022 = tpu.vector_load %arg18[%swap3A_1020, %swap3A_1021] {strides = array<i32>} : memref<128x16xf32, #tpu.memory_space<vmem>>, vector<1x16xf32>,
    %swap3A_1023 = vector.shape_cast %swap3A_1022 : vector<1x16xf32> to vector<16xf32>
    %swap3A_1024 = vector.shape_cast %broadcast_in_dim3A_1018 : vector<16xf32> to vector<1x16xf32>
    tpu.vector_store %arg18[%swap3A_1020, %swap3A_1021], %swap3A_1024 {strides = array<i32>} : memref<128x16xf32, #tpu.memory_space<vmem>>, vector<1x16xf32>,
    %broadcast_in_dim3A_1025 = arith.constant 1.000000e+00 : f32
    %broadcast_in_dim3A_1026 = vector.broadcast %broadcast_in_dim3A_1025 : f32 to vector<16xf32>
    %swap3A_1027 = arith.constant 112 : i32
    %swap3A_1028 = arith.index_cast %swap3A_1027 : i32 to index
    %swap3A_1029 = arith.constant 0 : index
    %swap3A_1030 = tpu.vector_load %arg18[%swap3A_1028, %swap3A_1029] {strides = array<i32>} : memref<128x16xf32, #tpu.memory_space<vmem>>, vector<1x16xf32>,
    %swap3A_1031 = vector.shape_cast %swap3A_1030 : vector<1x16xf32> to vector<16xf32>
    %swap3A_1032 = vector.shape_cast %broadcast_in_dim3A_1026 : vector<16xf32> to vector<1x16xf32>
    tpu.vector_store %arg18[%swap3A_1028, %swap3A_1029], %swap3A_1032 {strides = array<i32>} : memref<128x16xf32, #tpu.memory_space<vmem>>, vector<1x16xf32>,
    %broadcast_in_dim3A_1033 = arith.constant 1.000000e+00 : f32
    %broadcast_in_dim3A_1034 = vector.broadcast %broadcast_in_dim3A_1033 : f32 to vector<16xf32>
    %swap3A_1035 = arith.constant 113 : i32
    %swap3A_1036 = arith.index_cast %swap3A_1035 : i32 to index
    %swap3A_1037 = arith.constant 0 : index
    %swap3A_1038 = tpu.vector_load %arg18[%swap3A_1036, %swap3A_1037] {strides = array<i32>} : memref<128x16xf32, #tpu.memory_space<vmem>>, vector<1x16xf32>,
    %swap3A_1039 = vector.shape_cast %swap3A_1038 : vector<1x16xf32> to vector<16xf32>
    %swap3A_1040 = vector.shape_cast %broadcast_in_dim3A_1034 : vector<16xf32> to vector<1x16xf32>
    tpu.vector_store %arg18[%swap3A_1036, %swap3A_1037], %swap3A_1040 {strides = array<i32>} : memref<128x16xf32, #tpu.memory_space<vmem>>, vector<1x16xf32>,
    %broadcast_in_dim3A_1041 = arith.constant 1.000000e+00 : f32
    %broadcast_in_dim3A_1042 = vector.broadcast %broadcast_in_dim3A_1041 : f32 to vector<16xf32>
    %swap3A_1043 = arith.constant 114 : i32
    %swap3A_1044 = arith.index_cast %swap3A_1043 : i32 to index
    %swap3A_1045 = arith.constant 0 : index
    %swap3A_1046 = tpu.vector_load %arg18[%swap3A_1044, %swap3A_1045] {strides = array<i32>} : memref<128x16xf32, #tpu.memory_space<vmem>>, vector<1x16xf32>,
    %swap3A_1047 = vector.shape_cast %swap3A_1046 : vector<1x16xf32> to vector<16xf32>
    %swap3A_1048 = vector.shape_cast %broadcast_in_dim3A_1042 : vector<16xf32> to vector<1x16xf32>
    tpu.vector_store %arg18[%swap3A_1044, %swap3A_1045], %swap3A_1048 {strides = array<i32>} : memref<128x16xf32, #tpu.memory_space<vmem>>, vector<1x16xf32>,
    %broadcast_in_dim3A_1049 = arith.constant 1.000000e+00 : f32
    %broadcast_in_dim3A_1050 = vector.broadcast %broadcast_in_dim3A_1049 : f32 to vector<16xf32>
    %swap3A_1051 = arith.constant 115 : i32
    %swap3A_1052 = arith.index_cast %swap3A_1051 : i32 to index
    %swap3A_1053 = arith.constant 0 : index
    %swap3A_1054 = tpu.vector_load %arg18[%swap3A_1052, %swap3A_1053] {strides = array<i32>} : memref<128x16xf32, #tpu.memory_space<vmem>>, vector<1x16xf32>,
    %swap3A_1055 = vector.shape_cast %swap3A_1054 : vector<1x16xf32> to vector<16xf32>
    %swap3A_1056 = vector.shape_cast %broadcast_in_dim3A_1050 : vector<16xf32> to vector<1x16xf32>
    tpu.vector_store %arg18[%swap3A_1052, %swap3A_1053], %swap3A_1056 {strides = array<i32>} : memref<128x16xf32, #tpu.memory_space<vmem>>, vector<1x16xf32>,
    %broadcast_in_dim3A_1057 = arith.constant 1.000000e+00 : f32
    %broadcast_in_dim3A_1058 = vector.broadcast %broadcast_in_dim3A_1057 : f32 to vector<16xf32>
    %swap3A_1059 = arith.constant 116 : i32
    %swap3A_1060 = arith.index_cast %swap3A_1059 : i32 to index
    %swap3A_1061 = arith.constant 0 : index
    %swap3A_1062 = tpu.vector_load %arg18[%swap3A_1060, %swap3A_1061] {strides = array<i32>} : memref<128x16xf32, #tpu.memory_space<vmem>>, vector<1x16xf32>,
    %swap3A_1063 = vector.shape_cast %swap3A_1062 : vector<1x16xf32> to vector<16xf32>
    %swap3A_1064 = vector.shape_cast %broadcast_in_dim3A_1058 : vector<16xf32> to vector<1x16xf32>
    tpu.vector_store %arg18[%swap3A_1060, %swap3A_1061], %swap3A_1064 {strides = array<i32>} : memref<128x16xf32, #tpu.memory_space<vmem>>, vector<1x16xf32>,
    %broadcast_in_dim3A_1065 = arith.constant 1.000000e+00 : f32
    %broadcast_in_dim3A_1066 = vector.broadcast %broadcast_in_dim3A_1065 : f32 to vector<16xf32>
    %swap3A_1067 = arith.constant 117 : i32
    %swap3A_1068 = arith.index_cast %swap3A_1067 : i32 to index
    %swap3A_1069 = arith.constant 0 : index
    %swap3A_1070 = tpu.vector_load %arg18[%swap3A_1068, %swap3A_1069] {strides = array<i32>} : memref<128x16xf32, #tpu.memory_space<vmem>>, vector<1x16xf32>,
    %swap3A_1071 = vector.shape_cast %swap3A_1070 : vector<1x16xf32> to vector<16xf32>
    %swap3A_1072 = vector.shape_cast %broadcast_in_dim3A_1066 : vector<16xf32> to vector<1x16xf32>
    tpu.vector_store %arg18[%swap3A_1068, %swap3A_1069], %swap3A_1072 {strides = array<i32>} : memref<128x16xf32, #tpu.memory_space<vmem>>, vector<1x16xf32>,
    %broadcast_in_dim3A_1073 = arith.constant 1.000000e+00 : f32
    %broadcast_in_dim3A_1074 = vector.broadcast %broadcast_in_dim3A_1073 : f32 to vector<16xf32>
    %swap3A_1075 = arith.constant 118 : i32
    %swap3A_1076 = arith.index_cast %swap3A_1075 : i32 to index
    %swap3A_1077 = arith.constant 0 : index
    %swap3A_1078 = tpu.vector_load %arg18[%swap3A_1076, %swap3A_1077] {strides = array<i32>} : memref<128x16xf32, #tpu.memory_space<vmem>>, vector<1x16xf32>,
    %swap3A_1079 = vector.shape_cast %swap3A_1078 : vector<1x16xf32> to vector<16xf32>
    %swap3A_1080 = vector.shape_cast %broadcast_in_dim3A_1074 : vector<16xf32> to vector<1x16xf32>
    tpu.vector_store %arg18[%swap3A_1076, %swap3A_1077], %swap3A_1080 {strides = array<i32>} : memref<128x16xf32, #tpu.memory_space<vmem>>, vector<1x16xf32>,
    %broadcast_in_dim3A_1081 = arith.constant 1.000000e+00 : f32
    %broadcast_in_dim3A_1082 = vector.broadcast %broadcast_in_dim3A_1081 : f32 to vector<16xf32>
    %swap3A_1083 = arith.constant 119 : i32
    %swap3A_1084 = arith.index_cast %swap3A_1083 : i32 to index
    %swap3A_1085 = arith.constant 0 : index
    %swap3A_1086 = tpu.vector_load %arg18[%swap3A_1084, %swap3A_1085] {strides = array<i32>} : memref<128x16xf32, #tpu.memory_space<vmem>>, vector<1x16xf32>,
    %swap3A_1087 = vector.shape_cast %swap3A_1086 : vector<1x16xf32> to vector<16xf32>
    %swap3A_1088 = vector.shape_cast %broadcast_in_dim3A_1082 : vector<16xf32> to vector<1x16xf32>
    tpu.vector_store %arg18[%swap3A_1084, %swap3A_1085], %swap3A_1088 {strides = array<i32>} : memref<128x16xf32, #tpu.memory_space<vmem>>, vector<1x16xf32>,
    %broadcast_in_dim3A_1089 = arith.constant 1.000000e+00 : f32
    %broadcast_in_dim3A_1090 = vector.broadcast %broadcast_in_dim3A_1089 : f32 to vector<16xf32>
    %swap3A_1091 = arith.constant 120 : i32
    %swap3A_1092 = arith.index_cast %swap3A_1091 : i32 to index
    %swap3A_1093 = arith.constant 0 : index
    %swap3A_1094 = tpu.vector_load %arg18[%swap3A_1092, %swap3A_1093] {strides = array<i32>} : memref<128x16xf32, #tpu.memory_space<vmem>>, vector<1x16xf32>,
    %swap3A_1095 = vector.shape_cast %swap3A_1094 : vector<1x16xf32> to vector<16xf32>
    %swap3A_1096 = vector.shape_cast %broadcast_in_dim3A_1090 : vector<16xf32> to vector<1x16xf32>
    tpu.vector_store %arg18[%swap3A_1092, %swap3A_1093], %swap3A_1096 {strides = array<i32>} : memref<128x16xf32, #tpu.memory_space<vmem>>, vector<1x16xf32>,
    %broadcast_in_dim3A_1097 = arith.constant 1.000000e+00 : f32
    %broadcast_in_dim3A_1098 = vector.broadcast %broadcast_in_dim3A_1097 : f32 to vector<16xf32>
    %swap3A_1099 = arith.constant 121 : i32
    %swap3A_1100 = arith.index_cast %swap3A_1099 : i32 to index
    %swap3A_1101 = arith.constant 0 : index
    %swap3A_1102 = tpu.vector_load %arg18[%swap3A_1100, %swap3A_1101] {strides = array<i32>} : memref<128x16xf32, #tpu.memory_space<vmem>>, vector<1x16xf32>,
    %swap3A_1103 = vector.shape_cast %swap3A_1102 : vector<1x16xf32> to vector<16xf32>
    %swap3A_1104 = vector.shape_cast %broadcast_in_dim3A_1098 : vector<16xf32> to vector<1x16xf32>
    tpu.vector_store %arg18[%swap3A_1100, %swap3A_1101], %swap3A_1104 {strides = array<i32>} : memref<128x16xf32, #tpu.memory_space<vmem>>, vector<1x16xf32>,
    %broadcast_in_dim3A_1105 = arith.constant 1.000000e+00 : f32
    %broadcast_in_dim3A_1106 = vector.broadcast %broadcast_in_dim3A_1105 : f32 to vector<16xf32>
    %swap3A_1107 = arith.constant 122 : i32
    %swap3A_1108 = arith.index_cast %swap3A_1107 : i32 to index
    %swap3A_1109 = arith.constant 0 : index
    %swap3A_1110 = tpu.vector_load %arg18[%swap3A_1108, %swap3A_1109] {strides = array<i32>} : memref<128x16xf32, #tpu.memory_space<vmem>>, vector<1x16xf32>,
    %swap3A_1111 = vector.shape_cast %swap3A_1110 : vector<1x16xf32> to vector<16xf32>
    %swap3A_1112 = vector.shape_cast %broadcast_in_dim3A_1106 : vector<16xf32> to vector<1x16xf32>
    tpu.vector_store %arg18[%swap3A_1108, %swap3A_1109], %swap3A_1112 {strides = array<i32>} : memref<128x16xf32, #tpu.memory_space<vmem>>, vector<1x16xf32>,
    %broadcast_in_dim3A_1113 = arith.constant 1.000000e+00 : f32
    %broadcast_in_dim3A_1114 = vector.broadcast %broadcast_in_dim3A_1113 : f32 to vector<16xf32>
    %swap3A_1115 = arith.constant 123 : i32
    %swap3A_1116 = arith.index_cast %swap3A_1115 : i32 to index
    %swap3A_1117 = arith.constant 0 : index
    %swap3A_1118 = tpu.vector_load %arg18[%swap3A_1116, %swap3A_1117] {strides = array<i32>} : memref<128x16xf32, #tpu.memory_space<vmem>>, vector<1x16xf32>,
    %swap3A_1119 = vector.shape_cast %swap3A_1118 : vector<1x16xf32> to vector<16xf32>
    %swap3A_1120 = vector.shape_cast %broadcast_in_dim3A_1114 : vector<16xf32> to vector<1x16xf32>
    tpu.vector_store %arg18[%swap3A_1116, %swap3A_1117], %swap3A_1120 {strides = array<i32>} : memref<128x16xf32, #tpu.memory_space<vmem>>, vector<1x16xf32>,
    %broadcast_in_dim3A_1121 = arith.constant 1.000000e+00 : f32
    %broadcast_in_dim3A_1122 = vector.broadcast %broadcast_in_dim3A_1121 : f32 to vector<16xf32>
    %swap3A_1123 = arith.constant 124 : i32
    %swap3A_1124 = arith.index_cast %swap3A_1123 : i32 to index
    %swap3A_1125 = arith.constant 0 : index
    %swap3A_1126 = tpu.vector_load %arg18[%swap3A_1124, %swap3A_1125] {strides = array<i32>} : memref<128x16xf32, #tpu.memory_space<vmem>>, vector<1x16xf32>,
    %swap3A_1127 = vector.shape_cast %swap3A_1126 : vector<1x16xf32> to vector<16xf32>
    %swap3A_1128 = vector.shape_cast %broadcast_in_dim3A_1122 : vector<16xf32> to vector<1x16xf32>
    tpu.vector_store %arg18[%swap3A_1124, %swap3A_1125], %swap3A_1128 {strides = array<i32>} : memref<128x16xf32, #tpu.memory_space<vmem>>, vector<1x16xf32>,
    %broadcast_in_dim3A_1129 = arith.constant 1.000000e+00 : f32
    %broadcast_in_dim3A_1130 = vector.broadcast %broadcast_in_dim3A_1129 : f32 to vector<16xf32>
    %swap3A_1131 = arith.constant 125 : i32
    %swap3A_1132 = arith.index_cast %swap3A_1131 : i32 to index
    %swap3A_1133 = arith.constant 0 : index
    %swap3A_1134 = tpu.vector_load %arg18[%swap3A_1132, %swap3A_1133] {strides = array<i32>} : memref<128x16xf32, #tpu.memory_space<vmem>>, vector<1x16xf32>,
    %swap3A_1135 = vector.shape_cast %swap3A_1134 : vector<1x16xf32> to vector<16xf32>
    %swap3A_1136 = vector.shape_cast %broadcast_in_dim3A_1130 : vector<16xf32> to vector<1x16xf32>
    tpu.vector_store %arg18[%swap3A_1132, %swap3A_1133], %swap3A_1136 {strides = array<i32>} : memref<128x16xf32, #tpu.memory_space<vmem>>, vector<1x16xf32>,
    %broadcast_in_dim3A_1137 = arith.constant 1.000000e+00 : f32
    %broadcast_in_dim3A_1138 = vector.broadcast %broadcast_in_dim3A_1137 : f32 to vector<16xf32>
    %swap3A_1139 = arith.constant 126 : i32
    %swap3A_1140 = arith.index_cast %swap3A_1139 : i32 to index
    %swap3A_1141 = arith.constant 0 : index
    %swap3A_1142 = tpu.vector_load %arg18[%swap3A_1140, %swap3A_1141] {strides = array<i32>} : memref<128x16xf32, #tpu.memory_space<vmem>>, vector<1x16xf32>,
    %swap3A_1143 = vector.shape_cast %swap3A_1142 : vector<1x16xf32> to vector<16xf32>
    %swap3A_1144 = vector.shape_cast %broadcast_in_dim3A_1138 : vector<16xf32> to vector<1x16xf32>
    tpu.vector_store %arg18[%swap3A_1140, %swap3A_1141], %swap3A_1144 {strides = array<i32>} : memref<128x16xf32, #tpu.memory_space<vmem>>, vector<1x16xf32>,
    %broadcast_in_dim3A_1145 = arith.constant 1.000000e+00 : f32
    %broadcast_in_dim3A_1146 = vector.broadcast %broadcast_in_dim3A_1145 : f32 to vector<16xf32>
    %swap3A_1147 = arith.constant 127 : i32
    %swap3A_1148 = arith.index_cast %swap3A_1147 : i32 to index
    %swap3A_1149 = arith.constant 0 : index
    %swap3A_1150 = tpu.vector_load %arg18[%swap3A_1148, %swap3A_1149] {strides = array<i32>} : memref<128x16xf32, #tpu.memory_space<vmem>>, vector<1x16xf32>,
    %swap3A_1151 = vector.shape_cast %swap3A_1150 : vector<1x16xf32> to vector<16xf32>
    %swap3A_1152 = vector.shape_cast %broadcast_in_dim3A_1146 : vector<16xf32> to vector<1x16xf32>
    tpu.vector_store %arg18[%swap3A_1148, %swap3A_1149], %swap3A_1152 {strides = array<i32>} : memref<128x16xf32, #tpu.memory_space<vmem>>, vector<1x16xf32>,
    "tpu.region"() ({
      %run_scoped3A = tpu.sem_alloc : memref<!tpu.dma_semaphore, #tpu.memory_space<semaphore_mem>>
      %dma_start3A = arith.constant 0 : i32
      %dma_start3A_1165 = tpu.memref_slice %arg12[%mul3A_2, %dma_start3A] : memref<10240x128xf32, #tpu.memory_space<vmem_shared>> -> memref<640x128xf32, #tpu.memory_space<vmem_shared>>
      tpu.enqueue_dma source(%arg5 : memref<640x128xf32, #tpu.memory_space<hbm>>) target(%dma_start3A_1165 : memref<640x128xf32, #tpu.memory_space<vmem_shared>>) target_semaphore(%run_scoped3A : memref<!tpu.dma_semaphore, #tpu.memory_space<semaphore_mem>>)
      %dma_wait3A = arith.constant 0 : i32
      %dma_wait3A_1166 = tpu.memref_slice %arg12[%mul3A_2, %dma_wait3A] : memref<10240x128xf32, #tpu.memory_space<vmem_shared>> -> memref<640x128xf32, #tpu.memory_space<vmem_shared>>
      tpu.wait_dma2 semaphore(%run_scoped3A : memref<!tpu.dma_semaphore, #tpu.memory_space<semaphore_mem>>) src(%arg5 : memref<640x128xf32, #tpu.memory_space<hbm>>) dst(%dma_wait3A_1166 : memref<640x128xf32, #tpu.memory_space<vmem_shared>>)
      tpu.yield
    }) : () -> ()
    %scan3A = arith.constant 0 : i32
    %scan3A_1153 = arith.constant 0 : i32
    %scan3A_1154 = arith.constant 40 : i32
    %scan3A_1155 = arith.addi %scan3A_1153, %scan3A_1154 : i32
    %scan3A_1156 = arith.constant 1 : i32
    scf.for %scan3A_1165 = %scan3A_1153 to %scan3A_1155 step %scan3A_1156  : i32 {
      %mul3A_1166 = arith.constant 16 : i32
      %mul3A_1167 = arith.muli %scan3A_1165, %mul3A_1166 : i32
      %add3A_1168 = arith.addi %mul3A_2, %mul3A_1167 : i32
      "tpu.region"() ({
        %run_scoped3A = tpu.sem_alloc : memref<!tpu.dma_semaphore, #tpu.memory_space<semaphore_mem>>
        %dma_start3A = arith.constant 0 : i32
        %dma_start3A_1169 = tpu.memref_slice %arg20[%add3A_1168, %dma_start3A] : memref<10240x16xf32, #tpu.memory_space<vmem_shared>> -> memref<16x16xf32, #tpu.memory_space<vmem_shared>>
        %dma_start3A_1170 = arith.constant 0 : i32
        %dma_start3A_1171 = tpu.memref_slice %arg20[%add3A_1168, %dma_start3A_1170] : memref<10240x16xf32, #tpu.memory_space<vmem_shared>> -> memref<16x16xf32, #tpu.memory_space<vmem_shared>>
        tpu.enqueue_dma source(%arg19 : memref<16x16xf32, #tpu.memory_space<vmem>>) target(%dma_start3A_1171 : memref<16x16xf32, #tpu.memory_space<vmem_shared>>) target_semaphore(%run_scoped3A : memref<!tpu.dma_semaphore, #tpu.memory_space<semaphore_mem>>)
        %dma_wait3A = arith.constant 0 : i32
        %dma_wait3A_1172 = tpu.memref_slice %arg20[%add3A_1168, %dma_wait3A] : memref<10240x16xf32, #tpu.memory_space<vmem_shared>> -> memref<16x16xf32, #tpu.memory_space<vmem_shared>>
        %dma_wait3A_1173 = arith.constant 0 : i32
        %dma_wait3A_1174 = tpu.memref_slice %arg20[%add3A_1168, %dma_wait3A_1173] : memref<10240x16xf32, #tpu.memory_space<vmem_shared>> -> memref<16x16xf32, #tpu.memory_space<vmem_shared>>
        tpu.wait_dma2 semaphore(%run_scoped3A : memref<!tpu.dma_semaphore, #tpu.memory_space<semaphore_mem>>) src(%arg19 : memref<16x16xf32, #tpu.memory_space<vmem>>) dst(%dma_wait3A_1174 : memref<16x16xf32, #tpu.memory_space<vmem_shared>>)
        tpu.yield
      }) : () -> ()
    }
    %scan3A_1157 = arith.constant 40 : i32
    %barrier3A = arith.constant 0 : index
    tpu.barrier barrier_id(%barrier3A)
    %scan3A_1158 = arith.constant 0 : i32
    %scan3A_1159 = arith.constant 0 : i32
    %scan3A_1160 = arith.constant 10 : i32
    %scan3A_1161 = arith.addi %scan3A_1159, %scan3A_1160 : i32
    %scan3A_1162 = arith.constant 1 : i32
    scf.for %scan3A_1165 = %scan3A_1159 to %scan3A_1161 step %scan3A_1162  : i32 {
      "tpu.region"() ({
        %run_scoped3A_1395 = tpu.sem_alloc : memref<!tpu.dma_semaphore, #tpu.memory_space<semaphore_mem>>
        %dma_start3A_1396 = arith.constant 0 : i32
        %dma_start3A_1397 = arith.constant 0 : i32
        %dma_start3A_1398 = tpu.memref_slice %arg3[%add3A, %scan3A_1165, %dma_start3A_1396, %dma_start3A_1397] : memref<32x10x8x128xi32, #tpu.memory_space<hbm>> -> memref<1x1x8x128xi32, #tpu.memory_space<hbm>>
        %dma_start3A_1399 = tpu.memref_squeeze %dma_start3A_1398 : memref<1x1x8x128xi32, #tpu.memory_space<hbm>> -> memref<8x128xi32, #tpu.memory_space<hbm>>
        %dma_start3A_1400 = arith.constant 0 : i32
        %dma_start3A_1401 = arith.constant 0 : i32
        %dma_start3A_1402 = tpu.memref_slice %arg3[%add3A, %scan3A_1165, %dma_start3A_1400, %dma_start3A_1401] : memref<32x10x8x128xi32, #tpu.memory_space<hbm>> -> memref<1x1x8x128xi32, #tpu.memory_space<hbm>>
        %dma_start3A_1403 = tpu.memref_squeeze %dma_start3A_1402 : memref<1x1x8x128xi32, #tpu.memory_space<hbm>> -> memref<8x128xi32, #tpu.memory_space<hbm>>
        tpu.enqueue_dma source(%dma_start3A_1403 : memref<8x128xi32, #tpu.memory_space<hbm>>) target(%arg8 : memref<8x128xi32, #tpu.memory_space<vmem>>) target_semaphore(%run_scoped3A_1395 : memref<!tpu.dma_semaphore, #tpu.memory_space<semaphore_mem>>)
        %dma_wait3A_1404 = arith.constant 0 : i32
        %dma_wait3A_1405 = arith.constant 0 : i32
        %dma_wait3A_1406 = tpu.memref_slice %arg3[%add3A, %scan3A_1165, %dma_wait3A_1404, %dma_wait3A_1405] : memref<32x10x8x128xi32, #tpu.memory_space<hbm>> -> memref<1x1x8x128xi32, #tpu.memory_space<hbm>>
        %dma_wait3A_1407 = tpu.memref_squeeze %dma_wait3A_1406 : memref<1x1x8x128xi32, #tpu.memory_space<hbm>> -> memref<8x128xi32, #tpu.memory_space<hbm>>
        %dma_wait3A_1408 = arith.constant 0 : i32
        %dma_wait3A_1409 = arith.constant 0 : i32
        %dma_wait3A_1410 = tpu.memref_slice %arg3[%add3A, %scan3A_1165, %dma_wait3A_1408, %dma_wait3A_1409] : memref<32x10x8x128xi32, #tpu.memory_space<hbm>> -> memref<1x1x8x128xi32, #tpu.memory_space<hbm>>
        %dma_wait3A_1411 = tpu.memref_squeeze %dma_wait3A_1410 : memref<1x1x8x128xi32, #tpu.memory_space<hbm>> -> memref<8x128xi32, #tpu.memory_space<hbm>>
        tpu.wait_dma2 semaphore(%run_scoped3A_1395 : memref<!tpu.dma_semaphore, #tpu.memory_space<semaphore_mem>>) src(%dma_wait3A_1411 : memref<8x128xi32, #tpu.memory_space<hbm>>) dst(%arg8 : memref<8x128xi32, #tpu.memory_space<vmem>>)
        tpu.yield
      }) : () -> ()
      "tpu.region"() ({
        %run_scoped3A_1395 = tpu.sem_alloc : memref<!tpu.dma_semaphore, #tpu.memory_space<semaphore_mem>>
        %dma_start3A_1396 = arith.constant 0 : i32
        %dma_start3A_1397 = arith.constant 0 : i32
        %dma_start3A_1398 = tpu.memref_slice %arg4[%add3A, %scan3A_1165, %dma_start3A_1396, %dma_start3A_1397] : memref<32x10x8x128xi32, #tpu.memory_space<hbm>> -> memref<1x1x8x128xi32, #tpu.memory_space<hbm>>
        %dma_start3A_1399 = tpu.memref_squeeze %dma_start3A_1398 : memref<1x1x8x128xi32, #tpu.memory_space<hbm>> -> memref<8x128xi32, #tpu.memory_space<hbm>>
        %dma_start3A_1400 = arith.constant 0 : i32
        %dma_start3A_1401 = arith.constant 0 : i32
        %dma_start3A_1402 = tpu.memref_slice %arg4[%add3A, %scan3A_1165, %dma_start3A_1400, %dma_start3A_1401] : memref<32x10x8x128xi32, #tpu.memory_space<hbm>> -> memref<1x1x8x128xi32, #tpu.memory_space<hbm>>
        %dma_start3A_1403 = tpu.memref_squeeze %dma_start3A_1402 : memref<1x1x8x128xi32, #tpu.memory_space<hbm>> -> memref<8x128xi32, #tpu.memory_space<hbm>>
        tpu.enqueue_dma source(%dma_start3A_1403 : memref<8x128xi32, #tpu.memory_space<hbm>>) target(%arg9 : memref<8x128xi32, #tpu.memory_space<vmem>>) target_semaphore(%run_scoped3A_1395 : memref<!tpu.dma_semaphore, #tpu.memory_space<semaphore_mem>>)
        %dma_wait3A_1404 = arith.constant 0 : i32
        %dma_wait3A_1405 = arith.constant 0 : i32
        %dma_wait3A_1406 = tpu.memref_slice %arg4[%add3A, %scan3A_1165, %dma_wait3A_1404, %dma_wait3A_1405] : memref<32x10x8x128xi32, #tpu.memory_space<hbm>> -> memref<1x1x8x128xi32, #tpu.memory_space<hbm>>
        %dma_wait3A_1407 = tpu.memref_squeeze %dma_wait3A_1406 : memref<1x1x8x128xi32, #tpu.memory_space<hbm>> -> memref<8x128xi32, #tpu.memory_space<hbm>>
        %dma_wait3A_1408 = arith.constant 0 : i32
        %dma_wait3A_1409 = arith.constant 0 : i32
        %dma_wait3A_1410 = tpu.memref_slice %arg4[%add3A, %scan3A_1165, %dma_wait3A_1408, %dma_wait3A_1409] : memref<32x10x8x128xi32, #tpu.memory_space<hbm>> -> memref<1x1x8x128xi32, #tpu.memory_space<hbm>>
        %dma_wait3A_1411 = tpu.memref_squeeze %dma_wait3A_1410 : memref<1x1x8x128xi32, #tpu.memory_space<hbm>> -> memref<8x128xi32, #tpu.memory_space<hbm>>
        tpu.wait_dma2 semaphore(%run_scoped3A_1395 : memref<!tpu.dma_semaphore, #tpu.memory_space<semaphore_mem>>) src(%dma_wait3A_1411 : memref<8x128xi32, #tpu.memory_space<hbm>>) dst(%arg9 : memref<8x128xi32, #tpu.memory_space<vmem>>)
        tpu.yield
      }) : () -> ()
      %dma_start3A = arith.constant 0 : i32
      %dma_start3A_1166 = arith.constant 0 : i32
      %dma_start3A_1167 = tpu.memref_slice %arg8[%dma_start3A, %dma_start3A_1166] : memref<8x128xi32, #tpu.memory_space<vmem>> -> memref<1x128xi32, #tpu.memory_space<vmem>>
      %dma_start3A_1168 = tpu.memref_squeeze %dma_start3A_1167 : memref<1x128xi32, #tpu.memory_space<vmem>> -> memref<128xi32, #tpu.memory_space<vmem>>
      %dma_start3A_1169 = arith.constant 0 : i32
      %dma_start3A_1170 = arith.constant 0 : i32
      %dma_start3A_1171 = tpu.memref_slice %arg2[%dma_start3A_1169, %dma_start3A_1170] : memref<10000x128xf32, #tpu.memory_space<hbm>> -> memref<10000x128xf32, #tpu.memory_space<hbm>>
      tpu.enqueue_indirect_dma source(%dma_start3A_1171 : memref<10000x128xf32, #tpu.memory_space<hbm>>) target(%arg10 : memref<128x128xf32, #tpu.memory_space<vmem>>) offsets(%dma_start3A_1168 : memref<128xi32, #tpu.memory_space<vmem>>) semaphore(%arg13 : memref<!tpu.dma_semaphore, #tpu.memory_space<semaphore_mem>>)
      %dma_start3A_1172 = arith.constant 1 : i32
      %dma_start3A_1173 = arith.constant 0 : i32
      %dma_start3A_1174 = tpu.memref_slice %arg8[%dma_start3A_1172, %dma_start3A_1173] : memref<8x128xi32, #tpu.memory_space<vmem>> -> memref<1x128xi32, #tpu.memory_space<vmem>>
      %dma_start3A_1175 = tpu.memref_squeeze %dma_start3A_1174 : memref<1x128xi32, #tpu.memory_space<vmem>> -> memref<128xi32, #tpu.memory_space<vmem>>
      %dma_start3A_1176 = arith.constant 0 : i32
      %dma_start3A_1177 = arith.constant 0 : i32
      %dma_start3A_1178 = tpu.memref_slice %arg2[%dma_start3A_1176, %dma_start3A_1177] : memref<10000x128xf32, #tpu.memory_space<hbm>> -> memref<10000x128xf32, #tpu.memory_space<hbm>>
      tpu.enqueue_indirect_dma source(%dma_start3A_1178 : memref<10000x128xf32, #tpu.memory_space<hbm>>) target(%arg11 : memref<128x128xf32, #tpu.memory_space<vmem>>) offsets(%dma_start3A_1175 : memref<128xi32, #tpu.memory_space<vmem>>) semaphore(%arg14 : memref<!tpu.dma_semaphore, #tpu.memory_space<semaphore_mem>>)
      %dma_wait3A = arith.constant 0 : i32
      %dma_wait3A_1179 = arith.constant 0 : i32
      %dma_wait3A_1180 = tpu.memref_slice %arg8[%dma_wait3A, %dma_wait3A_1179] : memref<8x128xi32, #tpu.memory_space<vmem>> -> memref<1x128xi32, #tpu.memory_space<vmem>>
      %dma_wait3A_1181 = tpu.memref_squeeze %dma_wait3A_1180 : memref<1x128xi32, #tpu.memory_space<vmem>> -> memref<128xi32, #tpu.memory_space<vmem>>
      %dma_wait3A_1182 = arith.constant 0 : i32
      %dma_wait3A_1183 = arith.constant 0 : i32
      %dma_wait3A_1184 = tpu.memref_slice %arg2[%dma_wait3A_1182, %dma_wait3A_1183] : memref<10000x128xf32, #tpu.memory_space<hbm>> -> memref<10000x128xf32, #tpu.memory_space<hbm>>
      tpu.wait_indirect_dma semaphore(%arg13 : memref<!tpu.dma_semaphore, #tpu.memory_space<semaphore_mem>>) src(%dma_wait3A_1184 : memref<10000x128xf32, #tpu.memory_space<hbm>>) dst(%arg10 : memref<128x128xf32, #tpu.memory_space<vmem>>)
      %run_scoped3A = arith.constant 0 : i32
      "tpu.region"() ({
        %run_scoped3A_1395 = tpu.sem_alloc : memref<!tpu.dma_semaphore, #tpu.memory_space<semaphore_mem>>
        %dma_start3A_1396 = arith.constant 0 : i32
        %dma_start3A_1397 = tpu.memref_slice %arg9[%run_scoped3A, %dma_start3A_1396] : memref<8x128xi32, #tpu.memory_space<vmem>> -> memref<1x128xi32, #tpu.memory_space<vmem>>
        %dma_start3A_1398 = tpu.memref_squeeze %dma_start3A_1397 : memref<1x128xi32, #tpu.memory_space<vmem>> -> memref<128xi32, #tpu.memory_space<vmem>>
        %dma_start3A_1399 = arith.constant 0 : i32
        %dma_start3A_1400 = arith.constant 0 : i32
        %dma_start3A_1401 = tpu.memref_slice %arg12[%dma_start3A_1399, %dma_start3A_1400] : memref<10240x128xf32, #tpu.memory_space<vmem_shared>> -> memref<10240x128xf32, #tpu.memory_space<vmem_shared>>
        tpu.enqueue_indirect_dma source(%arg10 : memref<128x128xf32, #tpu.memory_space<vmem>>) target(%dma_start3A_1401 : memref<10240x128xf32, #tpu.memory_space<vmem_shared>>) offsets(%dma_start3A_1398 : memref<128xi32, #tpu.memory_space<vmem>>) semaphore(%run_scoped3A_1395 : memref<!tpu.dma_semaphore, #tpu.memory_space<semaphore_mem>>) {add = true}
        %dma_wait3A_1402 = arith.constant 0 : i32
        %dma_wait3A_1403 = tpu.memref_slice %arg9[%run_scoped3A, %dma_wait3A_1402] : memref<8x128xi32, #tpu.memory_space<vmem>> -> memref<1x128xi32, #tpu.memory_space<vmem>>
        %dma_wait3A_1404 = tpu.memref_squeeze %dma_wait3A_1403 : memref<1x128xi32, #tpu.memory_space<vmem>> -> memref<128xi32, #tpu.memory_space<vmem>>
        %dma_wait3A_1405 = arith.constant 0 : i32
        %dma_wait3A_1406 = arith.constant 0 : i32
        %dma_wait3A_1407 = tpu.memref_slice %arg12[%dma_wait3A_1405, %dma_wait3A_1406] : memref<10240x128xf32, #tpu.memory_space<vmem_shared>> -> memref<10240x128xf32, #tpu.memory_space<vmem_shared>>
        tpu.wait_indirect_dma semaphore(%run_scoped3A_1395 : memref<!tpu.dma_semaphore, #tpu.memory_space<semaphore_mem>>) src(%arg10 : memref<128x128xf32, #tpu.memory_space<vmem>>) dst(%dma_wait3A_1407 : memref<10240x128xf32, #tpu.memory_space<vmem_shared>>)
        tpu.yield
      }) : () -> ()
      %dma_start3A_1185 = arith.constant 0 : i32
      %dma_start3A_1186 = arith.constant 0 : i32
      %dma_start3A_1187 = tpu.memref_slice %arg9[%dma_start3A_1185, %dma_start3A_1186] : memref<8x128xi32, #tpu.memory_space<vmem>> -> memref<1x128xi32, #tpu.memory_space<vmem>>
      %dma_start3A_1188 = tpu.memref_squeeze %dma_start3A_1187 : memref<1x128xi32, #tpu.memory_space<vmem>> -> memref<128xi32, #tpu.memory_space<vmem>>
      %dma_start3A_1189 = arith.constant 0 : i32
      %dma_start3A_1190 = arith.constant 0 : i32
      %dma_start3A_1191 = tpu.memref_slice %arg20[%dma_start3A_1189, %dma_start3A_1190] : memref<10240x16xf32, #tpu.memory_space<vmem_shared>> -> memref<10240x16xf32, #tpu.memory_space<vmem_shared>>
      tpu.enqueue_indirect_dma source(%arg18 : memref<128x16xf32, #tpu.memory_space<vmem>>) target(%dma_start3A_1191 : memref<10240x16xf32, #tpu.memory_space<vmem_shared>>) offsets(%dma_start3A_1188 : memref<128xi32, #tpu.memory_space<vmem>>) semaphore(%arg17 : memref<!tpu.dma_semaphore, #tpu.memory_space<semaphore_mem>>) {add = true}
      %dma_start3A_1192 = arith.constant 2 : i32
      %dma_start3A_1193 = arith.constant 0 : i32
      %dma_start3A_1194 = tpu.memref_slice %arg8[%dma_start3A_1192, %dma_start3A_1193] : memref<8x128xi32, #tpu.memory_space<vmem>> -> memref<1x128xi32, #tpu.memory_space<vmem>>
      %dma_start3A_1195 = tpu.memref_squeeze %dma_start3A_1194 : memref<1x128xi32, #tpu.memory_space<vmem>> -> memref<128xi32, #tpu.memory_space<vmem>>
      %dma_start3A_1196 = arith.constant 0 : i32
      %dma_start3A_1197 = arith.constant 0 : i32
      %dma_start3A_1198 = tpu.memref_slice %arg2[%dma_start3A_1196, %dma_start3A_1197] : memref<10000x128xf32, #tpu.memory_space<hbm>> -> memref<10000x128xf32, #tpu.memory_space<hbm>>
      tpu.enqueue_indirect_dma source(%dma_start3A_1198 : memref<10000x128xf32, #tpu.memory_space<hbm>>) target(%arg10 : memref<128x128xf32, #tpu.memory_space<vmem>>) offsets(%dma_start3A_1195 : memref<128xi32, #tpu.memory_space<vmem>>) semaphore(%arg13 : memref<!tpu.dma_semaphore, #tpu.memory_space<semaphore_mem>>)
      %dma_wait3A_1199 = arith.constant 1 : i32
      %dma_wait3A_1200 = arith.constant 0 : i32
      %dma_wait3A_1201 = tpu.memref_slice %arg8[%dma_wait3A_1199, %dma_wait3A_1200] : memref<8x128xi32, #tpu.memory_space<vmem>> -> memref<1x128xi32, #tpu.memory_space<vmem>>
      %dma_wait3A_1202 = tpu.memref_squeeze %dma_wait3A_1201 : memref<1x128xi32, #tpu.memory_space<vmem>> -> memref<128xi32, #tpu.memory_space<vmem>>
      %dma_wait3A_1203 = arith.constant 0 : i32
      %dma_wait3A_1204 = arith.constant 0 : i32
      %dma_wait3A_1205 = tpu.memref_slice %arg2[%dma_wait3A_1203, %dma_wait3A_1204] : memref<10000x128xf32, #tpu.memory_space<hbm>> -> memref<10000x128xf32, #tpu.memory_space<hbm>>
      tpu.wait_indirect_dma semaphore(%arg14 : memref<!tpu.dma_semaphore, #tpu.memory_space<semaphore_mem>>) src(%dma_wait3A_1205 : memref<10000x128xf32, #tpu.memory_space<hbm>>) dst(%arg11 : memref<128x128xf32, #tpu.memory_space<vmem>>)
      %run_scoped3A_1206 = arith.constant 1 : i32
      "tpu.region"() ({
        %run_scoped3A_1395 = tpu.sem_alloc : memref<!tpu.dma_semaphore, #tpu.memory_space<semaphore_mem>>
        %dma_start3A_1396 = arith.constant 0 : i32
        %dma_start3A_1397 = tpu.memref_slice %arg9[%run_scoped3A_1206, %dma_start3A_1396] : memref<8x128xi32, #tpu.memory_space<vmem>> -> memref<1x128xi32, #tpu.memory_space<vmem>>
        %dma_start3A_1398 = tpu.memref_squeeze %dma_start3A_1397 : memref<1x128xi32, #tpu.memory_space<vmem>> -> memref<128xi32, #tpu.memory_space<vmem>>
        %dma_start3A_1399 = arith.constant 0 : i32
        %dma_start3A_1400 = arith.constant 0 : i32
        %dma_start3A_1401 = tpu.memref_slice %arg12[%dma_start3A_1399, %dma_start3A_1400] : memref<10240x128xf32, #tpu.memory_space<vmem_shared>> -> memref<10240x128xf32, #tpu.memory_space<vmem_shared>>
        tpu.enqueue_indirect_dma source(%arg11 : memref<128x128xf32, #tpu.memory_space<vmem>>) target(%dma_start3A_1401 : memref<10240x128xf32, #tpu.memory_space<vmem_shared>>) offsets(%dma_start3A_1398 : memref<128xi32, #tpu.memory_space<vmem>>) semaphore(%run_scoped3A_1395 : memref<!tpu.dma_semaphore, #tpu.memory_space<semaphore_mem>>) {add = true}
        %dma_wait3A_1402 = arith.constant 0 : i32
        %dma_wait3A_1403 = tpu.memref_slice %arg9[%run_scoped3A_1206, %dma_wait3A_1402] : memref<8x128xi32, #tpu.memory_space<vmem>> -> memref<1x128xi32, #tpu.memory_space<vmem>>
        %dma_wait3A_1404 = tpu.memref_squeeze %dma_wait3A_1403 : memref<1x128xi32, #tpu.memory_space<vmem>> -> memref<128xi32, #tpu.memory_space<vmem>>
        %dma_wait3A_1405 = arith.constant 0 : i32
        %dma_wait3A_1406 = arith.constant 0 : i32
        %dma_wait3A_1407 = tpu.memref_slice %arg12[%dma_wait3A_1405, %dma_wait3A_1406] : memref<10240x128xf32, #tpu.memory_space<vmem_shared>> -> memref<10240x128xf32, #tpu.memory_space<vmem_shared>>
        tpu.wait_indirect_dma semaphore(%run_scoped3A_1395 : memref<!tpu.dma_semaphore, #tpu.memory_space<semaphore_mem>>) src(%arg11 : memref<128x128xf32, #tpu.memory_space<vmem>>) dst(%dma_wait3A_1407 : memref<10240x128xf32, #tpu.memory_space<vmem_shared>>)
        tpu.yield
      }) : () -> ()
      %dma_wait3A_1207 = arith.constant 0 : i32
      %dma_wait3A_1208 = arith.constant 0 : i32
      %dma_wait3A_1209 = tpu.memref_slice %arg9[%dma_wait3A_1207, %dma_wait3A_1208] : memref<8x128xi32, #tpu.memory_space<vmem>> -> memref<1x128xi32, #tpu.memory_space<vmem>>
      %dma_wait3A_1210 = tpu.memref_squeeze %dma_wait3A_1209 : memref<1x128xi32, #tpu.memory_space<vmem>> -> memref<128xi32, #tpu.memory_space<vmem>>
      %dma_wait3A_1211 = arith.constant 0 : i32
      %dma_wait3A_1212 = arith.constant 0 : i32
      %dma_wait3A_1213 = tpu.memref_slice %arg20[%dma_wait3A_1211, %dma_wait3A_1212] : memref<10240x16xf32, #tpu.memory_space<vmem_shared>> -> memref<10240x16xf32, #tpu.memory_space<vmem_shared>>
      tpu.wait_indirect_dma semaphore(%arg17 : memref<!tpu.dma_semaphore, #tpu.memory_space<semaphore_mem>>) src(%arg18 : memref<128x16xf32, #tpu.memory_space<vmem>>) dst(%dma_wait3A_1213 : memref<10240x16xf32, #tpu.memory_space<vmem_shared>>)
      %dma_start3A_1214 = arith.constant 1 : i32
      %dma_start3A_1215 = arith.constant 0 : i32
      %dma_start3A_1216 = tpu.memref_slice %arg9[%dma_start3A_1214, %dma_start3A_1215] : memref<8x128xi32, #tpu.memory_space<vmem>> -> memref<1x128xi32, #tpu.memory_space<vmem>>
      %dma_start3A_1217 = tpu.memref_squeeze %dma_start3A_1216 : memref<1x128xi32, #tpu.memory_space<vmem>> -> memref<128xi32, #tpu.memory_space<vmem>>
      %dma_start3A_1218 = arith.constant 0 : i32
      %dma_start3A_1219 = arith.constant 0 : i32
      %dma_start3A_1220 = tpu.memref_slice %arg20[%dma_start3A_1218, %dma_start3A_1219] : memref<10240x16xf32, #tpu.memory_space<vmem_shared>> -> memref<10240x16xf32, #tpu.memory_space<vmem_shared>>
      tpu.enqueue_indirect_dma source(%arg18 : memref<128x16xf32, #tpu.memory_space<vmem>>) target(%dma_start3A_1220 : memref<10240x16xf32, #tpu.memory_space<vmem_shared>>) offsets(%dma_start3A_1217 : memref<128xi32, #tpu.memory_space<vmem>>) semaphore(%arg17 : memref<!tpu.dma_semaphore, #tpu.memory_space<semaphore_mem>>) {add = true}
      %dma_start3A_1221 = arith.constant 3 : i32
      %dma_start3A_1222 = arith.constant 0 : i32
      %dma_start3A_1223 = tpu.memref_slice %arg8[%dma_start3A_1221, %dma_start3A_1222] : memref<8x128xi32, #tpu.memory_space<vmem>> -> memref<1x128xi32, #tpu.memory_space<vmem>>
      %dma_start3A_1224 = tpu.memref_squeeze %dma_start3A_1223 : memref<1x128xi32, #tpu.memory_space<vmem>> -> memref<128xi32, #tpu.memory_space<vmem>>
      %dma_start3A_1225 = arith.constant 0 : i32
      %dma_start3A_1226 = arith.constant 0 : i32
      %dma_start3A_1227 = tpu.memref_slice %arg2[%dma_start3A_1225, %dma_start3A_1226] : memref<10000x128xf32, #tpu.memory_space<hbm>> -> memref<10000x128xf32, #tpu.memory_space<hbm>>
      tpu.enqueue_indirect_dma source(%dma_start3A_1227 : memref<10000x128xf32, #tpu.memory_space<hbm>>) target(%arg11 : memref<128x128xf32, #tpu.memory_space<vmem>>) offsets(%dma_start3A_1224 : memref<128xi32, #tpu.memory_space<vmem>>) semaphore(%arg14 : memref<!tpu.dma_semaphore, #tpu.memory_space<semaphore_mem>>)
      %dma_wait3A_1228 = arith.constant 2 : i32
      %dma_wait3A_1229 = arith.constant 0 : i32
      %dma_wait3A_1230 = tpu.memref_slice %arg8[%dma_wait3A_1228, %dma_wait3A_1229] : memref<8x128xi32, #tpu.memory_space<vmem>> -> memref<1x128xi32, #tpu.memory_space<vmem>>
      %dma_wait3A_1231 = tpu.memref_squeeze %dma_wait3A_1230 : memref<1x128xi32, #tpu.memory_space<vmem>> -> memref<128xi32, #tpu.memory_space<vmem>>
      %dma_wait3A_1232 = arith.constant 0 : i32
      %dma_wait3A_1233 = arith.constant 0 : i32
      %dma_wait3A_1234 = tpu.memref_slice %arg2[%dma_wait3A_1232, %dma_wait3A_1233] : memref<10000x128xf32, #tpu.memory_space<hbm>> -> memref<10000x128xf32, #tpu.memory_space<hbm>>
      tpu.wait_indirect_dma semaphore(%arg13 : memref<!tpu.dma_semaphore, #tpu.memory_space<semaphore_mem>>) src(%dma_wait3A_1234 : memref<10000x128xf32, #tpu.memory_space<hbm>>) dst(%arg10 : memref<128x128xf32, #tpu.memory_space<vmem>>)
      %run_scoped3A_1235 = arith.constant 2 : i32
      "tpu.region"() ({
        %run_scoped3A_1395 = tpu.sem_alloc : memref<!tpu.dma_semaphore, #tpu.memory_space<semaphore_mem>>
        %dma_start3A_1396 = arith.constant 0 : i32
        %dma_start3A_1397 = tpu.memref_slice %arg9[%run_scoped3A_1235, %dma_start3A_1396] : memref<8x128xi32, #tpu.memory_space<vmem>> -> memref<1x128xi32, #tpu.memory_space<vmem>>
        %dma_start3A_1398 = tpu.memref_squeeze %dma_start3A_1397 : memref<1x128xi32, #tpu.memory_space<vmem>> -> memref<128xi32, #tpu.memory_space<vmem>>
        %dma_start3A_1399 = arith.constant 0 : i32
        %dma_start3A_1400 = arith.constant 0 : i32
        %dma_start3A_1401 = tpu.memref_slice %arg12[%dma_start3A_1399, %dma_start3A_1400] : memref<10240x128xf32, #tpu.memory_space<vmem_shared>> -> memref<10240x128xf32, #tpu.memory_space<vmem_shared>>
        tpu.enqueue_indirect_dma source(%arg10 : memref<128x128xf32, #tpu.memory_space<vmem>>) target(%dma_start3A_1401 : memref<10240x128xf32, #tpu.memory_space<vmem_shared>>) offsets(%dma_start3A_1398 : memref<128xi32, #tpu.memory_space<vmem>>) semaphore(%run_scoped3A_1395 : memref<!tpu.dma_semaphore, #tpu.memory_space<semaphore_mem>>) {add = true}
        %dma_wait3A_1402 = arith.constant 0 : i32
        %dma_wait3A_1403 = tpu.memref_slice %arg9[%run_scoped3A_1235, %dma_wait3A_1402] : memref<8x128xi32, #tpu.memory_space<vmem>> -> memref<1x128xi32, #tpu.memory_space<vmem>>
        %dma_wait3A_1404 = tpu.memref_squeeze %dma_wait3A_1403 : memref<1x128xi32, #tpu.memory_space<vmem>> -> memref<128xi32, #tpu.memory_space<vmem>>
        %dma_wait3A_1405 = arith.constant 0 : i32
        %dma_wait3A_1406 = arith.constant 0 : i32
        %dma_wait3A_1407 = tpu.memref_slice %arg12[%dma_wait3A_1405, %dma_wait3A_1406] : memref<10240x128xf32, #tpu.memory_space<vmem_shared>> -> memref<10240x128xf32, #tpu.memory_space<vmem_shared>>
        tpu.wait_indirect_dma semaphore(%run_scoped3A_1395 : memref<!tpu.dma_semaphore, #tpu.memory_space<semaphore_mem>>) src(%arg10 : memref<128x128xf32, #tpu.memory_space<vmem>>) dst(%dma_wait3A_1407 : memref<10240x128xf32, #tpu.memory_space<vmem_shared>>)
        tpu.yield
      }) : () -> ()
      %dma_wait3A_1236 = arith.constant 1 : i32
      %dma_wait3A_1237 = arith.constant 0 : i32
      %dma_wait3A_1238 = tpu.memref_slice %arg9[%dma_wait3A_1236, %dma_wait3A_1237] : memref<8x128xi32, #tpu.memory_space<vmem>> -> memref<1x128xi32, #tpu.memory_space<vmem>>
      %dma_wait3A_1239 = tpu.memref_squeeze %dma_wait3A_1238 : memref<1x128xi32, #tpu.memory_space<vmem>> -> memref<128xi32, #tpu.memory_space<vmem>>
      %dma_wait3A_1240 = arith.constant 0 : i32
      %dma_wait3A_1241 = arith.constant 0 : i32
      %dma_wait3A_1242 = tpu.memref_slice %arg20[%dma_wait3A_1240, %dma_wait3A_1241] : memref<10240x16xf32, #tpu.memory_space<vmem_shared>> -> memref<10240x16xf32, #tpu.memory_space<vmem_shared>>
      tpu.wait_indirect_dma semaphore(%arg17 : memref<!tpu.dma_semaphore, #tpu.memory_space<semaphore_mem>>) src(%arg18 : memref<128x16xf32, #tpu.memory_space<vmem>>) dst(%dma_wait3A_1242 : memref<10240x16xf32, #tpu.memory_space<vmem_shared>>)
      %dma_start3A_1243 = arith.constant 2 : i32
      %dma_start3A_1244 = arith.constant 0 : i32
      %dma_start3A_1245 = tpu.memref_slice %arg9[%dma_start3A_1243, %dma_start3A_1244] : memref<8x128xi32, #tpu.memory_space<vmem>> -> memref<1x128xi32, #tpu.memory_space<vmem>>
      %dma_start3A_1246 = tpu.memref_squeeze %dma_start3A_1245 : memref<1x128xi32, #tpu.memory_space<vmem>> -> memref<128xi32, #tpu.memory_space<vmem>>
      %dma_start3A_1247 = arith.constant 0 : i32
      %dma_start3A_1248 = arith.constant 0 : i32
      %dma_start3A_1249 = tpu.memref_slice %arg20[%dma_start3A_1247, %dma_start3A_1248] : memref<10240x16xf32, #tpu.memory_space<vmem_shared>> -> memref<10240x16xf32, #tpu.memory_space<vmem_shared>>
      tpu.enqueue_indirect_dma source(%arg18 : memref<128x16xf32, #tpu.memory_space<vmem>>) target(%dma_start3A_1249 : memref<10240x16xf32, #tpu.memory_space<vmem_shared>>) offsets(%dma_start3A_1246 : memref<128xi32, #tpu.memory_space<vmem>>) semaphore(%arg17 : memref<!tpu.dma_semaphore, #tpu.memory_space<semaphore_mem>>) {add = true}
      %dma_start3A_1250 = arith.constant 4 : i32
      %dma_start3A_1251 = arith.constant 0 : i32
      %dma_start3A_1252 = tpu.memref_slice %arg8[%dma_start3A_1250, %dma_start3A_1251] : memref<8x128xi32, #tpu.memory_space<vmem>> -> memref<1x128xi32, #tpu.memory_space<vmem>>
      %dma_start3A_1253 = tpu.memref_squeeze %dma_start3A_1252 : memref<1x128xi32, #tpu.memory_space<vmem>> -> memref<128xi32, #tpu.memory_space<vmem>>
      %dma_start3A_1254 = arith.constant 0 : i32
      %dma_start3A_1255 = arith.constant 0 : i32
      %dma_start3A_1256 = tpu.memref_slice %arg2[%dma_start3A_1254, %dma_start3A_1255] : memref<10000x128xf32, #tpu.memory_space<hbm>> -> memref<10000x128xf32, #tpu.memory_space<hbm>>
      tpu.enqueue_indirect_dma source(%dma_start3A_1256 : memref<10000x128xf32, #tpu.memory_space<hbm>>) target(%arg10 : memref<128x128xf32, #tpu.memory_space<vmem>>) offsets(%dma_start3A_1253 : memref<128xi32, #tpu.memory_space<vmem>>) semaphore(%arg13 : memref<!tpu.dma_semaphore, #tpu.memory_space<semaphore_mem>>)
      %dma_wait3A_1257 = arith.constant 3 : i32
      %dma_wait3A_1258 = arith.constant 0 : i32
      %dma_wait3A_1259 = tpu.memref_slice %arg8[%dma_wait3A_1257, %dma_wait3A_1258] : memref<8x128xi32, #tpu.memory_space<vmem>> -> memref<1x128xi32, #tpu.memory_space<vmem>>
      %dma_wait3A_1260 = tpu.memref_squeeze %dma_wait3A_1259 : memref<1x128xi32, #tpu.memory_space<vmem>> -> memref<128xi32, #tpu.memory_space<vmem>>
      %dma_wait3A_1261 = arith.constant 0 : i32
      %dma_wait3A_1262 = arith.constant 0 : i32
      %dma_wait3A_1263 = tpu.memref_slice %arg2[%dma_wait3A_1261, %dma_wait3A_1262] : memref<10000x128xf32, #tpu.memory_space<hbm>> -> memref<10000x128xf32, #tpu.memory_space<hbm>>
      tpu.wait_indirect_dma semaphore(%arg14 : memref<!tpu.dma_semaphore, #tpu.memory_space<semaphore_mem>>) src(%dma_wait3A_1263 : memref<10000x128xf32, #tpu.memory_space<hbm>>) dst(%arg11 : memref<128x128xf32, #tpu.memory_space<vmem>>)
      %run_scoped3A_1264 = arith.constant 3 : i32
      "tpu.region"() ({
        %run_scoped3A_1395 = tpu.sem_alloc : memref<!tpu.dma_semaphore, #tpu.memory_space<semaphore_mem>>
        %dma_start3A_1396 = arith.constant 0 : i32
        %dma_start3A_1397 = tpu.memref_slice %arg9[%run_scoped3A_1264, %dma_start3A_1396] : memref<8x128xi32, #tpu.memory_space<vmem>> -> memref<1x128xi32, #tpu.memory_space<vmem>>
        %dma_start3A_1398 = tpu.memref_squeeze %dma_start3A_1397 : memref<1x128xi32, #tpu.memory_space<vmem>> -> memref<128xi32, #tpu.memory_space<vmem>>
        %dma_start3A_1399 = arith.constant 0 : i32
        %dma_start3A_1400 = arith.constant 0 : i32
        %dma_start3A_1401 = tpu.memref_slice %arg12[%dma_start3A_1399, %dma_start3A_1400] : memref<10240x128xf32, #tpu.memory_space<vmem_shared>> -> memref<10240x128xf32, #tpu.memory_space<vmem_shared>>
        tpu.enqueue_indirect_dma source(%arg11 : memref<128x128xf32, #tpu.memory_space<vmem>>) target(%dma_start3A_1401 : memref<10240x128xf32, #tpu.memory_space<vmem_shared>>) offsets(%dma_start3A_1398 : memref<128xi32, #tpu.memory_space<vmem>>) semaphore(%run_scoped3A_1395 : memref<!tpu.dma_semaphore, #tpu.memory_space<semaphore_mem>>) {add = true}
        %dma_wait3A_1402 = arith.constant 0 : i32
        %dma_wait3A_1403 = tpu.memref_slice %arg9[%run_scoped3A_1264, %dma_wait3A_1402] : memref<8x128xi32, #tpu.memory_space<vmem>> -> memref<1x128xi32, #tpu.memory_space<vmem>>
        %dma_wait3A_1404 = tpu.memref_squeeze %dma_wait3A_1403 : memref<1x128xi32, #tpu.memory_space<vmem>> -> memref<128xi32, #tpu.memory_space<vmem>>
        %dma_wait3A_1405 = arith.constant 0 : i32
        %dma_wait3A_1406 = arith.constant 0 : i32
        %dma_wait3A_1407 = tpu.memref_slice %arg12[%dma_wait3A_1405, %dma_wait3A_1406] : memref<10240x128xf32, #tpu.memory_space<vmem_shared>> -> memref<10240x128xf32, #tpu.memory_space<vmem_shared>>
        tpu.wait_indirect_dma semaphore(%run_scoped3A_1395 : memref<!tpu.dma_semaphore, #tpu.memory_space<semaphore_mem>>) src(%arg11 : memref<128x128xf32, #tpu.memory_space<vmem>>) dst(%dma_wait3A_1407 : memref<10240x128xf32, #tpu.memory_space<vmem_shared>>)
        tpu.yield
      }) : () -> ()
      %dma_wait3A_1265 = arith.constant 2 : i32
      %dma_wait3A_1266 = arith.constant 0 : i32
      %dma_wait3A_1267 = tpu.memref_slice %arg9[%dma_wait3A_1265, %dma_wait3A_1266] : memref<8x128xi32, #tpu.memory_space<vmem>> -> memref<1x128xi32, #tpu.memory_space<vmem>>
      %dma_wait3A_1268 = tpu.memref_squeeze %dma_wait3A_1267 : memref<1x128xi32, #tpu.memory_space<vmem>> -> memref<128xi32, #tpu.memory_space<vmem>>
      %dma_wait3A_1269 = arith.constant 0 : i32
      %dma_wait3A_1270 = arith.constant 0 : i32
      %dma_wait3A_1271 = tpu.memref_slice %arg20[%dma_wait3A_1269, %dma_wait3A_1270] : memref<10240x16xf32, #tpu.memory_space<vmem_shared>> -> memref<10240x16xf32, #tpu.memory_space<vmem_shared>>
      tpu.wait_indirect_dma semaphore(%arg17 : memref<!tpu.dma_semaphore, #tpu.memory_space<semaphore_mem>>) src(%arg18 : memref<128x16xf32, #tpu.memory_space<vmem>>) dst(%dma_wait3A_1271 : memref<10240x16xf32, #tpu.memory_space<vmem_shared>>)
      %dma_start3A_1272 = arith.constant 3 : i32
      %dma_start3A_1273 = arith.constant 0 : i32
      %dma_start3A_1274 = tpu.memref_slice %arg9[%dma_start3A_1272, %dma_start3A_1273] : memref<8x128xi32, #tpu.memory_space<vmem>> -> memref<1x128xi32, #tpu.memory_space<vmem>>
      %dma_start3A_1275 = tpu.memref_squeeze %dma_start3A_1274 : memref<1x128xi32, #tpu.memory_space<vmem>> -> memref<128xi32, #tpu.memory_space<vmem>>
      %dma_start3A_1276 = arith.constant 0 : i32
      %dma_start3A_1277 = arith.constant 0 : i32
      %dma_start3A_1278 = tpu.memref_slice %arg20[%dma_start3A_1276, %dma_start3A_1277] : memref<10240x16xf32, #tpu.memory_space<vmem_shared>> -> memref<10240x16xf32, #tpu.memory_space<vmem_shared>>
      tpu.enqueue_indirect_dma source(%arg18 : memref<128x16xf32, #tpu.memory_space<vmem>>) target(%dma_start3A_1278 : memref<10240x16xf32, #tpu.memory_space<vmem_shared>>) offsets(%dma_start3A_1275 : memref<128xi32, #tpu.memory_space<vmem>>) semaphore(%arg17 : memref<!tpu.dma_semaphore, #tpu.memory_space<semaphore_mem>>) {add = true}
      %dma_start3A_1279 = arith.constant 5 : i32
      %dma_start3A_1280 = arith.constant 0 : i32
      %dma_start3A_1281 = tpu.memref_slice %arg8[%dma_start3A_1279, %dma_start3A_1280] : memref<8x128xi32, #tpu.memory_space<vmem>> -> memref<1x128xi32, #tpu.memory_space<vmem>>
      %dma_start3A_1282 = tpu.memref_squeeze %dma_start3A_1281 : memref<1x128xi32, #tpu.memory_space<vmem>> -> memref<128xi32, #tpu.memory_space<vmem>>
      %dma_start3A_1283 = arith.constant 0 : i32
      %dma_start3A_1284 = arith.constant 0 : i32
      %dma_start3A_1285 = tpu.memref_slice %arg2[%dma_start3A_1283, %dma_start3A_1284] : memref<10000x128xf32, #tpu.memory_space<hbm>> -> memref<10000x128xf32, #tpu.memory_space<hbm>>
      tpu.enqueue_indirect_dma source(%dma_start3A_1285 : memref<10000x128xf32, #tpu.memory_space<hbm>>) target(%arg11 : memref<128x128xf32, #tpu.memory_space<vmem>>) offsets(%dma_start3A_1282 : memref<128xi32, #tpu.memory_space<vmem>>) semaphore(%arg14 : memref<!tpu.dma_semaphore, #tpu.memory_space<semaphore_mem>>)
      %dma_wait3A_1286 = arith.constant 4 : i32
      %dma_wait3A_1287 = arith.constant 0 : i32
      %dma_wait3A_1288 = tpu.memref_slice %arg8[%dma_wait3A_1286, %dma_wait3A_1287] : memref<8x128xi32, #tpu.memory_space<vmem>> -> memref<1x128xi32, #tpu.memory_space<vmem>>
      %dma_wait3A_1289 = tpu.memref_squeeze %dma_wait3A_1288 : memref<1x128xi32, #tpu.memory_space<vmem>> -> memref<128xi32, #tpu.memory_space<vmem>>
      %dma_wait3A_1290 = arith.constant 0 : i32
      %dma_wait3A_1291 = arith.constant 0 : i32
      %dma_wait3A_1292 = tpu.memref_slice %arg2[%dma_wait3A_1290, %dma_wait3A_1291] : memref<10000x128xf32, #tpu.memory_space<hbm>> -> memref<10000x128xf32, #tpu.memory_space<hbm>>
      tpu.wait_indirect_dma semaphore(%arg13 : memref<!tpu.dma_semaphore, #tpu.memory_space<semaphore_mem>>) src(%dma_wait3A_1292 : memref<10000x128xf32, #tpu.memory_space<hbm>>) dst(%arg10 : memref<128x128xf32, #tpu.memory_space<vmem>>)
      %run_scoped3A_1293 = arith.constant 4 : i32
      "tpu.region"() ({
        %run_scoped3A_1395 = tpu.sem_alloc : memref<!tpu.dma_semaphore, #tpu.memory_space<semaphore_mem>>
        %dma_start3A_1396 = arith.constant 0 : i32
        %dma_start3A_1397 = tpu.memref_slice %arg9[%run_scoped3A_1293, %dma_start3A_1396] : memref<8x128xi32, #tpu.memory_space<vmem>> -> memref<1x128xi32, #tpu.memory_space<vmem>>
        %dma_start3A_1398 = tpu.memref_squeeze %dma_start3A_1397 : memref<1x128xi32, #tpu.memory_space<vmem>> -> memref<128xi32, #tpu.memory_space<vmem>>
        %dma_start3A_1399 = arith.constant 0 : i32
        %dma_start3A_1400 = arith.constant 0 : i32
        %dma_start3A_1401 = tpu.memref_slice %arg12[%dma_start3A_1399, %dma_start3A_1400] : memref<10240x128xf32, #tpu.memory_space<vmem_shared>> -> memref<10240x128xf32, #tpu.memory_space<vmem_shared>>
        tpu.enqueue_indirect_dma source(%arg10 : memref<128x128xf32, #tpu.memory_space<vmem>>) target(%dma_start3A_1401 : memref<10240x128xf32, #tpu.memory_space<vmem_shared>>) offsets(%dma_start3A_1398 : memref<128xi32, #tpu.memory_space<vmem>>) semaphore(%run_scoped3A_1395 : memref<!tpu.dma_semaphore, #tpu.memory_space<semaphore_mem>>) {add = true}
        %dma_wait3A_1402 = arith.constant 0 : i32
        %dma_wait3A_1403 = tpu.memref_slice %arg9[%run_scoped3A_1293, %dma_wait3A_1402] : memref<8x128xi32, #tpu.memory_space<vmem>> -> memref<1x128xi32, #tpu.memory_space<vmem>>
        %dma_wait3A_1404 = tpu.memref_squeeze %dma_wait3A_1403 : memref<1x128xi32, #tpu.memory_space<vmem>> -> memref<128xi32, #tpu.memory_space<vmem>>
        %dma_wait3A_1405 = arith.constant 0 : i32
        %dma_wait3A_1406 = arith.constant 0 : i32
        %dma_wait3A_1407 = tpu.memref_slice %arg12[%dma_wait3A_1405, %dma_wait3A_1406] : memref<10240x128xf32, #tpu.memory_space<vmem_shared>> -> memref<10240x128xf32, #tpu.memory_space<vmem_shared>>
        tpu.wait_indirect_dma semaphore(%run_scoped3A_1395 : memref<!tpu.dma_semaphore, #tpu.memory_space<semaphore_mem>>) src(%arg10 : memref<128x128xf32, #tpu.memory_space<vmem>>) dst(%dma_wait3A_1407 : memref<10240x128xf32, #tpu.memory_space<vmem_shared>>)
        tpu.yield
      }) : () -> ()
      %dma_wait3A_1294 = arith.constant 3 : i32
      %dma_wait3A_1295 = arith.constant 0 : i32
      %dma_wait3A_1296 = tpu.memref_slice %arg9[%dma_wait3A_1294, %dma_wait3A_1295] : memref<8x128xi32, #tpu.memory_space<vmem>> -> memref<1x128xi32, #tpu.memory_space<vmem>>
      %dma_wait3A_1297 = tpu.memref_squeeze %dma_wait3A_1296 : memref<1x128xi32, #tpu.memory_space<vmem>> -> memref<128xi32, #tpu.memory_space<vmem>>
      %dma_wait3A_1298 = arith.constant 0 : i32
      %dma_wait3A_1299 = arith.constant 0 : i32
      %dma_wait3A_1300 = tpu.memref_slice %arg20[%dma_wait3A_1298, %dma_wait3A_1299] : memref<10240x16xf32, #tpu.memory_space<vmem_shared>> -> memref<10240x16xf32, #tpu.memory_space<vmem_shared>>
      tpu.wait_indirect_dma semaphore(%arg17 : memref<!tpu.dma_semaphore, #tpu.memory_space<semaphore_mem>>) src(%arg18 : memref<128x16xf32, #tpu.memory_space<vmem>>) dst(%dma_wait3A_1300 : memref<10240x16xf32, #tpu.memory_space<vmem_shared>>)
      %dma_start3A_1301 = arith.constant 4 : i32
      %dma_start3A_1302 = arith.constant 0 : i32
      %dma_start3A_1303 = tpu.memref_slice %arg9[%dma_start3A_1301, %dma_start3A_1302] : memref<8x128xi32, #tpu.memory_space<vmem>> -> memref<1x128xi32, #tpu.memory_space<vmem>>
      %dma_start3A_1304 = tpu.memref_squeeze %dma_start3A_1303 : memref<1x128xi32, #tpu.memory_space<vmem>> -> memref<128xi32, #tpu.memory_space<vmem>>
      %dma_start3A_1305 = arith.constant 0 : i32
      %dma_start3A_1306 = arith.constant 0 : i32
      %dma_start3A_1307 = tpu.memref_slice %arg20[%dma_start3A_1305, %dma_start3A_1306] : memref<10240x16xf32, #tpu.memory_space<vmem_shared>> -> memref<10240x16xf32, #tpu.memory_space<vmem_shared>>
      tpu.enqueue_indirect_dma source(%arg18 : memref<128x16xf32, #tpu.memory_space<vmem>>) target(%dma_start3A_1307 : memref<10240x16xf32, #tpu.memory_space<vmem_shared>>) offsets(%dma_start3A_1304 : memref<128xi32, #tpu.memory_space<vmem>>) semaphore(%arg17 : memref<!tpu.dma_semaphore, #tpu.memory_space<semaphore_mem>>) {add = true}
      %dma_start3A_1308 = arith.constant 6 : i32
      %dma_start3A_1309 = arith.constant 0 : i32
      %dma_start3A_1310 = tpu.memref_slice %arg8[%dma_start3A_1308, %dma_start3A_1309] : memref<8x128xi32, #tpu.memory_space<vmem>> -> memref<1x128xi32, #tpu.memory_space<vmem>>
      %dma_start3A_1311 = tpu.memref_squeeze %dma_start3A_1310 : memref<1x128xi32, #tpu.memory_space<vmem>> -> memref<128xi32, #tpu.memory_space<vmem>>
      %dma_start3A_1312 = arith.constant 0 : i32
      %dma_start3A_1313 = arith.constant 0 : i32
      %dma_start3A_1314 = tpu.memref_slice %arg2[%dma_start3A_1312, %dma_start3A_1313] : memref<10000x128xf32, #tpu.memory_space<hbm>> -> memref<10000x128xf32, #tpu.memory_space<hbm>>
      tpu.enqueue_indirect_dma source(%dma_start3A_1314 : memref<10000x128xf32, #tpu.memory_space<hbm>>) target(%arg10 : memref<128x128xf32, #tpu.memory_space<vmem>>) offsets(%dma_start3A_1311 : memref<128xi32, #tpu.memory_space<vmem>>) semaphore(%arg13 : memref<!tpu.dma_semaphore, #tpu.memory_space<semaphore_mem>>)
      %dma_wait3A_1315 = arith.constant 5 : i32
      %dma_wait3A_1316 = arith.constant 0 : i32
      %dma_wait3A_1317 = tpu.memref_slice %arg8[%dma_wait3A_1315, %dma_wait3A_1316] : memref<8x128xi32, #tpu.memory_space<vmem>> -> memref<1x128xi32, #tpu.memory_space<vmem>>
      %dma_wait3A_1318 = tpu.memref_squeeze %dma_wait3A_1317 : memref<1x128xi32, #tpu.memory_space<vmem>> -> memref<128xi32, #tpu.memory_space<vmem>>
      %dma_wait3A_1319 = arith.constant 0 : i32
      %dma_wait3A_1320 = arith.constant 0 : i32
      %dma_wait3A_1321 = tpu.memref_slice %arg2[%dma_wait3A_1319, %dma_wait3A_1320] : memref<10000x128xf32, #tpu.memory_space<hbm>> -> memref<10000x128xf32, #tpu.memory_space<hbm>>
      tpu.wait_indirect_dma semaphore(%arg14 : memref<!tpu.dma_semaphore, #tpu.memory_space<semaphore_mem>>) src(%dma_wait3A_1321 : memref<10000x128xf32, #tpu.memory_space<hbm>>) dst(%arg11 : memref<128x128xf32, #tpu.memory_space<vmem>>)
      %run_scoped3A_1322 = arith.constant 5 : i32
      "tpu.region"() ({
        %run_scoped3A_1395 = tpu.sem_alloc : memref<!tpu.dma_semaphore, #tpu.memory_space<semaphore_mem>>
        %dma_start3A_1396 = arith.constant 0 : i32
        %dma_start3A_1397 = tpu.memref_slice %arg9[%run_scoped3A_1322, %dma_start3A_1396] : memref<8x128xi32, #tpu.memory_space<vmem>> -> memref<1x128xi32, #tpu.memory_space<vmem>>
        %dma_start3A_1398 = tpu.memref_squeeze %dma_start3A_1397 : memref<1x128xi32, #tpu.memory_space<vmem>> -> memref<128xi32, #tpu.memory_space<vmem>>
        %dma_start3A_1399 = arith.constant 0 : i32
        %dma_start3A_1400 = arith.constant 0 : i32
        %dma_start3A_1401 = tpu.memref_slice %arg12[%dma_start3A_1399, %dma_start3A_1400] : memref<10240x128xf32, #tpu.memory_space<vmem_shared>> -> memref<10240x128xf32, #tpu.memory_space<vmem_shared>>
        tpu.enqueue_indirect_dma source(%arg11 : memref<128x128xf32, #tpu.memory_space<vmem>>) target(%dma_start3A_1401 : memref<10240x128xf32, #tpu.memory_space<vmem_shared>>) offsets(%dma_start3A_1398 : memref<128xi32, #tpu.memory_space<vmem>>) semaphore(%run_scoped3A_1395 : memref<!tpu.dma_semaphore, #tpu.memory_space<semaphore_mem>>) {add = true}
        %dma_wait3A_1402 = arith.constant 0 : i32
        %dma_wait3A_1403 = tpu.memref_slice %arg9[%run_scoped3A_1322, %dma_wait3A_1402] : memref<8x128xi32, #tpu.memory_space<vmem>> -> memref<1x128xi32, #tpu.memory_space<vmem>>
        %dma_wait3A_1404 = tpu.memref_squeeze %dma_wait3A_1403 : memref<1x128xi32, #tpu.memory_space<vmem>> -> memref<128xi32, #tpu.memory_space<vmem>>
        %dma_wait3A_1405 = arith.constant 0 : i32
        %dma_wait3A_1406 = arith.constant 0 : i32
        %dma_wait3A_1407 = tpu.memref_slice %arg12[%dma_wait3A_1405, %dma_wait3A_1406] : memref<10240x128xf32, #tpu.memory_space<vmem_shared>> -> memref<10240x128xf32, #tpu.memory_space<vmem_shared>>
        tpu.wait_indirect_dma semaphore(%run_scoped3A_1395 : memref<!tpu.dma_semaphore, #tpu.memory_space<semaphore_mem>>) src(%arg11 : memref<128x128xf32, #tpu.memory_space<vmem>>) dst(%dma_wait3A_1407 : memref<10240x128xf32, #tpu.memory_space<vmem_shared>>)
        tpu.yield
      }) : () -> ()
      %dma_wait3A_1323 = arith.constant 4 : i32
      %dma_wait3A_1324 = arith.constant 0 : i32
      %dma_wait3A_1325 = tpu.memref_slice %arg9[%dma_wait3A_1323, %dma_wait3A_1324] : memref<8x128xi32, #tpu.memory_space<vmem>> -> memref<1x128xi32, #tpu.memory_space<vmem>>
      %dma_wait3A_1326 = tpu.memref_squeeze %dma_wait3A_1325 : memref<1x128xi32, #tpu.memory_space<vmem>> -> memref<128xi32, #tpu.memory_space<vmem>>
      %dma_wait3A_1327 = arith.constant 0 : i32
      %dma_wait3A_1328 = arith.constant 0 : i32
      %dma_wait3A_1329 = tpu.memref_slice %arg20[%dma_wait3A_1327, %dma_wait3A_1328] : memref<10240x16xf32, #tpu.memory_space<vmem_shared>> -> memref<10240x16xf32, #tpu.memory_space<vmem_shared>>
      tpu.wait_indirect_dma semaphore(%arg17 : memref<!tpu.dma_semaphore, #tpu.memory_space<semaphore_mem>>) src(%arg18 : memref<128x16xf32, #tpu.memory_space<vmem>>) dst(%dma_wait3A_1329 : memref<10240x16xf32, #tpu.memory_space<vmem_shared>>)
      %dma_start3A_1330 = arith.constant 5 : i32
      %dma_start3A_1331 = arith.constant 0 : i32
      %dma_start3A_1332 = tpu.memref_slice %arg9[%dma_start3A_1330, %dma_start3A_1331] : memref<8x128xi32, #tpu.memory_space<vmem>> -> memref<1x128xi32, #tpu.memory_space<vmem>>
      %dma_start3A_1333 = tpu.memref_squeeze %dma_start3A_1332 : memref<1x128xi32, #tpu.memory_space<vmem>> -> memref<128xi32, #tpu.memory_space<vmem>>
      %dma_start3A_1334 = arith.constant 0 : i32
      %dma_start3A_1335 = arith.constant 0 : i32
      %dma_start3A_1336 = tpu.memref_slice %arg20[%dma_start3A_1334, %dma_start3A_1335] : memref<10240x16xf32, #tpu.memory_space<vmem_shared>> -> memref<10240x16xf32, #tpu.memory_space<vmem_shared>>
      tpu.enqueue_indirect_dma source(%arg18 : memref<128x16xf32, #tpu.memory_space<vmem>>) target(%dma_start3A_1336 : memref<10240x16xf32, #tpu.memory_space<vmem_shared>>) offsets(%dma_start3A_1333 : memref<128xi32, #tpu.memory_space<vmem>>) semaphore(%arg17 : memref<!tpu.dma_semaphore, #tpu.memory_space<semaphore_mem>>) {add = true}
      %dma_start3A_1337 = arith.constant 7 : i32
      %dma_start3A_1338 = arith.constant 0 : i32
      %dma_start3A_1339 = tpu.memref_slice %arg8[%dma_start3A_1337, %dma_start3A_1338] : memref<8x128xi32, #tpu.memory_space<vmem>> -> memref<1x128xi32, #tpu.memory_space<vmem>>
      %dma_start3A_1340 = tpu.memref_squeeze %dma_start3A_1339 : memref<1x128xi32, #tpu.memory_space<vmem>> -> memref<128xi32, #tpu.memory_space<vmem>>
      %dma_start3A_1341 = arith.constant 0 : i32
      %dma_start3A_1342 = arith.constant 0 : i32
      %dma_start3A_1343 = tpu.memref_slice %arg2[%dma_start3A_1341, %dma_start3A_1342] : memref<10000x128xf32, #tpu.memory_space<hbm>> -> memref<10000x128xf32, #tpu.memory_space<hbm>>
      tpu.enqueue_indirect_dma source(%dma_start3A_1343 : memref<10000x128xf32, #tpu.memory_space<hbm>>) target(%arg11 : memref<128x128xf32, #tpu.memory_space<vmem>>) offsets(%dma_start3A_1340 : memref<128xi32, #tpu.memory_space<vmem>>) semaphore(%arg14 : memref<!tpu.dma_semaphore, #tpu.memory_space<semaphore_mem>>)
      %dma_wait3A_1344 = arith.constant 6 : i32
      %dma_wait3A_1345 = arith.constant 0 : i32
      %dma_wait3A_1346 = tpu.memref_slice %arg8[%dma_wait3A_1344, %dma_wait3A_1345] : memref<8x128xi32, #tpu.memory_space<vmem>> -> memref<1x128xi32, #tpu.memory_space<vmem>>
      %dma_wait3A_1347 = tpu.memref_squeeze %dma_wait3A_1346 : memref<1x128xi32, #tpu.memory_space<vmem>> -> memref<128xi32, #tpu.memory_space<vmem>>
      %dma_wait3A_1348 = arith.constant 0 : i32
      %dma_wait3A_1349 = arith.constant 0 : i32
      %dma_wait3A_1350 = tpu.memref_slice %arg2[%dma_wait3A_1348, %dma_wait3A_1349] : memref<10000x128xf32, #tpu.memory_space<hbm>> -> memref<10000x128xf32, #tpu.memory_space<hbm>>
      tpu.wait_indirect_dma semaphore(%arg13 : memref<!tpu.dma_semaphore, #tpu.memory_space<semaphore_mem>>) src(%dma_wait3A_1350 : memref<10000x128xf32, #tpu.memory_space<hbm>>) dst(%arg10 : memref<128x128xf32, #tpu.memory_space<vmem>>)
      %run_scoped3A_1351 = arith.constant 6 : i32
      "tpu.region"() ({
        %run_scoped3A_1395 = tpu.sem_alloc : memref<!tpu.dma_semaphore, #tpu.memory_space<semaphore_mem>>
        %dma_start3A_1396 = arith.constant 0 : i32
        %dma_start3A_1397 = tpu.memref_slice %arg9[%run_scoped3A_1351, %dma_start3A_1396] : memref<8x128xi32, #tpu.memory_space<vmem>> -> memref<1x128xi32, #tpu.memory_space<vmem>>
        %dma_start3A_1398 = tpu.memref_squeeze %dma_start3A_1397 : memref<1x128xi32, #tpu.memory_space<vmem>> -> memref<128xi32, #tpu.memory_space<vmem>>
        %dma_start3A_1399 = arith.constant 0 : i32
        %dma_start3A_1400 = arith.constant 0 : i32
        %dma_start3A_1401 = tpu.memref_slice %arg12[%dma_start3A_1399, %dma_start3A_1400] : memref<10240x128xf32, #tpu.memory_space<vmem_shared>> -> memref<10240x128xf32, #tpu.memory_space<vmem_shared>>
        tpu.enqueue_indirect_dma source(%arg10 : memref<128x128xf32, #tpu.memory_space<vmem>>) target(%dma_start3A_1401 : memref<10240x128xf32, #tpu.memory_space<vmem_shared>>) offsets(%dma_start3A_1398 : memref<128xi32, #tpu.memory_space<vmem>>) semaphore(%run_scoped3A_1395 : memref<!tpu.dma_semaphore, #tpu.memory_space<semaphore_mem>>) {add = true}
        %dma_wait3A_1402 = arith.constant 0 : i32
        %dma_wait3A_1403 = tpu.memref_slice %arg9[%run_scoped3A_1351, %dma_wait3A_1402] : memref<8x128xi32, #tpu.memory_space<vmem>> -> memref<1x128xi32, #tpu.memory_space<vmem>>
        %dma_wait3A_1404 = tpu.memref_squeeze %dma_wait3A_1403 : memref<1x128xi32, #tpu.memory_space<vmem>> -> memref<128xi32, #tpu.memory_space<vmem>>
        %dma_wait3A_1405 = arith.constant 0 : i32
        %dma_wait3A_1406 = arith.constant 0 : i32
        %dma_wait3A_1407 = tpu.memref_slice %arg12[%dma_wait3A_1405, %dma_wait3A_1406] : memref<10240x128xf32, #tpu.memory_space<vmem_shared>> -> memref<10240x128xf32, #tpu.memory_space<vmem_shared>>
        tpu.wait_indirect_dma semaphore(%run_scoped3A_1395 : memref<!tpu.dma_semaphore, #tpu.memory_space<semaphore_mem>>) src(%arg10 : memref<128x128xf32, #tpu.memory_space<vmem>>) dst(%dma_wait3A_1407 : memref<10240x128xf32, #tpu.memory_space<vmem_shared>>)
        tpu.yield
      }) : () -> ()
      %dma_wait3A_1352 = arith.constant 5 : i32
      %dma_wait3A_1353 = arith.constant 0 : i32
      %dma_wait3A_1354 = tpu.memref_slice %arg9[%dma_wait3A_1352, %dma_wait3A_1353] : memref<8x128xi32, #tpu.memory_space<vmem>> -> memref<1x128xi32, #tpu.memory_space<vmem>>
      %dma_wait3A_1355 = tpu.memref_squeeze %dma_wait3A_1354 : memref<1x128xi32, #tpu.memory_space<vmem>> -> memref<128xi32, #tpu.memory_space<vmem>>
      %dma_wait3A_1356 = arith.constant 0 : i32
      %dma_wait3A_1357 = arith.constant 0 : i32
      %dma_wait3A_1358 = tpu.memref_slice %arg20[%dma_wait3A_1356, %dma_wait3A_1357] : memref<10240x16xf32, #tpu.memory_space<vmem_shared>> -> memref<10240x16xf32, #tpu.memory_space<vmem_shared>>
      tpu.wait_indirect_dma semaphore(%arg17 : memref<!tpu.dma_semaphore, #tpu.memory_space<semaphore_mem>>) src(%arg18 : memref<128x16xf32, #tpu.memory_space<vmem>>) dst(%dma_wait3A_1358 : memref<10240x16xf32, #tpu.memory_space<vmem_shared>>)
      %dma_start3A_1359 = arith.constant 6 : i32
      %dma_start3A_1360 = arith.constant 0 : i32
      %dma_start3A_1361 = tpu.memref_slice %arg9[%dma_start3A_1359, %dma_start3A_1360] : memref<8x128xi32, #tpu.memory_space<vmem>> -> memref<1x128xi32, #tpu.memory_space<vmem>>
      %dma_start3A_1362 = tpu.memref_squeeze %dma_start3A_1361 : memref<1x128xi32, #tpu.memory_space<vmem>> -> memref<128xi32, #tpu.memory_space<vmem>>
      %dma_start3A_1363 = arith.constant 0 : i32
      %dma_start3A_1364 = arith.constant 0 : i32
      %dma_start3A_1365 = tpu.memref_slice %arg20[%dma_start3A_1363, %dma_start3A_1364] : memref<10240x16xf32, #tpu.memory_space<vmem_shared>> -> memref<10240x16xf32, #tpu.memory_space<vmem_shared>>
      tpu.enqueue_indirect_dma source(%arg18 : memref<128x16xf32, #tpu.memory_space<vmem>>) target(%dma_start3A_1365 : memref<10240x16xf32, #tpu.memory_space<vmem_shared>>) offsets(%dma_start3A_1362 : memref<128xi32, #tpu.memory_space<vmem>>) semaphore(%arg17 : memref<!tpu.dma_semaphore, #tpu.memory_space<semaphore_mem>>) {add = true}
      %dma_wait3A_1366 = arith.constant 7 : i32
      %dma_wait3A_1367 = arith.constant 0 : i32
      %dma_wait3A_1368 = tpu.memref_slice %arg8[%dma_wait3A_1366, %dma_wait3A_1367] : memref<8x128xi32, #tpu.memory_space<vmem>> -> memref<1x128xi32, #tpu.memory_space<vmem>>
      %dma_wait3A_1369 = tpu.memref_squeeze %dma_wait3A_1368 : memref<1x128xi32, #tpu.memory_space<vmem>> -> memref<128xi32, #tpu.memory_space<vmem>>
      %dma_wait3A_1370 = arith.constant 0 : i32
      %dma_wait3A_1371 = arith.constant 0 : i32
      %dma_wait3A_1372 = tpu.memref_slice %arg2[%dma_wait3A_1370, %dma_wait3A_1371] : memref<10000x128xf32, #tpu.memory_space<hbm>> -> memref<10000x128xf32, #tpu.memory_space<hbm>>
      tpu.wait_indirect_dma semaphore(%arg14 : memref<!tpu.dma_semaphore, #tpu.memory_space<semaphore_mem>>) src(%dma_wait3A_1372 : memref<10000x128xf32, #tpu.memory_space<hbm>>) dst(%arg11 : memref<128x128xf32, #tpu.memory_space<vmem>>)
      %run_scoped3A_1373 = arith.constant 7 : i32
      "tpu.region"() ({
        %run_scoped3A_1395 = tpu.sem_alloc : memref<!tpu.dma_semaphore, #tpu.memory_space<semaphore_mem>>
        %dma_start3A_1396 = arith.constant 0 : i32
        %dma_start3A_1397 = tpu.memref_slice %arg9[%run_scoped3A_1373, %dma_start3A_1396] : memref<8x128xi32, #tpu.memory_space<vmem>> -> memref<1x128xi32, #tpu.memory_space<vmem>>
        %dma_start3A_1398 = tpu.memref_squeeze %dma_start3A_1397 : memref<1x128xi32, #tpu.memory_space<vmem>> -> memref<128xi32, #tpu.memory_space<vmem>>
        %dma_start3A_1399 = arith.constant 0 : i32
        %dma_start3A_1400 = arith.constant 0 : i32
        %dma_start3A_1401 = tpu.memref_slice %arg12[%dma_start3A_1399, %dma_start3A_1400] : memref<10240x128xf32, #tpu.memory_space<vmem_shared>> -> memref<10240x128xf32, #tpu.memory_space<vmem_shared>>
        tpu.enqueue_indirect_dma source(%arg11 : memref<128x128xf32, #tpu.memory_space<vmem>>) target(%dma_start3A_1401 : memref<10240x128xf32, #tpu.memory_space<vmem_shared>>) offsets(%dma_start3A_1398 : memref<128xi32, #tpu.memory_space<vmem>>) semaphore(%run_scoped3A_1395 : memref<!tpu.dma_semaphore, #tpu.memory_space<semaphore_mem>>) {add = true}
        %dma_wait3A_1402 = arith.constant 0 : i32
        %dma_wait3A_1403 = tpu.memref_slice %arg9[%run_scoped3A_1373, %dma_wait3A_1402] : memref<8x128xi32, #tpu.memory_space<vmem>> -> memref<1x128xi32, #tpu.memory_space<vmem>>
        %dma_wait3A_1404 = tpu.memref_squeeze %dma_wait3A_1403 : memref<1x128xi32, #tpu.memory_space<vmem>> -> memref<128xi32, #tpu.memory_space<vmem>>
        %dma_wait3A_1405 = arith.constant 0 : i32
        %dma_wait3A_1406 = arith.constant 0 : i32
        %dma_wait3A_1407 = tpu.memref_slice %arg12[%dma_wait3A_1405, %dma_wait3A_1406] : memref<10240x128xf32, #tpu.memory_space<vmem_shared>> -> memref<10240x128xf32, #tpu.memory_space<vmem_shared>>
        tpu.wait_indirect_dma semaphore(%run_scoped3A_1395 : memref<!tpu.dma_semaphore, #tpu.memory_space<semaphore_mem>>) src(%arg11 : memref<128x128xf32, #tpu.memory_space<vmem>>) dst(%dma_wait3A_1407 : memref<10240x128xf32, #tpu.memory_space<vmem_shared>>)
        tpu.yield
      }) : () -> ()
      %dma_wait3A_1374 = arith.constant 6 : i32
      %dma_wait3A_1375 = arith.constant 0 : i32
      %dma_wait3A_1376 = tpu.memref_slice %arg9[%dma_wait3A_1374, %dma_wait3A_1375] : memref<8x128xi32, #tpu.memory_space<vmem>> -> memref<1x128xi32, #tpu.memory_space<vmem>>
      %dma_wait3A_1377 = tpu.memref_squeeze %dma_wait3A_1376 : memref<1x128xi32, #tpu.memory_space<vmem>> -> memref<128xi32, #tpu.memory_space<vmem>>
      %dma_wait3A_1378 = arith.constant 0 : i32
      %dma_wait3A_1379 = arith.constant 0 : i32
      %dma_wait3A_1380 = tpu.memref_slice %arg20[%dma_wait3A_1378, %dma_wait3A_1379] : memref<10240x16xf32, #tpu.memory_space<vmem_shared>> -> memref<10240x16xf32, #tpu.memory_space<vmem_shared>>
      tpu.wait_indirect_dma semaphore(%arg17 : memref<!tpu.dma_semaphore, #tpu.memory_space<semaphore_mem>>) src(%arg18 : memref<128x16xf32, #tpu.memory_space<vmem>>) dst(%dma_wait3A_1380 : memref<10240x16xf32, #tpu.memory_space<vmem_shared>>)
      %dma_start3A_1381 = arith.constant 7 : i32
      %dma_start3A_1382 = arith.constant 0 : i32
      %dma_start3A_1383 = tpu.memref_slice %arg9[%dma_start3A_1381, %dma_start3A_1382] : memref<8x128xi32, #tpu.memory_space<vmem>> -> memref<1x128xi32, #tpu.memory_space<vmem>>
      %dma_start3A_1384 = tpu.memref_squeeze %dma_start3A_1383 : memref<1x128xi32, #tpu.memory_space<vmem>> -> memref<128xi32, #tpu.memory_space<vmem>>
      %dma_start3A_1385 = arith.constant 0 : i32
      %dma_start3A_1386 = arith.constant 0 : i32
      %dma_start3A_1387 = tpu.memref_slice %arg20[%dma_start3A_1385, %dma_start3A_1386] : memref<10240x16xf32, #tpu.memory_space<vmem_shared>> -> memref<10240x16xf32, #tpu.memory_space<vmem_shared>>
      tpu.enqueue_indirect_dma source(%arg18 : memref<128x16xf32, #tpu.memory_space<vmem>>) target(%dma_start3A_1387 : memref<10240x16xf32, #tpu.memory_space<vmem_shared>>) offsets(%dma_start3A_1384 : memref<128xi32, #tpu.memory_space<vmem>>) semaphore(%arg17 : memref<!tpu.dma_semaphore, #tpu.memory_space<semaphore_mem>>) {add = true}
      %dma_wait3A_1388 = arith.constant 7 : i32
      %dma_wait3A_1389 = arith.constant 0 : i32
      %dma_wait3A_1390 = tpu.memref_slice %arg9[%dma_wait3A_1388, %dma_wait3A_1389] : memref<8x128xi32, #tpu.memory_space<vmem>> -> memref<1x128xi32, #tpu.memory_space<vmem>>
      %dma_wait3A_1391 = tpu.memref_squeeze %dma_wait3A_1390 : memref<1x128xi32, #tpu.memory_space<vmem>> -> memref<128xi32, #tpu.memory_space<vmem>>
      %dma_wait3A_1392 = arith.constant 0 : i32
      %dma_wait3A_1393 = arith.constant 0 : i32
      %dma_wait3A_1394 = tpu.memref_slice %arg20[%dma_wait3A_1392, %dma_wait3A_1393] : memref<10240x16xf32, #tpu.memory_space<vmem_shared>> -> memref<10240x16xf32, #tpu.memory_space<vmem_shared>>
      tpu.wait_indirect_dma semaphore(%arg17 : memref<!tpu.dma_semaphore, #tpu.memory_space<semaphore_mem>>) src(%arg18 : memref<128x16xf32, #tpu.memory_space<vmem>>) dst(%dma_wait3A_1394 : memref<10240x16xf32, #tpu.memory_space<vmem_shared>>)
    }
    %scan3A_1163 = arith.constant 10 : i32
    %barrier3A_1164 = arith.constant 0 : index
    tpu.barrier barrier_id(%barrier3A_1164)
    "tpu.region"() ({
      %run_scoped3A = tpu.sem_alloc : memref<!tpu.dma_semaphore, #tpu.memory_space<semaphore_mem>>
      %dma_start3A = arith.constant 0 : i32
      %dma_start3A_1165 = tpu.memref_slice %arg6[%arg0, %mul3A_2, %dma_start3A] : memref<2x10240x128xf32, #tpu.memory_space<hbm>> -> memref<1x640x128xf32, #tpu.memory_space<hbm>>
      %dma_start3A_1166 = tpu.memref_squeeze %dma_start3A_1165 : memref<1x640x128xf32, #tpu.memory_space<hbm>> -> memref<640x128xf32, #tpu.memory_space<hbm>>
      %dma_start3A_1167 = arith.constant 0 : i32
      %dma_start3A_1168 = tpu.memref_slice %arg12[%mul3A_2, %dma_start3A_1167] : memref<10240x128xf32, #tpu.memory_space<vmem_shared>> -> memref<640x128xf32, #tpu.memory_space<vmem_shared>>
      tpu.enqueue_dma source(%dma_start3A_1168 : memref<640x128xf32, #tpu.memory_space<vmem_shared>>) target(%dma_start3A_1166 : memref<640x128xf32, #tpu.memory_space<hbm>>) target_semaphore(%run_scoped3A : memref<!tpu.dma_semaphore, #tpu.memory_space<semaphore_mem>>)
      %dma_wait3A = arith.constant 0 : i32
      %dma_wait3A_1169 = tpu.memref_slice %arg6[%arg0, %mul3A_2, %dma_wait3A] : memref<2x10240x128xf32, #tpu.memory_space<hbm>> -> memref<1x640x128xf32, #tpu.memory_space<hbm>>
      %dma_wait3A_1170 = tpu.memref_squeeze %dma_wait3A_1169 : memref<1x640x128xf32, #tpu.memory_space<hbm>> -> memref<640x128xf32, #tpu.memory_space<hbm>>
      %dma_wait3A_1171 = arith.constant 0 : i32
      %dma_wait3A_1172 = tpu.memref_slice %arg12[%mul3A_2, %dma_wait3A_1171] : memref<10240x128xf32, #tpu.memory_space<vmem_shared>> -> memref<640x128xf32, #tpu.memory_space<vmem_shared>>
      tpu.wait_dma2 semaphore(%run_scoped3A : memref<!tpu.dma_semaphore, #tpu.memory_space<semaphore_mem>>) src(%dma_wait3A_1172 : memref<640x128xf32, #tpu.memory_space<vmem_shared>>) dst(%dma_wait3A_1170 : memref<640x128xf32, #tpu.memory_space<hbm>>)
      tpu.yield
    }) : () -> ()
    "tpu.region"() ({
      %run_scoped3A = tpu.sem_alloc : memref<!tpu.dma_semaphore, #tpu.memory_space<semaphore_mem>>
      %dma_start3A = arith.constant 0 : i32
      %dma_start3A_1165 = tpu.memref_slice %arg7[%arg0, %mul3A_2, %dma_start3A] : memref<2x10240x16xf32, #tpu.memory_space<hbm>> -> memref<1x640x16xf32, #tpu.memory_space<hbm>>
      %dma_start3A_1166 = tpu.memref_squeeze %dma_start3A_1165 : memref<1x640x16xf32, #tpu.memory_space<hbm>> -> memref<640x16xf32, #tpu.memory_space<hbm>>
      %dma_start3A_1167 = arith.constant 0 : i32
      %dma_start3A_1168 = tpu.memref_slice %arg20[%mul3A_2, %dma_start3A_1167] : memref<10240x16xf32, #tpu.memory_space<vmem_shared>> -> memref<640x16xf32, #tpu.memory_space<vmem_shared>>
      tpu.enqueue_dma source(%dma_start3A_1168 : memref<640x16xf32, #tpu.memory_space<vmem_shared>>) target(%dma_start3A_1166 : memref<640x16xf32, #tpu.memory_space<hbm>>) target_semaphore(%run_scoped3A : memref<!tpu.dma_semaphore, #tpu.memory_space<semaphore_mem>>)
      %dma_wait3A = arith.constant 0 : i32
      %dma_wait3A_1169 = tpu.memref_slice %arg7[%arg0, %mul3A_2, %dma_wait3A] : memref<2x10240x16xf32, #tpu.memory_space<hbm>> -> memref<1x640x16xf32, #tpu.memory_space<hbm>>
      %dma_wait3A_1170 = tpu.memref_squeeze %dma_wait3A_1169 : memref<1x640x16xf32, #tpu.memory_space<hbm>> -> memref<640x16xf32, #tpu.memory_space<hbm>>
      %dma_wait3A_1171 = arith.constant 0 : i32
      %dma_wait3A_1172 = tpu.memref_slice %arg20[%mul3A_2, %dma_wait3A_1171] : memref<10240x16xf32, #tpu.memory_space<vmem_shared>> -> memref<640x16xf32, #tpu.memory_space<vmem_shared>>
      tpu.wait_dma2 semaphore(%run_scoped3A : memref<!tpu.dma_semaphore, #tpu.memory_space<semaphore_mem>>) src(%dma_wait3A_1172 : memref<640x16xf32, #tpu.memory_space<vmem_shared>>) dst(%dma_wait3A_1170 : memref<640x16xf32, #tpu.memory_space<hbm>>)
      tpu.yield
    }) : () -> ()
    return
  }
}

module attributes {stable_mosaic.version = 14 : i64} {
  func.func @_enc_body(%arg0: i32, %arg1: memref<2x640x128xf32, #tpu.memory_space<vmem>>, %arg2: memref<2x640x16xf32, #tpu.memory_space<vmem>>, %arg3: memref<128x512xf32, #tpu.memory_space<vmem>>, %arg4: memref<512x64xf32, #tpu.memory_space<vmem>>, %arg5: memref<640x64xf32, #tpu.memory_space<vmem>>) attributes {dimension_semantics = [#tpu.dimension_semantics<arbitrary>], iteration_bounds = array<i64: 16>, scalar_prefetch = 0 : i64, scratch_operands = 0 : i64, tpu.core_type = #tpu.core_type<tc>, window_params = [{transform_indices = @transform_0, window_bounds = array<i64: 2, 640, 128>}, {transform_indices = @transform_1, window_bounds = array<i64: 2, 640, 16>}, {pipeline_mode = #tpu.pipeline_mode<synchronous>, transform_indices = @transform_2, window_bounds = array<i64: 128, 512>}, {pipeline_mode = #tpu.pipeline_mode<synchronous>, transform_indices = @transform_3, window_bounds = array<i64: 512, 64>}, {transform_indices = @transform_4, window_bounds = array<i64: 640, 64>}]} {
    %get3A = arith.constant 0 : index
    %get3A_0 = arith.constant 0 : index
    %get3A_1 = arith.constant 0 : index
    %get3A_2 = vector.load %arg2[%get3A, %get3A_0, %get3A_1] : memref<2x640x16xf32, #tpu.memory_space<vmem>>, vector<1x640x1xf32>
    %get3A_3 = vector.shape_cast %get3A_2 : vector<1x640x1xf32> to vector<640x1xf32>
    %get3A_4 = arith.constant 1 : index
    %get3A_5 = arith.constant 0 : index
    %get3A_6 = arith.constant 0 : index
    %get3A_7 = vector.load %arg2[%get3A_4, %get3A_5, %get3A_6] : memref<2x640x16xf32, #tpu.memory_space<vmem>>, vector<1x640x1xf32>
    %get3A_8 = vector.shape_cast %get3A_7 : vector<1x640x1xf32> to vector<640x1xf32>
    %add3A = arith.addf %get3A_3, %get3A_8 : vector<640x1xf32>
    %jit3A = arith.constant 1.000000e+00 : f32
    %max3A = vector.broadcast %jit3A : f32 to vector<640x1xf32>
    %max3A_9 = arith.maximumf %max3A, %add3A : vector<640x1xf32>
    %get3A_10 = arith.constant 0 : index
    %get3A_11 = arith.constant 0 : index
    %get3A_12 = arith.constant 0 : index
    %get3A_13 = vector.load %arg1[%get3A_10, %get3A_11, %get3A_12] : memref<2x640x128xf32, #tpu.memory_space<vmem>>, vector<1x640x128xf32>
    %get3A_14 = vector.shape_cast %get3A_13 : vector<1x640x128xf32> to vector<640x128xf32>
    %get3A_15 = arith.constant 1 : index
    %get3A_16 = arith.constant 0 : index
    %get3A_17 = arith.constant 0 : index
    %get3A_18 = vector.load %arg1[%get3A_15, %get3A_16, %get3A_17] : memref<2x640x128xf32, #tpu.memory_space<vmem>>, vector<1x640x128xf32>
    %get3A_19 = vector.shape_cast %get3A_18 : vector<1x640x128xf32> to vector<640x128xf32>
    %add3A_20 = arith.addf %get3A_14, %get3A_19 : vector<640x128xf32>
    %div3A = vector.broadcast %max3A_9 : vector<640x1xf32> to vector<640x128xf32>
    %div3A_21 = arith.divf %add3A_20, %div3A : vector<640x128xf32>
    %get3A_22 = arith.constant 0 : index
    %get3A_23 = arith.constant 0 : index
    %get3A_24 = vector.load %arg3[%get3A_22, %get3A_23] : memref<128x512xf32, #tpu.memory_space<vmem>>, vector<128x512xf32>
    %dot_general3A = arith.constant dense<0.000000e+00> : vector<640x512xf32>
    %dot_general3A_25 = tpu.matmul %div3A_21, %get3A_24, %dot_general3A {dimension_numbers = #tpu.dot_dimension_numbers<[1], [0], [0], [1], [0, 0, 1, 1], [], []>, transpose_lhs_hint = false} : vector<640x128xf32>, vector<128x512xf32>, vector<640x512xf32> -> vector<640x512xf32>
    %max3A_26 = arith.constant 0.000000e+00 : f32
    %max3A_27 = vector.broadcast %max3A_26 : f32 to vector<640x512xf32>
    %max3A_28 = arith.maximumf %dot_general3A_25, %max3A_27 : vector<640x512xf32>
    %get3A_29 = arith.constant 0 : index
    %get3A_30 = arith.constant 0 : index
    %get3A_31 = vector.load %arg4[%get3A_29, %get3A_30] : memref<512x64xf32, #tpu.memory_space<vmem>>, vector<512x64xf32>
    %dot_general3A_32 = arith.constant dense<0.000000e+00> : vector<640x64xf32>
    %dot_general3A_33 = tpu.matmul %max3A_28, %get3A_31, %dot_general3A_32 {dimension_numbers = #tpu.dot_dimension_numbers<[1], [0], [0], [1], [0, 0, 1, 1], [], []>, transpose_lhs_hint = false} : vector<640x512xf32>, vector<512x64xf32>, vector<640x64xf32> -> vector<640x64xf32>
    %swap3A = arith.constant 0 : index
    %swap3A_34 = arith.constant 0 : index
    %swap3A_35 = vector.load %arg5[%swap3A, %swap3A_34] : memref<640x64xf32, #tpu.memory_space<vmem>>, vector<640x64xf32>
    tpu.vector_store %arg5[%swap3A, %swap3A_34], %dot_general3A_33 {strides = array<i32>} : memref<640x64xf32, #tpu.memory_space<vmem>>, vector<640x64xf32>,
    return
  }
  func.func @transform_0(%arg0: i32) -> (i32, i32, i32) {
    %c0_i32 = arith.constant 0 : i32
    %c0_i32_0 = arith.constant 0 : i32
    %c0_i32_1 = arith.constant 0 : i32
    return %c0_i32, %arg0, %c0_i32_0 : i32, i32, i32
  }
  func.func @transform_1(%arg0: i32) -> (i32, i32, i32) {
    %c0_i32 = arith.constant 0 : i32
    %c0_i32_0 = arith.constant 0 : i32
    %c0_i32_1 = arith.constant 0 : i32
    return %c0_i32, %arg0, %c0_i32_0 : i32, i32, i32
  }
  func.func @transform_2(%arg0: i32) -> (i32, i32) {
    %c0_i32 = arith.constant 0 : i32
    %c0_i32_0 = arith.constant 0 : i32
    %c0_i32_1 = arith.constant 0 : i32
    return %c0_i32, %c0_i32_0 : i32, i32
  }
  func.func @transform_3(%arg0: i32) -> (i32, i32) {
    %c0_i32 = arith.constant 0 : i32
    %c0_i32_0 = arith.constant 0 : i32
    %c0_i32_1 = arith.constant 0 : i32
    return %c0_i32, %c0_i32_0 : i32, i32
  }
  func.func @transform_4(%arg0: i32) -> (i32, i32) {
    %c0_i32 = arith.constant 0 : i32
    %c0_i32_0 = arith.constant 0 : i32
    return %arg0, %c0_i32 : i32, i32
  }
}

module attributes {stable_mosaic.version = 14 : i64} {
  func.func @_dec_body(%arg0: i32, %arg1: memref<2x640x64xf32, #tpu.memory_space<vmem>>, %arg2: memref<2x640x16xf32, #tpu.memory_space<vmem>>, %arg3: memref<64x512xf32, #tpu.memory_space<vmem>>, %arg4: memref<512x128xf32, #tpu.memory_space<vmem>>, %arg5: memref<640x128xf32, #tpu.memory_space<vmem>>) attributes {dimension_semantics = [#tpu.dimension_semantics<arbitrary>], iteration_bounds = array<i64: 16>, scalar_prefetch = 0 : i64, scratch_operands = 0 : i64, tpu.core_type = #tpu.core_type<tc>, window_params = [{transform_indices = @transform_0, window_bounds = array<i64: 2, 640, 64>}, {transform_indices = @transform_1, window_bounds = array<i64: 2, 640, 16>}, {pipeline_mode = #tpu.pipeline_mode<synchronous>, transform_indices = @transform_2, window_bounds = array<i64: 64, 512>}, {pipeline_mode = #tpu.pipeline_mode<synchronous>, transform_indices = @transform_3, window_bounds = array<i64: 512, 128>}, {transform_indices = @transform_4, window_bounds = array<i64: 640, 128>}]} {
    %get3A = arith.constant 0 : index
    %get3A_0 = arith.constant 0 : index
    %get3A_1 = arith.constant 0 : index
    %get3A_2 = vector.load %arg2[%get3A, %get3A_0, %get3A_1] : memref<2x640x16xf32, #tpu.memory_space<vmem>>, vector<1x640x1xf32>
    %get3A_3 = vector.shape_cast %get3A_2 : vector<1x640x1xf32> to vector<640x1xf32>
    %get3A_4 = arith.constant 1 : index
    %get3A_5 = arith.constant 0 : index
    %get3A_6 = arith.constant 0 : index
    %get3A_7 = vector.load %arg2[%get3A_4, %get3A_5, %get3A_6] : memref<2x640x16xf32, #tpu.memory_space<vmem>>, vector<1x640x1xf32>
    %get3A_8 = vector.shape_cast %get3A_7 : vector<1x640x1xf32> to vector<640x1xf32>
    %add3A = arith.addf %get3A_3, %get3A_8 : vector<640x1xf32>
    %jit3A = arith.constant 1.000000e+00 : f32
    %max3A = vector.broadcast %jit3A : f32 to vector<640x1xf32>
    %max3A_9 = arith.maximumf %max3A, %add3A : vector<640x1xf32>
    %get3A_10 = arith.constant 0 : index
    %get3A_11 = arith.constant 0 : index
    %get3A_12 = arith.constant 0 : index
    %get3A_13 = vector.load %arg1[%get3A_10, %get3A_11, %get3A_12] : memref<2x640x64xf32, #tpu.memory_space<vmem>>, vector<1x640x64xf32>
    %get3A_14 = vector.shape_cast %get3A_13 : vector<1x640x64xf32> to vector<640x64xf32>
    %get3A_15 = arith.constant 1 : index
    %get3A_16 = arith.constant 0 : index
    %get3A_17 = arith.constant 0 : index
    %get3A_18 = vector.load %arg1[%get3A_15, %get3A_16, %get3A_17] : memref<2x640x64xf32, #tpu.memory_space<vmem>>, vector<1x640x64xf32>
    %get3A_19 = vector.shape_cast %get3A_18 : vector<1x640x64xf32> to vector<640x64xf32>
    %add3A_20 = arith.addf %get3A_14, %get3A_19 : vector<640x64xf32>
    %div3A = vector.broadcast %max3A_9 : vector<640x1xf32> to vector<640x64xf32>
    %div3A_21 = arith.divf %add3A_20, %div3A : vector<640x64xf32>
    %get3A_22 = arith.constant 0 : index
    %get3A_23 = arith.constant 0 : index
    %get3A_24 = vector.load %arg3[%get3A_22, %get3A_23] : memref<64x512xf32, #tpu.memory_space<vmem>>, vector<64x512xf32>
    %dot_general3A = arith.constant dense<0.000000e+00> : vector<640x512xf32>
    %dot_general3A_25 = tpu.matmul %div3A_21, %get3A_24, %dot_general3A {dimension_numbers = #tpu.dot_dimension_numbers<[1], [0], [0], [1], [0, 0, 1, 1], [], []>, transpose_lhs_hint = false} : vector<640x64xf32>, vector<64x512xf32>, vector<640x512xf32> -> vector<640x512xf32>
    %max3A_26 = arith.constant 0.000000e+00 : f32
    %max3A_27 = vector.broadcast %max3A_26 : f32 to vector<640x512xf32>
    %max3A_28 = arith.maximumf %dot_general3A_25, %max3A_27 : vector<640x512xf32>
    %get3A_29 = arith.constant 0 : index
    %get3A_30 = arith.constant 0 : index
    %get3A_31 = vector.load %arg4[%get3A_29, %get3A_30] : memref<512x128xf32, #tpu.memory_space<vmem>>, vector<512x128xf32>
    %dot_general3A_32 = arith.constant dense<0.000000e+00> : vector<640x128xf32>
    %dot_general3A_33 = tpu.matmul %max3A_28, %get3A_31, %dot_general3A_32 {dimension_numbers = #tpu.dot_dimension_numbers<[1], [0], [0], [1], [0, 0, 1, 1], [], []>, transpose_lhs_hint = false} : vector<640x512xf32>, vector<512x128xf32>, vector<640x128xf32> -> vector<640x128xf32>
    %swap3A = arith.constant 0 : index
    %swap3A_34 = arith.constant 0 : index
    %swap3A_35 = vector.load %arg5[%swap3A, %swap3A_34] : memref<640x128xf32, #tpu.memory_space<vmem>>, vector<640x128xf32>
    tpu.vector_store %arg5[%swap3A, %swap3A_34], %dot_general3A_33 {strides = array<i32>} : memref<640x128xf32, #tpu.memory_space<vmem>>, vector<640x128xf32>,
    return
  }
  func.func @transform_0(%arg0: i32) -> (i32, i32, i32) {
    %c0_i32 = arith.constant 0 : i32
    %c0_i32_0 = arith.constant 0 : i32
    %c0_i32_1 = arith.constant 0 : i32
    return %c0_i32, %arg0, %c0_i32_0 : i32, i32, i32
  }
  func.func @transform_1(%arg0: i32) -> (i32, i32, i32) {
    %c0_i32 = arith.constant 0 : i32
    %c0_i32_0 = arith.constant 0 : i32
    %c0_i32_1 = arith.constant 0 : i32
    return %c0_i32, %arg0, %c0_i32_0 : i32, i32, i32
  }
  func.func @transform_2(%arg0: i32) -> (i32, i32) {
    %c0_i32 = arith.constant 0 : i32
    %c0_i32_0 = arith.constant 0 : i32
    %c0_i32_1 = arith.constant 0 : i32
    return %c0_i32, %c0_i32_0 : i32, i32
  }
  func.func @transform_3(%arg0: i32) -> (i32, i32) {
    %c0_i32 = arith.constant 0 : i32
    %c0_i32_0 = arith.constant 0 : i32
    %c0_i32_1 = arith.constant 0 : i32
    return %c0_i32, %c0_i32_0 : i32, i32
  }
  func.func @transform_4(%arg0: i32) -> (i32, i32) {
    %c0_i32 = arith.constant 0 : i32
    %c0_i32_0 = arith.constant 0 : i32
    return %arg0, %c0_i32 : i32, i32
  }
}

</mosaic_0001>

<sc_bundles>
// kernel: kernel.6.cloned.1.call-start
scs
__scs_entry_jumppad:
0x0: {  	(pc) =	sbr.rel $0x88, $3  }
0x1: {  	(tag) =	ssettag $0x0;
	lr =	simm.s32 $0x1  }
0x2: {  	[smem:$0x3F9B] =	sst lr;
	_ =	strace $0xD0000000  }
0x3: {  	_ = 	snop  }
0x4: {  	_ = 	snop  }
0x5: {  	_ = 	snop  }
0x6: {  	_ = 	snop  }
0x7: {  	_ = 	snop  }
__scs_overlays_trampoline_lowered:
0x8: {  	[smem:$0x3FAA] =	sst s0  }
0x9: {  	[smem:$0x3FAB] =	sst s1  }
0xa: {  	[smem:$0x3FAC] =	sst s2  }
0xb: {  	[smem:$0x3FAD] =	sst s3  }
0xc: {  	[smem:$0x3FAE] =	sst s4  }
0xd: {  	[smem:$0x3FAF] =	sst s5  }
0xe: {  	[smem:$0x3FB0] =	sst s6  }
0xf: {  	[smem:$0x3FB1] =	sst s7  }
0x10: {  	[smem:$0x3FB2] =	sst s8  }
0x11: {  	[smem:$0x3FB3] =	sst s9;
	s0 =	simm.s32 @!p0 $0x0  }
0x12: {  	s1 =	sld [smem:$0x3F99];
	s0 =	simm.s32 @p0 $0x1  }
0x13: {  	[smem:$0x3FB4] =	sst s0;
	s0 =	simm.s32 @!p1 $0x0  }
0x14: {  	s2 =	sld [smem:$0x3F98];
	s0 =	simm.s32 @p1 $0x1  }
0x15: {  	[smem:$0x3FB5] =	sst s0;
	s0 =	simm.s32 @!p2 $0x0  }
0x16: {  	s3 =	sld [smem:$0x3FDB];
	s0 =	simm.s32 @p2 $0x1  }
0x17: {  	s4 =	simm.s32 $0x1BF5;
	[smem:$0x3FB7] =	sst s0  }
0x18: {  	s0 =	sld [smem:$0x3F9A];
	_ =	swait.ge [sflag:s4], $0x0  }
0x19: {  	s7 =	sld [smem:$0x3F9B]  }
0x1a: {  	s8 =	sadd.s32 $0xFFFFE003, lr  }
0x1b: {  	s9 =	sadd.s32 $0xFFFFFEF7, lr;
	s5 =	simm.s32 $0xFFFFFFFF;
	p2 =	slt.u32 s8, $0xFFFFF086  }
0x1c: {  	p1 =	slt.u32 s9, $0xF7A;
	s5 =	simm.s32 @!p2 $0x0  }
0x1d: {  	s5 =	simm.s32 @p1 $0x1;
	p0 =	seq.s32 s7, s2  }
0x1e: {  	s7 =	smul.u32 @!p0 $0xF7A, s2;
	p2 =	seq.s32 @!p0 s5, $0x0  }
0x1f: {  	s9 =	smul.u32 $0xF7A, s1;
	s8 =	simm.s32 @!p0 $0x1BF5;
	p2 =	por !p2, p0  }
0x20: {  	[sflag:s8] =	ssyncset.s32 @!p0 $0xFFFFF086;
	s6 =	sadd.s32 @!p0 s3, s7;
	s7 =	simm.s32 @!p0 $0x108  }
0x21: {  	s3 =	sadd.s32 s3, s9;
	s6 =	sadd.s32 @!p0 $0x88, s6;
	s7 =	simm.s32 @p2 $0x1082  }
0x22: {  	[simem:s7], [sflag:s8] =	dma.local @!p0 [hbm:s6], $0xF7A  }
0x23: {  	s9 =	sor.u32 $0xD0000000, s2;
	s6 =	simm.s32 $0x108;
	_ =	swait.ge @!p0 [sflag:s8], $0x0  }
0x24: {  	s3 =	sadd.s32 $0x88, s3;
	s6 =	simm.s32 @!p1 $0x1082;
	[sflag:s4] =	ssyncset.s32 $0xFFFFF086  }
0x25: {  	[simem:s6], [sflag:s4] =	dma.local [hbm:s3], $0xF7A  }
0x26: {  	[smem:$0x3F9B] =	sst s1;
	(tag) =	ssettag s2;
	_ =	strace s9  }
0x27: {  	s1 =	sld [smem:$0x3FAB]  }
0x28: {  	s2 =	sld [smem:$0x3FAC]  }
0x29: {  	s4 =	sld [smem:$0x3FAE]  }
0x2a: {  	p0 =	seq.s32 s5, $0x0;
	s5 =	sld [smem:$0x3FAF]  }
0x2b: {  	s6 =	sld [smem:$0x3FB0]  }
0x2c: {  	s7 =	sld [smem:$0x3FB1]  }
0x2d: {  	s3 =	simm.s32 $0x108;
	s8 =	sld [smem:$0x3FB2]  }
0x2e: {  	s3 =	simm.s32 @!p0 $0x1082;
	s9 =	sld [smem:$0x3FB3]  }
0x2f: {  	lr =	sadd.s32 s0, s3;
	s0 =	sld [smem:$0x3FAA]  }
0x30: {  	s3 =	sld [smem:$0x3FAD]  }
0x31: {  	[smem:$0x3FB6] =	sst s10  }
0x32: {  	s10 =	sld [smem:$0x3FB4];
	_ =	sdelay $0x3  }
0x33: {  	p0 =	seq.s32 s10, $0x1;
	s10 =	sld [smem:$0x3FB6];
	_ =	sdelay $0x3  }
0x34: {  	[smem:$0x3FB6] =	sst s10  }
0x35: {  	s10 =	sld [smem:$0x3FB5];
	_ =	sdelay $0x3  }
0x36: {  	p1 =	seq.s32 s10, $0x1;
	s10 =	sld [smem:$0x3FB6];
	_ =	sdelay $0x3  }
0x37: {  	[smem:$0x3FB6] =	sst s10  }
0x38: {  	s10 =	sld [smem:$0x3FB7]  }
0x39: {  	_ = 	snop;
	(pc) =	sbr.ind lr, $3  }
0x3a: {  	_ = 	snop  }
0x3b: {  	_ = 	snop  }
0x3c: {  	p2 =	seq.s32 s10, $0x1;
	s10 =	sld [smem:$0x3FB6]  }
0x3d: {  	_ =	shalt  }
0x3e: {  	_ =	shalt  }
0x3f: {  	_ =	shalt  }
0x40: {  	_ =	shalt  }
0x41: {  	_ =	shalt  }
0x42: {  	_ =	shalt  }
0x43: {  	_ =	shalt  }
0x44: {  	_ =	shalt  }
0x45: {  	_ =	shalt  }
0x46: {  	_ =	shalt  }
0x47: {  	_ =	shalt  }
0x48: {  	_ =	shalt  }
0x49: {  	_ =	shalt  }
0x4a: {  	_ =	shalt  }
0x4b: {  	_ =	shalt  }
0x4c: {  	_ =	shalt  }
0x4d: {  	_ =	shalt  }
0x4e: {  	_ =	shalt  }
0x4f: {  	_ =	shalt  }
0x50: {  	_ =	shalt  }
0x51: {  	_ =	shalt  }
0x52: {  	_ =	shalt  }
0x53: {  	_ =	shalt  }
0x54: {  	_ =	shalt  }
0x55: {  	_ =	shalt  }
0x56: {  	_ =	shalt  }
0x57: {  	_ =	shalt  }
0x58: {  	_ =	shalt  }
0x59: {  	_ =	shalt  }
0x5a: {  	_ =	shalt  }
0x5b: {  	_ =	shalt  }
0x5c: {  	_ =	shalt  }
0x5d: {  	_ =	shalt  }
0x5e: {  	_ =	shalt  }
0x5f: {  	_ =	shalt  }
0x60: {  	_ =	shalt  }
0x61: {  	_ =	shalt  }
0x62: {  	_ =	shalt  }
0x63: {  	_ =	shalt  }
0x64: {  	_ =	shalt  }
0x65: {  	_ =	shalt  }
0x66: {  	_ =	shalt  }
0x67: {  	_ =	shalt  }
0x68: {  	_ =	shalt  }
0x69: {  	_ =	shalt  }
0x6a: {  	_ =	shalt  }
0x6b: {  	_ =	shalt  }
0x6c: {  	_ =	shalt  }
0x6d: {  	_ =	shalt  }
0x6e: {  	_ =	shalt  }
0x6f: {  	_ =	shalt  }
0x70: {  	_ =	shalt  }
0x71: {  	_ =	shalt  }
0x72: {  	_ =	shalt  }
0x73: {  	_ =	shalt  }
0x74: {  	_ =	shalt  }
0x75: {  	_ =	shalt  }
0x76: {  	_ =	shalt  }
0x77: {  	_ =	shalt  }
0x78: {  	_ =	shalt  }
0x79: {  	_ =	shalt  }
0x7a: {  	_ =	shalt  }
0x7b: {  	_ =	shalt  }
0x7c: {  	_ =	shalt  }
0x7d: {  	_ =	shalt  }
0x7e: {  	_ =	shalt  }
0x7f: {  	_ =	shalt  }
0x80: {  	_ =	shalt  }
0x81: {  	_ =	shalt  }
0x82: {  	_ =	shalt  }
0x83: {  	_ =	shalt  }
0x84: {  	_ =	shalt  }
0x85: {  	_ =	shalt  }
0x86: {  	_ =	shalt  }
0x87: {  	_ =	shalt  }
.Lfunc_end0:
.L_simem_size_0:
called_computation_lowered:
.L_overlay_start_0:
0x88: {  	s2 =	sld [smem:$0x3FD9]  }
0x89: {  	s3 =	sld [smem:$0x3FFE];
	_ =	sdelay $0x1  }
0x8a: {  	s1 =	srdreg.scid  }
0x8b: {  	s0 =	sand.u32 $0x1, s1  }
0x8c: {  	s17 =	sshll.u32 s0, $0xA;
	s2 =	sadd.s32 s3, s2  }
0x8d: {  	s2 =	sadd.s32 s2, s17  }
0x8e: {  	[smem:$0x3FC2] =	sst s2  }
0x8f: {  	_ = 	snop  }
0x90: {  	s2 =	sld [smem:$0x3FC9]  }
0x91: {  	s18 =	sld [smem:$0x3FD0];
	(tm) =	ssettm $0x1  }
0x92: {  	s4 =	sld [smem:$0x3FFB];
	_ =	sdelay $0x3  }
0x93: {  	_ =	strace s4  }
0x94: {  	s4 =	sld [smem:$0x3FFC];
	_ =	sdelay $0x3  }
0x95: {  	_ =	strace s4  }
0x96: {  	s4 =	sld [smem:$0x3FFD];
	_ =	sdelay $0x3  }
0x97: {  	_ =	strace s4  }
0x98: {  	_ =	strace $0x8FFFFFFF  }
0x99: {  	s19 =	sld [smem:$0x3FDB];
	_ =	sdelay $0x1  }
0x9a: {  	s5 =	simm.s32 $_scs_section_size  }
0x9b: {  	s6 =	simm.s32 $_size__tile_overlayer_lowered;
	s7 =	simm.s32 $_tile_overlayer_lowered  }
0x9c: {  	s22 =	simm.s32 $0x1BFF;
	s21 =	sshll.u32 s7, $0x1;
	s4 =	sadd.s32 s5, s19  }
0x9d: {  	s8 =	simm.s32 $0x0;
	s20 =	sshll.u32 s6, $0x1;
	s6 =	sadd.s32 s21, s4  }
0x9e: {  	[timem:s8], [sflag:s22] =	dma.local [hbm:s6], s20  }
0x9f: {  	_ =	swait.ge [sflag:s22], s20  }
0xa0: {  	s5 =	ssub.s32 $0x0, s20;
	[sflag:s22] =	ssyncset.done $0x0  }
0xa1: {  	[sflag:s22] =	ssyncadd.s32 s5;
	_ =	sdelay $0x1  }
0xa2: {  	s23 =	simm.s32 $0x1B8B  }
0xa3: {  	_ =	swait.ge [sflag:s23], $0x1  }
0xa4: {  	[sflag:s23] =	ssyncset.done $0x0  }
0xa5: {  	s25 =	simm.s32 $0x1B8E;
	s24 =	sld [smem:$0x3FFE];
	[sflag:s23] =	ssyncadd.s32 $0xFFFFFFFF  }
0xa6: {  	s26 =	simm.s32 $execute0_lowered;
	[smem:$0x3FD2] =	sst s25  }
0xa7: {  	s6 =	sshll.u32 s26, $0x1;
	_ =	strace $0x80000046;
	[dreg:$0x1] =	wrdreg $0xFFFFFFFF  }
0xa8: {  	s28 =	simm.s32 $_size_execute0_lowered;
	s4 =	sadd.s32 s4, s6;
	[dreg:$0x0] =	wrdreg $0x0  }
0xa9: {  	s6 =	sshll.u32 s28, $0x1;
	[dreg:$0x2] =	wrdreg s4  }
0xaa: {  	[dreg:$0x3] =	wrdreg s6  }
0xab: {  	[dreg:$0x4] =	wrdreg $0xC0  }
0xac: {  	_ =	task [dreg:s8], $0x5FFFF  }
0xad: {  	[dreg:$0x1] =	wrdreg $0xFFFFFFFF  }
0xae: {  	[dreg:$0x0] =	wrdreg $0x60  }
0xaf: {  	[dreg:$0x2] =	wrdreg s2  }
0xb0: {  	[dreg:$0x3] =	wrdreg s24  }
0xb1: {  	[dreg:$0x4] =	wrdreg s18  }
0xb2: {  	[dreg:$0x5] =	wrdreg $0x88000  }
0xb3: {  	[dreg:$0x6] =	wrdreg $0x1D1000  }
0xb4: {  	[dreg:$0x7] =	wrdreg $0x9  }
0xb5: {  	_ =	task.clear_ibuf [dreg:s8], $0x8FFFF;
	_ =	strace $0x90000046  }
0xb6: {  	s29 =	simm.s32 $0x9;
	_ =	strace $0x80000048  }
0xb7: {  	_ =	swait.ge [sflag:s29], $0x1  }
0xb8: {  	[sflag:s29] =	ssyncadd.s32 $0xFFFFFFFF  }
0xb9: {  	_ =	strace $0x90000048  }
0xba: {  	_ =	sfence  }
0xbb: {  	s30 =	sld [smem:$0x0];
	_ =	sdelay $0x2  }
0xbc: {  	s31 =	sshll.u32 s1, $0xD;
	s1 =	sshrl.u32 s1, $0x2  }
0xbd: {  	s3 =	sand.u32 $0x4000, s31;
	s1 =	sadd.s32 s1, s30  }
0xbe: {  	s0 =	sor.u32 s3, s0;
	s1 =	sshll.u32 s1, $0x11  }
0xbf: {  	s0 =	sor.u32 s1, s0  }
0xc0: {  	s0 =	sadd.s32 $0x8F2B, s0  }
0xc1: {  	[sflag:s0] =	ssyncadd.remote.s32 $0x1  }
0xc2: {  	_ =	sfence.sel $0xFFFF  }
0xc3: {  	[dreg:$0x0] =	wrdreg $0xFFFFFFFF;
	(pc) =	sbr.abs _section_cstart, $3  }
0xc4: {  	[dreg:$0x1] =	wrdreg $0xFFFFFFFF  }
0xc5: {  	_ =	task.clear_ibuf [dreg:s8], $0x2FFFF;
	_ =	strace $0x9FFFFFFF  }
0xc6: {  	(tm) =	ssettm $0x7FFFFFFF  }
0xc7: {  	_ =	shalt  }
tec
execute0_lowered:
.L_overlay_start_1:
0x0: {  	(tag) =	ssettag $0x1  }
0x1: {  	s0 =	rddreg [dreg:$0x0]  }
0x2: {  	s1 =	rddreg [dreg:$0x1]  }
0x3: {  	s2 =	rddreg [dreg:$0x2]  }
0x4: {  	s4 =	srdreg.scid;
	s3 =	rddreg [dreg:$0x3]  }
0x5: {  	s13 =	stileid.u32;
	s5 =	simm.s32 $0x0;
	s16 =	simm.s32 $0x400  }
0x6: {  	s17 =	simm.s32 $0x80;
	s18 =	simm.s32 $0x800;
	s19 =	simm.s32 $0x4800  }
0x7: {  	s28 =	simm.s32 $0x100;
	s29 =	simm.s32 $0x500;
	s9 =	smul.u32 $0x2800, s13  }
0x8: {  	s30 =	simm.s32 $0x200;
	s31 =	simm.s32 $0x580;
	s8 =	smul.u32 $0x14000, s13  }
0x9: {  	s6 =	sand.u32 $0x1, s4;
	s4 =	rddreg [dreg:$0x4];
	s12 =	smul.u32 $0xA000, s13  }
0xa: {  	[smem:$0x7FF] =	sst s5;
	s14 =	sadd.s32 $0x15000, s1;
	s7 =	smul.u32 $0x28000, s6  }
0xb: {  	s21 =	sshll.u32 s13, $0x6;
	s10 =	smul.u32 $0x140000, s6;
	_ =	strace $0x80000047  }
0xc: {  	s6 =	ssub.s32 $0x2, s6;
	[dreg:$0x7] =	wrdreg s14;
	s15 =	sor.u32 $0x1C04, s21  }
0xd: {  	s14 =	simm.s32 $0x4;
	s21 =	simm.s32 $0x1C800;
	s20 =	sshrl.u32 s6, $0x1  }
0xe: {  	s12 =	sshrl.u32 s12, $0x2;
	s22 =	sadd.s32 s8, s3;
	s25 =	sadd.s32 s9, s4  }
0xf: {  	[dreg:$0x8] =	wrdreg s15;
	s7 =	sadd.s32 s9, s7;
	s10 =	sadd.s32 s8, s10  }
0x10: {  	s6 =	ssub.s32 s6, s20;
	s8 =	sadd.s32 s12, s4;
	s13 =	sshrl.u32 s22, $0x3  }
0x11: {  	s22 =	simm.s32 $0x1D000;
	s20 =	simm.s32 $0x1;
	s26 =	sshrl.u32 s25, $0x3  }
0x12: {  	s9 =	simm.s32 $0x680;
	s25 =	simm.s32 $0x780;
	s7 =	sshrl.u32 s7, $0x3  }
0x13: {  	s10 =	sshrl.u32 s10, $0x3;
	s6 =	smax.u32 s6, $0x1;
	[dreg:$0xd] =	wrdreg s26  }
0x14: {  	s26 =	simm.s32 $0x3;
	[dreg:$0xc] =	wrdreg s13;
	s11 =	sadd.s32 s7, s1  }
0x15: {  	s1 =	sadd.s32 s10, s1;
	s23 =	sadd.s32 s2, s7;
	[dreg:$0xb] =	wrdreg s6  }
0x16: {  	s2 =	simm.s32 $0x280;
	s6 =	simm.s32 $0x300;
	s10 =	simm.s32 $0x380  }
0x17: {  	s7 =	simm.s32 $0x0;
	s1 =	sadd.s32 $0x17800, s1;
	[dreg:$0xa] =	wrdreg s23  }
0x18: {  	s24 =	sadd.s32 $0xB000, s11;
	s12 =	sadd.s32 $0x1000, s11;
	[dreg:$0xe] =	wrdreg s7  }
0x19: {  	s23 =	simm.s32 $0x2;
	s11 =	simm.s32 $0x700;
	[dreg:$0x9] =	wrdreg s1  }
0x1a: {  	v0 =	vimm.f32 $0.0e+00;
	v1 =	vimm.f32 $1.000000000e+00;
	[dreg:$0x6] =	wrdreg s24;
	s24 =	simm.s32 $0x480;
	s1 =	simm.s32 $0x600  }
.LBB2_1:
0x1b: {  	[tilespmem:$0x1D000] =	vst v0  }
0x1c: {  	[tilespmem:$0x1D010] =	vst v0  }
0x1d: {  	[tilespmem:$0x1D020] =	vst v0  }
0x1e: {  	[tilespmem:$0x1D030] =	vst v0  }
0x1f: {  	[tilespmem:$0x1D040] =	vst v0  }
0x20: {  	[tilespmem:$0x1D050] =	vst v0  }
0x21: {  	[tilespmem:$0x1D060] =	vst v0  }
0x22: {  	[tilespmem:$0x1D070] =	vst v0  }
0x23: {  	[tilespmem:$0x1D080] =	vst v0  }
0x24: {  	[tilespmem:$0x1D090] =	vst v0  }
0x25: {  	[tilespmem:$0x1D0A0] =	vst v0  }
0x26: {  	[tilespmem:$0x1D0B0] =	vst v0  }
0x27: {  	[tilespmem:$0x1D0C0] =	vst v0  }
0x28: {  	[tilespmem:$0x1D0D0] =	vst v0  }
0x29: {  	[tilespmem:$0x1D0E0] =	vst v0  }
0x2a: {  	[tilespmem:$0x1D0F0] =	vst v0  }
0x2b: {  	[tilespmem:$0x1C800] =	vst v1  }
0x2c: {  	[tilespmem:$0x1C810] =	vst v1  }
0x2d: {  	[tilespmem:$0x1C820] =	vst v1  }
0x2e: {  	[tilespmem:$0x1C830] =	vst v1  }
0x2f: {  	[tilespmem:$0x1C840] =	vst v1  }
0x30: {  	[tilespmem:$0x1C850] =	vst v1  }
0x31: {  	[tilespmem:$0x1C860] =	vst v1  }
0x32: {  	[tilespmem:$0x1C870] =	vst v1  }
0x33: {  	[tilespmem:$0x1C880] =	vst v1  }
0x34: {  	[tilespmem:$0x1C890] =	vst v1  }
0x35: {  	[tilespmem:$0x1C8A0] =	vst v1  }
0x36: {  	[tilespmem:$0x1C8B0] =	vst v1  }
0x37: {  	[tilespmem:$0x1C8C0] =	vst v1  }
0x38: {  	[tilespmem:$0x1C8D0] =	vst v1  }
0x39: {  	[tilespmem:$0x1C8E0] =	vst v1  }
0x3a: {  	[tilespmem:$0x1C8F0] =	vst v1  }
0x3b: {  	[tilespmem:$0x1C900] =	vst v1  }
0x3c: {  	[tilespmem:$0x1C910] =	vst v1  }
0x3d: {  	[tilespmem:$0x1C920] =	vst v1  }
0x3e: {  	[tilespmem:$0x1C930] =	vst v1  }
0x3f: {  	[tilespmem:$0x1C940] =	vst v1  }
0x40: {  	[tilespmem:$0x1C950] =	vst v1  }
0x41: {  	[tilespmem:$0x1C960] =	vst v1  }
0x42: {  	[tilespmem:$0x1C970] =	vst v1  }
0x43: {  	[tilespmem:$0x1C980] =	vst v1  }
0x44: {  	[tilespmem:$0x1C990] =	vst v1  }
0x45: {  	[tilespmem:$0x1C9A0] =	vst v1  }
0x46: {  	[tilespmem:$0x1C9B0] =	vst v1  }
0x47: {  	[tilespmem:$0x1C9C0] =	vst v1  }
0x48: {  	[tilespmem:$0x1C9D0] =	vst v1  }
0x49: {  	[tilespmem:$0x1C9E0] =	vst v1  }
0x4a: {  	[tilespmem:$0x1C9F0] =	vst v1  }
0x4b: {  	[tilespmem:$0x1CA00] =	vst v1  }
0x4c: {  	[tilespmem:$0x1CA10] =	vst v1  }
0x4d: {  	[tilespmem:$0x1CA20] =	vst v1  }
0x4e: {  	[tilespmem:$0x1CA30] =	vst v1  }
0x4f: {  	[tilespmem:$0x1CA40] =	vst v1  }
0x50: {  	[tilespmem:$0x1CA50] =	vst v1  }
0x51: {  	[tilespmem:$0x1CA60] =	vst v1  }
0x52: {  	[tilespmem:$0x1CA70] =	vst v1  }
0x53: {  	[tilespmem:$0x1CA80] =	vst v1  }
0x54: {  	[tilespmem:$0x1CA90] =	vst v1  }
0x55: {  	[tilespmem:$0x1CAA0] =	vst v1  }
0x56: {  	[tilespmem:$0x1CAB0] =	vst v1  }
0x57: {  	[tilespmem:$0x1CAC0] =	vst v1  }
0x58: {  	[tilespmem:$0x1CAD0] =	vst v1  }
0x59: {  	[tilespmem:$0x1CAE0] =	vst v1  }
0x5a: {  	[tilespmem:$0x1CAF0] =	vst v1  }
0x5b: {  	[tilespmem:$0x1CB00] =	vst v1  }
0x5c: {  	[tilespmem:$0x1CB10] =	vst v1  }
0x5d: {  	[tilespmem:$0x1CB20] =	vst v1  }
0x5e: {  	[tilespmem:$0x1CB30] =	vst v1  }
0x5f: {  	[tilespmem:$0x1CB40] =	vst v1  }
0x60: {  	[tilespmem:$0x1CB50] =	vst v1  }
0x61: {  	[tilespmem:$0x1CB60] =	vst v1  }
0x62: {  	[tilespmem:$0x1CB70] =	vst v1  }
0x63: {  	[tilespmem:$0x1CB80] =	vst v1  }
0x64: {  	[tilespmem:$0x1CB90] =	vst v1  }
0x65: {  	[tilespmem:$0x1CBA0] =	vst v1  }
0x66: {  	[tilespmem:$0x1CBB0] =	vst v1  }
0x67: {  	[tilespmem:$0x1CBC0] =	vst v1  }
0x68: {  	[tilespmem:$0x1CBD0] =	vst v1  }
0x69: {  	[tilespmem:$0x1CBE0] =	vst v1  }
0x6a: {  	[tilespmem:$0x1CBF0] =	vst v1  }
0x6b: {  	[tilespmem:$0x1CC00] =	vst v1  }
0x6c: {  	[tilespmem:$0x1CC10] =	vst v1  }
0x6d: {  	[tilespmem:$0x1CC20] =	vst v1  }
0x6e: {  	[tilespmem:$0x1CC30] =	vst v1  }
0x6f: {  	[tilespmem:$0x1CC40] =	vst v1  }
0x70: {  	[tilespmem:$0x1CC50] =	vst v1  }
0x71: {  	[tilespmem:$0x1CC60] =	vst v1  }
0x72: {  	[tilespmem:$0x1CC70] =	vst v1  }
0x73: {  	[tilespmem:$0x1CC80] =	vst v1  }
0x74: {  	[tilespmem:$0x1CC90] =	vst v1  }
0x75: {  	[tilespmem:$0x1CCA0] =	vst v1  }
0x76: {  	[tilespmem:$0x1CCB0] =	vst v1  }
0x77: {  	[tilespmem:$0x1CCC0] =	vst v1  }
0x78: {  	[tilespmem:$0x1CCD0] =	vst v1  }
0x79: {  	[tilespmem:$0x1CCE0] =	vst v1  }
0x7a: {  	[tilespmem:$0x1CCF0] =	vst v1  }
0x7b: {  	[tilespmem:$0x1CD00] =	vst v1  }
0x7c: {  	[tilespmem:$0x1CD10] =	vst v1  }
0x7d: {  	[tilespmem:$0x1CD20] =	vst v1  }
0x7e: {  	[tilespmem:$0x1CD30] =	vst v1  }
0x7f: {  	[tilespmem:$0x1CD40] =	vst v1  }
0x80: {  	[tilespmem:$0x1CD50] =	vst v1  }
0x81: {  	[tilespmem:$0x1CD60] =	vst v1  }
0x82: {  	[tilespmem:$0x1CD70] =	vst v1  }
0x83: {  	[tilespmem:$0x1CD80] =	vst v1  }
0x84: {  	[tilespmem:$0x1CD90] =	vst v1  }
0x85: {  	[tilespmem:$0x1CDA0] =	vst v1  }
0x86: {  	[tilespmem:$0x1CDB0] =	vst v1  }
0x87: {  	[tilespmem:$0x1CDC0] =	vst v1  }
0x88: {  	[tilespmem:$0x1CDD0] =	vst v1  }
0x89: {  	[tilespmem:$0x1CDE0] =	vst v1  }
0x8a: {  	[tilespmem:$0x1CDF0] =	vst v1  }
0x8b: {  	[tilespmem:$0x1CE00] =	vst v1  }
0x8c: {  	[tilespmem:$0x1CE10] =	vst v1  }
0x8d: {  	[tilespmem:$0x1CE20] =	vst v1  }
0x8e: {  	[tilespmem:$0x1CE30] =	vst v1  }
0x8f: {  	[tilespmem:$0x1CE40] =	vst v1  }
0x90: {  	[tilespmem:$0x1CE50] =	vst v1  }
0x91: {  	[tilespmem:$0x1CE60] =	vst v1  }
0x92: {  	[tilespmem:$0x1CE70] =	vst v1  }
0x93: {  	[tilespmem:$0x1CE80] =	vst v1  }
0x94: {  	[tilespmem:$0x1CE90] =	vst v1  }
0x95: {  	[tilespmem:$0x1CEA0] =	vst v1  }
0x96: {  	[tilespmem:$0x1CEB0] =	vst v1  }
0x97: {  	[tilespmem:$0x1CEC0] =	vst v1  }
0x98: {  	[tilespmem:$0x1CED0] =	vst v1  }
0x99: {  	[tilespmem:$0x1CEE0] =	vst v1  }
0x9a: {  	[tilespmem:$0x1CEF0] =	vst v1  }
0x9b: {  	[tilespmem:$0x1CF00] =	vst v1  }
0x9c: {  	[tilespmem:$0x1CF10] =	vst v1  }
0x9d: {  	[tilespmem:$0x1CF20] =	vst v1  }
0x9e: {  	[tilespmem:$0x1CF30] =	vst v1  }
0x9f: {  	[tilespmem:$0x1CF40] =	vst v1  }
0xa0: {  	[tilespmem:$0x1CF50] =	vst v1  }
0xa1: {  	[tilespmem:$0x1CF60] =	vst v1  }
0xa2: {  	[tilespmem:$0x1CF70] =	vst v1  }
0xa3: {  	[tilespmem:$0x1CF80] =	vst v1  }
0xa4: {  	[tilespmem:$0x1CF90] =	vst v1  }
0xa5: {  	[tilespmem:$0x1CFA0] =	vst v1  }
0xa6: {  	[tilespmem:$0x1CFB0] =	vst v1  }
0xa7: {  	[tilespmem:$0x1CFC0] =	vst v1  }
0xa8: {  	[tilespmem:$0x1CFD0] =	vst v1  }
0xa9: {  	[tilespmem:$0x1CFE0] =	vst v1  }
0xaa: {  	[tilespmem:$0x1CFF0] =	vst v1;
	s7 =	rddreg [dreg:$0x7]  }
0xab: {  	[spmem:s13], [sflag:s15] =	dma.local [hbm:s7], $0x2800  }
0xac: {  	_ =	swait.ge [sflag:s14], $0x2800  }
0xad: {  	[sflag:s14] =	ssyncset.done $0x0  }
0xae: {  	s15 =	sadd.s32 $0x0, s8;
	[sflag:s14] =	ssyncadd.s32 $0xFFFFD800  }
0xaf: {  	[spmem:s15] =	stream.linear.scatter [tilespmem:s22], [sflag:$0x4], $0x100, $0x38;
	[tilespmem:$0x1F900] =	vst v63  }
0xb0: {  	s7 =	simm.s32 $0x400;
	_ =	swait.ge [sflag:s14], $0x100  }
.LBB2_2:
0xb1: {  	s13 =	sshra.s32 s7, $0x2;
	[sflag:s14] =	ssyncset.done $0x0;
	p0 =	sne.s32 s7, $0x9C00  }
.Ltmp0:
0xb2: {  	s13 =	sadd.s32 s13, s8;
	[sflag:s14] =	ssyncadd.s32 $0xFFFFFF00;
	(pc) =	sbr.rel @p0 .LBB2_2-.Ltmp0, $3  }
0xb3: {  	[spmem:s13] =	stream.linear.scatter [tilespmem:s22], [sflag:$0x4], $0x100, $0x38;
	[tilespmem:$0x1F900] =	vst v63  }
0xb4: {  	s7 =	sadd.s32 $0x400, s7;
	_ =	sdelay $0x1  }
0xb5: {  	_ =	swait.ge [sflag:s14], $0x100  }
0xb6: {  	[sflag:s14] =	ssyncset.done $0x0  }
0xb7: {  	[sflag:s14] =	ssyncadd.s32 $0xFFFFFF00  }
0xb8: {  	s7 =	sadd.s32 $0x0, s12;
	[bflag:$0x0] =	sbarrier.arrive $0xFFFF  }
0xb9: {  	[tilespmem:s5], [sflag:$0x4] =	stream.linear.gather [hbm4b:s7+s5], $0x400, $0x38;
	[tilespmem:$0x1F900] =	vst v63  }
0xba: {  	_ =	swait.ge [sflag:s14], $0x400  }
0xbb: {  	s22 =	rddreg [dreg:$0x6];
	[sflag:s14] =	ssyncset.done $0x0  }
0xbc: {  	[sflag:s14] =	ssyncadd.s32 $0xFFFFFC00;
	s7 =	sadd.s32 $0x0, s22  }
0xbd: {  	[tilespmem:s16], [sflag:$0x4] =	stream.linear.gather [hbm4b:s7+s5], $0x400, $0x38;
	[tilespmem:$0x1F900] =	vst v63  }
0xbe: {  	_ =	swait.ge [sflag:s14], $0x400  }
0xbf: {  	[sflag:s14] =	ssyncset.done $0x0  }
0xc0: {  	[sflag:s14] =	ssyncadd.s32 $0xFFFFFC00  }
0xc1: {  	[tilespmem:s18], [sflag:$0x1] =	stream.indirect.gather [hbm4b:s0+s17], $0x80, s5, s17, $0xb8;
	[tilespmem:$0x1F900] =	vst v63  }
0xc2: {  	_ = 	snop  }
0xc3: {  	[tilespmem:s19], [sflag:$0x2] =	stream.indirect.gather [hbm4b:s0+s17], $0x80, s17, s17, $0xb8;
	[tilespmem:$0x1F900] =	vst v63  }
0xc4: {  	_ =	swait.ge [sflag:s20], $0x4000  }
0xc5: {  	[sflag:s20] =	ssyncset.done $0x0  }
0xc6: {  	[sflag:s20] =	ssyncadd.s32 $0xFFFFC000  }
0xc7: {  	[spmem:s3] =	stream.indirect.scatter.add.f32 [tilespmem:s18], [sflag:$0x4], $0x80, s16, s17, $0xb8;
	[tilespmem:$0x1F900] =	vst v63  }
0xc8: {  	_ =	swait.ge [sflag:s14], $0x4000  }
0xc9: {  	[sflag:s14] =	ssyncset.done $0x0  }
0xca: {  	[sflag:s14] =	ssyncadd.s32 $0xFFFFC000  }
0xcb: {  	[spmem:s4] =	stream.indirect.scatter.add.f32 [tilespmem:s21], [sflag:$0x3], $0x10, s16, s17, $0xb8;
	[tilespmem:$0x1F900] =	vst v63  }
0xcc: {  	_ = 	snop  }
0xcd: {  	[tilespmem:s18], [sflag:$0x1] =	stream.indirect.gather [hbm4b:s0+s17], $0x80, s28, s17, $0xb8;
	[tilespmem:$0x1F900] =	vst v63  }
0xce: {  	_ =	swait.ge [sflag:s23], $0x4000  }
0xcf: {  	[sflag:s23] =	ssyncset.done $0x0  }
0xd0: {  	[sflag:s23] =	ssyncadd.s32 $0xFFFFC000  }
0xd1: {  	[spmem:s3] =	stream.indirect.scatter.add.f32 [tilespmem:s19], [sflag:$0x4], $0x80, s24, s17, $0xb8;
	[tilespmem:$0x1F900] =	vst v63  }
0xd2: {  	_ =	swait.ge [sflag:s14], $0x4000  }
0xd3: {  	[sflag:s14] =	ssyncset.done $0x0  }
0xd4: {  	[sflag:s14] =	ssyncadd.s32 $0xFFFFC000  }
0xd5: {  	_ =	swait.ge [sflag:s26], $0x800  }
0xd6: {  	[sflag:s26] =	ssyncset.done $0x0  }
0xd7: {  	[sflag:s26] =	ssyncadd.s32 $0xFFFFF800  }
0xd8: {  	[spmem:s4] =	stream.indirect.scatter.add.f32 [tilespmem:s21], [sflag:$0x3], $0x10, s24, s17, $0xb8;
	[tilespmem:$0x1F900] =	vst v63  }
0xd9: {  	s28 =	simm.s32 $0x180  }
0xda: {  	[tilespmem:s19], [sflag:$0x2] =	stream.indirect.gather [hbm4b:s0+s17], $0x80, s28, s17, $0xb8;
	[tilespmem:$0x1F900] =	vst v63  }
0xdb: {  	_ =	swait.ge [sflag:s20], $0x4000  }
0xdc: {  	[sflag:s20] =	ssyncset.done $0x0  }
0xdd: {  	[sflag:s20] =	ssyncadd.s32 $0xFFFFC000  }
0xde: {  	[spmem:s3] =	stream.indirect.scatter.add.f32 [tilespmem:s18], [sflag:$0x4], $0x80, s29, s17, $0xb8;
	[tilespmem:$0x1F900] =	vst v63  }
0xdf: {  	_ =	swait.ge [sflag:s14], $0x4000  }
0xe0: {  	[sflag:s14] =	ssyncset.done $0x0  }
0xe1: {  	[sflag:s14] =	ssyncadd.s32 $0xFFFFC000  }
0xe2: {  	_ =	swait.ge [sflag:s26], $0x800  }
0xe3: {  	[sflag:s26] =	ssyncset.done $0x0  }
0xe4: {  	[sflag:s26] =	ssyncadd.s32 $0xFFFFF800  }
0xe5: {  	[spmem:s4] =	stream.indirect.scatter.add.f32 [tilespmem:s21], [sflag:$0x3], $0x10, s29, s17, $0xb8;
	[tilespmem:$0x1F900] =	vst v63  }
0xe6: {  	_ = 	snop  }
0xe7: {  	[tilespmem:s18], [sflag:$0x1] =	stream.indirect.gather [hbm4b:s0+s17], $0x80, s30, s17, $0xb8;
	[tilespmem:$0x1F900] =	vst v63  }
0xe8: {  	_ =	swait.ge [sflag:s23], $0x4000  }
0xe9: {  	[sflag:s23] =	ssyncset.done $0x0  }
0xea: {  	[sflag:s23] =	ssyncadd.s32 $0xFFFFC000  }
0xeb: {  	[spmem:s3] =	stream.indirect.scatter.add.f32 [tilespmem:s19], [sflag:$0x4], $0x80, s31, s17, $0xb8;
	[tilespmem:$0x1F900] =	vst v63  }
0xec: {  	_ =	swait.ge [sflag:s14], $0x4000  }
0xed: {  	[sflag:s14] =	ssyncset.done $0x0  }
0xee: {  	[sflag:s14] =	ssyncadd.s32 $0xFFFFC000  }
0xef: {  	_ =	swait.ge [sflag:s26], $0x800  }
0xf0: {  	[sflag:s26] =	ssyncset.done $0x0  }
0xf1: {  	[sflag:s26] =	ssyncadd.s32 $0xFFFFF800  }
0xf2: {  	[spmem:s4] =	stream.indirect.scatter.add.f32 [tilespmem:s21], [sflag:$0x3], $0x10, s31, s17, $0xb8;
	[tilespmem:$0x1F900] =	vst v63  }
0xf3: {  	_ = 	snop  }
0xf4: {  	[tilespmem:s19], [sflag:$0x2] =	stream.indirect.gather [hbm4b:s0+s17], $0x80, s2, s17, $0xb8;
	[tilespmem:$0x1F900] =	vst v63  }
0xf5: {  	_ =	swait.ge [sflag:s20], $0x4000  }
0xf6: {  	[sflag:s20] =	ssyncset.done $0x0  }
0xf7: {  	[sflag:s20] =	ssyncadd.s32 $0xFFFFC000  }
0xf8: {  	[spmem:s3] =	stream.indirect.scatter.add.f32 [tilespmem:s18], [sflag:$0x4], $0x80, s1, s17, $0xb8;
	[tilespmem:$0x1F900] =	vst v63  }
0xf9: {  	_ =	swait.ge [sflag:s14], $0x4000  }
0xfa: {  	[sflag:s14] =	ssyncset.done $0x0  }
0xfb: {  	[sflag:s14] =	ssyncadd.s32 $0xFFFFC000  }
0xfc: {  	_ =	swait.ge [sflag:s26], $0x800  }
0xfd: {  	[sflag:s26] =	ssyncset.done $0x0  }
0xfe: {  	[sflag:s26] =	ssyncadd.s32 $0xFFFFF800  }
0xff: {  	[spmem:s4] =	stream.indirect.scatter.add.f32 [tilespmem:s21], [sflag:$0x3], $0x10, s1, s17, $0xb8;
	[tilespmem:$0x1F900] =	vst v63  }
0x100: {  	_ = 	snop  }
0x101: {  	[tilespmem:s18], [sflag:$0x1] =	stream.indirect.gather [hbm4b:s0+s17], $0x80, s6, s17, $0xb8;
	[tilespmem:$0x1F900] =	vst v63  }
0x102: {  	_ =	swait.ge [sflag:s23], $0x4000  }
0x103: {  	[sflag:s23] =	ssyncset.done $0x0  }
0x104: {  	[sflag:s23] =	ssyncadd.s32 $0xFFFFC000  }
0x105: {  	[spmem:s3] =	stream.indirect.scatter.add.f32 [tilespmem:s19], [sflag:$0x4], $0x80, s9, s17, $0xb8;
	[tilespmem:$0x1F900] =	vst v63  }
0x106: {  	_ =	swait.ge [sflag:s14], $0x4000  }
0x107: {  	[sflag:s14] =	ssyncset.done $0x0  }
0x108: {  	[sflag:s14] =	ssyncadd.s32 $0xFFFFC000  }
0x109: {  	_ =	swait.ge [sflag:s26], $0x800  }
0x10a: {  	[sflag:s26] =	ssyncset.done $0x0  }
0x10b: {  	[sflag:s26] =	ssyncadd.s32 $0xFFFFF800  }
0x10c: {  	[spmem:s4] =	stream.indirect.scatter.add.f32 [tilespmem:s21], [sflag:$0x3], $0x10, s9, s17, $0xb8;
	[tilespmem:$0x1F900] =	vst v63  }
0x10d: {  	_ = 	snop  }
0x10e: {  	[tilespmem:s19], [sflag:$0x2] =	stream.indirect.gather [hbm4b:s0+s17], $0x80, s10, s17, $0xb8;
	[tilespmem:$0x1F900] =	vst v63  }
0x10f: {  	_ =	swait.ge [sflag:s20], $0x4000  }
0x110: {  	[sflag:s20] =	ssyncset.done $0x0  }
0x111: {  	[sflag:s20] =	ssyncadd.s32 $0xFFFFC000  }
0x112: {  	[spmem:s3] =	stream.indirect.scatter.add.f32 [tilespmem:s18], [sflag:$0x4], $0x80, s11, s17, $0xb8;
	[tilespmem:$0x1F900] =	vst v63  }
0x113: {  	_ =	swait.ge [sflag:s14], $0x4000  }
0x114: {  	[sflag:s14] =	ssyncset.done $0x0  }
0x115: {  	[sflag:s14] =	ssyncadd.s32 $0xFFFFC000  }
0x116: {  	_ =	swait.ge [sflag:s26], $0x800  }
0x117: {  	[sflag:s26] =	ssyncset.done $0x0  }
0x118: {  	[sflag:s26] =	ssyncadd.s32 $0xFFFFF800  }
0x119: {  	[spmem:s4] =	stream.indirect.scatter.add.f32 [tilespmem:s21], [sflag:$0x3], $0x10, s11, s17, $0xb8;
	[tilespmem:$0x1F900] =	vst v63  }
0x11a: {  	_ =	swait.ge [sflag:s23], $0x4000  }
0x11b: {  	[sflag:s23] =	ssyncset.done $0x0  }
0x11c: {  	[sflag:s23] =	ssyncadd.s32 $0xFFFFC000  }
0x11d: {  	[spmem:s3] =	stream.indirect.scatter.add.f32 [tilespmem:s19], [sflag:$0x4], $0x80, s25, s17, $0xb8;
	[tilespmem:$0x1F900] =	vst v63  }
0x11e: {  	_ =	swait.ge [sflag:s14], $0x4000  }
0x11f: {  	[sflag:s14] =	ssyncset.done $0x0  }
0x120: {  	[sflag:s14] =	ssyncadd.s32 $0xFFFFC000  }
0x121: {  	_ =	swait.ge [sflag:s26], $0x800  }
0x122: {  	[sflag:s26] =	ssyncset.done $0x0  }
0x123: {  	[sflag:s26] =	ssyncadd.s32 $0xFFFFF800  }
0x124: {  	[spmem:s4] =	stream.indirect.scatter.add.f32 [tilespmem:s21], [sflag:$0x3], $0x10, s25, s17, $0xb8;
	[tilespmem:$0x1F900] =	vst v63  }
0x125: {  	_ =	swait.ge [sflag:s26], $0x800  }
0x126: {  	s13 =	simm.s32 $0x100;
	s7 =	simm.s32 $0x80;
	[sflag:s26] =	ssyncset.done $0x0  }
.LBB2_4:
0x127: {  	s22 =	sadd.s32 s7, s12;
	[sflag:s26] =	ssyncadd.s32 $0xFFFFF800  }
0x128: {  	[tilespmem:s5], [sflag:$0x4] =	stream.linear.gather [hbm4b:s22+s5], $0x400, $0x38;
	[tilespmem:$0x1F900] =	vst v63  }
0x129: {  	s28 =	smov.u32 s13;
	s15 =	sadd.s32 $0x80, s13;
	_ =	swait.ge [sflag:s14], $0x400  }
0x12a: {  	p0 =	sne.s32 s13, $0x480;
	s13 =	rddreg [dreg:$0x6];
	[sflag:s14] =	ssyncset.done $0x0  }
0x12b: {  	[sflag:s14] =	ssyncadd.s32 $0xFFFFFC00;
	s13 =	sadd.s32 s7, s13  }
0x12c: {  	[tilespmem:s16], [sflag:$0x4] =	stream.linear.gather [hbm4b:s13+s5], $0x400, $0x38;
	[tilespmem:$0x1F900] =	vst v63  }
0x12d: {  	_ =	swait.ge [sflag:s14], $0x400  }
0x12e: {  	[sflag:s14] =	ssyncset.done $0x0  }
0x12f: {  	[sflag:s14] =	ssyncadd.s32 $0xFFFFFC00  }
0x130: {  	[tilespmem:s18], [sflag:$0x1] =	stream.indirect.gather [hbm4b:s0+s17], $0x80, s5, s17, $0xb8;
	[tilespmem:$0x1F900] =	vst v63  }
0x131: {  	_ = 	snop  }
0x132: {  	[tilespmem:s19], [sflag:$0x2] =	stream.indirect.gather [hbm4b:s0+s17], $0x80, s17, s17, $0xb8;
	[tilespmem:$0x1F900] =	vst v63  }
0x133: {  	_ =	swait.ge [sflag:s20], $0x4000  }
0x134: {  	[sflag:s20] =	ssyncset.done $0x0  }
0x135: {  	[sflag:s20] =	ssyncadd.s32 $0xFFFFC000  }
0x136: {  	[spmem:s3] =	stream.indirect.scatter.add.f32 [tilespmem:s18], [sflag:$0x4], $0x80, s16, s17, $0xb8;
	[tilespmem:$0x1F900] =	vst v63  }
0x137: {  	_ =	swait.ge [sflag:s14], $0x4000  }
0x138: {  	[sflag:s14] =	ssyncset.done $0x0  }
0x139: {  	[sflag:s14] =	ssyncadd.s32 $0xFFFFC000  }
0x13a: {  	[spmem:s4] =	stream.indirect.scatter.add.f32 [tilespmem:s21], [sflag:$0x3], $0x10, s16, s17, $0xb8;
	[tilespmem:$0x1F900] =	vst v63  }
0x13b: {  	s7 =	smov.u32 s28;
	s28 =	simm.s32 $0x100  }
0x13c: {  	[tilespmem:s18], [sflag:$0x1] =	stream.indirect.gather [hbm4b:s0+s17], $0x80, s28, s17, $0xb8;
	[tilespmem:$0x1F900] =	vst v63  }
0x13d: {  	_ =	swait.ge [sflag:s23], $0x4000  }
0x13e: {  	[sflag:s23] =	ssyncset.done $0x0  }
0x13f: {  	[sflag:s23] =	ssyncadd.s32 $0xFFFFC000  }
0x140: {  	[spmem:s3] =	stream.indirect.scatter.add.f32 [tilespmem:s19], [sflag:$0x4], $0x80, s24, s17, $0xb8;
	[tilespmem:$0x1F900] =	vst v63  }
0x141: {  	_ =	swait.ge [sflag:s14], $0x4000  }
0x142: {  	[sflag:s14] =	ssyncset.done $0x0  }
0x143: {  	[sflag:s14] =	ssyncadd.s32 $0xFFFFC000  }
0x144: {  	_ =	swait.ge [sflag:s26], $0x800  }
0x145: {  	[sflag:s26] =	ssyncset.done $0x0  }
0x146: {  	[sflag:s26] =	ssyncadd.s32 $0xFFFFF800  }
0x147: {  	[spmem:s4] =	stream.indirect.scatter.add.f32 [tilespmem:s21], [sflag:$0x3], $0x10, s24, s17, $0xb8;
	[tilespmem:$0x1F900] =	vst v63  }
0x148: {  	s22 =	simm.s32 $0x180  }
0x149: {  	[tilespmem:s19], [sflag:$0x2] =	stream.indirect.gather [hbm4b:s0+s17], $0x80, s22, s17, $0xb8;
	[tilespmem:$0x1F900] =	vst v63  }
0x14a: {  	_ =	swait.ge [sflag:s20], $0x4000  }
0x14b: {  	[sflag:s20] =	ssyncset.done $0x0  }
0x14c: {  	[sflag:s20] =	ssyncadd.s32 $0xFFFFC000  }
0x14d: {  	[spmem:s3] =	stream.indirect.scatter.add.f32 [tilespmem:s18], [sflag:$0x4], $0x80, s29, s17, $0xb8;
	[tilespmem:$0x1F900] =	vst v63  }
0x14e: {  	_ =	swait.ge [sflag:s14], $0x4000  }
0x14f: {  	[sflag:s14] =	ssyncset.done $0x0  }
0x150: {  	[sflag:s14] =	ssyncadd.s32 $0xFFFFC000  }
0x151: {  	_ =	swait.ge [sflag:s26], $0x800  }
0x152: {  	[sflag:s26] =	ssyncset.done $0x0  }
0x153: {  	[sflag:s26] =	ssyncadd.s32 $0xFFFFF800  }
0x154: {  	[spmem:s4] =	stream.indirect.scatter.add.f32 [tilespmem:s21], [sflag:$0x3], $0x10, s29, s17, $0xb8;
	[tilespmem:$0x1F900] =	vst v63  }
0x155: {  	_ = 	snop  }
0x156: {  	[tilespmem:s18], [sflag:$0x1] =	stream.indirect.gather [hbm4b:s0+s17], $0x80, s30, s17, $0xb8;
	[tilespmem:$0x1F900] =	vst v63  }
0x157: {  	_ =	swait.ge [sflag:s23], $0x4000  }
0x158: {  	[sflag:s23] =	ssyncset.done $0x0  }
0x159: {  	[sflag:s23] =	ssyncadd.s32 $0xFFFFC000  }
0x15a: {  	[spmem:s3] =	stream.indirect.scatter.add.f32 [tilespmem:s19], [sflag:$0x4], $0x80, s31, s17, $0xb8;
	[tilespmem:$0x1F900] =	vst v63  }
0x15b: {  	_ =	swait.ge [sflag:s14], $0x4000  }
0x15c: {  	[sflag:s14] =	ssyncset.done $0x0  }
0x15d: {  	[sflag:s14] =	ssyncadd.s32 $0xFFFFC000  }
0x15e: {  	_ =	swait.ge [sflag:s26], $0x800  }
0x15f: {  	[sflag:s26] =	ssyncset.done $0x0  }
0x160: {  	[sflag:s26] =	ssyncadd.s32 $0xFFFFF800  }
0x161: {  	[spmem:s4] =	stream.indirect.scatter.add.f32 [tilespmem:s21], [sflag:$0x3], $0x10, s31, s17, $0xb8;
	[tilespmem:$0x1F900] =	vst v63  }
0x162: {  	_ = 	snop  }
0x163: {  	[tilespmem:s19], [sflag:$0x2] =	stream.indirect.gather [hbm4b:s0+s17], $0x80, s2, s17, $0xb8;
	[tilespmem:$0x1F900] =	vst v63  }
0x164: {  	_ =	swait.ge [sflag:s20], $0x4000  }
0x165: {  	[sflag:s20] =	ssyncset.done $0x0  }
0x166: {  	[sflag:s20] =	ssyncadd.s32 $0xFFFFC000  }
0x167: {  	[spmem:s3] =	stream.indirect.scatter.add.f32 [tilespmem:s18], [sflag:$0x4], $0x80, s1, s17, $0xb8;
	[tilespmem:$0x1F900] =	vst v63  }
0x168: {  	_ =	swait.ge [sflag:s14], $0x4000  }
0x169: {  	[sflag:s14] =	ssyncset.done $0x0  }
0x16a: {  	[sflag:s14] =	ssyncadd.s32 $0xFFFFC000  }
0x16b: {  	_ =	swait.ge [sflag:s26], $0x800  }
0x16c: {  	[sflag:s26] =	ssyncset.done $0x0  }
0x16d: {  	[sflag:s26] =	ssyncadd.s32 $0xFFFFF800  }
0x16e: {  	[spmem:s4] =	stream.indirect.scatter.add.f32 [tilespmem:s21], [sflag:$0x3], $0x10, s1, s17, $0xb8;
	[tilespmem:$0x1F900] =	vst v63  }
0x16f: {  	_ = 	snop  }
0x170: {  	[tilespmem:s18], [sflag:$0x1] =	stream.indirect.gather [hbm4b:s0+s17], $0x80, s6, s17, $0xb8;
	[tilespmem:$0x1F900] =	vst v63  }
0x171: {  	_ =	swait.ge [sflag:s23], $0x4000  }
0x172: {  	[sflag:s23] =	ssyncset.done $0x0  }
0x173: {  	[sflag:s23] =	ssyncadd.s32 $0xFFFFC000  }
0x174: {  	[spmem:s3] =	stream.indirect.scatter.add.f32 [tilespmem:s19], [sflag:$0x4], $0x80, s9, s17, $0xb8;
	[tilespmem:$0x1F900] =	vst v63  }
0x175: {  	_ =	swait.ge [sflag:s14], $0x4000  }
0x176: {  	[sflag:s14] =	ssyncset.done $0x0  }
0x177: {  	[sflag:s14] =	ssyncadd.s32 $0xFFFFC000  }
0x178: {  	_ =	swait.ge [sflag:s26], $0x800  }
0x179: {  	[sflag:s26] =	ssyncset.done $0x0  }
0x17a: {  	[sflag:s26] =	ssyncadd.s32 $0xFFFFF800  }
0x17b: {  	[spmem:s4] =	stream.indirect.scatter.add.f32 [tilespmem:s21], [sflag:$0x3], $0x10, s9, s17, $0xb8;
	[tilespmem:$0x1F900] =	vst v63  }
0x17c: {  	_ = 	snop  }
0x17d: {  	[tilespmem:s19], [sflag:$0x2] =	stream.indirect.gather [hbm4b:s0+s17], $0x80, s10, s17, $0xb8;
	[tilespmem:$0x1F900] =	vst v63  }
0x17e: {  	_ =	swait.ge [sflag:s20], $0x4000  }
0x17f: {  	[sflag:s20] =	ssyncset.done $0x0  }
0x180: {  	[sflag:s20] =	ssyncadd.s32 $0xFFFFC000  }
0x181: {  	[spmem:s3] =	stream.indirect.scatter.add.f32 [tilespmem:s18], [sflag:$0x4], $0x80, s11, s17, $0xb8;
	[tilespmem:$0x1F900] =	vst v63  }
0x182: {  	_ =	swait.ge [sflag:s14], $0x4000  }
0x183: {  	[sflag:s14] =	ssyncset.done $0x0  }
0x184: {  	[sflag:s14] =	ssyncadd.s32 $0xFFFFC000  }
0x185: {  	_ =	swait.ge [sflag:s26], $0x800  }
0x186: {  	[sflag:s26] =	ssyncset.done $0x0  }
0x187: {  	[sflag:s26] =	ssyncadd.s32 $0xFFFFF800  }
0x188: {  	[spmem:s4] =	stream.indirect.scatter.add.f32 [tilespmem:s21], [sflag:$0x3], $0x10, s11, s17, $0xb8;
	[tilespmem:$0x1F900] =	vst v63  }
0x189: {  	_ =	swait.ge [sflag:s23], $0x4000  }
0x18a: {  	[sflag:s23] =	ssyncset.done $0x0  }
0x18b: {  	[sflag:s23] =	ssyncadd.s32 $0xFFFFC000  }
0x18c: {  	[spmem:s3] =	stream.indirect.scatter.add.f32 [tilespmem:s19], [sflag:$0x4], $0x80, s25, s17, $0xb8;
	[tilespmem:$0x1F900] =	vst v63  }
0x18d: {  	_ =	swait.ge [sflag:s14], $0x4000  }
0x18e: {  	[sflag:s14] =	ssyncset.done $0x0  }
0x18f: {  	[sflag:s14] =	ssyncadd.s32 $0xFFFFC000  }
0x190: {  	_ =	swait.ge [sflag:s26], $0x800  }
.Ltmp1:
0x191: {  	[sflag:s26] =	ssyncset.done $0x0;
	(pc) =	sbr.rel @p0 .LBB2_4-.Ltmp1, $4  }
0x192: {  	[sflag:s26] =	ssyncadd.s32 $0xFFFFF800  }
0x193: {  	[spmem:s4] =	stream.indirect.scatter.add.f32 [tilespmem:s21], [sflag:$0x3], $0x10, s25, s17, $0xb8;
	[tilespmem:$0x1F900] =	vst v63  }
0x194: {  	_ =	swait.ge [sflag:s26], $0x800  }
0x195: {  	s13 =	smov.u32 s15;
	[sflag:s26] =	ssyncset.done $0x0  }
0x196: {  	s13 =	sadd.s32 s7, s12;
	[sflag:s26] =	ssyncadd.s32 $0xFFFFF800  }
0x197: {  	[tilespmem:s5], [sflag:$0x4] =	stream.linear.gather [hbm4b:s13+s5], $0x400, $0x38;
	[tilespmem:$0x1F900] =	vst v63  }
0x198: {  	_ =	swait.ge [sflag:s14], $0x400  }
0x199: {  	s15 =	rddreg [dreg:$0x6];
	[sflag:s14] =	ssyncset.done $0x0  }
0x19a: {  	s15 =	sadd.s32 s7, s15;
	[sflag:s14] =	ssyncadd.s32 $0xFFFFFC00  }
0x19b: {  	[tilespmem:s16], [sflag:$0x4] =	stream.linear.gather [hbm4b:s15+s5], $0x400, $0x38;
	[tilespmem:$0x1F900] =	vst v63  }
0x19c: {  	_ =	swait.ge [sflag:s14], $0x400  }
0x19d: {  	[sflag:s14] =	ssyncset.done $0x0  }
0x19e: {  	[sflag:s14] =	ssyncadd.s32 $0xFFFFFC00  }
0x19f: {  	[tilespmem:s18], [sflag:$0x1] =	stream.indirect.gather [hbm4b:s0+s17], $0x80, s5, s17, $0xb8;
	[tilespmem:$0x1F900] =	vst v63  }
0x1a0: {  	_ = 	snop  }
0x1a1: {  	[tilespmem:s19], [sflag:$0x2] =	stream.indirect.gather [hbm4b:s0+s17], $0x80, s17, s17, $0xb8;
	[tilespmem:$0x1F900] =	vst v63  }
0x1a2: {  	_ =	swait.ge [sflag:s20], $0x4000  }
0x1a3: {  	[sflag:s20] =	ssyncset.done $0x0  }
0x1a4: {  	[sflag:s20] =	ssyncadd.s32 $0xFFFFC000  }
0x1a5: {  	[spmem:s3] =	stream.indirect.scatter.add.f32 [tilespmem:s18], [sflag:$0x4], $0x80, s16, s17, $0xb8;
	[tilespmem:$0x1F900] =	vst v63  }
0x1a6: {  	_ =	swait.ge [sflag:s14], $0x4000  }
0x1a7: {  	[sflag:s14] =	ssyncset.done $0x0  }
0x1a8: {  	[sflag:s14] =	ssyncadd.s32 $0xFFFFC000  }
0x1a9: {  	[spmem:s4] =	stream.indirect.scatter.add.f32 [tilespmem:s21], [sflag:$0x3], $0x10, s16, s17, $0xb8;
	[tilespmem:$0x1F900] =	vst v63  }
0x1aa: {  	_ = 	snop  }
0x1ab: {  	[tilespmem:s18], [sflag:$0x1] =	stream.indirect.gather [hbm4b:s0+s17], $0x80, s28, s17, $0xb8;
	[tilespmem:$0x1F900] =	vst v63  }
0x1ac: {  	_ =	swait.ge [sflag:s23], $0x4000  }
0x1ad: {  	[sflag:s23] =	ssyncset.done $0x0  }
0x1ae: {  	[sflag:s23] =	ssyncadd.s32 $0xFFFFC000  }
0x1af: {  	[spmem:s3] =	stream.indirect.scatter.add.f32 [tilespmem:s19], [sflag:$0x4], $0x80, s24, s17, $0xb8;
	[tilespmem:$0x1F900] =	vst v63  }
0x1b0: {  	_ =	swait.ge [sflag:s14], $0x4000  }
0x1b1: {  	[sflag:s14] =	ssyncset.done $0x0  }
0x1b2: {  	[sflag:s14] =	ssyncadd.s32 $0xFFFFC000  }
0x1b3: {  	_ =	swait.ge [sflag:s26], $0x800  }
0x1b4: {  	[sflag:s26] =	ssyncset.done $0x0  }
0x1b5: {  	[sflag:s26] =	ssyncadd.s32 $0xFFFFF800  }
0x1b6: {  	[spmem:s4] =	stream.indirect.scatter.add.f32 [tilespmem:s21], [sflag:$0x3], $0x10, s24, s17, $0xb8;
	[tilespmem:$0x1F900] =	vst v63  }
0x1b7: {  	_ = 	snop  }
0x1b8: {  	[tilespmem:s19], [sflag:$0x2] =	stream.indirect.gather [hbm4b:s0+s17], $0x80, s22, s17, $0xb8;
	[tilespmem:$0x1F900] =	vst v63  }
0x1b9: {  	_ =	swait.ge [sflag:s20], $0x4000  }
0x1ba: {  	[sflag:s20] =	ssyncset.done $0x0  }
0x1bb: {  	[sflag:s20] =	ssyncadd.s32 $0xFFFFC000  }
0x1bc: {  	[spmem:s3] =	stream.indirect.scatter.add.f32 [tilespmem:s18], [sflag:$0x4], $0x80, s29, s17, $0xb8;
	[tilespmem:$0x1F900] =	vst v63  }
0x1bd: {  	_ =	swait.ge [sflag:s14], $0x4000  }
0x1be: {  	[sflag:s14] =	ssyncset.done $0x0  }
0x1bf: {  	[sflag:s14] =	ssyncadd.s32 $0xFFFFC000  }
0x1c0: {  	_ =	swait.ge [sflag:s26], $0x800  }
0x1c1: {  	[sflag:s26] =	ssyncset.done $0x0  }
0x1c2: {  	[sflag:s26] =	ssyncadd.s32 $0xFFFFF800  }
0x1c3: {  	[spmem:s4] =	stream.indirect.scatter.add.f32 [tilespmem:s21], [sflag:$0x3], $0x10, s29, s17, $0xb8;
	[tilespmem:$0x1F900] =	vst v63  }
0x1c4: {  	_ = 	snop  }
0x1c5: {  	[tilespmem:s18], [sflag:$0x1] =	stream.indirect.gather [hbm4b:s0+s17], $0x80, s30, s17, $0xb8;
	[tilespmem:$0x1F900] =	vst v63  }
0x1c6: {  	_ =	swait.ge [sflag:s23], $0x4000  }
0x1c7: {  	[sflag:s23] =	ssyncset.done $0x0  }
0x1c8: {  	[sflag:s23] =	ssyncadd.s32 $0xFFFFC000  }
0x1c9: {  	[spmem:s3] =	stream.indirect.scatter.add.f32 [tilespmem:s19], [sflag:$0x4], $0x80, s31, s17, $0xb8;
	[tilespmem:$0x1F900] =	vst v63  }
0x1ca: {  	_ =	swait.ge [sflag:s14], $0x4000  }
0x1cb: {  	[sflag:s14] =	ssyncset.done $0x0  }
0x1cc: {  	[sflag:s14] =	ssyncadd.s32 $0xFFFFC000  }
0x1cd: {  	_ =	swait.ge [sflag:s26], $0x800  }
0x1ce: {  	[sflag:s26] =	ssyncset.done $0x0  }
0x1cf: {  	[sflag:s26] =	ssyncadd.s32 $0xFFFFF800  }
0x1d0: {  	[spmem:s4] =	stream.indirect.scatter.add.f32 [tilespmem:s21], [sflag:$0x3], $0x10, s31, s17, $0xb8;
	[tilespmem:$0x1F900] =	vst v63  }
0x1d1: {  	_ = 	snop  }
0x1d2: {  	[tilespmem:s19], [sflag:$0x2] =	stream.indirect.gather [hbm4b:s0+s17], $0x80, s2, s17, $0xb8;
	[tilespmem:$0x1F900] =	vst v63  }
0x1d3: {  	_ =	swait.ge [sflag:s20], $0x4000  }
0x1d4: {  	[sflag:s20] =	ssyncset.done $0x0  }
0x1d5: {  	[sflag:s20] =	ssyncadd.s32 $0xFFFFC000  }
0x1d6: {  	[spmem:s3] =	stream.indirect.scatter.add.f32 [tilespmem:s18], [sflag:$0x4], $0x80, s1, s17, $0xb8;
	[tilespmem:$0x1F900] =	vst v63  }
0x1d7: {  	_ =	swait.ge [sflag:s14], $0x4000  }
0x1d8: {  	[sflag:s14] =	ssyncset.done $0x0  }
0x1d9: {  	[sflag:s14] =	ssyncadd.s32 $0xFFFFC000  }
0x1da: {  	_ =	swait.ge [sflag:s26], $0x800  }
0x1db: {  	[sflag:s26] =	ssyncset.done $0x0  }
0x1dc: {  	[sflag:s26] =	ssyncadd.s32 $0xFFFFF800  }
0x1dd: {  	[spmem:s4] =	stream.indirect.scatter.add.f32 [tilespmem:s21], [sflag:$0x3], $0x10, s1, s17, $0xb8;
	[tilespmem:$0x1F900] =	vst v63  }
0x1de: {  	_ = 	snop  }
0x1df: {  	[tilespmem:s18], [sflag:$0x1] =	stream.indirect.gather [hbm4b:s0+s17], $0x80, s6, s17, $0xb8;
	[tilespmem:$0x1F900] =	vst v63  }
0x1e0: {  	_ =	swait.ge [sflag:s23], $0x4000  }
0x1e1: {  	[sflag:s23] =	ssyncset.done $0x0  }
0x1e2: {  	[sflag:s23] =	ssyncadd.s32 $0xFFFFC000  }
0x1e3: {  	[spmem:s3] =	stream.indirect.scatter.add.f32 [tilespmem:s19], [sflag:$0x4], $0x80, s9, s17, $0xb8;
	[tilespmem:$0x1F900] =	vst v63  }
0x1e4: {  	_ =	swait.ge [sflag:s14], $0x4000  }
0x1e5: {  	[sflag:s14] =	ssyncset.done $0x0  }
0x1e6: {  	[sflag:s14] =	ssyncadd.s32 $0xFFFFC000  }
0x1e7: {  	_ =	swait.ge [sflag:s26], $0x800  }
0x1e8: {  	[sflag:s26] =	ssyncset.done $0x0  }
0x1e9: {  	[sflag:s26] =	ssyncadd.s32 $0xFFFFF800  }
0x1ea: {  	[spmem:s4] =	stream.indirect.scatter.add.f32 [tilespmem:s21], [sflag:$0x3], $0x10, s9, s17, $0xb8;
	[tilespmem:$0x1F900] =	vst v63  }
0x1eb: {  	_ = 	snop  }
0x1ec: {  	[tilespmem:s19], [sflag:$0x2] =	stream.indirect.gather [hbm4b:s0+s17], $0x80, s10, s17, $0xb8;
	[tilespmem:$0x1F900] =	vst v63  }
0x1ed: {  	_ =	swait.ge [sflag:s20], $0x4000  }
0x1ee: {  	[sflag:s20] =	ssyncset.done $0x0  }
0x1ef: {  	[sflag:s20] =	ssyncadd.s32 $0xFFFFC000  }
0x1f0: {  	[spmem:s3] =	stream.indirect.scatter.add.f32 [tilespmem:s18], [sflag:$0x4], $0x80, s11, s17, $0xb8;
	[tilespmem:$0x1F900] =	vst v63  }
0x1f1: {  	_ =	swait.ge [sflag:s14], $0x4000  }
0x1f2: {  	[sflag:s14] =	ssyncset.done $0x0  }
0x1f3: {  	[sflag:s14] =	ssyncadd.s32 $0xFFFFC000  }
0x1f4: {  	_ =	swait.ge [sflag:s26], $0x800  }
0x1f5: {  	[sflag:s26] =	ssyncset.done $0x0  }
0x1f6: {  	[sflag:s26] =	ssyncadd.s32 $0xFFFFF800  }
0x1f7: {  	[spmem:s4] =	stream.indirect.scatter.add.f32 [tilespmem:s21], [sflag:$0x3], $0x10, s11, s17, $0xb8;
	[tilespmem:$0x1F900] =	vst v63  }
0x1f8: {  	_ =	swait.ge [sflag:s23], $0x4000  }
0x1f9: {  	[sflag:s23] =	ssyncset.done $0x0  }
0x1fa: {  	[sflag:s23] =	ssyncadd.s32 $0xFFFFC000  }
0x1fb: {  	[spmem:s3] =	stream.indirect.scatter.add.f32 [tilespmem:s19], [sflag:$0x4], $0x80, s25, s17, $0xb8;
	[tilespmem:$0x1F900] =	vst v63  }
0x1fc: {  	_ =	swait.ge [sflag:s14], $0x4000  }
0x1fd: {  	[sflag:s14] =	ssyncset.done $0x0  }
0x1fe: {  	[sflag:s14] =	ssyncadd.s32 $0xFFFFC000  }
0x1ff: {  	_ =	swait.ge [sflag:s26], $0x800  }
0x200: {  	[sflag:s26] =	ssyncset.done $0x0  }
0x201: {  	[sflag:s26] =	ssyncadd.s32 $0xFFFFF800  }
0x202: {  	[spmem:s4] =	stream.indirect.scatter.add.f32 [tilespmem:s21], [sflag:$0x3], $0x10, s25, s17, $0xb8;
	[tilespmem:$0x1F900] =	vst v63  }
0x203: {  	_ =	swait.ge [sflag:s26], $0x800  }
0x204: {  	[sflag:s26] =	ssyncset.done $0x0  }
0x205: {  	[sflag:s26] =	ssyncadd.s32 $0xFFFFF800  }
0x206: {  	[bflag:$0x0] =	sbarrier.arrive $0xFFFF  }
0x207: {  	s15 =	rddreg [dreg:$0x8]  }
0x208: {  	s22 =	rddreg [dreg:$0x9]  }
0x209: {  	s13 =	rddreg [dreg:$0xc]  }
0x20a: {  	[hbm:s22], [sflag:s15] =	dma.local [spmem:s13], $0x2800  }
0x20b: {  	_ =	swait.ge [sflag:s14], $0x2800  }
0x20c: {  	[sflag:s14] =	ssyncset.done $0x0;
	s7 =	rddreg [dreg:$0xa]  }
0x20d: {  	s22 =	rddreg [dreg:$0xd];
	[sflag:s14] =	ssyncadd.s32 $0xFFFFD800  }
0x20e: {  	[hbm:s7], [sflag:s15] =	dma.local [spmem:s22], $0x500  }
0x20f: {  	_ =	swait.ge [sflag:s14], $0x500  }
0x210: {  	s7 =	rddreg [dreg:$0xe]  }
0x211: {  	s22 =	sadd.s32 $0x1, s7;
	s7 =	rddreg [dreg:$0xb]  }
0x212: {  	p0 =	sne.s32 s22, s7  }
.Ltmp2:
0x213: {  	_ = 	snop;
	(pc) =	sbr.rel @p0 .LBB2_1-.Ltmp2, $3  }
0x214: {  	_ =	sdelay $0x1  }
0x215: {  	[sflag:s14] =	ssyncset.done $0x0  }
0x216: {  	[sflag:s14] =	ssyncadd.s32 $0xFFFFFB00;
	[dreg:$0xe] =	wrdreg s22;
	s22 =	simm.s32 $0x1D000  }
0x217: {  	_ =	sfence.sel $0x180000  }
0x218: {  	[bflag:$0x0] =	sbarrier.arrive $0xFFFF  }
0x219: {  	_ =	strace $0x90000047  }
0x21a: {  	s0 =	stileid.u32;
	[bflag:$0x2] =	sbarrier.arrive $0xFFFF  }
0x21b: {  	p0 =	sne.s32 s0, $0x0;
	s0 =	rddreg [dreg:$0x5]  }
0x21c: {  	s0 =	sadd.s32 @!p0 $0x100000, s0  }
0x21d: {  	[sflag:s0] =	ssyncadd.tile.s32 @!p0 $0x1;
	_ =	shalt  }
.Lfunc_end2:
_tile_overlayer_lowered:
.L_overlay_start_2:
0x21e: {  	(tag) =	ssettag $0x2  }
0x21f: {  	s0 =	rddreg [dreg:$0x0];
	s2 =	stileid.u32  }
0x220: {  	s1 =	rddreg [dreg:$0x1];
	p0 =	sne.s32 s2, $0x0  }
0x221: {  	s3 =	rddreg [dreg:$0x2];
	[bflag:$0x3] =	sbarrier.arrive $0xFFFF;
	s2 =	simm.s32 @!p0 $0x1C04  }
0x222: {  	[timem:s3], [sflag:s2] =	dma.local @!p0 [hbm:s0], s1  }
0x223: {  	s0 =	simm.s32 @!p0 $0x4  }
0x224: {  	_ =	swait.ge @!p0 [sflag:s0], s1  }
0x225: {  	s1 =	ssub.s32 @!p0 $0x0, s1;
	[sflag:s0] =	ssyncset.done @!p0 $0x0  }
0x226: {  	[sflag:s0] =	ssyncadd.s32 @!p0 s1  }
0x227: {  	[bflag:$0x3] =	sbarrier.arrive $0xFFFF  }
0x228: {  	_ =	shalt  }

// kernel: kernel.9.cloned.1.call-start
scs
__scs_entry_jumppad:
0x0: {  	(pc) =	sbr.rel $0x88, $3  }
0x1: {  	(tag) =	ssettag $0x0;
	lr =	simm.s32 $0x1  }
0x2: {  	[smem:$0x3F9B] =	sst lr;
	_ =	strace $0xD0000000  }
0x3: {  	_ = 	snop  }
0x4: {  	_ = 	snop  }
0x5: {  	_ = 	snop  }
0x6: {  	_ = 	snop  }
0x7: {  	_ = 	snop  }
__scs_overlays_trampoline_lowered:
0x8: {  	[smem:$0x3FAA] =	sst s0  }
0x9: {  	[smem:$0x3FAB] =	sst s1  }
0xa: {  	[smem:$0x3FAC] =	sst s2  }
0xb: {  	[smem:$0x3FAD] =	sst s3  }
0xc: {  	[smem:$0x3FAE] =	sst s4  }
0xd: {  	[smem:$0x3FAF] =	sst s5  }
0xe: {  	[smem:$0x3FB0] =	sst s6  }
0xf: {  	[smem:$0x3FB1] =	sst s7  }
0x10: {  	[smem:$0x3FB2] =	sst s8  }
0x11: {  	[smem:$0x3FB3] =	sst s9;
	s0 =	simm.s32 @!p0 $0x0  }
0x12: {  	s1 =	sld [smem:$0x3F99];
	s0 =	simm.s32 @p0 $0x1  }
0x13: {  	[smem:$0x3FB4] =	sst s0;
	s0 =	simm.s32 @!p1 $0x0  }
0x14: {  	s2 =	sld [smem:$0x3F98];
	s0 =	simm.s32 @p1 $0x1  }
0x15: {  	[smem:$0x3FB5] =	sst s0;
	s0 =	simm.s32 @!p2 $0x0  }
0x16: {  	s3 =	sld [smem:$0x3FDB];
	s0 =	simm.s32 @p2 $0x1  }
0x17: {  	s4 =	simm.s32 $0x1BF5;
	[smem:$0x3FB7] =	sst s0  }
0x18: {  	s0 =	sld [smem:$0x3F9A];
	_ =	swait.ge [sflag:s4], $0x0  }
0x19: {  	s7 =	sld [smem:$0x3F9B]  }
0x1a: {  	s8 =	sadd.s32 $0xFFFFE003, lr  }
0x1b: {  	s9 =	sadd.s32 $0xFFFFFEF7, lr;
	s5 =	simm.s32 $0xFFFFFFFF;
	p2 =	slt.u32 s8, $0xFFFFF086  }
0x1c: {  	p1 =	slt.u32 s9, $0xF7A;
	s5 =	simm.s32 @!p2 $0x0  }
0x1d: {  	s5 =	simm.s32 @p1 $0x1;
	p0 =	seq.s32 s7, s2  }
0x1e: {  	s7 =	smul.u32 @!p0 $0xF7A, s2;
	p2 =	seq.s32 @!p0 s5, $0x0  }
0x1f: {  	s9 =	smul.u32 $0xF7A, s1;
	s8 =	simm.s32 @!p0 $0x1BF5;
	p2 =	por !p2, p0  }
0x20: {  	[sflag:s8] =	ssyncset.s32 @!p0 $0xFFFFF086;
	s6 =	sadd.s32 @!p0 s3, s7;
	s7 =	simm.s32 @!p0 $0x108  }
0x21: {  	s3 =	sadd.s32 s3, s9;
	s6 =	sadd.s32 @!p0 $0x88, s6;
	s7 =	simm.s32 @p2 $0x1082  }
0x22: {  	[simem:s7], [sflag:s8] =	dma.local @!p0 [hbm:s6], $0xF7A  }
0x23: {  	s9 =	sor.u32 $0xD0000000, s2;
	s6 =	simm.s32 $0x108;
	_ =	swait.ge @!p0 [sflag:s8], $0x0  }
0x24: {  	s3 =	sadd.s32 $0x88, s3;
	s6 =	simm.s32 @!p1 $0x1082;
	[sflag:s4] =	ssyncset.s32 $0xFFFFF086  }
0x25: {  	[simem:s6], [sflag:s4] =	dma.local [hbm:s3], $0xF7A  }
0x26: {  	[smem:$0x3F9B] =	sst s1;
	(tag) =	ssettag s2;
	_ =	strace s9  }
0x27: {  	s1 =	sld [smem:$0x3FAB]  }
0x28: {  	s2 =	sld [smem:$0x3FAC]  }
0x29: {  	s4 =	sld [smem:$0x3FAE]  }
0x2a: {  	p0 =	seq.s32 s5, $0x0;
	s5 =	sld [smem:$0x3FAF]  }
0x2b: {  	s6 =	sld [smem:$0x3FB0]  }
0x2c: {  	s7 =	sld [smem:$0x3FB1]  }
0x2d: {  	s3 =	simm.s32 $0x108;
	s8 =	sld [smem:$0x3FB2]  }
0x2e: {  	s3 =	simm.s32 @!p0 $0x1082;
	s9 =	sld [smem:$0x3FB3]  }
0x2f: {  	lr =	sadd.s32 s0, s3;
	s0 =	sld [smem:$0x3FAA]  }
0x30: {  	s3 =	sld [smem:$0x3FAD]  }
0x31: {  	[smem:$0x3FB6] =	sst s10  }
0x32: {  	s10 =	sld [smem:$0x3FB4];
	_ =	sdelay $0x3  }
0x33: {  	p0 =	seq.s32 s10, $0x1;
	s10 =	sld [smem:$0x3FB6];
	_ =	sdelay $0x3  }
0x34: {  	[smem:$0x3FB6] =	sst s10  }
0x35: {  	s10 =	sld [smem:$0x3FB5];
	_ =	sdelay $0x3  }
0x36: {  	p1 =	seq.s32 s10, $0x1;
	s10 =	sld [smem:$0x3FB6];
	_ =	sdelay $0x3  }
0x37: {  	[smem:$0x3FB6] =	sst s10  }
0x38: {  	s10 =	sld [smem:$0x3FB7]  }
0x39: {  	_ = 	snop;
	(pc) =	sbr.ind lr, $3  }
0x3a: {  	_ = 	snop  }
0x3b: {  	_ = 	snop  }
0x3c: {  	p2 =	seq.s32 s10, $0x1;
	s10 =	sld [smem:$0x3FB6]  }
0x3d: {  	_ =	shalt  }
0x3e: {  	_ =	shalt  }
0x3f: {  	_ =	shalt  }
0x40: {  	_ =	shalt  }
0x41: {  	_ =	shalt  }
0x42: {  	_ =	shalt  }
0x43: {  	_ =	shalt  }
0x44: {  	_ =	shalt  }
0x45: {  	_ =	shalt  }
0x46: {  	_ =	shalt  }
0x47: {  	_ =	shalt  }
0x48: {  	_ =	shalt  }
0x49: {  	_ =	shalt  }
0x4a: {  	_ =	shalt  }
0x4b: {  	_ =	shalt  }
0x4c: {  	_ =	shalt  }
0x4d: {  	_ =	shalt  }
0x4e: {  	_ =	shalt  }
0x4f: {  	_ =	shalt  }
0x50: {  	_ =	shalt  }
0x51: {  	_ =	shalt  }
0x52: {  	_ =	shalt  }
0x53: {  	_ =	shalt  }
0x54: {  	_ =	shalt  }
0x55: {  	_ =	shalt  }
0x56: {  	_ =	shalt  }
0x57: {  	_ =	shalt  }
0x58: {  	_ =	shalt  }
0x59: {  	_ =	shalt  }
0x5a: {  	_ =	shalt  }
0x5b: {  	_ =	shalt  }
0x5c: {  	_ =	shalt  }
0x5d: {  	_ =	shalt  }
0x5e: {  	_ =	shalt  }
0x5f: {  	_ =	shalt  }
0x60: {  	_ =	shalt  }
0x61: {  	_ =	shalt  }
0x62: {  	_ =	shalt  }
0x63: {  	_ =	shalt  }
0x64: {  	_ =	shalt  }
0x65: {  	_ =	shalt  }
0x66: {  	_ =	shalt  }
0x67: {  	_ =	shalt  }
0x68: {  	_ =	shalt  }
0x69: {  	_ =	shalt  }
0x6a: {  	_ =	shalt  }
0x6b: {  	_ =	shalt  }
0x6c: {  	_ =	shalt  }
0x6d: {  	_ =	shalt  }
0x6e: {  	_ =	shalt  }
0x6f: {  	_ =	shalt  }
0x70: {  	_ =	shalt  }
0x71: {  	_ =	shalt  }
0x72: {  	_ =	shalt  }
0x73: {  	_ =	shalt  }
0x74: {  	_ =	shalt  }
0x75: {  	_ =	shalt  }
0x76: {  	_ =	shalt  }
0x77: {  	_ =	shalt  }
0x78: {  	_ =	shalt  }
0x79: {  	_ =	shalt  }
0x7a: {  	_ =	shalt  }
0x7b: {  	_ =	shalt  }
0x7c: {  	_ =	shalt  }
0x7d: {  	_ =	shalt  }
0x7e: {  	_ =	shalt  }
0x7f: {  	_ =	shalt  }
0x80: {  	_ =	shalt  }
0x81: {  	_ =	shalt  }
0x82: {  	_ =	shalt  }
0x83: {  	_ =	shalt  }
0x84: {  	_ =	shalt  }
0x85: {  	_ =	shalt  }
0x86: {  	_ =	shalt  }
0x87: {  	_ =	shalt  }
.Lfunc_end0:
.L_simem_size_0:
called_computation.1_lowered:
.L_overlay_start_0:
0x88: {  	s2 =	sld [smem:$0x3FD9]  }
0x89: {  	s3 =	sld [smem:$0x3FFE];
	_ =	sdelay $0x1  }
0x8a: {  	s1 =	srdreg.scid  }
0x8b: {  	s0 =	sand.u32 $0x1, s1  }
0x8c: {  	s17 =	sshll.u32 s0, $0xA;
	s2 =	sadd.s32 s3, s2  }
0x8d: {  	s2 =	sadd.s32 s2, s17  }
0x8e: {  	[smem:$0x3FC2] =	sst s2  }
0x8f: {  	_ = 	snop  }
0x90: {  	s2 =	sld [smem:$0x3FD0];
	(tm) =	ssettm $0x1  }
0x91: {  	s18 =	sld [smem:$0x3FFB];
	_ =	sdelay $0x3  }
0x92: {  	_ =	strace s18  }
0x93: {  	s3 =	sld [smem:$0x3FFC];
	_ =	sdelay $0x3  }
0x94: {  	_ =	strace s3  }
0x95: {  	s3 =	sld [smem:$0x3FFD];
	_ =	sdelay $0x3  }
0x96: {  	_ =	strace s3  }
0x97: {  	_ =	strace $0x8FFFFFFF  }
0x98: {  	s19 =	sld [smem:$0x3FDB];
	_ =	sdelay $0x1  }
0x99: {  	s4 =	simm.s32 $_scs_section_size  }
0x9a: {  	s5 =	simm.s32 $_size__tile_overlayer_lowered;
	s6 =	simm.s32 $_tile_overlayer_lowered  }
0x9b: {  	s22 =	simm.s32 $0x1BFF;
	s21 =	sshll.u32 s6, $0x1;
	s3 =	sadd.s32 s4, s19  }
0x9c: {  	s7 =	simm.s32 $0x0;
	s20 =	sshll.u32 s5, $0x1;
	s5 =	sadd.s32 s21, s3  }
0x9d: {  	[timem:s7], [sflag:s22] =	dma.local [hbm:s5], s20  }
0x9e: {  	_ =	swait.ge [sflag:s22], s20  }
0x9f: {  	s4 =	ssub.s32 $0x0, s20;
	[sflag:s22] =	ssyncset.done $0x0  }
0xa0: {  	[sflag:s22] =	ssyncadd.s32 s4;
	_ =	sdelay $0x1  }
0xa1: {  	s23 =	simm.s32 $0x1B8B  }
0xa2: {  	_ =	swait.ge [sflag:s23], $0x1  }
0xa3: {  	[sflag:s23] =	ssyncset.done $0x0  }
0xa4: {  	s25 =	simm.s32 $0x1B8E;
	s24 =	sld [smem:$0x3FFE];
	[sflag:s23] =	ssyncadd.s32 $0xFFFFFFFF  }
0xa5: {  	s26 =	simm.s32 $execute0_lowered;
	[smem:$0x3FD2] =	sst s25  }
0xa6: {  	s5 =	sshll.u32 s26, $0x1;
	_ =	strace $0x80000049;
	[dreg:$0x1] =	wrdreg $0xFFFFFFFF  }
0xa7: {  	s28 =	simm.s32 $_size_execute0_lowered;
	s3 =	sadd.s32 s3, s5;
	[dreg:$0x0] =	wrdreg $0x0  }
0xa8: {  	s5 =	sshll.u32 s28, $0x1;
	[dreg:$0x2] =	wrdreg s3  }
0xa9: {  	[dreg:$0x3] =	wrdreg s5  }
0xaa: {  	[dreg:$0x4] =	wrdreg $0xC0  }
0xab: {  	_ =	task [dreg:s7], $0x5FFFF  }
0xac: {  	[dreg:$0x1] =	wrdreg $0xFFFFFFFF  }
0xad: {  	[dreg:$0x0] =	wrdreg $0x60  }
0xae: {  	[dreg:$0x2] =	wrdreg s2  }
0xaf: {  	[dreg:$0x3] =	wrdreg s24  }
0xb0: {  	[dreg:$0x4] =	wrdreg $0x88000  }
0xb1: {  	[dreg:$0x5] =	wrdreg $0x9  }
0xb2: {  	_ =	task.clear_ibuf [dreg:s7], $0x6FFFF;
	_ =	strace $0x90000049  }
0xb3: {  	s29 =	simm.s32 $0x9;
	_ =	strace $0x8000004B  }
0xb4: {  	_ =	swait.ge [sflag:s29], $0x1  }
0xb5: {  	[sflag:s29] =	ssyncadd.s32 $0xFFFFFFFF  }
0xb6: {  	_ =	strace $0x9000004B  }
0xb7: {  	_ =	sfence  }
0xb8: {  	s30 =	sld [smem:$0x0];
	_ =	sdelay $0x2  }
0xb9: {  	s31 =	sshll.u32 s1, $0xD;
	s1 =	sshrl.u32 s1, $0x2  }
0xba: {  	s3 =	sand.u32 $0x4000, s31;
	s1 =	sadd.s32 s1, s30  }
0xbb: {  	s0 =	sor.u32 s3, s0;
	s1 =	sshll.u32 s1, $0x11  }
0xbc: {  	s0 =	sor.u32 s1, s0  }
0xbd: {  	s0 =	sadd.s32 $0x8F2B, s0  }
0xbe: {  	[sflag:s0] =	ssyncadd.remote.s32 $0x1  }
0xbf: {  	_ =	sfence.sel $0xFFFF  }
0xc0: {  	[dreg:$0x0] =	wrdreg $0xFFFFFFFF;
	(pc) =	sbr.abs _section_cstart, $3  }
0xc1: {  	[dreg:$0x1] =	wrdreg $0xFFFFFFFF  }
0xc2: {  	_ =	task.clear_ibuf [dreg:s7], $0x2FFFF;
	_ =	strace $0x9FFFFFFF  }
0xc3: {  	(tm) =	ssettm $0x7FFFFFFF  }
tec
execute0_lowered:
.L_overlay_start_1:
0x0: {  	(tag) =	ssettag $0x1  }
0x1: {  	s1 =	rddreg [dreg:$0x0]  }
0x2: {  	s0 =	srdreg.scid;
	s2 =	rddreg [dreg:$0x1]  }
0x3: {  	s9 =	stileid.u32;
	s3 =	rddreg [dreg:$0x2]  }
0x4: {  	s4 =	simm.s32 $0x0;
	s10 =	simm.s32 $0x9;
	s11 =	simm.s32 $0x400  }
0x5: {  	s12 =	simm.s32 $0x80;
	s13 =	simm.s32 $0x800;
	s14 =	simm.s32 $0x2800  }
0x6: {  	s23 =	simm.s32 $0x100;
	s15 =	simm.s32 $0x1;
	s24 =	simm.s32 $0x480  }
0x7: {  	s16 =	simm.s32 $0x4800;
	s25 =	simm.s32 $0x180;
	s17 =	simm.s32 $0x2  }
0x8: {  	s26 =	simm.s32 $0x500;
	s28 =	simm.s32 $0x7;
	s29 =	simm.s32 $0x300  }
0x9: {  	s30 =	simm.s32 $0x680;
	s31 =	simm.s32 $0x8;
	s0 =	sand.u32 $0x1, s0  }
0xa: {  	s6 =	smul.u32 $0x2800, s9;
	[smem:$0x7FF] =	sst s4;
	s8 =	sadd.s32 $0x15000, s2  }
0xb: {  	s7 =	smul.u32 $0xA000, s9;
	_ =	strace $0x8000004A;
	[dreg:$0xa] =	wrdreg s8  }
0xc: {  	s20 =	sshll.u32 s9, $0x6;
	s5 =	smul.u32 $0x28000, s0;
	[dreg:$0x6] =	wrdreg s23  }
0xd: {  	s9 =	simm.s32 $0x0;
	s18 =	smul.u32 $0xA0000, s0;
	[dreg:$0x7] =	wrdreg s24  }
0xe: {  	s0 =	ssub.s32 $0x2, s0;
	s8 =	sor.u32 $0x1C09, s20;
	[dreg:$0x8] =	wrdreg s25  }
0xf: {  	[dreg:$0x9] =	wrdreg s26;
	s20 =	simm.s32 $0x5;
	s23 =	simm.s32 $0x580  }
0x10: {  	s24 =	simm.s32 $0x6;
	s25 =	simm.s32 $0x280;
	s19 =	sshrl.u32 s0, $0x1  }
0x11: {  	[dreg:$0xb] =	wrdreg s8;
	s5 =	sadd.s32 s6, s5;
	s6 =	sadd.s32 s7, s18  }
0x12: {  	s0 =	ssub.s32 s0, s19;
	s7 =	sadd.s32 s7, s3;
	s5 =	sshrl.u32 s5, $0x3  }
0x13: {  	s6 =	sshrl.u32 s6, $0x3;
	s0 =	smax.u32 s0, $0x1;
	s7 =	sshrl.u32 s7, $0x3  }
0x14: {  	s5 =	sadd.s32 s5, s2;
	s2 =	sadd.s32 s6, s2;
	[dreg:$0xd] =	wrdreg s0  }
0x15: {  	s26 =	simm.s32 $0x600;
	[dreg:$0xe] =	wrdreg s7;
	s2 =	sadd.s32 $0x16400, s2  }
0x16: {  	s18 =	simm.s32 $0x6800;
	s21 =	sadd.s32 $0xB000, s5;
	[dreg:$0xc] =	wrdreg s2  }
0x17: {  	s19 =	simm.s32 $0x3;
	s22 =	sadd.s32 $0x1000, s5;
	[dreg:$0x4] =	wrdreg s21  }
0x18: {  	s0 =	simm.s32 $0x700;
	s5 =	simm.s32 $0x780;
	[dreg:$0x5] =	wrdreg s22  }
0x19: {  	s21 =	simm.s32 $0x200;
	s22 =	simm.s32 $0x4;
	s2 =	simm.s32 $0x380  }
.LBB2_1:
0x1a: {  	[dreg:$0xf] =	wrdreg s9  }
0x1b: {  	s6 =	rddreg [dreg:$0xa]  }
0x1c: {  	[spmem:s7], [sflag:s8] =	dma.local [hbm:s6], $0x1400  }
0x1d: {  	_ =	swait.ge [sflag:s10], $0x1400  }
0x1e: {  	[sflag:s10] =	ssyncset.done $0x0  }
0x1f: {  	[sflag:s10] =	ssyncadd.s32 $0xFFFFEC00  }
0x20: {  	[bflag:$0x0] =	sbarrier.arrive $0xFFFF  }
0x21: {  	s9 =	rddreg [dreg:$0x5]  }
0x22: {  	s6 =	sadd.s32 $0x0, s9  }
0x23: {  	[tilespmem:s4], [sflag:$0x9] =	stream.linear.gather [hbm4b:s6+s4], $0x400, $0x38;
	[tilespmem:$0x12800] =	vst v63  }
0x24: {  	_ =	swait.ge [sflag:s10], $0x400  }
0x25: {  	s7 =	rddreg [dreg:$0x4];
	[sflag:s10] =	ssyncset.done $0x0  }
0x26: {  	[sflag:s10] =	ssyncadd.s32 $0xFFFFFC00;
	s6 =	sadd.s32 $0x0, s7  }
0x27: {  	[tilespmem:s11], [sflag:$0x9] =	stream.linear.gather [hbm4b:s6+s4], $0x400, $0x38;
	[tilespmem:$0x12800] =	vst v63  }
0x28: {  	_ =	swait.ge [sflag:s10], $0x400  }
0x29: {  	[sflag:s10] =	ssyncset.done $0x0  }
0x2a: {  	[sflag:s10] =	ssyncadd.s32 $0xFFFFFC00  }
0x2b: {  	[tilespmem:s13], [sflag:$0x1] =	stream.indirect.gather [hbm4b:s1+s12], $0x40, s4, s12, $0xb8;
	[tilespmem:$0x12800] =	vst v63  }
0x2c: {  	_ = 	snop  }
0x2d: {  	[tilespmem:s14], [sflag:$0x2] =	stream.indirect.gather [hbm4b:s1+s12], $0x40, s12, s12, $0xb8;
	[tilespmem:$0x12800] =	vst v63  }
0x2e: {  	_ =	swait.ge [sflag:s15], $0x2000  }
0x2f: {  	[sflag:s15] =	ssyncset.done $0x0  }
0x30: {  	[sflag:s15] =	ssyncadd.s32 $0xFFFFE000  }
0x31: {  	[spmem:s3] =	stream.indirect.scatter.add.f32 [tilespmem:s13], [sflag:$0x5], $0x40, s11, s12, $0xb8;
	[tilespmem:$0x12800] =	vst v63  }
0x32: {  	s8 =	rddreg [dreg:$0x6]  }
0x33: {  	[tilespmem:s16], [sflag:$0x3] =	stream.indirect.gather [hbm4b:s1+s12], $0x40, s8, s12, $0xb8;
	[tilespmem:$0x12800] =	vst v63  }
0x34: {  	_ =	swait.ge [sflag:s17], $0x2000  }
0x35: {  	[sflag:s17] =	ssyncset.done $0x0  }
0x36: {  	s9 =	rddreg [dreg:$0x7];
	[sflag:s17] =	ssyncadd.s32 $0xFFFFE000  }
0x37: {  	[spmem:s3] =	stream.indirect.scatter.add.f32 [tilespmem:s14], [sflag:$0x6], $0x40, s9, s12, $0xb8;
	[tilespmem:$0x12800] =	vst v63  }
0x38: {  	s7 =	rddreg [dreg:$0x8]  }
0x39: {  	[tilespmem:s18], [sflag:$0x4] =	stream.indirect.gather [hbm4b:s1+s12], $0x40, s7, s12, $0xb8;
	[tilespmem:$0x12800] =	vst v63  }
0x3a: {  	_ =	swait.ge [sflag:s19], $0x2000  }
0x3b: {  	[sflag:s19] =	ssyncset.done $0x0  }
0x3c: {  	s9 =	rddreg [dreg:$0x9];
	[sflag:s19] =	ssyncadd.s32 $0xFFFFE000  }
0x3d: {  	[spmem:s3] =	stream.indirect.scatter.add.f32 [tilespmem:s16], [sflag:$0x7], $0x40, s9, s12, $0xb8;
	[tilespmem:$0x12800] =	vst v63  }
0x3e: {  	_ =	swait.ge [sflag:s20], $0x2000  }
0x3f: {  	[sflag:s20] =	ssyncset.done $0x0  }
0x40: {  	[sflag:s20] =	ssyncadd.s32 $0xFFFFE000  }
0x41: {  	[tilespmem:s13], [sflag:$0x1] =	stream.indirect.gather [hbm4b:s1+s12], $0x40, s21, s12, $0xb8;
	[tilespmem:$0x12800] =	vst v63  }
0x42: {  	_ =	swait.ge [sflag:s22], $0x2000  }
0x43: {  	[sflag:s22] =	ssyncset.done $0x0  }
0x44: {  	[sflag:s22] =	ssyncadd.s32 $0xFFFFE000  }
0x45: {  	[spmem:s3] =	stream.indirect.scatter.add.f32 [tilespmem:s18], [sflag:$0x8], $0x40, s23, s12, $0xb8;
	[tilespmem:$0x12800] =	vst v63  }
0x46: {  	_ =	swait.ge [sflag:s24], $0x2000  }
0x47: {  	[sflag:s24] =	ssyncset.done $0x0  }
0x48: {  	[sflag:s24] =	ssyncadd.s32 $0xFFFFE000  }
0x49: {  	[tilespmem:s14], [sflag:$0x2] =	stream.indirect.gather [hbm4b:s1+s12], $0x40, s25, s12, $0xb8;
	[tilespmem:$0x12800] =	vst v63  }
0x4a: {  	_ =	swait.ge [sflag:s15], $0x2000  }
0x4b: {  	[sflag:s15] =	ssyncset.done $0x0  }
0x4c: {  	[sflag:s15] =	ssyncadd.s32 $0xFFFFE000  }
0x4d: {  	[spmem:s3] =	stream.indirect.scatter.add.f32 [tilespmem:s13], [sflag:$0x5], $0x40, s26, s12, $0xb8;
	[tilespmem:$0x12800] =	vst v63  }
0x4e: {  	_ =	swait.ge [sflag:s28], $0x2000  }
0x4f: {  	[sflag:s28] =	ssyncset.done $0x0  }
0x50: {  	[sflag:s28] =	ssyncadd.s32 $0xFFFFE000  }
0x51: {  	[tilespmem:s16], [sflag:$0x3] =	stream.indirect.gather [hbm4b:s1+s12], $0x40, s29, s12, $0xb8;
	[tilespmem:$0x12800] =	vst v63  }
0x52: {  	_ =	swait.ge [sflag:s17], $0x2000  }
0x53: {  	[sflag:s17] =	ssyncset.done $0x0  }
0x54: {  	[sflag:s17] =	ssyncadd.s32 $0xFFFFE000  }
0x55: {  	[spmem:s3] =	stream.indirect.scatter.add.f32 [tilespmem:s14], [sflag:$0x6], $0x40, s30, s12, $0xb8;
	[tilespmem:$0x12800] =	vst v63  }
0x56: {  	_ =	swait.ge [sflag:s31], $0x2000  }
0x57: {  	[sflag:s31] =	ssyncset.done $0x0  }
0x58: {  	[sflag:s31] =	ssyncadd.s32 $0xFFFFE000  }
0x59: {  	[tilespmem:s18], [sflag:$0x4] =	stream.indirect.gather [hbm4b:s1+s12], $0x40, s2, s12, $0xb8;
	[tilespmem:$0x12800] =	vst v63  }
0x5a: {  	_ =	swait.ge [sflag:s19], $0x2000  }
0x5b: {  	[sflag:s19] =	ssyncset.done $0x0  }
0x5c: {  	[sflag:s19] =	ssyncadd.s32 $0xFFFFE000  }
0x5d: {  	[spmem:s3] =	stream.indirect.scatter.add.f32 [tilespmem:s16], [sflag:$0x7], $0x40, s0, s12, $0xb8;
	[tilespmem:$0x12800] =	vst v63  }
0x5e: {  	_ =	swait.ge [sflag:s22], $0x2000  }
0x5f: {  	[sflag:s22] =	ssyncset.done $0x0  }
0x60: {  	[sflag:s22] =	ssyncadd.s32 $0xFFFFE000  }
0x61: {  	[spmem:s3] =	stream.indirect.scatter.add.f32 [tilespmem:s18], [sflag:$0x8], $0x40, s5, s12, $0xb8;
	[tilespmem:$0x12800] =	vst v63  }
0x62: {  	_ =	swait.ge [sflag:s20], $0x2000  }
0x63: {  	[sflag:s20] =	ssyncset.done $0x0  }
0x64: {  	[sflag:s20] =	ssyncadd.s32 $0xFFFFE000  }
0x65: {  	_ =	swait.ge [sflag:s24], $0x2000  }
0x66: {  	[sflag:s24] =	ssyncset.done $0x0  }
0x67: {  	[sflag:s24] =	ssyncadd.s32 $0xFFFFE000  }
0x68: {  	_ =	swait.ge [sflag:s28], $0x2000  }
0x69: {  	[sflag:s28] =	ssyncset.done $0x0  }
0x6a: {  	[sflag:s28] =	ssyncadd.s32 $0xFFFFE000  }
0x6b: {  	s6 =	simm.s32 $0x100;
	_ =	swait.ge [sflag:s31], $0x2000  }
0x6c: {  	s8 =	simm.s32 $0x80;
	s9 =	rddreg [dreg:$0x5];
	[sflag:s31] =	ssyncset.done $0x0  }
.LBB2_2:
0x6d: {  	[sflag:s31] =	ssyncadd.s32 $0xFFFFE000;
	s9 =	sadd.s32 s8, s9  }
0x6e: {  	[tilespmem:s4], [sflag:$0x9] =	stream.linear.gather [hbm4b:s9+s4], $0x400, $0x38;
	[tilespmem:$0x12800] =	vst v63  }
0x6f: {  	_ =	swait.ge [sflag:s10], $0x400  }
0x70: {  	s9 =	rddreg [dreg:$0x4];
	[sflag:s10] =	ssyncset.done $0x0  }
0x71: {  	[sflag:s10] =	ssyncadd.s32 $0xFFFFFC00;
	s9 =	sadd.s32 s8, s9  }
0x72: {  	[tilespmem:s11], [sflag:$0x9] =	stream.linear.gather [hbm4b:s9+s4], $0x400, $0x38;
	[tilespmem:$0x12800] =	vst v63  }
0x73: {  	_ =	swait.ge [sflag:s10], $0x400  }
0x74: {  	[sflag:s10] =	ssyncset.done $0x0  }
0x75: {  	[sflag:s10] =	ssyncadd.s32 $0xFFFFFC00  }
0x76: {  	[tilespmem:s13], [sflag:$0x1] =	stream.indirect.gather [hbm4b:s1+s12], $0x40, s4, s12, $0xb8;
	[tilespmem:$0x12800] =	vst v63  }
0x77: {  	_ = 	snop  }
0x78: {  	[tilespmem:s14], [sflag:$0x2] =	stream.indirect.gather [hbm4b:s1+s12], $0x40, s12, s12, $0xb8;
	[tilespmem:$0x12800] =	vst v63  }
0x79: {  	_ =	swait.ge [sflag:s15], $0x2000  }
0x7a: {  	[sflag:s15] =	ssyncset.done $0x0  }
0x7b: {  	[sflag:s15] =	ssyncadd.s32 $0xFFFFE000  }
0x7c: {  	[spmem:s3] =	stream.indirect.scatter.add.f32 [tilespmem:s13], [sflag:$0x5], $0x40, s11, s12, $0xb8;
	[tilespmem:$0x12800] =	vst v63  }
0x7d: {  	s9 =	rddreg [dreg:$0x6]  }
0x7e: {  	[tilespmem:s16], [sflag:$0x3] =	stream.indirect.gather [hbm4b:s1+s12], $0x40, s9, s12, $0xb8;
	[tilespmem:$0x12800] =	vst v63  }
0x7f: {  	_ =	swait.ge [sflag:s17], $0x2000  }
0x80: {  	s7 =	smov.u32 s6;
	[sflag:s17] =	ssyncset.done $0x0  }
0x81: {  	s8 =	smov.u32 s7;
	s7 =	rddreg [dreg:$0x7];
	[sflag:s17] =	ssyncadd.s32 $0xFFFFE000  }
0x82: {  	[spmem:s3] =	stream.indirect.scatter.add.f32 [tilespmem:s14], [sflag:$0x6], $0x40, s7, s12, $0xb8;
	[tilespmem:$0x12800] =	vst v63  }
0x83: {  	s9 =	rddreg [dreg:$0x8]  }
0x84: {  	[tilespmem:s18], [sflag:$0x4] =	stream.indirect.gather [hbm4b:s1+s12], $0x40, s9, s12, $0xb8;
	[tilespmem:$0x12800] =	vst v63  }
0x85: {  	_ =	swait.ge [sflag:s19], $0x2000  }
0x86: {  	[sflag:s19] =	ssyncset.done $0x0  }
0x87: {  	s9 =	rddreg [dreg:$0x9];
	[sflag:s19] =	ssyncadd.s32 $0xFFFFE000  }
0x88: {  	[spmem:s3] =	stream.indirect.scatter.add.f32 [tilespmem:s16], [sflag:$0x7], $0x40, s9, s12, $0xb8;
	[tilespmem:$0x12800] =	vst v63  }
0x89: {  	_ =	swait.ge [sflag:s20], $0x2000  }
0x8a: {  	[sflag:s20] =	ssyncset.done $0x0  }
0x8b: {  	[sflag:s20] =	ssyncadd.s32 $0xFFFFE000  }
0x8c: {  	[tilespmem:s13], [sflag:$0x1] =	stream.indirect.gather [hbm4b:s1+s12], $0x40, s21, s12, $0xb8;
	[tilespmem:$0x12800] =	vst v63  }
0x8d: {  	_ =	swait.ge [sflag:s22], $0x2000  }
0x8e: {  	[sflag:s22] =	ssyncset.done $0x0  }
0x8f: {  	[sflag:s22] =	ssyncadd.s32 $0xFFFFE000  }
0x90: {  	[spmem:s3] =	stream.indirect.scatter.add.f32 [tilespmem:s18], [sflag:$0x8], $0x40, s23, s12, $0xb8;
	[tilespmem:$0x12800] =	vst v63  }
0x91: {  	_ =	swait.ge [sflag:s24], $0x2000  }
0x92: {  	[sflag:s24] =	ssyncset.done $0x0  }
0x93: {  	[sflag:s24] =	ssyncadd.s32 $0xFFFFE000  }
0x94: {  	[tilespmem:s14], [sflag:$0x2] =	stream.indirect.gather [hbm4b:s1+s12], $0x40, s25, s12, $0xb8;
	[tilespmem:$0x12800] =	vst v63  }
0x95: {  	_ =	swait.ge [sflag:s15], $0x2000  }
0x96: {  	[sflag:s15] =	ssyncset.done $0x0  }
0x97: {  	[sflag:s15] =	ssyncadd.s32 $0xFFFFE000  }
0x98: {  	[spmem:s3] =	stream.indirect.scatter.add.f32 [tilespmem:s13], [sflag:$0x5], $0x40, s26, s12, $0xb8;
	[tilespmem:$0x12800] =	vst v63  }
0x99: {  	_ =	swait.ge [sflag:s28], $0x2000  }
0x9a: {  	[sflag:s28] =	ssyncset.done $0x0  }
0x9b: {  	[sflag:s28] =	ssyncadd.s32 $0xFFFFE000  }
0x9c: {  	[tilespmem:s16], [sflag:$0x3] =	stream.indirect.gather [hbm4b:s1+s12], $0x40, s29, s12, $0xb8;
	[tilespmem:$0x12800] =	vst v63  }
0x9d: {  	_ =	swait.ge [sflag:s17], $0x2000  }
0x9e: {  	[sflag:s17] =	ssyncset.done $0x0  }
0x9f: {  	[sflag:s17] =	ssyncadd.s32 $0xFFFFE000  }
0xa0: {  	[spmem:s3] =	stream.indirect.scatter.add.f32 [tilespmem:s14], [sflag:$0x6], $0x40, s30, s12, $0xb8;
	[tilespmem:$0x12800] =	vst v63  }
0xa1: {  	_ =	swait.ge [sflag:s31], $0x2000  }
0xa2: {  	[sflag:s31] =	ssyncset.done $0x0  }
0xa3: {  	[sflag:s31] =	ssyncadd.s32 $0xFFFFE000  }
0xa4: {  	[tilespmem:s18], [sflag:$0x4] =	stream.indirect.gather [hbm4b:s1+s12], $0x40, s2, s12, $0xb8;
	[tilespmem:$0x12800] =	vst v63  }
0xa5: {  	_ =	swait.ge [sflag:s19], $0x2000  }
0xa6: {  	[sflag:s19] =	ssyncset.done $0x0  }
0xa7: {  	[sflag:s19] =	ssyncadd.s32 $0xFFFFE000  }
0xa8: {  	[spmem:s3] =	stream.indirect.scatter.add.f32 [tilespmem:s16], [sflag:$0x7], $0x40, s0, s12, $0xb8;
	[tilespmem:$0x12800] =	vst v63  }
0xa9: {  	_ =	swait.ge [sflag:s22], $0x2000  }
0xaa: {  	[sflag:s22] =	ssyncset.done $0x0  }
0xab: {  	[sflag:s22] =	ssyncadd.s32 $0xFFFFE000  }
0xac: {  	[spmem:s3] =	stream.indirect.scatter.add.f32 [tilespmem:s18], [sflag:$0x8], $0x40, s5, s12, $0xb8;
	[tilespmem:$0x12800] =	vst v63  }
0xad: {  	_ =	swait.ge [sflag:s20], $0x2000  }
0xae: {  	[sflag:s20] =	ssyncset.done $0x0  }
0xaf: {  	[sflag:s20] =	ssyncadd.s32 $0xFFFFE000  }
0xb0: {  	_ =	swait.ge [sflag:s24], $0x2000  }
0xb1: {  	[sflag:s24] =	ssyncset.done $0x0  }
0xb2: {  	p0 =	sne.s32 s6, $0x480;
	[sflag:s24] =	ssyncadd.s32 $0xFFFFE000  }
.Ltmp0:
0xb3: {  	_ =	swait.ge [sflag:s28], $0x2000;
	(pc) =	sbr.rel @p0 .LBB2_2-.Ltmp0, $4  }
0xb4: {  	[sflag:s28] =	ssyncset.done $0x0  }
0xb5: {  	[sflag:s28] =	ssyncadd.s32 $0xFFFFE000  }
0xb6: {  	_ =	swait.ge [sflag:s31], $0x2000  }
0xb7: {  	s6 =	sadd.s32 $0x80, s6;
	s9 =	rddreg [dreg:$0x5];
	[sflag:s31] =	ssyncset.done $0x0  }
0xb8: {  	[sflag:s31] =	ssyncadd.s32 $0xFFFFE000;
	s6 =	sadd.s32 s8, s9  }
0xb9: {  	[tilespmem:s4], [sflag:$0x9] =	stream.linear.gather [hbm4b:s6+s4], $0x400, $0x38;
	[tilespmem:$0x12800] =	vst v63  }
0xba: {  	_ =	swait.ge [sflag:s10], $0x400  }
0xbb: {  	s7 =	rddreg [dreg:$0x4];
	[sflag:s10] =	ssyncset.done $0x0  }
0xbc: {  	[sflag:s10] =	ssyncadd.s32 $0xFFFFFC00;
	s6 =	sadd.s32 s8, s7  }
0xbd: {  	[tilespmem:s11], [sflag:$0x9] =	stream.linear.gather [hbm4b:s6+s4], $0x400, $0x38;
	[tilespmem:$0x12800] =	vst v63  }
0xbe: {  	_ =	swait.ge [sflag:s10], $0x400  }
0xbf: {  	[sflag:s10] =	ssyncset.done $0x0  }
0xc0: {  	[sflag:s10] =	ssyncadd.s32 $0xFFFFFC00  }
0xc1: {  	[tilespmem:s13], [sflag:$0x1] =	stream.indirect.gather [hbm4b:s1+s12], $0x40, s4, s12, $0xb8;
	[tilespmem:$0x12800] =	vst v63  }
0xc2: {  	_ = 	snop  }
0xc3: {  	[tilespmem:s14], [sflag:$0x2] =	stream.indirect.gather [hbm4b:s1+s12], $0x40, s12, s12, $0xb8;
	[tilespmem:$0x12800] =	vst v63  }
0xc4: {  	_ =	swait.ge [sflag:s15], $0x2000  }
0xc5: {  	[sflag:s15] =	ssyncset.done $0x0  }
0xc6: {  	[sflag:s15] =	ssyncadd.s32 $0xFFFFE000  }
0xc7: {  	[spmem:s3] =	stream.indirect.scatter.add.f32 [tilespmem:s13], [sflag:$0x5], $0x40, s11, s12, $0xb8;
	[tilespmem:$0x12800] =	vst v63  }
0xc8: {  	s8 =	rddreg [dreg:$0x6]  }
0xc9: {  	[tilespmem:s16], [sflag:$0x3] =	stream.indirect.gather [hbm4b:s1+s12], $0x40, s8, s12, $0xb8;
	[tilespmem:$0x12800] =	vst v63  }
0xca: {  	_ =	swait.ge [sflag:s17], $0x2000  }
0xcb: {  	[sflag:s17] =	ssyncset.done $0x0  }
0xcc: {  	s9 =	rddreg [dreg:$0x7];
	[sflag:s17] =	ssyncadd.s32 $0xFFFFE000  }
0xcd: {  	[spmem:s3] =	stream.indirect.scatter.add.f32 [tilespmem:s14], [sflag:$0x6], $0x40, s9, s12, $0xb8;
	[tilespmem:$0x12800] =	vst v63  }
0xce: {  	s7 =	rddreg [dreg:$0x8]  }
0xcf: {  	[tilespmem:s18], [sflag:$0x4] =	stream.indirect.gather [hbm4b:s1+s12], $0x40, s7, s12, $0xb8;
	[tilespmem:$0x12800] =	vst v63  }
0xd0: {  	_ =	swait.ge [sflag:s19], $0x2000  }
0xd1: {  	[sflag:s19] =	ssyncset.done $0x0  }
0xd2: {  	s8 =	rddreg [dreg:$0x9];
	[sflag:s19] =	ssyncadd.s32 $0xFFFFE000  }
0xd3: {  	[spmem:s3] =	stream.indirect.scatter.add.f32 [tilespmem:s16], [sflag:$0x7], $0x40, s8, s12, $0xb8;
	[tilespmem:$0x12800] =	vst v63  }
0xd4: {  	_ =	swait.ge [sflag:s20], $0x2000  }
0xd5: {  	[sflag:s20] =	ssyncset.done $0x0  }
0xd6: {  	[sflag:s20] =	ssyncadd.s32 $0xFFFFE000  }
0xd7: {  	[tilespmem:s13], [sflag:$0x1] =	stream.indirect.gather [hbm4b:s1+s12], $0x40, s21, s12, $0xb8;
	[tilespmem:$0x12800] =	vst v63  }
0xd8: {  	_ =	swait.ge [sflag:s22], $0x2000  }
0xd9: {  	[sflag:s22] =	ssyncset.done $0x0  }
0xda: {  	[sflag:s22] =	ssyncadd.s32 $0xFFFFE000  }
0xdb: {  	[spmem:s3] =	stream.indirect.scatter.add.f32 [tilespmem:s18], [sflag:$0x8], $0x40, s23, s12, $0xb8;
	[tilespmem:$0x12800] =	vst v63  }
0xdc: {  	_ =	swait.ge [sflag:s24], $0x2000  }
0xdd: {  	[sflag:s24] =	ssyncset.done $0x0  }
0xde: {  	[sflag:s24] =	ssyncadd.s32 $0xFFFFE000  }
0xdf: {  	[tilespmem:s14], [sflag:$0x2] =	stream.indirect.gather [hbm4b:s1+s12], $0x40, s25, s12, $0xb8;
	[tilespmem:$0x12800] =	vst v63  }
0xe0: {  	_ =	swait.ge [sflag:s15], $0x2000  }
0xe1: {  	[sflag:s15] =	ssyncset.done $0x0  }
0xe2: {  	[sflag:s15] =	ssyncadd.s32 $0xFFFFE000  }
0xe3: {  	[spmem:s3] =	stream.indirect.scatter.add.f32 [tilespmem:s13], [sflag:$0x5], $0x40, s26, s12, $0xb8;
	[tilespmem:$0x12800] =	vst v63  }
0xe4: {  	_ =	swait.ge [sflag:s28], $0x2000  }
0xe5: {  	[sflag:s28] =	ssyncset.done $0x0  }
0xe6: {  	[sflag:s28] =	ssyncadd.s32 $0xFFFFE000  }
0xe7: {  	[tilespmem:s16], [sflag:$0x3] =	stream.indirect.gather [hbm4b:s1+s12], $0x40, s29, s12, $0xb8;
	[tilespmem:$0x12800] =	vst v63  }
0xe8: {  	_ =	swait.ge [sflag:s17], $0x2000  }
0xe9: {  	[sflag:s17] =	ssyncset.done $0x0  }
0xea: {  	[sflag:s17] =	ssyncadd.s32 $0xFFFFE000  }
0xeb: {  	[spmem:s3] =	stream.indirect.scatter.add.f32 [tilespmem:s14], [sflag:$0x6], $0x40, s30, s12, $0xb8;
	[tilespmem:$0x12800] =	vst v63  }
0xec: {  	_ =	swait.ge [sflag:s31], $0x2000  }
0xed: {  	[sflag:s31] =	ssyncset.done $0x0  }
0xee: {  	[sflag:s31] =	ssyncadd.s32 $0xFFFFE000  }
0xef: {  	[tilespmem:s18], [sflag:$0x4] =	stream.indirect.gather [hbm4b:s1+s12], $0x40, s2, s12, $0xb8;
	[tilespmem:$0x12800] =	vst v63  }
0xf0: {  	_ =	swait.ge [sflag:s19], $0x2000  }
0xf1: {  	[sflag:s19] =	ssyncset.done $0x0  }
0xf2: {  	[sflag:s19] =	ssyncadd.s32 $0xFFFFE000  }
0xf3: {  	[spmem:s3] =	stream.indirect.scatter.add.f32 [tilespmem:s16], [sflag:$0x7], $0x40, s0, s12, $0xb8;
	[tilespmem:$0x12800] =	vst v63  }
0xf4: {  	_ =	swait.ge [sflag:s22], $0x2000  }
0xf5: {  	[sflag:s22] =	ssyncset.done $0x0  }
0xf6: {  	[sflag:s22] =	ssyncadd.s32 $0xFFFFE000  }
0xf7: {  	[spmem:s3] =	stream.indirect.scatter.add.f32 [tilespmem:s18], [sflag:$0x8], $0x40, s5, s12, $0xb8;
	[tilespmem:$0x12800] =	vst v63  }
0xf8: {  	_ =	swait.ge [sflag:s20], $0x2000  }
0xf9: {  	[sflag:s20] =	ssyncset.done $0x0  }
0xfa: {  	[sflag:s20] =	ssyncadd.s32 $0xFFFFE000  }
0xfb: {  	_ =	swait.ge [sflag:s24], $0x2000  }
0xfc: {  	[sflag:s24] =	ssyncset.done $0x0  }
0xfd: {  	[sflag:s24] =	ssyncadd.s32 $0xFFFFE000  }
0xfe: {  	_ =	swait.ge [sflag:s28], $0x2000  }
0xff: {  	[sflag:s28] =	ssyncset.done $0x0  }
0x100: {  	[sflag:s28] =	ssyncadd.s32 $0xFFFFE000  }
0x101: {  	_ =	swait.ge [sflag:s31], $0x2000  }
0x102: {  	[sflag:s31] =	ssyncset.done $0x0  }
0x103: {  	[sflag:s31] =	ssyncadd.s32 $0xFFFFE000  }
0x104: {  	[bflag:$0x0] =	sbarrier.arrive $0xFFFF  }
0x105: {  	s8 =	rddreg [dreg:$0xb]  }
0x106: {  	s9 =	rddreg [dreg:$0xc]  }
0x107: {  	s7 =	rddreg [dreg:$0xe]  }
0x108: {  	[hbm:s9], [sflag:s8] =	dma.local [spmem:s7], $0x1400  }
0x109: {  	_ =	swait.ge [sflag:s10], $0x1400  }
0x10a: {  	s6 =	rddreg [dreg:$0xf]  }
0x10b: {  	s9 =	sadd.s32 $0x1, s6;
	s6 =	rddreg [dreg:$0xd]  }
0x10c: {  	p0 =	sne.s32 s9, s6  }
.Ltmp1:
0x10d: {  	_ = 	snop;
	(pc) =	sbr.rel @p0 .LBB2_1-.Ltmp1, $3  }
0x10e: {  	_ =	sdelay $0x1  }
0x10f: {  	[sflag:s10] =	ssyncset.done $0x0  }
0x110: {  	[sflag:s10] =	ssyncadd.s32 $0xFFFFEC00  }
0x111: {  	_ =	sfence.sel $0x180000  }
0x112: {  	[bflag:$0x0] =	sbarrier.arrive $0xFFFF  }
0x113: {  	_ =	strace $0x9000004A  }
0x114: {  	s0 =	stileid.u32;
	[bflag:$0x2] =	sbarrier.arrive $0xFFFF  }
0x115: {  	p0 =	sne.s32 s0, $0x0;
	s0 =	rddreg [dreg:$0x3]  }
0x116: {  	s0 =	sadd.s32 @!p0 $0x100000, s0  }
0x117: {  	[sflag:s0] =	ssyncadd.tile.s32 @!p0 $0x1;
	_ =	shalt  }
.Lfunc_end2:
_tile_overlayer_lowered:
.L_overlay_start_2:
0x118: {  	(tag) =	ssettag $0x2  }
0x119: {  	s0 =	rddreg [dreg:$0x0];
	s2 =	stileid.u32  }
0x11a: {  	s1 =	rddreg [dreg:$0x1];
	p0 =	sne.s32 s2, $0x0  }
0x11b: {  	s3 =	rddreg [dreg:$0x2];
	[bflag:$0x3] =	sbarrier.arrive $0xFFFF;
	s2 =	simm.s32 @!p0 $0x1C09  }
0x11c: {  	[timem:s3], [sflag:s2] =	dma.local @!p0 [hbm:s0], s1  }
0x11d: {  	s0 =	simm.s32 @!p0 $0x9  }
0x11e: {  	_ =	swait.ge @!p0 [sflag:s0], s1  }
0x11f: {  	s1 =	ssub.s32 @!p0 $0x0, s1;
	[sflag:s0] =	ssyncset.done @!p0 $0x0  }
0x120: {  	[sflag:s0] =	ssyncadd.s32 @!p0 s1  }
0x121: {  	[bflag:$0x3] =	sbarrier.arrive $0xFFFF  }
0x122: {  	_ =	shalt  }

</sc_bundles>
